<compile_context>
chip_gen: v7x
topology: tpu7x:2x2x1
jax: 0.10.2.dev20260603
libtpu: 0.0.44.dev20260713+nightly
codegen_flags: <defaults>
</compile_context>

<pallas_src>
import functools

import jax
import jax.numpy as jnp
from jax import lax
from jax.experimental import pallas as pl
from jax.experimental.pallas import tpu as pltpu
from jax.experimental.pallas import tpu_sc as plsc

N = 10000
E = 320000
F = 128
NC = 2
NS = 16
NW = NC * NS
EPW = E // NW
CH = 100
NCH = EPW // CH
NP = 10112
RPT = NP // NS
DEGW = 16
NPH = 10
NBUF = 4
ACH = 50
ANCH = EPW // ACH
ANCHB = ANCH // NPH

def _worker(c, s):
  return c * NS + s


@functools.cache
def _sc_kernels():
  mesh = plsc.VectorSubcoreMesh(core_axis_name="c", subcore_axis_name="s",
                                num_cores=NC, num_subcores=NS)

  @functools.partial(
      pl.kernel,
      out_type=jax.ShapeDtypeStruct((NC, NP, F), jnp.float32),
      mesh=mesh,
      scratch_types=[
          pltpu.VMEM((NCH, CH), jnp.int32),
          pltpu.VMEM((CH, F), jnp.float32),
          pltpu.VMEM_SHARED((NP, F), jnp.float32),
      ],
  )
  def deg_call(dst_hbm, zeros_hbm, ones_hbm, out_hbm, idx_v, ones_v, deg_sh):
    c = lax.axis_index("c")
    s = lax.axis_index("s")
    w = _worker(c, s)
    pltpu.sync_copy(ones_hbm, ones_v)
    pltpu.sync_copy(zeros_hbm, deg_sh.at[pl.ds(s * RPT, RPT)])
    pltpu.sync_copy(dst_hbm.at[w], idx_v)
    plsc.subcore_barrier()

    @pl.loop(0, NCH)
    def _chunk(j):
      pltpu.sync_copy(ones_v, deg_sh.at[idx_v.at[j]], add=True)

    plsc.subcore_barrier()
    pltpu.sync_copy(deg_sh.at[pl.ds(s * RPT, RPT)],
                    out_hbm.at[c, pl.ds(s * RPT, RPT)])

  @functools.partial(
      pl.kernel,
      out_type=jax.ShapeDtypeStruct((NC, NP, F), jnp.float32),
      mesh=mesh,
      scratch_types=[
          pltpu.VMEM((ANCHB, ACH), jnp.int32),
          pltpu.VMEM((ANCHB, ACH), jnp.int32),
          pltpu.VMEM((ANCHB, ACH), jnp.int32),
          pltpu.VMEM((ANCHB, ACH), jnp.int32),
          *([pltpu.VMEM((ACH, F), jnp.float32)] * NBUF),
          pltpu.VMEM_SHARED((NP, F), jnp.float32),
          pltpu.SemaphoreType.DMA,
          pltpu.SemaphoreType.DMA,
          *([pltpu.SemaphoreType.DMA] * NBUF),
      ],
  )
  def agg_call(m_hbm, src_hbm, dst_hbm, zeros_hbm, out_hbm, *scr):
    src_g = (scr[0], scr[2])
    dst_g = (scr[1], scr[3])
    rows = scr[4:4 + NBUF]
    agg_sh = scr[4 + NBUF]
    isem = (scr[5 + NBUF], scr[6 + NBUF])
    sems = scr[7 + NBUF:]
    c = lax.axis_index("c")
    s = lax.axis_index("s")
    w = _worker(c, s)
    pltpu.sync_copy(zeros_hbm, agg_sh.at[pl.ds(s * RPT, RPT)])
    plsc.subcore_barrier()

    pltpu.sync_copy(src_hbm.at[w, 0], src_g[0])
    pltpu.sync_copy(dst_hbm.at[w, 0], dst_g[0])
    pltpu.async_copy(src_hbm.at[w, 1], src_g[1], isem[1])
    pltpu.async_copy(dst_hbm.at[w, 1], dst_g[1], isem[1])
    for b in range(NBUF):
      pltpu.async_copy(m_hbm.at[src_g[0].at[b]], rows[b], sems[b])

    @pl.loop(0, NPH, step=2)
    def _phase(p):
      for q in (0, 1):
        src_v, dst_v = src_g[q], dst_g[q]

        @pl.loop(0, ANCHB - NBUF, step=NBUF)
        def _chunk(j):
          for b in range(NBUF):
            k = j + b
            pltpu.make_async_copy(m_hbm.at[src_v.at[k]], rows[b],
                                  sems[b]).wait()
            pltpu.sync_copy(rows[b], agg_sh.at[dst_v.at[k]], add=True)
            pltpu.async_copy(m_hbm.at[src_v.at[k + NBUF]], rows[b], sems[b])

        nsrc = src_g[1 - q]
        pltpu.make_async_copy(src_hbm.at[w, 0], nsrc, isem[1 - q]).wait()
        pltpu.make_async_copy(dst_hbm.at[w, 0], dst_g[1 - q],
                              isem[1 - q]).wait()

        for b in range(NBUF):
          k = ANCHB - NBUF + b
          pltpu.make_async_copy(m_hbm.at[src_v.at[k]], rows[b], sems[b]).wait()
          pltpu.sync_copy(rows[b], agg_sh.at[dst_v.at[k]], add=True)
          pltpu.async_copy(m_hbm.at[nsrc.at[b]], rows[b], sems[b])

        pn = jnp.minimum(p + q + 2, NPH - 1)
        pltpu.async_copy(src_hbm.at[w, pn], src_v, isem[q])
        pltpu.async_copy(dst_hbm.at[w, pn], dst_v, isem[q])

    for b in range(NBUF):
      pltpu.make_async_copy(m_hbm.at[src_g[0].at[b]], rows[b], sems[b]).wait()
    pltpu.make_async_copy(src_hbm.at[w, 0], src_g[1], isem[1]).wait()
    pltpu.make_async_copy(dst_hbm.at[w, 0], dst_g[1], isem[1]).wait()

    plsc.subcore_barrier()
    pltpu.sync_copy(agg_sh.at[pl.ds(s * RPT, RPT)],
                    out_hbm.at[c, pl.ds(s * RPT, RPT)])

  return deg_call, agg_call


BN = 5000

_row_spec = pl.BlockSpec((BN, F), lambda i: (i, 0))
_deg_spec = pl.BlockSpec((BN, DEGW), lambda i: (i, 0))


def _full(shape):
  return pl.BlockSpec(shape, lambda i: tuple(0 for _ in shape))


def _hk_body(x_ref, w1t_ref, b1_ref, w2t_ref, b2_ref, h_ref):
  x = x_ref[...]
  h1 = jnp.maximum(jnp.dot(x, w1t_ref[...],
                           preferred_element_type=jnp.float32) + b1_ref[...], 0.0)
  h_ref[...] = jnp.maximum(
      jnp.dot(h1, w2t_ref[...],
              preferred_element_type=jnp.float32) + b2_ref[...], 0.0)


_hk = pl.pallas_call(
    _hk_body,
    grid=(N // BN,),
    in_specs=[_row_spec, _full((F, F)), _full((1, F)), _full((F, F)),
              _full((1, F))],
    out_specs=_row_spec,
    out_shape=jax.ShapeDtypeStruct((N, F), jnp.float32),
)


def _scale_body(h_ref, d0_ref, d1_ref, m0_ref, dinv_ref):
  deg = d0_ref[...][:, :1] + d1_ref[...][:, :1]
  dinv = lax.rsqrt(jnp.maximum(deg, 1.0))
  dinv_ref[...] = jnp.broadcast_to(dinv, (BN, DEGW))
  m0_ref[...] = h_ref[...] * dinv


_scale = pl.pallas_call(
    _scale_body,
    grid=(N // BN,),
    in_specs=[_row_spec, _row_spec, _row_spec],
    out_specs=[_row_spec, _deg_spec],
    out_shape=[jax.ShapeDtypeStruct((N, F), jnp.float32),
               jax.ShapeDtypeStruct((N, DEGW), jnp.float32)],
)


def _lap_body(h_ref, pa_ref, pb_ref, dinv_ref, lh_ref, m1_ref):
  dinv = dinv_ref[...][:, :1]
  lh = h_ref[...] - (pa_ref[...] + pb_ref[...]) * dinv
  lh_ref[...] = lh
  m1_ref[...] = lh * dinv


_lap = pl.pallas_call(
    _lap_body,
    grid=(N // BN,),
    in_specs=[_row_spec, _row_spec, _row_spec, _deg_spec],
    out_specs=[_row_spec, _row_spec],
    out_shape=[jax.ShapeDtypeStruct((N, F), jnp.float32),
               jax.ShapeDtypeStruct((N, F), jnp.float32)],
)


def _final_body(h_ref, lh_ref, pa_ref, pb_ref, dinv_ref, w3t_ref, b3_ref,
                w4t_ref, b4_ref, out_ref):
  dinv = dinv_ref[...][:, :1]
  lh = lh_ref[...]
  l2 = lh - (pa_ref[...] + pb_ref[...]) * dinv
  w3t = w3t_ref[...]
  b0 = w3t[0:F, :]
  b1 = w3t[F:2 * F, :]
  b2 = w3t[2 * F:3 * F, :]
  c0 = 3.0 * b0
  c1 = 3.0 * b1 - 3.0 * b0
  c2 = 0.75 * b0 - 1.5 * b1 + 0.75 * b2
  t = (jnp.dot(h_ref[...], c0, preferred_element_type=jnp.float32)
       + jnp.dot(lh, c1, preferred_element_type=jnp.float32)
       + jnp.dot(l2, c2, preferred_element_type=jnp.float32)
       + b3_ref[...])
  t = jnp.maximum(t, 0.0)
  out_ref[...] = jnp.dot(t, w4t_ref[...],
                         preferred_element_type=jnp.float32) + b4_ref[...]


_final = pl.pallas_call(
    _final_body,
    grid=(N // BN,),
    in_specs=[_row_spec, _row_spec, _row_spec, _row_spec, _deg_spec,
              _full((3 * F, F)), _full((1, F)), _full((F, 2)), _full((1, 2))],
    out_specs=pl.BlockSpec((BN, 2), lambda i: (i, 0)),
    out_shape=jax.ShapeDtypeStruct((N, 2), jnp.float32),
)


def kernel(in_feat, edge_index, W1, b1, W2, b2, W3, b3, W4, b4):
  src4 = edge_index[0].reshape(NW, NPH, ANCHB, ACH)
  dst4 = edge_index[1].reshape(NW, NPH, ANCHB, ACH)
  dst3 = edge_index[1].reshape(NW, NCH, CH)
  zeros_rows = jnp.zeros((RPT, F), jnp.float32)
  ones_rows = jnp.ones((CH, F), jnp.float32)

  deg_call, agg_call = _sc_kernels()
  degs = deg_call(dst3, zeros_rows, ones_rows)
  h = _hk(in_feat, W1.T, b1[None, :], W2.T, b2[None, :])
  m0, dinv = _scale(h, degs[0], degs[1])
  p0 = agg_call(m0, src4, dst4, zeros_rows)
  lh, m1 = _lap(h, p0[0], p0[1], dinv)
  p1 = agg_call(m1, src4, dst4, zeros_rows)
  return _final(h, lh, p1[0], p1[1], dinv, W3.T, b3[None, :], W4.T, b4[None, :])

# --- scband reference (transcript-rebuilt; emitter-appended) ---
"""Pipeline reference for scband-bwgnn-26542897889793 (READ-ONLY COPY).

The authoritative reference and input builder live on the scoring server;
editing this copy changes nothing except your own understanding.
"""

import jax, jax.numpy as jnp
import numpy as np

N = 10000
E = 320000
IN_FEATS = 128
H = 128
C = 2
# Precomputed beta-polynomial coefficients for d=2 (calculate_theta2(2))
THETAS = [[3.0, -3.0, 0.75], [0.0, 3.0, -1.5], [0.0, 0.0, 0.75]]


def setup_inputs(seed: int = 0) -> dict:
    key = jax.random.key(seed)
    ks = jax.random.split(key, 12)
    in_feat = jax.random.normal(ks[0], (N, IN_FEATS), dtype=jnp.float32)
    edge_index = jax.random.randint(ks[1], (2, E), 0, N, dtype=jnp.int32)
    W1 = jax.random.normal(ks[2], (H, IN_FEATS), dtype=jnp.float32) * 0.05
    b1 = jnp.zeros((H,), dtype=jnp.float32)
    W2 = jax.random.normal(ks[3], (H, H), dtype=jnp.float32) * 0.05
    b2 = jnp.zeros((H,), dtype=jnp.float32)
    W3 = jax.random.normal(ks[4], (H, H * len(THETAS)), dtype=jnp.float32) * 0.05
    b3 = jnp.zeros((H,), dtype=jnp.float32)
    W4 = jax.random.normal(ks[5], (C, H), dtype=jnp.float32) * 0.05
    b4 = jnp.zeros((C,), dtype=jnp.float32)
    return {"in_feat": in_feat, "edge_index": edge_index, "W1": W1, "b1": b1,
            "W2": W2, "b2": b2, "W3": W3, "b3": b3, "W4": W4, "b4": b4}


def reference(in_feat, edge_index, W1, b1, W2, b2, W3, b3, W4, b4):
    src = edge_index[0]
    dst = edge_index[1]
    # in-degrees (messages flow src -> dst, sum at dst)
    deg = jnp.zeros((N,), dtype=jnp.float32).at[dst].add(1.0)
    d_invsqrt = jnp.power(jnp.clip(deg, 1.0, None), -0.5)[:, None]

    def unn_laplacian(feat):
        m = feat * d_invsqrt
        agg = jnp.zeros_like(feat).at[dst].add(jnp.take(m, src, axis=0))
        return feat - agg * d_invsqrt

    h = jax.nn.relu(in_feat @ W1.T + b1)
    h = jax.nn.relu(h @ W2.T + b2)

    outs = []
    for theta in THETAS:
        feat = h
        acc = theta[0] * feat
        for k in range(1, len(theta)):
            feat = unn_laplacian(feat)
            acc = acc + theta[k] * feat
        outs.append(acc)
    h_final = jnp.concatenate(outs, axis=-1)
    h2 = jax.nn.relu(h_final @ W3.T + b3)
    out = h2 @ W4.T + b4
    return out

if __name__ == "__main__":
    import jax
    _d = setup_inputs()
    print(jax.jit(kernel)(*tuple(_d.values())))

</pallas_src>

<mosaic_0001>
#map = affine_map<(d0, d1) -> (0, 0)>
#map1 = affine_map<(d0, d1) -> (0, 0, 0, 0)>
#map2 = affine_map<(d0, d1) -> (0, 0, 0)>
module attributes {stable_mosaic.version = 14 : i64} {
  func.func @agg_call(%arg0: i32, %arg1: i32, %arg2: memref<10000x128xf32, #tpu.memory_space<hbm>>, %arg3: memref<32x10x20x50xi32, #tpu.memory_space<hbm>>, %arg4: memref<32x10x20x50xi32, #tpu.memory_space<hbm>>, %arg5: memref<632x128xf32, #tpu.memory_space<hbm>>, %arg6: memref<2x10112x128xf32, #tpu.memory_space<hbm>>, %arg7: memref<20x50xi32, #tpu.memory_space<vmem>>, %arg8: memref<20x50xi32, #tpu.memory_space<vmem>>, %arg9: memref<20x50xi32, #tpu.memory_space<vmem>>, %arg10: memref<20x50xi32, #tpu.memory_space<vmem>>, %arg11: memref<50x128xf32, #tpu.memory_space<vmem>>, %arg12: memref<50x128xf32, #tpu.memory_space<vmem>>, %arg13: memref<50x128xf32, #tpu.memory_space<vmem>>, %arg14: memref<50x128xf32, #tpu.memory_space<vmem>>, %arg15: memref<10112x128xf32, #tpu.memory_space<vmem_shared>>, %arg16: memref<!tpu.dma_semaphore, #tpu.memory_space<semaphore_mem>>, %arg17: memref<!tpu.dma_semaphore, #tpu.memory_space<semaphore_mem>>, %arg18: memref<!tpu.dma_semaphore, #tpu.memory_space<semaphore_mem>>, %arg19: memref<!tpu.dma_semaphore, #tpu.memory_space<semaphore_mem>>, %arg20: memref<!tpu.dma_semaphore, #tpu.memory_space<semaphore_mem>>, %arg21: memref<!tpu.dma_semaphore, #tpu.memory_space<semaphore_mem>>) attributes {dimension_semantics = [#tpu.dimension_semantics<core_parallel>, #tpu.dimension_semantics<subcore_parallel>], iteration_bounds = array<i64: 2, 16>, scalar_prefetch = 0 : i64, scratch_operands = 15 : i64, tpu.core_type = #tpu.core_type<sc_vector_subcore>, window_params = [{transform_indices = #map}, {transform_indices = #map1}, {transform_indices = #map1}, {transform_indices = #map}, {transform_indices = #map2}]} {
    %mul3A = arith.constant 16 : i32
    %mul3A_0 = arith.muli %arg0, %mul3A : i32
    %add3A = arith.addi %mul3A_0, %arg1 : i32
    %mul3A_1 = arith.constant 632 : i32
    %mul3A_2 = arith.muli %arg1, %mul3A_1 : i32
    "tpu.region"() ({
      %run_scoped3A_103 = tpu.sem_alloc : memref<!tpu.dma_semaphore, #tpu.memory_space<semaphore_mem>>
      %dma_start3A_104 = arith.constant 0 : i32
      %dma_start3A_105 = tpu.memref_slice %arg15[%mul3A_2, %dma_start3A_104] : memref<10112x128xf32, #tpu.memory_space<vmem_shared>> -> memref<632x128xf32, #tpu.memory_space<vmem_shared>>
      tpu.enqueue_dma source(%arg5 : memref<632x128xf32, #tpu.memory_space<hbm>>) target(%dma_start3A_105 : memref<632x128xf32, #tpu.memory_space<vmem_shared>>) target_semaphore(%run_scoped3A_103 : memref<!tpu.dma_semaphore, #tpu.memory_space<semaphore_mem>>)
      %dma_wait3A_106 = arith.constant 0 : i32
      %dma_wait3A_107 = tpu.memref_slice %arg15[%mul3A_2, %dma_wait3A_106] : memref<10112x128xf32, #tpu.memory_space<vmem_shared>> -> memref<632x128xf32, #tpu.memory_space<vmem_shared>>
      tpu.wait_dma2 semaphore(%run_scoped3A_103 : memref<!tpu.dma_semaphore, #tpu.memory_space<semaphore_mem>>) src(%arg5 : memref<632x128xf32, #tpu.memory_space<hbm>>) dst(%dma_wait3A_107 : memref<632x128xf32, #tpu.memory_space<vmem_shared>>)
      tpu.yield
    }) : () -> ()
    %barrier3A = arith.constant 0 : index
    tpu.barrier barrier_id(%barrier3A)
    %run_scoped3A = arith.constant 0 : i32
    "tpu.region"() ({
      %run_scoped3A_103 = tpu.sem_alloc : memref<!tpu.dma_semaphore, #tpu.memory_space<semaphore_mem>>
      %dma_start3A_104 = arith.constant 0 : i32
      %dma_start3A_105 = arith.constant 0 : i32
      %dma_start3A_106 = tpu.memref_slice %arg3[%add3A, %run_scoped3A, %dma_start3A_104, %dma_start3A_105] : memref<32x10x20x50xi32, #tpu.memory_space<hbm>> -> memref<1x1x20x50xi32, #tpu.memory_space<hbm>>
      %dma_start3A_107 = tpu.memref_squeeze %dma_start3A_106 : memref<1x1x20x50xi32, #tpu.memory_space<hbm>> -> memref<20x50xi32, #tpu.memory_space<hbm>>
      %dma_start3A_108 = arith.constant 0 : i32
      %dma_start3A_109 = arith.constant 0 : i32
      %dma_start3A_110 = tpu.memref_slice %arg3[%add3A, %run_scoped3A, %dma_start3A_108, %dma_start3A_109] : memref<32x10x20x50xi32, #tpu.memory_space<hbm>> -> memref<1x1x20x50xi32, #tpu.memory_space<hbm>>
      %dma_start3A_111 = tpu.memref_squeeze %dma_start3A_110 : memref<1x1x20x50xi32, #tpu.memory_space<hbm>> -> memref<20x50xi32, #tpu.memory_space<hbm>>
      tpu.enqueue_dma source(%dma_start3A_111 : memref<20x50xi32, #tpu.memory_space<hbm>>) target(%arg7 : memref<20x50xi32, #tpu.memory_space<vmem>>) target_semaphore(%run_scoped3A_103 : memref<!tpu.dma_semaphore, #tpu.memory_space<semaphore_mem>>)
      %dma_wait3A_112 = arith.constant 0 : i32
      %dma_wait3A_113 = arith.constant 0 : i32
      %dma_wait3A_114 = tpu.memref_slice %arg3[%add3A, %run_scoped3A, %dma_wait3A_112, %dma_wait3A_113] : memref<32x10x20x50xi32, #tpu.memory_space<hbm>> -> memref<1x1x20x50xi32, #tpu.memory_space<hbm>>
      %dma_wait3A_115 = tpu.memref_squeeze %dma_wait3A_114 : memref<1x1x20x50xi32, #tpu.memory_space<hbm>> -> memref<20x50xi32, #tpu.memory_space<hbm>>
      %dma_wait3A_116 = arith.constant 0 : i32
      %dma_wait3A_117 = arith.constant 0 : i32
      %dma_wait3A_118 = tpu.memref_slice %arg3[%add3A, %run_scoped3A, %dma_wait3A_116, %dma_wait3A_117] : memref<32x10x20x50xi32, #tpu.memory_space<hbm>> -> memref<1x1x20x50xi32, #tpu.memory_space<hbm>>
      %dma_wait3A_119 = tpu.memref_squeeze %dma_wait3A_118 : memref<1x1x20x50xi32, #tpu.memory_space<hbm>> -> memref<20x50xi32, #tpu.memory_space<hbm>>
      tpu.wait_dma2 semaphore(%run_scoped3A_103 : memref<!tpu.dma_semaphore, #tpu.memory_space<semaphore_mem>>) src(%dma_wait3A_119 : memref<20x50xi32, #tpu.memory_space<hbm>>) dst(%arg7 : memref<20x50xi32, #tpu.memory_space<vmem>>)
      tpu.yield
    }) : () -> ()
    %run_scoped3A_3 = arith.constant 0 : i32
    "tpu.region"() ({
      %run_scoped3A_103 = tpu.sem_alloc : memref<!tpu.dma_semaphore, #tpu.memory_space<semaphore_mem>>
      %dma_start3A_104 = arith.constant 0 : i32
      %dma_start3A_105 = arith.constant 0 : i32
      %dma_start3A_106 = tpu.memref_slice %arg4[%add3A, %run_scoped3A_3, %dma_start3A_104, %dma_start3A_105] : memref<32x10x20x50xi32, #tpu.memory_space<hbm>> -> memref<1x1x20x50xi32, #tpu.memory_space<hbm>>
      %dma_start3A_107 = tpu.memref_squeeze %dma_start3A_106 : memref<1x1x20x50xi32, #tpu.memory_space<hbm>> -> memref<20x50xi32, #tpu.memory_space<hbm>>
      %dma_start3A_108 = arith.constant 0 : i32
      %dma_start3A_109 = arith.constant 0 : i32
      %dma_start3A_110 = tpu.memref_slice %arg4[%add3A, %run_scoped3A_3, %dma_start3A_108, %dma_start3A_109] : memref<32x10x20x50xi32, #tpu.memory_space<hbm>> -> memref<1x1x20x50xi32, #tpu.memory_space<hbm>>
      %dma_start3A_111 = tpu.memref_squeeze %dma_start3A_110 : memref<1x1x20x50xi32, #tpu.memory_space<hbm>> -> memref<20x50xi32, #tpu.memory_space<hbm>>
      tpu.enqueue_dma source(%dma_start3A_111 : memref<20x50xi32, #tpu.memory_space<hbm>>) target(%arg8 : memref<20x50xi32, #tpu.memory_space<vmem>>) target_semaphore(%run_scoped3A_103 : memref<!tpu.dma_semaphore, #tpu.memory_space<semaphore_mem>>)
      %dma_wait3A_112 = arith.constant 0 : i32
      %dma_wait3A_113 = arith.constant 0 : i32
      %dma_wait3A_114 = tpu.memref_slice %arg4[%add3A, %run_scoped3A_3, %dma_wait3A_112, %dma_wait3A_113] : memref<32x10x20x50xi32, #tpu.memory_space<hbm>> -> memref<1x1x20x50xi32, #tpu.memory_space<hbm>>
      %dma_wait3A_115 = tpu.memref_squeeze %dma_wait3A_114 : memref<1x1x20x50xi32, #tpu.memory_space<hbm>> -> memref<20x50xi32, #tpu.memory_space<hbm>>
      %dma_wait3A_116 = arith.constant 0 : i32
      %dma_wait3A_117 = arith.constant 0 : i32
      %dma_wait3A_118 = tpu.memref_slice %arg4[%add3A, %run_scoped3A_3, %dma_wait3A_116, %dma_wait3A_117] : memref<32x10x20x50xi32, #tpu.memory_space<hbm>> -> memref<1x1x20x50xi32, #tpu.memory_space<hbm>>
      %dma_wait3A_119 = tpu.memref_squeeze %dma_wait3A_118 : memref<1x1x20x50xi32, #tpu.memory_space<hbm>> -> memref<20x50xi32, #tpu.memory_space<hbm>>
      tpu.wait_dma2 semaphore(%run_scoped3A_103 : memref<!tpu.dma_semaphore, #tpu.memory_space<semaphore_mem>>) src(%dma_wait3A_119 : memref<20x50xi32, #tpu.memory_space<hbm>>) dst(%arg8 : memref<20x50xi32, #tpu.memory_space<vmem>>)
      tpu.yield
    }) : () -> ()
    %dma_start3A = arith.constant 1 : i32
    %dma_start3A_4 = arith.constant 0 : i32
    %dma_start3A_5 = arith.constant 0 : i32
    %dma_start3A_6 = tpu.memref_slice %arg3[%add3A, %dma_start3A, %dma_start3A_4, %dma_start3A_5] : memref<32x10x20x50xi32, #tpu.memory_space<hbm>> -> memref<1x1x20x50xi32, #tpu.memory_space<hbm>>
    %dma_start3A_7 = tpu.memref_squeeze %dma_start3A_6 : memref<1x1x20x50xi32, #tpu.memory_space<hbm>> -> memref<20x50xi32, #tpu.memory_space<hbm>>
    %dma_start3A_8 = arith.constant 0 : i32
    %dma_start3A_9 = arith.constant 0 : i32
    %dma_start3A_10 = tpu.memref_slice %arg3[%add3A, %dma_start3A, %dma_start3A_8, %dma_start3A_9] : memref<32x10x20x50xi32, #tpu.memory_space<hbm>> -> memref<1x1x20x50xi32, #tpu.memory_space<hbm>>
    %dma_start3A_11 = tpu.memref_squeeze %dma_start3A_10 : memref<1x1x20x50xi32, #tpu.memory_space<hbm>> -> memref<20x50xi32, #tpu.memory_space<hbm>>
    tpu.enqueue_dma source(%dma_start3A_11 : memref<20x50xi32, #tpu.memory_space<hbm>>) target(%arg9 : memref<20x50xi32, #tpu.memory_space<vmem>>) target_semaphore(%arg17 : memref<!tpu.dma_semaphore, #tpu.memory_space<semaphore_mem>>)
    %dma_start3A_12 = arith.constant 1 : i32
    %dma_start3A_13 = arith.constant 0 : i32
    %dma_start3A_14 = arith.constant 0 : i32
    %dma_start3A_15 = tpu.memref_slice %arg4[%add3A, %dma_start3A_12, %dma_start3A_13, %dma_start3A_14] : memref<32x10x20x50xi32, #tpu.memory_space<hbm>> -> memref<1x1x20x50xi32, #tpu.memory_space<hbm>>
    %dma_start3A_16 = tpu.memref_squeeze %dma_start3A_15 : memref<1x1x20x50xi32, #tpu.memory_space<hbm>> -> memref<20x50xi32, #tpu.memory_space<hbm>>
    %dma_start3A_17 = arith.constant 0 : i32
    %dma_start3A_18 = arith.constant 0 : i32
    %dma_start3A_19 = tpu.memref_slice %arg4[%add3A, %dma_start3A_12, %dma_start3A_17, %dma_start3A_18] : memref<32x10x20x50xi32, #tpu.memory_space<hbm>> -> memref<1x1x20x50xi32, #tpu.memory_space<hbm>>
    %dma_start3A_20 = tpu.memref_squeeze %dma_start3A_19 : memref<1x1x20x50xi32, #tpu.memory_space<hbm>> -> memref<20x50xi32, #tpu.memory_space<hbm>>
    tpu.enqueue_dma source(%dma_start3A_20 : memref<20x50xi32, #tpu.memory_space<hbm>>) target(%arg10 : memref<20x50xi32, #tpu.memory_space<vmem>>) target_semaphore(%arg17 : memref<!tpu.dma_semaphore, #tpu.memory_space<semaphore_mem>>)
    %dma_start3A_21 = arith.constant 0 : i32
    %dma_start3A_22 = arith.constant 0 : i32
    %dma_start3A_23 = tpu.memref_slice %arg7[%dma_start3A_21, %dma_start3A_22] : memref<20x50xi32, #tpu.memory_space<vmem>> -> memref<1x50xi32, #tpu.memory_space<vmem>>
    %dma_start3A_24 = tpu.memref_squeeze %dma_start3A_23 : memref<1x50xi32, #tpu.memory_space<vmem>> -> memref<50xi32, #tpu.memory_space<vmem>>
    %dma_start3A_25 = arith.constant 0 : i32
    %dma_start3A_26 = arith.constant 0 : i32
    %dma_start3A_27 = tpu.memref_slice %arg2[%dma_start3A_25, %dma_start3A_26] : memref<10000x128xf32, #tpu.memory_space<hbm>> -> memref<10000x128xf32, #tpu.memory_space<hbm>>
    tpu.enqueue_indirect_dma source(%dma_start3A_27 : memref<10000x128xf32, #tpu.memory_space<hbm>>) target(%arg11 : memref<50x128xf32, #tpu.memory_space<vmem>>) offsets(%dma_start3A_24 : memref<50xi32, #tpu.memory_space<vmem>>) semaphore(%arg18 : memref<!tpu.dma_semaphore, #tpu.memory_space<semaphore_mem>>)
    %dma_start3A_28 = arith.constant 1 : i32
    %dma_start3A_29 = arith.constant 0 : i32
    %dma_start3A_30 = tpu.memref_slice %arg7[%dma_start3A_28, %dma_start3A_29] : memref<20x50xi32, #tpu.memory_space<vmem>> -> memref<1x50xi32, #tpu.memory_space<vmem>>
    %dma_start3A_31 = tpu.memref_squeeze %dma_start3A_30 : memref<1x50xi32, #tpu.memory_space<vmem>> -> memref<50xi32, #tpu.memory_space<vmem>>
    %dma_start3A_32 = arith.constant 0 : i32
    %dma_start3A_33 = arith.constant 0 : i32
    %dma_start3A_34 = tpu.memref_slice %arg2[%dma_start3A_32, %dma_start3A_33] : memref<10000x128xf32, #tpu.memory_space<hbm>> -> memref<10000x128xf32, #tpu.memory_space<hbm>>
    tpu.enqueue_indirect_dma source(%dma_start3A_34 : memref<10000x128xf32, #tpu.memory_space<hbm>>) target(%arg12 : memref<50x128xf32, #tpu.memory_space<vmem>>) offsets(%dma_start3A_31 : memref<50xi32, #tpu.memory_space<vmem>>) semaphore(%arg19 : memref<!tpu.dma_semaphore, #tpu.memory_space<semaphore_mem>>)
    %dma_start3A_35 = arith.constant 2 : i32
    %dma_start3A_36 = arith.constant 0 : i32
    %dma_start3A_37 = tpu.memref_slice %arg7[%dma_start3A_35, %dma_start3A_36] : memref<20x50xi32, #tpu.memory_space<vmem>> -> memref<1x50xi32, #tpu.memory_space<vmem>>
    %dma_start3A_38 = tpu.memref_squeeze %dma_start3A_37 : memref<1x50xi32, #tpu.memory_space<vmem>> -> memref<50xi32, #tpu.memory_space<vmem>>
    %dma_start3A_39 = arith.constant 0 : i32
    %dma_start3A_40 = arith.constant 0 : i32
    %dma_start3A_41 = tpu.memref_slice %arg2[%dma_start3A_39, %dma_start3A_40] : memref<10000x128xf32, #tpu.memory_space<hbm>> -> memref<10000x128xf32, #tpu.memory_space<hbm>>
    tpu.enqueue_indirect_dma source(%dma_start3A_41 : memref<10000x128xf32, #tpu.memory_space<hbm>>) target(%arg13 : memref<50x128xf32, #tpu.memory_space<vmem>>) offsets(%dma_start3A_38 : memref<50xi32, #tpu.memory_space<vmem>>) semaphore(%arg20 : memref<!tpu.dma_semaphore, #tpu.memory_space<semaphore_mem>>)
    %dma_start3A_42 = arith.constant 3 : i32
    %dma_start3A_43 = arith.constant 0 : i32
    %dma_start3A_44 = tpu.memref_slice %arg7[%dma_start3A_42, %dma_start3A_43] : memref<20x50xi32, #tpu.memory_space<vmem>> -> memref<1x50xi32, #tpu.memory_space<vmem>>
    %dma_start3A_45 = tpu.memref_squeeze %dma_start3A_44 : memref<1x50xi32, #tpu.memory_space<vmem>> -> memref<50xi32, #tpu.memory_space<vmem>>
    %dma_start3A_46 = arith.constant 0 : i32
    %dma_start3A_47 = arith.constant 0 : i32
    %dma_start3A_48 = tpu.memref_slice %arg2[%dma_start3A_46, %dma_start3A_47] : memref<10000x128xf32, #tpu.memory_space<hbm>> -> memref<10000x128xf32, #tpu.memory_space<hbm>>
    tpu.enqueue_indirect_dma source(%dma_start3A_48 : memref<10000x128xf32, #tpu.memory_space<hbm>>) target(%arg14 : memref<50x128xf32, #tpu.memory_space<vmem>>) offsets(%dma_start3A_45 : memref<50xi32, #tpu.memory_space<vmem>>) semaphore(%arg21 : memref<!tpu.dma_semaphore, #tpu.memory_space<semaphore_mem>>)
    %scan3A = arith.constant 0 : i32
    %scan3A_49 = arith.constant 5 : i32
    %scan3A_50 = arith.addi %scan3A, %scan3A_49 : i32
    %scan3A_51 = arith.constant 1 : i32
    scf.for %scan3A_103 = %scan3A to %scan3A_50 step %scan3A_51  : i32 {
      %mul3A_104 = arith.constant 2 : i32
      %mul3A_105 = arith.muli %scan3A_103, %mul3A_104 : i32
      %add3A_106 = arith.constant 0 : i32
      %add3A_107 = arith.addi %add3A_106, %mul3A_105 : i32
      %scan3A_108 = arith.constant 0 : i32
      %scan3A_109 = arith.constant 4 : i32
      %scan3A_110 = arith.addi %scan3A_108, %scan3A_109 : i32
      %scan3A_111 = arith.constant 1 : i32
      scf.for %scan3A_317 = %scan3A_108 to %scan3A_110 step %scan3A_111  : i32 {
        %mul3A_318 = arith.constant 4 : i32
        %mul3A_319 = arith.muli %scan3A_317, %mul3A_318 : i32
        %add3A_320 = arith.constant 0 : i32
        %add3A_321 = arith.addi %add3A_320, %mul3A_319 : i32
        %add3A_322 = arith.constant 0 : i32
        %add3A_323 = arith.addi %add3A_321, %add3A_322 : i32
        %dma_wait3A_324 = arith.constant 0 : i32
        %dma_wait3A_325 = tpu.memref_slice %arg7[%add3A_323, %dma_wait3A_324] : memref<20x50xi32, #tpu.memory_space<vmem>> -> memref<1x50xi32, #tpu.memory_space<vmem>>
        %dma_wait3A_326 = tpu.memref_squeeze %dma_wait3A_325 : memref<1x50xi32, #tpu.memory_space<vmem>> -> memref<50xi32, #tpu.memory_space<vmem>>
        %dma_wait3A_327 = arith.constant 0 : i32
        %dma_wait3A_328 = arith.constant 0 : i32
        %dma_wait3A_329 = tpu.memref_slice %arg2[%dma_wait3A_327, %dma_wait3A_328] : memref<10000x128xf32, #tpu.memory_space<hbm>> -> memref<10000x128xf32, #tpu.memory_space<hbm>>
        tpu.wait_indirect_dma semaphore(%arg18 : memref<!tpu.dma_semaphore, #tpu.memory_space<semaphore_mem>>) src(%dma_wait3A_329 : memref<10000x128xf32, #tpu.memory_space<hbm>>) dst(%arg11 : memref<50x128xf32, #tpu.memory_space<vmem>>)
        "tpu.region"() ({
          %run_scoped3A_386 = tpu.sem_alloc : memref<!tpu.dma_semaphore, #tpu.memory_space<semaphore_mem>>
          %dma_start3A_387 = arith.constant 0 : i32
          %dma_start3A_388 = tpu.memref_slice %arg8[%add3A_323, %dma_start3A_387] : memref<20x50xi32, #tpu.memory_space<vmem>> -> memref<1x50xi32, #tpu.memory_space<vmem>>
          %dma_start3A_389 = tpu.memref_squeeze %dma_start3A_388 : memref<1x50xi32, #tpu.memory_space<vmem>> -> memref<50xi32, #tpu.memory_space<vmem>>
          %dma_start3A_390 = arith.constant 0 : i32
          %dma_start3A_391 = arith.constant 0 : i32
          %dma_start3A_392 = tpu.memref_slice %arg15[%dma_start3A_390, %dma_start3A_391] : memref<10112x128xf32, #tpu.memory_space<vmem_shared>> -> memref<10112x128xf32, #tpu.memory_space<vmem_shared>>
          tpu.enqueue_indirect_dma source(%arg11 : memref<50x128xf32, #tpu.memory_space<vmem>>) target(%dma_start3A_392 : memref<10112x128xf32, #tpu.memory_space<vmem_shared>>) offsets(%dma_start3A_389 : memref<50xi32, #tpu.memory_space<vmem>>) semaphore(%run_scoped3A_386 : memref<!tpu.dma_semaphore, #tpu.memory_space<semaphore_mem>>) {add = true}
          %dma_wait3A_393 = arith.constant 0 : i32
          %dma_wait3A_394 = tpu.memref_slice %arg8[%add3A_323, %dma_wait3A_393] : memref<20x50xi32, #tpu.memory_space<vmem>> -> memref<1x50xi32, #tpu.memory_space<vmem>>
          %dma_wait3A_395 = tpu.memref_squeeze %dma_wait3A_394 : memref<1x50xi32, #tpu.memory_space<vmem>> -> memref<50xi32, #tpu.memory_space<vmem>>
          %dma_wait3A_396 = arith.constant 0 : i32
          %dma_wait3A_397 = arith.constant 0 : i32
          %dma_wait3A_398 = tpu.memref_slice %arg15[%dma_wait3A_396, %dma_wait3A_397] : memref<10112x128xf32, #tpu.memory_space<vmem_shared>> -> memref<10112x128xf32, #tpu.memory_space<vmem_shared>>
          tpu.wait_indirect_dma semaphore(%run_scoped3A_386 : memref<!tpu.dma_semaphore, #tpu.memory_space<semaphore_mem>>) src(%arg11 : memref<50x128xf32, #tpu.memory_space<vmem>>) dst(%dma_wait3A_398 : memref<10112x128xf32, #tpu.memory_space<vmem_shared>>)
          tpu.yield
        }) : () -> ()
        %add3A_330 = arith.constant 4 : i32
        %add3A_331 = arith.addi %add3A_323, %add3A_330 : i32
        %dma_start3A_332 = arith.constant 0 : i32
        %dma_start3A_333 = tpu.memref_slice %arg7[%add3A_331, %dma_start3A_332] : memref<20x50xi32, #tpu.memory_space<vmem>> -> memref<1x50xi32, #tpu.memory_space<vmem>>
        %dma_start3A_334 = tpu.memref_squeeze %dma_start3A_333 : memref<1x50xi32, #tpu.memory_space<vmem>> -> memref<50xi32, #tpu.memory_space<vmem>>
        %dma_start3A_335 = arith.constant 0 : i32
        %dma_start3A_336 = arith.constant 0 : i32
        %dma_start3A_337 = tpu.memref_slice %arg2[%dma_start3A_335, %dma_start3A_336] : memref<10000x128xf32, #tpu.memory_space<hbm>> -> memref<10000x128xf32, #tpu.memory_space<hbm>>
        tpu.enqueue_indirect_dma source(%dma_start3A_337 : memref<10000x128xf32, #tpu.memory_space<hbm>>) target(%arg11 : memref<50x128xf32, #tpu.memory_space<vmem>>) offsets(%dma_start3A_334 : memref<50xi32, #tpu.memory_space<vmem>>) semaphore(%arg18 : memref<!tpu.dma_semaphore, #tpu.memory_space<semaphore_mem>>)
        %add3A_338 = arith.constant 1 : i32
        %add3A_339 = arith.addi %add3A_321, %add3A_338 : i32
        %dma_wait3A_340 = arith.constant 0 : i32
        %dma_wait3A_341 = tpu.memref_slice %arg7[%add3A_339, %dma_wait3A_340] : memref<20x50xi32, #tpu.memory_space<vmem>> -> memref<1x50xi32, #tpu.memory_space<vmem>>
        %dma_wait3A_342 = tpu.memref_squeeze %dma_wait3A_341 : memref<1x50xi32, #tpu.memory_space<vmem>> -> memref<50xi32, #tpu.memory_space<vmem>>
        %dma_wait3A_343 = arith.constant 0 : i32
        %dma_wait3A_344 = arith.constant 0 : i32
        %dma_wait3A_345 = tpu.memref_slice %arg2[%dma_wait3A_343, %dma_wait3A_344] : memref<10000x128xf32, #tpu.memory_space<hbm>> -> memref<10000x128xf32, #tpu.memory_space<hbm>>
        tpu.wait_indirect_dma semaphore(%arg19 : memref<!tpu.dma_semaphore, #tpu.memory_space<semaphore_mem>>) src(%dma_wait3A_345 : memref<10000x128xf32, #tpu.memory_space<hbm>>) dst(%arg12 : memref<50x128xf32, #tpu.memory_space<vmem>>)
        "tpu.region"() ({
          %run_scoped3A_386 = tpu.sem_alloc : memref<!tpu.dma_semaphore, #tpu.memory_space<semaphore_mem>>
          %dma_start3A_387 = arith.constant 0 : i32
          %dma_start3A_388 = tpu.memref_slice %arg8[%add3A_339, %dma_start3A_387] : memref<20x50xi32, #tpu.memory_space<vmem>> -> memref<1x50xi32, #tpu.memory_space<vmem>>
          %dma_start3A_389 = tpu.memref_squeeze %dma_start3A_388 : memref<1x50xi32, #tpu.memory_space<vmem>> -> memref<50xi32, #tpu.memory_space<vmem>>
          %dma_start3A_390 = arith.constant 0 : i32
          %dma_start3A_391 = arith.constant 0 : i32
          %dma_start3A_392 = tpu.memref_slice %arg15[%dma_start3A_390, %dma_start3A_391] : memref<10112x128xf32, #tpu.memory_space<vmem_shared>> -> memref<10112x128xf32, #tpu.memory_space<vmem_shared>>
          tpu.enqueue_indirect_dma source(%arg12 : memref<50x128xf32, #tpu.memory_space<vmem>>) target(%dma_start3A_392 : memref<10112x128xf32, #tpu.memory_space<vmem_shared>>) offsets(%dma_start3A_389 : memref<50xi32, #tpu.memory_space<vmem>>) semaphore(%run_scoped3A_386 : memref<!tpu.dma_semaphore, #tpu.memory_space<semaphore_mem>>) {add = true}
          %dma_wait3A_393 = arith.constant 0 : i32
          %dma_wait3A_394 = tpu.memref_slice %arg8[%add3A_339, %dma_wait3A_393] : memref<20x50xi32, #tpu.memory_space<vmem>> -> memref<1x50xi32, #tpu.memory_space<vmem>>
          %dma_wait3A_395 = tpu.memref_squeeze %dma_wait3A_394 : memref<1x50xi32, #tpu.memory_space<vmem>> -> memref<50xi32, #tpu.memory_space<vmem>>
          %dma_wait3A_396 = arith.constant 0 : i32
          %dma_wait3A_397 = arith.constant 0 : i32
          %dma_wait3A_398 = tpu.memref_slice %arg15[%dma_wait3A_396, %dma_wait3A_397] : memref<10112x128xf32, #tpu.memory_space<vmem_shared>> -> memref<10112x128xf32, #tpu.memory_space<vmem_shared>>
          tpu.wait_indirect_dma semaphore(%run_scoped3A_386 : memref<!tpu.dma_semaphore, #tpu.memory_space<semaphore_mem>>) src(%arg12 : memref<50x128xf32, #tpu.memory_space<vmem>>) dst(%dma_wait3A_398 : memref<10112x128xf32, #tpu.memory_space<vmem_shared>>)
          tpu.yield
        }) : () -> ()
        %add3A_346 = arith.constant 4 : i32
        %add3A_347 = arith.addi %add3A_339, %add3A_346 : i32
        %dma_start3A_348 = arith.constant 0 : i32
        %dma_start3A_349 = tpu.memref_slice %arg7[%add3A_347, %dma_start3A_348] : memref<20x50xi32, #tpu.memory_space<vmem>> -> memref<1x50xi32, #tpu.memory_space<vmem>>
        %dma_start3A_350 = tpu.memref_squeeze %dma_start3A_349 : memref<1x50xi32, #tpu.memory_space<vmem>> -> memref<50xi32, #tpu.memory_space<vmem>>
        %dma_start3A_351 = arith.constant 0 : i32
        %dma_start3A_352 = arith.constant 0 : i32
        %dma_start3A_353 = tpu.memref_slice %arg2[%dma_start3A_351, %dma_start3A_352] : memref<10000x128xf32, #tpu.memory_space<hbm>> -> memref<10000x128xf32, #tpu.memory_space<hbm>>
        tpu.enqueue_indirect_dma source(%dma_start3A_353 : memref<10000x128xf32, #tpu.memory_space<hbm>>) target(%arg12 : memref<50x128xf32, #tpu.memory_space<vmem>>) offsets(%dma_start3A_350 : memref<50xi32, #tpu.memory_space<vmem>>) semaphore(%arg19 : memref<!tpu.dma_semaphore, #tpu.memory_space<semaphore_mem>>)
        %add3A_354 = arith.constant 2 : i32
        %add3A_355 = arith.addi %add3A_321, %add3A_354 : i32
        %dma_wait3A_356 = arith.constant 0 : i32
        %dma_wait3A_357 = tpu.memref_slice %arg7[%add3A_355, %dma_wait3A_356] : memref<20x50xi32, #tpu.memory_space<vmem>> -> memref<1x50xi32, #tpu.memory_space<vmem>>
        %dma_wait3A_358 = tpu.memref_squeeze %dma_wait3A_357 : memref<1x50xi32, #tpu.memory_space<vmem>> -> memref<50xi32, #tpu.memory_space<vmem>>
        %dma_wait3A_359 = arith.constant 0 : i32
        %dma_wait3A_360 = arith.constant 0 : i32
        %dma_wait3A_361 = tpu.memref_slice %arg2[%dma_wait3A_359, %dma_wait3A_360] : memref<10000x128xf32, #tpu.memory_space<hbm>> -> memref<10000x128xf32, #tpu.memory_space<hbm>>
        tpu.wait_indirect_dma semaphore(%arg20 : memref<!tpu.dma_semaphore, #tpu.memory_space<semaphore_mem>>) src(%dma_wait3A_361 : memref<10000x128xf32, #tpu.memory_space<hbm>>) dst(%arg13 : memref<50x128xf32, #tpu.memory_space<vmem>>)
        "tpu.region"() ({
          %run_scoped3A_386 = tpu.sem_alloc : memref<!tpu.dma_semaphore, #tpu.memory_space<semaphore_mem>>
          %dma_start3A_387 = arith.constant 0 : i32
          %dma_start3A_388 = tpu.memref_slice %arg8[%add3A_355, %dma_start3A_387] : memref<20x50xi32, #tpu.memory_space<vmem>> -> memref<1x50xi32, #tpu.memory_space<vmem>>
          %dma_start3A_389 = tpu.memref_squeeze %dma_start3A_388 : memref<1x50xi32, #tpu.memory_space<vmem>> -> memref<50xi32, #tpu.memory_space<vmem>>
          %dma_start3A_390 = arith.constant 0 : i32
          %dma_start3A_391 = arith.constant 0 : i32
          %dma_start3A_392 = tpu.memref_slice %arg15[%dma_start3A_390, %dma_start3A_391] : memref<10112x128xf32, #tpu.memory_space<vmem_shared>> -> memref<10112x128xf32, #tpu.memory_space<vmem_shared>>
          tpu.enqueue_indirect_dma source(%arg13 : memref<50x128xf32, #tpu.memory_space<vmem>>) target(%dma_start3A_392 : memref<10112x128xf32, #tpu.memory_space<vmem_shared>>) offsets(%dma_start3A_389 : memref<50xi32, #tpu.memory_space<vmem>>) semaphore(%run_scoped3A_386 : memref<!tpu.dma_semaphore, #tpu.memory_space<semaphore_mem>>) {add = true}
          %dma_wait3A_393 = arith.constant 0 : i32
          %dma_wait3A_394 = tpu.memref_slice %arg8[%add3A_355, %dma_wait3A_393] : memref<20x50xi32, #tpu.memory_space<vmem>> -> memref<1x50xi32, #tpu.memory_space<vmem>>
          %dma_wait3A_395 = tpu.memref_squeeze %dma_wait3A_394 : memref<1x50xi32, #tpu.memory_space<vmem>> -> memref<50xi32, #tpu.memory_space<vmem>>
          %dma_wait3A_396 = arith.constant 0 : i32
          %dma_wait3A_397 = arith.constant 0 : i32
          %dma_wait3A_398 = tpu.memref_slice %arg15[%dma_wait3A_396, %dma_wait3A_397] : memref<10112x128xf32, #tpu.memory_space<vmem_shared>> -> memref<10112x128xf32, #tpu.memory_space<vmem_shared>>
          tpu.wait_indirect_dma semaphore(%run_scoped3A_386 : memref<!tpu.dma_semaphore, #tpu.memory_space<semaphore_mem>>) src(%arg13 : memref<50x128xf32, #tpu.memory_space<vmem>>) dst(%dma_wait3A_398 : memref<10112x128xf32, #tpu.memory_space<vmem_shared>>)
          tpu.yield
        }) : () -> ()
        %add3A_362 = arith.constant 4 : i32
        %add3A_363 = arith.addi %add3A_355, %add3A_362 : i32
        %dma_start3A_364 = arith.constant 0 : i32
        %dma_start3A_365 = tpu.memref_slice %arg7[%add3A_363, %dma_start3A_364] : memref<20x50xi32, #tpu.memory_space<vmem>> -> memref<1x50xi32, #tpu.memory_space<vmem>>
        %dma_start3A_366 = tpu.memref_squeeze %dma_start3A_365 : memref<1x50xi32, #tpu.memory_space<vmem>> -> memref<50xi32, #tpu.memory_space<vmem>>
        %dma_start3A_367 = arith.constant 0 : i32
        %dma_start3A_368 = arith.constant 0 : i32
        %dma_start3A_369 = tpu.memref_slice %arg2[%dma_start3A_367, %dma_start3A_368] : memref<10000x128xf32, #tpu.memory_space<hbm>> -> memref<10000x128xf32, #tpu.memory_space<hbm>>
        tpu.enqueue_indirect_dma source(%dma_start3A_369 : memref<10000x128xf32, #tpu.memory_space<hbm>>) target(%arg13 : memref<50x128xf32, #tpu.memory_space<vmem>>) offsets(%dma_start3A_366 : memref<50xi32, #tpu.memory_space<vmem>>) semaphore(%arg20 : memref<!tpu.dma_semaphore, #tpu.memory_space<semaphore_mem>>)
        %add3A_370 = arith.constant 3 : i32
        %add3A_371 = arith.addi %add3A_321, %add3A_370 : i32
        %dma_wait3A_372 = arith.constant 0 : i32
        %dma_wait3A_373 = tpu.memref_slice %arg7[%add3A_371, %dma_wait3A_372] : memref<20x50xi32, #tpu.memory_space<vmem>> -> memref<1x50xi32, #tpu.memory_space<vmem>>
        %dma_wait3A_374 = tpu.memref_squeeze %dma_wait3A_373 : memref<1x50xi32, #tpu.memory_space<vmem>> -> memref<50xi32, #tpu.memory_space<vmem>>
        %dma_wait3A_375 = arith.constant 0 : i32
        %dma_wait3A_376 = arith.constant 0 : i32
        %dma_wait3A_377 = tpu.memref_slice %arg2[%dma_wait3A_375, %dma_wait3A_376] : memref<10000x128xf32, #tpu.memory_space<hbm>> -> memref<10000x128xf32, #tpu.memory_space<hbm>>
        tpu.wait_indirect_dma semaphore(%arg21 : memref<!tpu.dma_semaphore, #tpu.memory_space<semaphore_mem>>) src(%dma_wait3A_377 : memref<10000x128xf32, #tpu.memory_space<hbm>>) dst(%arg14 : memref<50x128xf32, #tpu.memory_space<vmem>>)
        "tpu.region"() ({
          %run_scoped3A_386 = tpu.sem_alloc : memref<!tpu.dma_semaphore, #tpu.memory_space<semaphore_mem>>
          %dma_start3A_387 = arith.constant 0 : i32
          %dma_start3A_388 = tpu.memref_slice %arg8[%add3A_371, %dma_start3A_387] : memref<20x50xi32, #tpu.memory_space<vmem>> -> memref<1x50xi32, #tpu.memory_space<vmem>>
          %dma_start3A_389 = tpu.memref_squeeze %dma_start3A_388 : memref<1x50xi32, #tpu.memory_space<vmem>> -> memref<50xi32, #tpu.memory_space<vmem>>
          %dma_start3A_390 = arith.constant 0 : i32
          %dma_start3A_391 = arith.constant 0 : i32
          %dma_start3A_392 = tpu.memref_slice %arg15[%dma_start3A_390, %dma_start3A_391] : memref<10112x128xf32, #tpu.memory_space<vmem_shared>> -> memref<10112x128xf32, #tpu.memory_space<vmem_shared>>
          tpu.enqueue_indirect_dma source(%arg14 : memref<50x128xf32, #tpu.memory_space<vmem>>) target(%dma_start3A_392 : memref<10112x128xf32, #tpu.memory_space<vmem_shared>>) offsets(%dma_start3A_389 : memref<50xi32, #tpu.memory_space<vmem>>) semaphore(%run_scoped3A_386 : memref<!tpu.dma_semaphore, #tpu.memory_space<semaphore_mem>>) {add = true}
          %dma_wait3A_393 = arith.constant 0 : i32
          %dma_wait3A_394 = tpu.memref_slice %arg8[%add3A_371, %dma_wait3A_393] : memref<20x50xi32, #tpu.memory_space<vmem>> -> memref<1x50xi32, #tpu.memory_space<vmem>>
          %dma_wait3A_395 = tpu.memref_squeeze %dma_wait3A_394 : memref<1x50xi32, #tpu.memory_space<vmem>> -> memref<50xi32, #tpu.memory_space<vmem>>
          %dma_wait3A_396 = arith.constant 0 : i32
          %dma_wait3A_397 = arith.constant 0 : i32
          %dma_wait3A_398 = tpu.memref_slice %arg15[%dma_wait3A_396, %dma_wait3A_397] : memref<10112x128xf32, #tpu.memory_space<vmem_shared>> -> memref<10112x128xf32, #tpu.memory_space<vmem_shared>>
          tpu.wait_indirect_dma semaphore(%run_scoped3A_386 : memref<!tpu.dma_semaphore, #tpu.memory_space<semaphore_mem>>) src(%arg14 : memref<50x128xf32, #tpu.memory_space<vmem>>) dst(%dma_wait3A_398 : memref<10112x128xf32, #tpu.memory_space<vmem_shared>>)
          tpu.yield
        }) : () -> ()
        %add3A_378 = arith.constant 4 : i32
        %add3A_379 = arith.addi %add3A_371, %add3A_378 : i32
        %dma_start3A_380 = arith.constant 0 : i32
        %dma_start3A_381 = tpu.memref_slice %arg7[%add3A_379, %dma_start3A_380] : memref<20x50xi32, #tpu.memory_space<vmem>> -> memref<1x50xi32, #tpu.memory_space<vmem>>
        %dma_start3A_382 = tpu.memref_squeeze %dma_start3A_381 : memref<1x50xi32, #tpu.memory_space<vmem>> -> memref<50xi32, #tpu.memory_space<vmem>>
        %dma_start3A_383 = arith.constant 0 : i32
        %dma_start3A_384 = arith.constant 0 : i32
        %dma_start3A_385 = tpu.memref_slice %arg2[%dma_start3A_383, %dma_start3A_384] : memref<10000x128xf32, #tpu.memory_space<hbm>> -> memref<10000x128xf32, #tpu.memory_space<hbm>>
        tpu.enqueue_indirect_dma source(%dma_start3A_385 : memref<10000x128xf32, #tpu.memory_space<hbm>>) target(%arg14 : memref<50x128xf32, #tpu.memory_space<vmem>>) offsets(%dma_start3A_382 : memref<50xi32, #tpu.memory_space<vmem>>) semaphore(%arg21 : memref<!tpu.dma_semaphore, #tpu.memory_space<semaphore_mem>>)
      }
      %scan3A_112 = arith.constant 4 : i32
      %dma_wait3A_113 = arith.constant 0 : i32
      %dma_wait3A_114 = arith.constant 0 : i32
      %dma_wait3A_115 = arith.constant 0 : i32
      %dma_wait3A_116 = tpu.memref_slice %arg3[%add3A, %dma_wait3A_113, %dma_wait3A_114, %dma_wait3A_115] : memref<32x10x20x50xi32, #tpu.memory_space<hbm>> -> memref<1x1x20x50xi32, #tpu.memory_space<hbm>>
      %dma_wait3A_117 = tpu.memref_squeeze %dma_wait3A_116 : memref<1x1x20x50xi32, #tpu.memory_space<hbm>> -> memref<20x50xi32, #tpu.memory_space<hbm>>
      %dma_wait3A_118 = arith.constant 0 : i32
      %dma_wait3A_119 = arith.constant 0 : i32
      %dma_wait3A_120 = tpu.memref_slice %arg3[%add3A, %dma_wait3A_113, %dma_wait3A_118, %dma_wait3A_119] : memref<32x10x20x50xi32, #tpu.memory_space<hbm>> -> memref<1x1x20x50xi32, #tpu.memory_space<hbm>>
      %dma_wait3A_121 = tpu.memref_squeeze %dma_wait3A_120 : memref<1x1x20x50xi32, #tpu.memory_space<hbm>> -> memref<20x50xi32, #tpu.memory_space<hbm>>
      tpu.wait_dma2 semaphore(%arg17 : memref<!tpu.dma_semaphore, #tpu.memory_space<semaphore_mem>>) src(%dma_wait3A_121 : memref<20x50xi32, #tpu.memory_space<hbm>>) dst(%arg9 : memref<20x50xi32, #tpu.memory_space<vmem>>)
      %dma_wait3A_122 = arith.constant 0 : i32
      %dma_wait3A_123 = arith.constant 0 : i32
      %dma_wait3A_124 = arith.constant 0 : i32
      %dma_wait3A_125 = tpu.memref_slice %arg4[%add3A, %dma_wait3A_122, %dma_wait3A_123, %dma_wait3A_124] : memref<32x10x20x50xi32, #tpu.memory_space<hbm>> -> memref<1x1x20x50xi32, #tpu.memory_space<hbm>>
      %dma_wait3A_126 = tpu.memref_squeeze %dma_wait3A_125 : memref<1x1x20x50xi32, #tpu.memory_space<hbm>> -> memref<20x50xi32, #tpu.memory_space<hbm>>
      %dma_wait3A_127 = arith.constant 0 : i32
      %dma_wait3A_128 = arith.constant 0 : i32
      %dma_wait3A_129 = tpu.memref_slice %arg4[%add3A, %dma_wait3A_122, %dma_wait3A_127, %dma_wait3A_128] : memref<32x10x20x50xi32, #tpu.memory_space<hbm>> -> memref<1x1x20x50xi32, #tpu.memory_space<hbm>>
      %dma_wait3A_130 = tpu.memref_squeeze %dma_wait3A_129 : memref<1x1x20x50xi32, #tpu.memory_space<hbm>> -> memref<20x50xi32, #tpu.memory_space<hbm>>
      tpu.wait_dma2 semaphore(%arg17 : memref<!tpu.dma_semaphore, #tpu.memory_space<semaphore_mem>>) src(%dma_wait3A_130 : memref<20x50xi32, #tpu.memory_space<hbm>>) dst(%arg10 : memref<20x50xi32, #tpu.memory_space<vmem>>)
      %dma_wait3A_131 = arith.constant 16 : i32
      %dma_wait3A_132 = arith.constant 0 : i32
      %dma_wait3A_133 = tpu.memref_slice %arg7[%dma_wait3A_131, %dma_wait3A_132] : memref<20x50xi32, #tpu.memory_space<vmem>> -> memref<1x50xi32, #tpu.memory_space<vmem>>
      %dma_wait3A_134 = tpu.memref_squeeze %dma_wait3A_133 : memref<1x50xi32, #tpu.memory_space<vmem>> -> memref<50xi32, #tpu.memory_space<vmem>>
      %dma_wait3A_135 = arith.constant 0 : i32
      %dma_wait3A_136 = arith.constant 0 : i32
      %dma_wait3A_137 = tpu.memref_slice %arg2[%dma_wait3A_135, %dma_wait3A_136] : memref<10000x128xf32, #tpu.memory_space<hbm>> -> memref<10000x128xf32, #tpu.memory_space<hbm>>
      tpu.wait_indirect_dma semaphore(%arg18 : memref<!tpu.dma_semaphore, #tpu.memory_space<semaphore_mem>>) src(%dma_wait3A_137 : memref<10000x128xf32, #tpu.memory_space<hbm>>) dst(%arg11 : memref<50x128xf32, #tpu.memory_space<vmem>>)
      %run_scoped3A_138 = arith.constant 16 : i32
      "tpu.region"() ({
        %run_scoped3A_317 = tpu.sem_alloc : memref<!tpu.dma_semaphore, #tpu.memory_space<semaphore_mem>>
        %dma_start3A_318 = arith.constant 0 : i32
        %dma_start3A_319 = tpu.memref_slice %arg8[%run_scoped3A_138, %dma_start3A_318] : memref<20x50xi32, #tpu.memory_space<vmem>> -> memref<1x50xi32, #tpu.memory_space<vmem>>
        %dma_start3A_320 = tpu.memref_squeeze %dma_start3A_319 : memref<1x50xi32, #tpu.memory_space<vmem>> -> memref<50xi32, #tpu.memory_space<vmem>>
        %dma_start3A_321 = arith.constant 0 : i32
        %dma_start3A_322 = arith.constant 0 : i32
        %dma_start3A_323 = tpu.memref_slice %arg15[%dma_start3A_321, %dma_start3A_322] : memref<10112x128xf32, #tpu.memory_space<vmem_shared>> -> memref<10112x128xf32, #tpu.memory_space<vmem_shared>>
        tpu.enqueue_indirect_dma source(%arg11 : memref<50x128xf32, #tpu.memory_space<vmem>>) target(%dma_start3A_323 : memref<10112x128xf32, #tpu.memory_space<vmem_shared>>) offsets(%dma_start3A_320 : memref<50xi32, #tpu.memory_space<vmem>>) semaphore(%run_scoped3A_317 : memref<!tpu.dma_semaphore, #tpu.memory_space<semaphore_mem>>) {add = true}
        %dma_wait3A_324 = arith.constant 0 : i32
        %dma_wait3A_325 = tpu.memref_slice %arg8[%run_scoped3A_138, %dma_wait3A_324] : memref<20x50xi32, #tpu.memory_space<vmem>> -> memref<1x50xi32, #tpu.memory_space<vmem>>
        %dma_wait3A_326 = tpu.memref_squeeze %dma_wait3A_325 : memref<1x50xi32, #tpu.memory_space<vmem>> -> memref<50xi32, #tpu.memory_space<vmem>>
        %dma_wait3A_327 = arith.constant 0 : i32
        %dma_wait3A_328 = arith.constant 0 : i32
        %dma_wait3A_329 = tpu.memref_slice %arg15[%dma_wait3A_327, %dma_wait3A_328] : memref<10112x128xf32, #tpu.memory_space<vmem_shared>> -> memref<10112x128xf32, #tpu.memory_space<vmem_shared>>
        tpu.wait_indirect_dma semaphore(%run_scoped3A_317 : memref<!tpu.dma_semaphore, #tpu.memory_space<semaphore_mem>>) src(%arg11 : memref<50x128xf32, #tpu.memory_space<vmem>>) dst(%dma_wait3A_329 : memref<10112x128xf32, #tpu.memory_space<vmem_shared>>)
        tpu.yield
      }) : () -> ()
      %dma_start3A_139 = arith.constant 0 : i32
      %dma_start3A_140 = arith.constant 0 : i32
      %dma_start3A_141 = tpu.memref_slice %arg9[%dma_start3A_139, %dma_start3A_140] : memref<20x50xi32, #tpu.memory_space<vmem>> -> memref<1x50xi32, #tpu.memory_space<vmem>>
      %dma_start3A_142 = tpu.memref_squeeze %dma_start3A_141 : memref<1x50xi32, #tpu.memory_space<vmem>> -> memref<50xi32, #tpu.memory_space<vmem>>
      %dma_start3A_143 = arith.constant 0 : i32
      %dma_start3A_144 = arith.constant 0 : i32
      %dma_start3A_145 = tpu.memref_slice %arg2[%dma_start3A_143, %dma_start3A_144] : memref<10000x128xf32, #tpu.memory_space<hbm>> -> memref<10000x128xf32, #tpu.memory_space<hbm>>
      tpu.enqueue_indirect_dma source(%dma_start3A_145 : memref<10000x128xf32, #tpu.memory_space<hbm>>) target(%arg11 : memref<50x128xf32, #tpu.memory_space<vmem>>) offsets(%dma_start3A_142 : memref<50xi32, #tpu.memory_space<vmem>>) semaphore(%arg18 : memref<!tpu.dma_semaphore, #tpu.memory_space<semaphore_mem>>)
      %dma_wait3A_146 = arith.constant 17 : i32
      %dma_wait3A_147 = arith.constant 0 : i32
      %dma_wait3A_148 = tpu.memref_slice %arg7[%dma_wait3A_146, %dma_wait3A_147] : memref<20x50xi32, #tpu.memory_space<vmem>> -> memref<1x50xi32, #tpu.memory_space<vmem>>
      %dma_wait3A_149 = tpu.memref_squeeze %dma_wait3A_148 : memref<1x50xi32, #tpu.memory_space<vmem>> -> memref<50xi32, #tpu.memory_space<vmem>>
      %dma_wait3A_150 = arith.constant 0 : i32
      %dma_wait3A_151 = arith.constant 0 : i32
      %dma_wait3A_152 = tpu.memref_slice %arg2[%dma_wait3A_150, %dma_wait3A_151] : memref<10000x128xf32, #tpu.memory_space<hbm>> -> memref<10000x128xf32, #tpu.memory_space<hbm>>
      tpu.wait_indirect_dma semaphore(%arg19 : memref<!tpu.dma_semaphore, #tpu.memory_space<semaphore_mem>>) src(%dma_wait3A_152 : memref<10000x128xf32, #tpu.memory_space<hbm>>) dst(%arg12 : memref<50x128xf32, #tpu.memory_space<vmem>>)
      %run_scoped3A_153 = arith.constant 17 : i32
      "tpu.region"() ({
        %run_scoped3A_317 = tpu.sem_alloc : memref<!tpu.dma_semaphore, #tpu.memory_space<semaphore_mem>>
        %dma_start3A_318 = arith.constant 0 : i32
        %dma_start3A_319 = tpu.memref_slice %arg8[%run_scoped3A_153, %dma_start3A_318] : memref<20x50xi32, #tpu.memory_space<vmem>> -> memref<1x50xi32, #tpu.memory_space<vmem>>
        %dma_start3A_320 = tpu.memref_squeeze %dma_start3A_319 : memref<1x50xi32, #tpu.memory_space<vmem>> -> memref<50xi32, #tpu.memory_space<vmem>>
        %dma_start3A_321 = arith.constant 0 : i32
        %dma_start3A_322 = arith.constant 0 : i32
        %dma_start3A_323 = tpu.memref_slice %arg15[%dma_start3A_321, %dma_start3A_322] : memref<10112x128xf32, #tpu.memory_space<vmem_shared>> -> memref<10112x128xf32, #tpu.memory_space<vmem_shared>>
        tpu.enqueue_indirect_dma source(%arg12 : memref<50x128xf32, #tpu.memory_space<vmem>>) target(%dma_start3A_323 : memref<10112x128xf32, #tpu.memory_space<vmem_shared>>) offsets(%dma_start3A_320 : memref<50xi32, #tpu.memory_space<vmem>>) semaphore(%run_scoped3A_317 : memref<!tpu.dma_semaphore, #tpu.memory_space<semaphore_mem>>) {add = true}
        %dma_wait3A_324 = arith.constant 0 : i32
        %dma_wait3A_325 = tpu.memref_slice %arg8[%run_scoped3A_153, %dma_wait3A_324] : memref<20x50xi32, #tpu.memory_space<vmem>> -> memref<1x50xi32, #tpu.memory_space<vmem>>
        %dma_wait3A_326 = tpu.memref_squeeze %dma_wait3A_325 : memref<1x50xi32, #tpu.memory_space<vmem>> -> memref<50xi32, #tpu.memory_space<vmem>>
        %dma_wait3A_327 = arith.constant 0 : i32
        %dma_wait3A_328 = arith.constant 0 : i32
        %dma_wait3A_329 = tpu.memref_slice %arg15[%dma_wait3A_327, %dma_wait3A_328] : memref<10112x128xf32, #tpu.memory_space<vmem_shared>> -> memref<10112x128xf32, #tpu.memory_space<vmem_shared>>
        tpu.wait_indirect_dma semaphore(%run_scoped3A_317 : memref<!tpu.dma_semaphore, #tpu.memory_space<semaphore_mem>>) src(%arg12 : memref<50x128xf32, #tpu.memory_space<vmem>>) dst(%dma_wait3A_329 : memref<10112x128xf32, #tpu.memory_space<vmem_shared>>)
        tpu.yield
      }) : () -> ()
      %dma_start3A_154 = arith.constant 1 : i32
      %dma_start3A_155 = arith.constant 0 : i32
      %dma_start3A_156 = tpu.memref_slice %arg9[%dma_start3A_154, %dma_start3A_155] : memref<20x50xi32, #tpu.memory_space<vmem>> -> memref<1x50xi32, #tpu.memory_space<vmem>>
      %dma_start3A_157 = tpu.memref_squeeze %dma_start3A_156 : memref<1x50xi32, #tpu.memory_space<vmem>> -> memref<50xi32, #tpu.memory_space<vmem>>
      %dma_start3A_158 = arith.constant 0 : i32
      %dma_start3A_159 = arith.constant 0 : i32
      %dma_start3A_160 = tpu.memref_slice %arg2[%dma_start3A_158, %dma_start3A_159] : memref<10000x128xf32, #tpu.memory_space<hbm>> -> memref<10000x128xf32, #tpu.memory_space<hbm>>
      tpu.enqueue_indirect_dma source(%dma_start3A_160 : memref<10000x128xf32, #tpu.memory_space<hbm>>) target(%arg12 : memref<50x128xf32, #tpu.memory_space<vmem>>) offsets(%dma_start3A_157 : memref<50xi32, #tpu.memory_space<vmem>>) semaphore(%arg19 : memref<!tpu.dma_semaphore, #tpu.memory_space<semaphore_mem>>)
      %dma_wait3A_161 = arith.constant 18 : i32
      %dma_wait3A_162 = arith.constant 0 : i32
      %dma_wait3A_163 = tpu.memref_slice %arg7[%dma_wait3A_161, %dma_wait3A_162] : memref<20x50xi32, #tpu.memory_space<vmem>> -> memref<1x50xi32, #tpu.memory_space<vmem>>
      %dma_wait3A_164 = tpu.memref_squeeze %dma_wait3A_163 : memref<1x50xi32, #tpu.memory_space<vmem>> -> memref<50xi32, #tpu.memory_space<vmem>>
      %dma_wait3A_165 = arith.constant 0 : i32
      %dma_wait3A_166 = arith.constant 0 : i32
      %dma_wait3A_167 = tpu.memref_slice %arg2[%dma_wait3A_165, %dma_wait3A_166] : memref<10000x128xf32, #tpu.memory_space<hbm>> -> memref<10000x128xf32, #tpu.memory_space<hbm>>
      tpu.wait_indirect_dma semaphore(%arg20 : memref<!tpu.dma_semaphore, #tpu.memory_space<semaphore_mem>>) src(%dma_wait3A_167 : memref<10000x128xf32, #tpu.memory_space<hbm>>) dst(%arg13 : memref<50x128xf32, #tpu.memory_space<vmem>>)
      %run_scoped3A_168 = arith.constant 18 : i32
      "tpu.region"() ({
        %run_scoped3A_317 = tpu.sem_alloc : memref<!tpu.dma_semaphore, #tpu.memory_space<semaphore_mem>>
        %dma_start3A_318 = arith.constant 0 : i32
        %dma_start3A_319 = tpu.memref_slice %arg8[%run_scoped3A_168, %dma_start3A_318] : memref<20x50xi32, #tpu.memory_space<vmem>> -> memref<1x50xi32, #tpu.memory_space<vmem>>
        %dma_start3A_320 = tpu.memref_squeeze %dma_start3A_319 : memref<1x50xi32, #tpu.memory_space<vmem>> -> memref<50xi32, #tpu.memory_space<vmem>>
        %dma_start3A_321 = arith.constant 0 : i32
        %dma_start3A_322 = arith.constant 0 : i32
        %dma_start3A_323 = tpu.memref_slice %arg15[%dma_start3A_321, %dma_start3A_322] : memref<10112x128xf32, #tpu.memory_space<vmem_shared>> -> memref<10112x128xf32, #tpu.memory_space<vmem_shared>>
        tpu.enqueue_indirect_dma source(%arg13 : memref<50x128xf32, #tpu.memory_space<vmem>>) target(%dma_start3A_323 : memref<10112x128xf32, #tpu.memory_space<vmem_shared>>) offsets(%dma_start3A_320 : memref<50xi32, #tpu.memory_space<vmem>>) semaphore(%run_scoped3A_317 : memref<!tpu.dma_semaphore, #tpu.memory_space<semaphore_mem>>) {add = true}
        %dma_wait3A_324 = arith.constant 0 : i32
        %dma_wait3A_325 = tpu.memref_slice %arg8[%run_scoped3A_168, %dma_wait3A_324] : memref<20x50xi32, #tpu.memory_space<vmem>> -> memref<1x50xi32, #tpu.memory_space<vmem>>
        %dma_wait3A_326 = tpu.memref_squeeze %dma_wait3A_325 : memref<1x50xi32, #tpu.memory_space<vmem>> -> memref<50xi32, #tpu.memory_space<vmem>>
        %dma_wait3A_327 = arith.constant 0 : i32
        %dma_wait3A_328 = arith.constant 0 : i32
        %dma_wait3A_329 = tpu.memref_slice %arg15[%dma_wait3A_327, %dma_wait3A_328] : memref<10112x128xf32, #tpu.memory_space<vmem_shared>> -> memref<10112x128xf32, #tpu.memory_space<vmem_shared>>
        tpu.wait_indirect_dma semaphore(%run_scoped3A_317 : memref<!tpu.dma_semaphore, #tpu.memory_space<semaphore_mem>>) src(%arg13 : memref<50x128xf32, #tpu.memory_space<vmem>>) dst(%dma_wait3A_329 : memref<10112x128xf32, #tpu.memory_space<vmem_shared>>)
        tpu.yield
      }) : () -> ()
      %dma_start3A_169 = arith.constant 2 : i32
      %dma_start3A_170 = arith.constant 0 : i32
      %dma_start3A_171 = tpu.memref_slice %arg9[%dma_start3A_169, %dma_start3A_170] : memref<20x50xi32, #tpu.memory_space<vmem>> -> memref<1x50xi32, #tpu.memory_space<vmem>>
      %dma_start3A_172 = tpu.memref_squeeze %dma_start3A_171 : memref<1x50xi32, #tpu.memory_space<vmem>> -> memref<50xi32, #tpu.memory_space<vmem>>
      %dma_start3A_173 = arith.constant 0 : i32
      %dma_start3A_174 = arith.constant 0 : i32
      %dma_start3A_175 = tpu.memref_slice %arg2[%dma_start3A_173, %dma_start3A_174] : memref<10000x128xf32, #tpu.memory_space<hbm>> -> memref<10000x128xf32, #tpu.memory_space<hbm>>
      tpu.enqueue_indirect_dma source(%dma_start3A_175 : memref<10000x128xf32, #tpu.memory_space<hbm>>) target(%arg13 : memref<50x128xf32, #tpu.memory_space<vmem>>) offsets(%dma_start3A_172 : memref<50xi32, #tpu.memory_space<vmem>>) semaphore(%arg20 : memref<!tpu.dma_semaphore, #tpu.memory_space<semaphore_mem>>)
      %dma_wait3A_176 = arith.constant 19 : i32
      %dma_wait3A_177 = arith.constant 0 : i32
      %dma_wait3A_178 = tpu.memref_slice %arg7[%dma_wait3A_176, %dma_wait3A_177] : memref<20x50xi32, #tpu.memory_space<vmem>> -> memref<1x50xi32, #tpu.memory_space<vmem>>
      %dma_wait3A_179 = tpu.memref_squeeze %dma_wait3A_178 : memref<1x50xi32, #tpu.memory_space<vmem>> -> memref<50xi32, #tpu.memory_space<vmem>>
      %dma_wait3A_180 = arith.constant 0 : i32
      %dma_wait3A_181 = arith.constant 0 : i32
      %dma_wait3A_182 = tpu.memref_slice %arg2[%dma_wait3A_180, %dma_wait3A_181] : memref<10000x128xf32, #tpu.memory_space<hbm>> -> memref<10000x128xf32, #tpu.memory_space<hbm>>
      tpu.wait_indirect_dma semaphore(%arg21 : memref<!tpu.dma_semaphore, #tpu.memory_space<semaphore_mem>>) src(%dma_wait3A_182 : memref<10000x128xf32, #tpu.memory_space<hbm>>) dst(%arg14 : memref<50x128xf32, #tpu.memory_space<vmem>>)
      %run_scoped3A_183 = arith.constant 19 : i32
      "tpu.region"() ({
        %run_scoped3A_317 = tpu.sem_alloc : memref<!tpu.dma_semaphore, #tpu.memory_space<semaphore_mem>>
        %dma_start3A_318 = arith.constant 0 : i32
        %dma_start3A_319 = tpu.memref_slice %arg8[%run_scoped3A_183, %dma_start3A_318] : memref<20x50xi32, #tpu.memory_space<vmem>> -> memref<1x50xi32, #tpu.memory_space<vmem>>
        %dma_start3A_320 = tpu.memref_squeeze %dma_start3A_319 : memref<1x50xi32, #tpu.memory_space<vmem>> -> memref<50xi32, #tpu.memory_space<vmem>>
        %dma_start3A_321 = arith.constant 0 : i32
        %dma_start3A_322 = arith.constant 0 : i32
        %dma_start3A_323 = tpu.memref_slice %arg15[%dma_start3A_321, %dma_start3A_322] : memref<10112x128xf32, #tpu.memory_space<vmem_shared>> -> memref<10112x128xf32, #tpu.memory_space<vmem_shared>>
        tpu.enqueue_indirect_dma source(%arg14 : memref<50x128xf32, #tpu.memory_space<vmem>>) target(%dma_start3A_323 : memref<10112x128xf32, #tpu.memory_space<vmem_shared>>) offsets(%dma_start3A_320 : memref<50xi32, #tpu.memory_space<vmem>>) semaphore(%run_scoped3A_317 : memref<!tpu.dma_semaphore, #tpu.memory_space<semaphore_mem>>) {add = true}
        %dma_wait3A_324 = arith.constant 0 : i32
        %dma_wait3A_325 = tpu.memref_slice %arg8[%run_scoped3A_183, %dma_wait3A_324] : memref<20x50xi32, #tpu.memory_space<vmem>> -> memref<1x50xi32, #tpu.memory_space<vmem>>
        %dma_wait3A_326 = tpu.memref_squeeze %dma_wait3A_325 : memref<1x50xi32, #tpu.memory_space<vmem>> -> memref<50xi32, #tpu.memory_space<vmem>>
        %dma_wait3A_327 = arith.constant 0 : i32
        %dma_wait3A_328 = arith.constant 0 : i32
        %dma_wait3A_329 = tpu.memref_slice %arg15[%dma_wait3A_327, %dma_wait3A_328] : memref<10112x128xf32, #tpu.memory_space<vmem_shared>> -> memref<10112x128xf32, #tpu.memory_space<vmem_shared>>
        tpu.wait_indirect_dma semaphore(%run_scoped3A_317 : memref<!tpu.dma_semaphore, #tpu.memory_space<semaphore_mem>>) src(%arg14 : memref<50x128xf32, #tpu.memory_space<vmem>>) dst(%dma_wait3A_329 : memref<10112x128xf32, #tpu.memory_space<vmem_shared>>)
        tpu.yield
      }) : () -> ()
      %dma_start3A_184 = arith.constant 3 : i32
      %dma_start3A_185 = arith.constant 0 : i32
      %dma_start3A_186 = tpu.memref_slice %arg9[%dma_start3A_184, %dma_start3A_185] : memref<20x50xi32, #tpu.memory_space<vmem>> -> memref<1x50xi32, #tpu.memory_space<vmem>>
      %dma_start3A_187 = tpu.memref_squeeze %dma_start3A_186 : memref<1x50xi32, #tpu.memory_space<vmem>> -> memref<50xi32, #tpu.memory_space<vmem>>
      %dma_start3A_188 = arith.constant 0 : i32
      %dma_start3A_189 = arith.constant 0 : i32
      %dma_start3A_190 = tpu.memref_slice %arg2[%dma_start3A_188, %dma_start3A_189] : memref<10000x128xf32, #tpu.memory_space<hbm>> -> memref<10000x128xf32, #tpu.memory_space<hbm>>
      tpu.enqueue_indirect_dma source(%dma_start3A_190 : memref<10000x128xf32, #tpu.memory_space<hbm>>) target(%arg14 : memref<50x128xf32, #tpu.memory_space<vmem>>) offsets(%dma_start3A_187 : memref<50xi32, #tpu.memory_space<vmem>>) semaphore(%arg21 : memref<!tpu.dma_semaphore, #tpu.memory_space<semaphore_mem>>)
      %add3A_191 = arith.constant 0 : i32
      %add3A_192 = arith.addi %add3A_107, %add3A_191 : i32
      %add3A_193 = arith.constant 2 : i32
      %add3A_194 = arith.addi %add3A_192, %add3A_193 : i32
      %min3A = arith.constant 9 : i32
      %min3A_195 = arith.minsi %add3A_194, %min3A : i32
      %dma_start3A_196 = arith.constant 0 : i32
      %dma_start3A_197 = arith.constant 0 : i32
      %dma_start3A_198 = tpu.memref_slice %arg3[%add3A, %min3A_195, %dma_start3A_196, %dma_start3A_197] : memref<32x10x20x50xi32, #tpu.memory_space<hbm>> -> memref<1x1x20x50xi32, #tpu.memory_space<hbm>>
      %dma_start3A_199 = tpu.memref_squeeze %dma_start3A_198 : memref<1x1x20x50xi32, #tpu.memory_space<hbm>> -> memref<20x50xi32, #tpu.memory_space<hbm>>
      %dma_start3A_200 = arith.constant 0 : i32
      %dma_start3A_201 = arith.constant 0 : i32
      %dma_start3A_202 = tpu.memref_slice %arg3[%add3A, %min3A_195, %dma_start3A_200, %dma_start3A_201] : memref<32x10x20x50xi32, #tpu.memory_space<hbm>> -> memref<1x1x20x50xi32, #tpu.memory_space<hbm>>
      %dma_start3A_203 = tpu.memref_squeeze %dma_start3A_202 : memref<1x1x20x50xi32, #tpu.memory_space<hbm>> -> memref<20x50xi32, #tpu.memory_space<hbm>>
      tpu.enqueue_dma source(%dma_start3A_203 : memref<20x50xi32, #tpu.memory_space<hbm>>) target(%arg7 : memref<20x50xi32, #tpu.memory_space<vmem>>) target_semaphore(%arg16 : memref<!tpu.dma_semaphore, #tpu.memory_space<semaphore_mem>>)
      %dma_start3A_204 = arith.constant 0 : i32
      %dma_start3A_205 = arith.constant 0 : i32
      %dma_start3A_206 = tpu.memref_slice %arg4[%add3A, %min3A_195, %dma_start3A_204, %dma_start3A_205] : memref<32x10x20x50xi32, #tpu.memory_space<hbm>> -> memref<1x1x20x50xi32, #tpu.memory_space<hbm>>
      %dma_start3A_207 = tpu.memref_squeeze %dma_start3A_206 : memref<1x1x20x50xi32, #tpu.memory_space<hbm>> -> memref<20x50xi32, #tpu.memory_space<hbm>>
      %dma_start3A_208 = arith.constant 0 : i32
      %dma_start3A_209 = arith.constant 0 : i32
      %dma_start3A_210 = tpu.memref_slice %arg4[%add3A, %min3A_195, %dma_start3A_208, %dma_start3A_209] : memref<32x10x20x50xi32, #tpu.memory_space<hbm>> -> memref<1x1x20x50xi32, #tpu.memory_space<hbm>>
      %dma_start3A_211 = tpu.memref_squeeze %dma_start3A_210 : memref<1x1x20x50xi32, #tpu.memory_space<hbm>> -> memref<20x50xi32, #tpu.memory_space<hbm>>
      tpu.enqueue_dma source(%dma_start3A_211 : memref<20x50xi32, #tpu.memory_space<hbm>>) target(%arg8 : memref<20x50xi32, #tpu.memory_space<vmem>>) target_semaphore(%arg16 : memref<!tpu.dma_semaphore, #tpu.memory_space<semaphore_mem>>)
      %scan3A_212 = arith.constant 0 : i32
      %scan3A_213 = arith.constant 4 : i32
      %scan3A_214 = arith.addi %scan3A_212, %scan3A_213 : i32
      %scan3A_215 = arith.constant 1 : i32
      scf.for %scan3A_317 = %scan3A_212 to %scan3A_214 step %scan3A_215  : i32 {
        %mul3A_318 = arith.constant 4 : i32
        %mul3A_319 = arith.muli %scan3A_317, %mul3A_318 : i32
        %add3A_320 = arith.constant 0 : i32
        %add3A_321 = arith.addi %add3A_320, %mul3A_319 : i32
        %add3A_322 = arith.constant 0 : i32
        %add3A_323 = arith.addi %add3A_321, %add3A_322 : i32
        %dma_wait3A_324 = arith.constant 0 : i32
        %dma_wait3A_325 = tpu.memref_slice %arg9[%add3A_323, %dma_wait3A_324] : memref<20x50xi32, #tpu.memory_space<vmem>> -> memref<1x50xi32, #tpu.memory_space<vmem>>
        %dma_wait3A_326 = tpu.memref_squeeze %dma_wait3A_325 : memref<1x50xi32, #tpu.memory_space<vmem>> -> memref<50xi32, #tpu.memory_space<vmem>>
        %dma_wait3A_327 = arith.constant 0 : i32
        %dma_wait3A_328 = arith.constant 0 : i32
        %dma_wait3A_329 = tpu.memref_slice %arg2[%dma_wait3A_327, %dma_wait3A_328] : memref<10000x128xf32, #tpu.memory_space<hbm>> -> memref<10000x128xf32, #tpu.memory_space<hbm>>
        tpu.wait_indirect_dma semaphore(%arg18 : memref<!tpu.dma_semaphore, #tpu.memory_space<semaphore_mem>>) src(%dma_wait3A_329 : memref<10000x128xf32, #tpu.memory_space<hbm>>) dst(%arg11 : memref<50x128xf32, #tpu.memory_space<vmem>>)
        "tpu.region"() ({
          %run_scoped3A_386 = tpu.sem_alloc : memref<!tpu.dma_semaphore, #tpu.memory_space<semaphore_mem>>
          %dma_start3A_387 = arith.constant 0 : i32
          %dma_start3A_388 = tpu.memref_slice %arg10[%add3A_323, %dma_start3A_387] : memref<20x50xi32, #tpu.memory_space<vmem>> -> memref<1x50xi32, #tpu.memory_space<vmem>>
          %dma_start3A_389 = tpu.memref_squeeze %dma_start3A_388 : memref<1x50xi32, #tpu.memory_space<vmem>> -> memref<50xi32, #tpu.memory_space<vmem>>
          %dma_start3A_390 = arith.constant 0 : i32
          %dma_start3A_391 = arith.constant 0 : i32
          %dma_start3A_392 = tpu.memref_slice %arg15[%dma_start3A_390, %dma_start3A_391] : memref<10112x128xf32, #tpu.memory_space<vmem_shared>> -> memref<10112x128xf32, #tpu.memory_space<vmem_shared>>
          tpu.enqueue_indirect_dma source(%arg11 : memref<50x128xf32, #tpu.memory_space<vmem>>) target(%dma_start3A_392 : memref<10112x128xf32, #tpu.memory_space<vmem_shared>>) offsets(%dma_start3A_389 : memref<50xi32, #tpu.memory_space<vmem>>) semaphore(%run_scoped3A_386 : memref<!tpu.dma_semaphore, #tpu.memory_space<semaphore_mem>>) {add = true}
          %dma_wait3A_393 = arith.constant 0 : i32
          %dma_wait3A_394 = tpu.memref_slice %arg10[%add3A_323, %dma_wait3A_393] : memref<20x50xi32, #tpu.memory_space<vmem>> -> memref<1x50xi32, #tpu.memory_space<vmem>>
          %dma_wait3A_395 = tpu.memref_squeeze %dma_wait3A_394 : memref<1x50xi32, #tpu.memory_space<vmem>> -> memref<50xi32, #tpu.memory_space<vmem>>
          %dma_wait3A_396 = arith.constant 0 : i32
          %dma_wait3A_397 = arith.constant 0 : i32
          %dma_wait3A_398 = tpu.memref_slice %arg15[%dma_wait3A_396, %dma_wait3A_397] : memref<10112x128xf32, #tpu.memory_space<vmem_shared>> -> memref<10112x128xf32, #tpu.memory_space<vmem_shared>>
          tpu.wait_indirect_dma semaphore(%run_scoped3A_386 : memref<!tpu.dma_semaphore, #tpu.memory_space<semaphore_mem>>) src(%arg11 : memref<50x128xf32, #tpu.memory_space<vmem>>) dst(%dma_wait3A_398 : memref<10112x128xf32, #tpu.memory_space<vmem_shared>>)
          tpu.yield
        }) : () -> ()
        %add3A_330 = arith.constant 4 : i32
        %add3A_331 = arith.addi %add3A_323, %add3A_330 : i32
        %dma_start3A_332 = arith.constant 0 : i32
        %dma_start3A_333 = tpu.memref_slice %arg9[%add3A_331, %dma_start3A_332] : memref<20x50xi32, #tpu.memory_space<vmem>> -> memref<1x50xi32, #tpu.memory_space<vmem>>
        %dma_start3A_334 = tpu.memref_squeeze %dma_start3A_333 : memref<1x50xi32, #tpu.memory_space<vmem>> -> memref<50xi32, #tpu.memory_space<vmem>>
        %dma_start3A_335 = arith.constant 0 : i32
        %dma_start3A_336 = arith.constant 0 : i32
        %dma_start3A_337 = tpu.memref_slice %arg2[%dma_start3A_335, %dma_start3A_336] : memref<10000x128xf32, #tpu.memory_space<hbm>> -> memref<10000x128xf32, #tpu.memory_space<hbm>>
        tpu.enqueue_indirect_dma source(%dma_start3A_337 : memref<10000x128xf32, #tpu.memory_space<hbm>>) target(%arg11 : memref<50x128xf32, #tpu.memory_space<vmem>>) offsets(%dma_start3A_334 : memref<50xi32, #tpu.memory_space<vmem>>) semaphore(%arg18 : memref<!tpu.dma_semaphore, #tpu.memory_space<semaphore_mem>>)
        %add3A_338 = arith.constant 1 : i32
        %add3A_339 = arith.addi %add3A_321, %add3A_338 : i32
        %dma_wait3A_340 = arith.constant 0 : i32
        %dma_wait3A_341 = tpu.memref_slice %arg9[%add3A_339, %dma_wait3A_340] : memref<20x50xi32, #tpu.memory_space<vmem>> -> memref<1x50xi32, #tpu.memory_space<vmem>>
        %dma_wait3A_342 = tpu.memref_squeeze %dma_wait3A_341 : memref<1x50xi32, #tpu.memory_space<vmem>> -> memref<50xi32, #tpu.memory_space<vmem>>
        %dma_wait3A_343 = arith.constant 0 : i32
        %dma_wait3A_344 = arith.constant 0 : i32
        %dma_wait3A_345 = tpu.memref_slice %arg2[%dma_wait3A_343, %dma_wait3A_344] : memref<10000x128xf32, #tpu.memory_space<hbm>> -> memref<10000x128xf32, #tpu.memory_space<hbm>>
        tpu.wait_indirect_dma semaphore(%arg19 : memref<!tpu.dma_semaphore, #tpu.memory_space<semaphore_mem>>) src(%dma_wait3A_345 : memref<10000x128xf32, #tpu.memory_space<hbm>>) dst(%arg12 : memref<50x128xf32, #tpu.memory_space<vmem>>)
        "tpu.region"() ({
          %run_scoped3A_386 = tpu.sem_alloc : memref<!tpu.dma_semaphore, #tpu.memory_space<semaphore_mem>>
          %dma_start3A_387 = arith.constant 0 : i32
          %dma_start3A_388 = tpu.memref_slice %arg10[%add3A_339, %dma_start3A_387] : memref<20x50xi32, #tpu.memory_space<vmem>> -> memref<1x50xi32, #tpu.memory_space<vmem>>
          %dma_start3A_389 = tpu.memref_squeeze %dma_start3A_388 : memref<1x50xi32, #tpu.memory_space<vmem>> -> memref<50xi32, #tpu.memory_space<vmem>>
          %dma_start3A_390 = arith.constant 0 : i32
          %dma_start3A_391 = arith.constant 0 : i32
          %dma_start3A_392 = tpu.memref_slice %arg15[%dma_start3A_390, %dma_start3A_391] : memref<10112x128xf32, #tpu.memory_space<vmem_shared>> -> memref<10112x128xf32, #tpu.memory_space<vmem_shared>>
          tpu.enqueue_indirect_dma source(%arg12 : memref<50x128xf32, #tpu.memory_space<vmem>>) target(%dma_start3A_392 : memref<10112x128xf32, #tpu.memory_space<vmem_shared>>) offsets(%dma_start3A_389 : memref<50xi32, #tpu.memory_space<vmem>>) semaphore(%run_scoped3A_386 : memref<!tpu.dma_semaphore, #tpu.memory_space<semaphore_mem>>) {add = true}
          %dma_wait3A_393 = arith.constant 0 : i32
          %dma_wait3A_394 = tpu.memref_slice %arg10[%add3A_339, %dma_wait3A_393] : memref<20x50xi32, #tpu.memory_space<vmem>> -> memref<1x50xi32, #tpu.memory_space<vmem>>
          %dma_wait3A_395 = tpu.memref_squeeze %dma_wait3A_394 : memref<1x50xi32, #tpu.memory_space<vmem>> -> memref<50xi32, #tpu.memory_space<vmem>>
          %dma_wait3A_396 = arith.constant 0 : i32
          %dma_wait3A_397 = arith.constant 0 : i32
          %dma_wait3A_398 = tpu.memref_slice %arg15[%dma_wait3A_396, %dma_wait3A_397] : memref<10112x128xf32, #tpu.memory_space<vmem_shared>> -> memref<10112x128xf32, #tpu.memory_space<vmem_shared>>
          tpu.wait_indirect_dma semaphore(%run_scoped3A_386 : memref<!tpu.dma_semaphore, #tpu.memory_space<semaphore_mem>>) src(%arg12 : memref<50x128xf32, #tpu.memory_space<vmem>>) dst(%dma_wait3A_398 : memref<10112x128xf32, #tpu.memory_space<vmem_shared>>)
          tpu.yield
        }) : () -> ()
        %add3A_346 = arith.constant 4 : i32
        %add3A_347 = arith.addi %add3A_339, %add3A_346 : i32
        %dma_start3A_348 = arith.constant 0 : i32
        %dma_start3A_349 = tpu.memref_slice %arg9[%add3A_347, %dma_start3A_348] : memref<20x50xi32, #tpu.memory_space<vmem>> -> memref<1x50xi32, #tpu.memory_space<vmem>>
        %dma_start3A_350 = tpu.memref_squeeze %dma_start3A_349 : memref<1x50xi32, #tpu.memory_space<vmem>> -> memref<50xi32, #tpu.memory_space<vmem>>
        %dma_start3A_351 = arith.constant 0 : i32
        %dma_start3A_352 = arith.constant 0 : i32
        %dma_start3A_353 = tpu.memref_slice %arg2[%dma_start3A_351, %dma_start3A_352] : memref<10000x128xf32, #tpu.memory_space<hbm>> -> memref<10000x128xf32, #tpu.memory_space<hbm>>
        tpu.enqueue_indirect_dma source(%dma_start3A_353 : memref<10000x128xf32, #tpu.memory_space<hbm>>) target(%arg12 : memref<50x128xf32, #tpu.memory_space<vmem>>) offsets(%dma_start3A_350 : memref<50xi32, #tpu.memory_space<vmem>>) semaphore(%arg19 : memref<!tpu.dma_semaphore, #tpu.memory_space<semaphore_mem>>)
        %add3A_354 = arith.constant 2 : i32
        %add3A_355 = arith.addi %add3A_321, %add3A_354 : i32
        %dma_wait3A_356 = arith.constant 0 : i32
        %dma_wait3A_357 = tpu.memref_slice %arg9[%add3A_355, %dma_wait3A_356] : memref<20x50xi32, #tpu.memory_space<vmem>> -> memref<1x50xi32, #tpu.memory_space<vmem>>
        %dma_wait3A_358 = tpu.memref_squeeze %dma_wait3A_357 : memref<1x50xi32, #tpu.memory_space<vmem>> -> memref<50xi32, #tpu.memory_space<vmem>>
        %dma_wait3A_359 = arith.constant 0 : i32
        %dma_wait3A_360 = arith.constant 0 : i32
        %dma_wait3A_361 = tpu.memref_slice %arg2[%dma_wait3A_359, %dma_wait3A_360] : memref<10000x128xf32, #tpu.memory_space<hbm>> -> memref<10000x128xf32, #tpu.memory_space<hbm>>
        tpu.wait_indirect_dma semaphore(%arg20 : memref<!tpu.dma_semaphore, #tpu.memory_space<semaphore_mem>>) src(%dma_wait3A_361 : memref<10000x128xf32, #tpu.memory_space<hbm>>) dst(%arg13 : memref<50x128xf32, #tpu.memory_space<vmem>>)
        "tpu.region"() ({
          %run_scoped3A_386 = tpu.sem_alloc : memref<!tpu.dma_semaphore, #tpu.memory_space<semaphore_mem>>
          %dma_start3A_387 = arith.constant 0 : i32
          %dma_start3A_388 = tpu.memref_slice %arg10[%add3A_355, %dma_start3A_387] : memref<20x50xi32, #tpu.memory_space<vmem>> -> memref<1x50xi32, #tpu.memory_space<vmem>>
          %dma_start3A_389 = tpu.memref_squeeze %dma_start3A_388 : memref<1x50xi32, #tpu.memory_space<vmem>> -> memref<50xi32, #tpu.memory_space<vmem>>
          %dma_start3A_390 = arith.constant 0 : i32
          %dma_start3A_391 = arith.constant 0 : i32
          %dma_start3A_392 = tpu.memref_slice %arg15[%dma_start3A_390, %dma_start3A_391] : memref<10112x128xf32, #tpu.memory_space<vmem_shared>> -> memref<10112x128xf32, #tpu.memory_space<vmem_shared>>
          tpu.enqueue_indirect_dma source(%arg13 : memref<50x128xf32, #tpu.memory_space<vmem>>) target(%dma_start3A_392 : memref<10112x128xf32, #tpu.memory_space<vmem_shared>>) offsets(%dma_start3A_389 : memref<50xi32, #tpu.memory_space<vmem>>) semaphore(%run_scoped3A_386 : memref<!tpu.dma_semaphore, #tpu.memory_space<semaphore_mem>>) {add = true}
          %dma_wait3A_393 = arith.constant 0 : i32
          %dma_wait3A_394 = tpu.memref_slice %arg10[%add3A_355, %dma_wait3A_393] : memref<20x50xi32, #tpu.memory_space<vmem>> -> memref<1x50xi32, #tpu.memory_space<vmem>>
          %dma_wait3A_395 = tpu.memref_squeeze %dma_wait3A_394 : memref<1x50xi32, #tpu.memory_space<vmem>> -> memref<50xi32, #tpu.memory_space<vmem>>
          %dma_wait3A_396 = arith.constant 0 : i32
          %dma_wait3A_397 = arith.constant 0 : i32
          %dma_wait3A_398 = tpu.memref_slice %arg15[%dma_wait3A_396, %dma_wait3A_397] : memref<10112x128xf32, #tpu.memory_space<vmem_shared>> -> memref<10112x128xf32, #tpu.memory_space<vmem_shared>>
          tpu.wait_indirect_dma semaphore(%run_scoped3A_386 : memref<!tpu.dma_semaphore, #tpu.memory_space<semaphore_mem>>) src(%arg13 : memref<50x128xf32, #tpu.memory_space<vmem>>) dst(%dma_wait3A_398 : memref<10112x128xf32, #tpu.memory_space<vmem_shared>>)
          tpu.yield
        }) : () -> ()
        %add3A_362 = arith.constant 4 : i32
        %add3A_363 = arith.addi %add3A_355, %add3A_362 : i32
        %dma_start3A_364 = arith.constant 0 : i32
        %dma_start3A_365 = tpu.memref_slice %arg9[%add3A_363, %dma_start3A_364] : memref<20x50xi32, #tpu.memory_space<vmem>> -> memref<1x50xi32, #tpu.memory_space<vmem>>
        %dma_start3A_366 = tpu.memref_squeeze %dma_start3A_365 : memref<1x50xi32, #tpu.memory_space<vmem>> -> memref<50xi32, #tpu.memory_space<vmem>>
        %dma_start3A_367 = arith.constant 0 : i32
        %dma_start3A_368 = arith.constant 0 : i32
        %dma_start3A_369 = tpu.memref_slice %arg2[%dma_start3A_367, %dma_start3A_368] : memref<10000x128xf32, #tpu.memory_space<hbm>> -> memref<10000x128xf32, #tpu.memory_space<hbm>>
        tpu.enqueue_indirect_dma source(%dma_start3A_369 : memref<10000x128xf32, #tpu.memory_space<hbm>>) target(%arg13 : memref<50x128xf32, #tpu.memory_space<vmem>>) offsets(%dma_start3A_366 : memref<50xi32, #tpu.memory_space<vmem>>) semaphore(%arg20 : memref<!tpu.dma_semaphore, #tpu.memory_space<semaphore_mem>>)
        %add3A_370 = arith.constant 3 : i32
        %add3A_371 = arith.addi %add3A_321, %add3A_370 : i32
        %dma_wait3A_372 = arith.constant 0 : i32
        %dma_wait3A_373 = tpu.memref_slice %arg9[%add3A_371, %dma_wait3A_372] : memref<20x50xi32, #tpu.memory_space<vmem>> -> memref<1x50xi32, #tpu.memory_space<vmem>>
        %dma_wait3A_374 = tpu.memref_squeeze %dma_wait3A_373 : memref<1x50xi32, #tpu.memory_space<vmem>> -> memref<50xi32, #tpu.memory_space<vmem>>
        %dma_wait3A_375 = arith.constant 0 : i32
        %dma_wait3A_376 = arith.constant 0 : i32
        %dma_wait3A_377 = tpu.memref_slice %arg2[%dma_wait3A_375, %dma_wait3A_376] : memref<10000x128xf32, #tpu.memory_space<hbm>> -> memref<10000x128xf32, #tpu.memory_space<hbm>>
        tpu.wait_indirect_dma semaphore(%arg21 : memref<!tpu.dma_semaphore, #tpu.memory_space<semaphore_mem>>) src(%dma_wait3A_377 : memref<10000x128xf32, #tpu.memory_space<hbm>>) dst(%arg14 : memref<50x128xf32, #tpu.memory_space<vmem>>)
        "tpu.region"() ({
          %run_scoped3A_386 = tpu.sem_alloc : memref<!tpu.dma_semaphore, #tpu.memory_space<semaphore_mem>>
          %dma_start3A_387 = arith.constant 0 : i32
          %dma_start3A_388 = tpu.memref_slice %arg10[%add3A_371, %dma_start3A_387] : memref<20x50xi32, #tpu.memory_space<vmem>> -> memref<1x50xi32, #tpu.memory_space<vmem>>
          %dma_start3A_389 = tpu.memref_squeeze %dma_start3A_388 : memref<1x50xi32, #tpu.memory_space<vmem>> -> memref<50xi32, #tpu.memory_space<vmem>>
          %dma_start3A_390 = arith.constant 0 : i32
          %dma_start3A_391 = arith.constant 0 : i32
          %dma_start3A_392 = tpu.memref_slice %arg15[%dma_start3A_390, %dma_start3A_391] : memref<10112x128xf32, #tpu.memory_space<vmem_shared>> -> memref<10112x128xf32, #tpu.memory_space<vmem_shared>>
          tpu.enqueue_indirect_dma source(%arg14 : memref<50x128xf32, #tpu.memory_space<vmem>>) target(%dma_start3A_392 : memref<10112x128xf32, #tpu.memory_space<vmem_shared>>) offsets(%dma_start3A_389 : memref<50xi32, #tpu.memory_space<vmem>>) semaphore(%run_scoped3A_386 : memref<!tpu.dma_semaphore, #tpu.memory_space<semaphore_mem>>) {add = true}
          %dma_wait3A_393 = arith.constant 0 : i32
          %dma_wait3A_394 = tpu.memref_slice %arg10[%add3A_371, %dma_wait3A_393] : memref<20x50xi32, #tpu.memory_space<vmem>> -> memref<1x50xi32, #tpu.memory_space<vmem>>
          %dma_wait3A_395 = tpu.memref_squeeze %dma_wait3A_394 : memref<1x50xi32, #tpu.memory_space<vmem>> -> memref<50xi32, #tpu.memory_space<vmem>>
          %dma_wait3A_396 = arith.constant 0 : i32
          %dma_wait3A_397 = arith.constant 0 : i32
          %dma_wait3A_398 = tpu.memref_slice %arg15[%dma_wait3A_396, %dma_wait3A_397] : memref<10112x128xf32, #tpu.memory_space<vmem_shared>> -> memref<10112x128xf32, #tpu.memory_space<vmem_shared>>
          tpu.wait_indirect_dma semaphore(%run_scoped3A_386 : memref<!tpu.dma_semaphore, #tpu.memory_space<semaphore_mem>>) src(%arg14 : memref<50x128xf32, #tpu.memory_space<vmem>>) dst(%dma_wait3A_398 : memref<10112x128xf32, #tpu.memory_space<vmem_shared>>)
          tpu.yield
        }) : () -> ()
        %add3A_378 = arith.constant 4 : i32
        %add3A_379 = arith.addi %add3A_371, %add3A_378 : i32
        %dma_start3A_380 = arith.constant 0 : i32
        %dma_start3A_381 = tpu.memref_slice %arg9[%add3A_379, %dma_start3A_380] : memref<20x50xi32, #tpu.memory_space<vmem>> -> memref<1x50xi32, #tpu.memory_space<vmem>>
        %dma_start3A_382 = tpu.memref_squeeze %dma_start3A_381 : memref<1x50xi32, #tpu.memory_space<vmem>> -> memref<50xi32, #tpu.memory_space<vmem>>
        %dma_start3A_383 = arith.constant 0 : i32
        %dma_start3A_384 = arith.constant 0 : i32
        %dma_start3A_385 = tpu.memref_slice %arg2[%dma_start3A_383, %dma_start3A_384] : memref<10000x128xf32, #tpu.memory_space<hbm>> -> memref<10000x128xf32, #tpu.memory_space<hbm>>
        tpu.enqueue_indirect_dma source(%dma_start3A_385 : memref<10000x128xf32, #tpu.memory_space<hbm>>) target(%arg14 : memref<50x128xf32, #tpu.memory_space<vmem>>) offsets(%dma_start3A_382 : memref<50xi32, #tpu.memory_space<vmem>>) semaphore(%arg21 : memref<!tpu.dma_semaphore, #tpu.memory_space<semaphore_mem>>)
      }
      %scan3A_216 = arith.constant 4 : i32
      %dma_wait3A_217 = arith.constant 0 : i32
      %dma_wait3A_218 = arith.constant 0 : i32
      %dma_wait3A_219 = arith.constant 0 : i32
      %dma_wait3A_220 = tpu.memref_slice %arg3[%add3A, %dma_wait3A_217, %dma_wait3A_218, %dma_wait3A_219] : memref<32x10x20x50xi32, #tpu.memory_space<hbm>> -> memref<1x1x20x50xi32, #tpu.memory_space<hbm>>
      %dma_wait3A_221 = tpu.memref_squeeze %dma_wait3A_220 : memref<1x1x20x50xi32, #tpu.memory_space<hbm>> -> memref<20x50xi32, #tpu.memory_space<hbm>>
      %dma_wait3A_222 = arith.constant 0 : i32
      %dma_wait3A_223 = arith.constant 0 : i32
      %dma_wait3A_224 = tpu.memref_slice %arg3[%add3A, %dma_wait3A_217, %dma_wait3A_222, %dma_wait3A_223] : memref<32x10x20x50xi32, #tpu.memory_space<hbm>> -> memref<1x1x20x50xi32, #tpu.memory_space<hbm>>
      %dma_wait3A_225 = tpu.memref_squeeze %dma_wait3A_224 : memref<1x1x20x50xi32, #tpu.memory_space<hbm>> -> memref<20x50xi32, #tpu.memory_space<hbm>>
      tpu.wait_dma2 semaphore(%arg16 : memref<!tpu.dma_semaphore, #tpu.memory_space<semaphore_mem>>) src(%dma_wait3A_225 : memref<20x50xi32, #tpu.memory_space<hbm>>) dst(%arg7 : memref<20x50xi32, #tpu.memory_space<vmem>>)
      %dma_wait3A_226 = arith.constant 0 : i32
      %dma_wait3A_227 = arith.constant 0 : i32
      %dma_wait3A_228 = arith.constant 0 : i32
      %dma_wait3A_229 = tpu.memref_slice %arg4[%add3A, %dma_wait3A_226, %dma_wait3A_227, %dma_wait3A_228] : memref<32x10x20x50xi32, #tpu.memory_space<hbm>> -> memref<1x1x20x50xi32, #tpu.memory_space<hbm>>
      %dma_wait3A_230 = tpu.memref_squeeze %dma_wait3A_229 : memref<1x1x20x50xi32, #tpu.memory_space<hbm>> -> memref<20x50xi32, #tpu.memory_space<hbm>>
      %dma_wait3A_231 = arith.constant 0 : i32
      %dma_wait3A_232 = arith.constant 0 : i32
      %dma_wait3A_233 = tpu.memref_slice %arg4[%add3A, %dma_wait3A_226, %dma_wait3A_231, %dma_wait3A_232] : memref<32x10x20x50xi32, #tpu.memory_space<hbm>> -> memref<1x1x20x50xi32, #tpu.memory_space<hbm>>
      %dma_wait3A_234 = tpu.memref_squeeze %dma_wait3A_233 : memref<1x1x20x50xi32, #tpu.memory_space<hbm>> -> memref<20x50xi32, #tpu.memory_space<hbm>>
      tpu.wait_dma2 semaphore(%arg16 : memref<!tpu.dma_semaphore, #tpu.memory_space<semaphore_mem>>) src(%dma_wait3A_234 : memref<20x50xi32, #tpu.memory_space<hbm>>) dst(%arg8 : memref<20x50xi32, #tpu.memory_space<vmem>>)
      %dma_wait3A_235 = arith.constant 16 : i32
      %dma_wait3A_236 = arith.constant 0 : i32
      %dma_wait3A_237 = tpu.memref_slice %arg9[%dma_wait3A_235, %dma_wait3A_236] : memref<20x50xi32, #tpu.memory_space<vmem>> -> memref<1x50xi32, #tpu.memory_space<vmem>>
      %dma_wait3A_238 = tpu.memref_squeeze %dma_wait3A_237 : memref<1x50xi32, #tpu.memory_space<vmem>> -> memref<50xi32, #tpu.memory_space<vmem>>
      %dma_wait3A_239 = arith.constant 0 : i32
      %dma_wait3A_240 = arith.constant 0 : i32
      %dma_wait3A_241 = tpu.memref_slice %arg2[%dma_wait3A_239, %dma_wait3A_240] : memref<10000x128xf32, #tpu.memory_space<hbm>> -> memref<10000x128xf32, #tpu.memory_space<hbm>>
      tpu.wait_indirect_dma semaphore(%arg18 : memref<!tpu.dma_semaphore, #tpu.memory_space<semaphore_mem>>) src(%dma_wait3A_241 : memref<10000x128xf32, #tpu.memory_space<hbm>>) dst(%arg11 : memref<50x128xf32, #tpu.memory_space<vmem>>)
      %run_scoped3A_242 = arith.constant 16 : i32
      "tpu.region"() ({
        %run_scoped3A_317 = tpu.sem_alloc : memref<!tpu.dma_semaphore, #tpu.memory_space<semaphore_mem>>
        %dma_start3A_318 = arith.constant 0 : i32
        %dma_start3A_319 = tpu.memref_slice %arg10[%run_scoped3A_242, %dma_start3A_318] : memref<20x50xi32, #tpu.memory_space<vmem>> -> memref<1x50xi32, #tpu.memory_space<vmem>>
        %dma_start3A_320 = tpu.memref_squeeze %dma_start3A_319 : memref<1x50xi32, #tpu.memory_space<vmem>> -> memref<50xi32, #tpu.memory_space<vmem>>
        %dma_start3A_321 = arith.constant 0 : i32
        %dma_start3A_322 = arith.constant 0 : i32
        %dma_start3A_323 = tpu.memref_slice %arg15[%dma_start3A_321, %dma_start3A_322] : memref<10112x128xf32, #tpu.memory_space<vmem_shared>> -> memref<10112x128xf32, #tpu.memory_space<vmem_shared>>
        tpu.enqueue_indirect_dma source(%arg11 : memref<50x128xf32, #tpu.memory_space<vmem>>) target(%dma_start3A_323 : memref<10112x128xf32, #tpu.memory_space<vmem_shared>>) offsets(%dma_start3A_320 : memref<50xi32, #tpu.memory_space<vmem>>) semaphore(%run_scoped3A_317 : memref<!tpu.dma_semaphore, #tpu.memory_space<semaphore_mem>>) {add = true}
        %dma_wait3A_324 = arith.constant 0 : i32
        %dma_wait3A_325 = tpu.memref_slice %arg10[%run_scoped3A_242, %dma_wait3A_324] : memref<20x50xi32, #tpu.memory_space<vmem>> -> memref<1x50xi32, #tpu.memory_space<vmem>>
        %dma_wait3A_326 = tpu.memref_squeeze %dma_wait3A_325 : memref<1x50xi32, #tpu.memory_space<vmem>> -> memref<50xi32, #tpu.memory_space<vmem>>
        %dma_wait3A_327 = arith.constant 0 : i32
        %dma_wait3A_328 = arith.constant 0 : i32
        %dma_wait3A_329 = tpu.memref_slice %arg15[%dma_wait3A_327, %dma_wait3A_328] : memref<10112x128xf32, #tpu.memory_space<vmem_shared>> -> memref<10112x128xf32, #tpu.memory_space<vmem_shared>>
        tpu.wait_indirect_dma semaphore(%run_scoped3A_317 : memref<!tpu.dma_semaphore, #tpu.memory_space<semaphore_mem>>) src(%arg11 : memref<50x128xf32, #tpu.memory_space<vmem>>) dst(%dma_wait3A_329 : memref<10112x128xf32, #tpu.memory_space<vmem_shared>>)
        tpu.yield
      }) : () -> ()
      %dma_start3A_243 = arith.constant 0 : i32
      %dma_start3A_244 = arith.constant 0 : i32
      %dma_start3A_245 = tpu.memref_slice %arg7[%dma_start3A_243, %dma_start3A_244] : memref<20x50xi32, #tpu.memory_space<vmem>> -> memref<1x50xi32, #tpu.memory_space<vmem>>
      %dma_start3A_246 = tpu.memref_squeeze %dma_start3A_245 : memref<1x50xi32, #tpu.memory_space<vmem>> -> memref<50xi32, #tpu.memory_space<vmem>>
      %dma_start3A_247 = arith.constant 0 : i32
      %dma_start3A_248 = arith.constant 0 : i32
      %dma_start3A_249 = tpu.memref_slice %arg2[%dma_start3A_247, %dma_start3A_248] : memref<10000x128xf32, #tpu.memory_space<hbm>> -> memref<10000x128xf32, #tpu.memory_space<hbm>>
      tpu.enqueue_indirect_dma source(%dma_start3A_249 : memref<10000x128xf32, #tpu.memory_space<hbm>>) target(%arg11 : memref<50x128xf32, #tpu.memory_space<vmem>>) offsets(%dma_start3A_246 : memref<50xi32, #tpu.memory_space<vmem>>) semaphore(%arg18 : memref<!tpu.dma_semaphore, #tpu.memory_space<semaphore_mem>>)
      %dma_wait3A_250 = arith.constant 17 : i32
      %dma_wait3A_251 = arith.constant 0 : i32
      %dma_wait3A_252 = tpu.memref_slice %arg9[%dma_wait3A_250, %dma_wait3A_251] : memref<20x50xi32, #tpu.memory_space<vmem>> -> memref<1x50xi32, #tpu.memory_space<vmem>>
      %dma_wait3A_253 = tpu.memref_squeeze %dma_wait3A_252 : memref<1x50xi32, #tpu.memory_space<vmem>> -> memref<50xi32, #tpu.memory_space<vmem>>
      %dma_wait3A_254 = arith.constant 0 : i32
      %dma_wait3A_255 = arith.constant 0 : i32
      %dma_wait3A_256 = tpu.memref_slice %arg2[%dma_wait3A_254, %dma_wait3A_255] : memref<10000x128xf32, #tpu.memory_space<hbm>> -> memref<10000x128xf32, #tpu.memory_space<hbm>>
      tpu.wait_indirect_dma semaphore(%arg19 : memref<!tpu.dma_semaphore, #tpu.memory_space<semaphore_mem>>) src(%dma_wait3A_256 : memref<10000x128xf32, #tpu.memory_space<hbm>>) dst(%arg12 : memref<50x128xf32, #tpu.memory_space<vmem>>)
      %run_scoped3A_257 = arith.constant 17 : i32
      "tpu.region"() ({
        %run_scoped3A_317 = tpu.sem_alloc : memref<!tpu.dma_semaphore, #tpu.memory_space<semaphore_mem>>
        %dma_start3A_318 = arith.constant 0 : i32
        %dma_start3A_319 = tpu.memref_slice %arg10[%run_scoped3A_257, %dma_start3A_318] : memref<20x50xi32, #tpu.memory_space<vmem>> -> memref<1x50xi32, #tpu.memory_space<vmem>>
        %dma_start3A_320 = tpu.memref_squeeze %dma_start3A_319 : memref<1x50xi32, #tpu.memory_space<vmem>> -> memref<50xi32, #tpu.memory_space<vmem>>
        %dma_start3A_321 = arith.constant 0 : i32
        %dma_start3A_322 = arith.constant 0 : i32
        %dma_start3A_323 = tpu.memref_slice %arg15[%dma_start3A_321, %dma_start3A_322] : memref<10112x128xf32, #tpu.memory_space<vmem_shared>> -> memref<10112x128xf32, #tpu.memory_space<vmem_shared>>
        tpu.enqueue_indirect_dma source(%arg12 : memref<50x128xf32, #tpu.memory_space<vmem>>) target(%dma_start3A_323 : memref<10112x128xf32, #tpu.memory_space<vmem_shared>>) offsets(%dma_start3A_320 : memref<50xi32, #tpu.memory_space<vmem>>) semaphore(%run_scoped3A_317 : memref<!tpu.dma_semaphore, #tpu.memory_space<semaphore_mem>>) {add = true}
        %dma_wait3A_324 = arith.constant 0 : i32
        %dma_wait3A_325 = tpu.memref_slice %arg10[%run_scoped3A_257, %dma_wait3A_324] : memref<20x50xi32, #tpu.memory_space<vmem>> -> memref<1x50xi32, #tpu.memory_space<vmem>>
        %dma_wait3A_326 = tpu.memref_squeeze %dma_wait3A_325 : memref<1x50xi32, #tpu.memory_space<vmem>> -> memref<50xi32, #tpu.memory_space<vmem>>
        %dma_wait3A_327 = arith.constant 0 : i32
        %dma_wait3A_328 = arith.constant 0 : i32
        %dma_wait3A_329 = tpu.memref_slice %arg15[%dma_wait3A_327, %dma_wait3A_328] : memref<10112x128xf32, #tpu.memory_space<vmem_shared>> -> memref<10112x128xf32, #tpu.memory_space<vmem_shared>>
        tpu.wait_indirect_dma semaphore(%run_scoped3A_317 : memref<!tpu.dma_semaphore, #tpu.memory_space<semaphore_mem>>) src(%arg12 : memref<50x128xf32, #tpu.memory_space<vmem>>) dst(%dma_wait3A_329 : memref<10112x128xf32, #tpu.memory_space<vmem_shared>>)
        tpu.yield
      }) : () -> ()
      %dma_start3A_258 = arith.constant 1 : i32
      %dma_start3A_259 = arith.constant 0 : i32
      %dma_start3A_260 = tpu.memref_slice %arg7[%dma_start3A_258, %dma_start3A_259] : memref<20x50xi32, #tpu.memory_space<vmem>> -> memref<1x50xi32, #tpu.memory_space<vmem>>
      %dma_start3A_261 = tpu.memref_squeeze %dma_start3A_260 : memref<1x50xi32, #tpu.memory_space<vmem>> -> memref<50xi32, #tpu.memory_space<vmem>>
      %dma_start3A_262 = arith.constant 0 : i32
      %dma_start3A_263 = arith.constant 0 : i32
      %dma_start3A_264 = tpu.memref_slice %arg2[%dma_start3A_262, %dma_start3A_263] : memref<10000x128xf32, #tpu.memory_space<hbm>> -> memref<10000x128xf32, #tpu.memory_space<hbm>>
      tpu.enqueue_indirect_dma source(%dma_start3A_264 : memref<10000x128xf32, #tpu.memory_space<hbm>>) target(%arg12 : memref<50x128xf32, #tpu.memory_space<vmem>>) offsets(%dma_start3A_261 : memref<50xi32, #tpu.memory_space<vmem>>) semaphore(%arg19 : memref<!tpu.dma_semaphore, #tpu.memory_space<semaphore_mem>>)
      %dma_wait3A_265 = arith.constant 18 : i32
      %dma_wait3A_266 = arith.constant 0 : i32
      %dma_wait3A_267 = tpu.memref_slice %arg9[%dma_wait3A_265, %dma_wait3A_266] : memref<20x50xi32, #tpu.memory_space<vmem>> -> memref<1x50xi32, #tpu.memory_space<vmem>>
      %dma_wait3A_268 = tpu.memref_squeeze %dma_wait3A_267 : memref<1x50xi32, #tpu.memory_space<vmem>> -> memref<50xi32, #tpu.memory_space<vmem>>
      %dma_wait3A_269 = arith.constant 0 : i32
      %dma_wait3A_270 = arith.constant 0 : i32
      %dma_wait3A_271 = tpu.memref_slice %arg2[%dma_wait3A_269, %dma_wait3A_270] : memref<10000x128xf32, #tpu.memory_space<hbm>> -> memref<10000x128xf32, #tpu.memory_space<hbm>>
      tpu.wait_indirect_dma semaphore(%arg20 : memref<!tpu.dma_semaphore, #tpu.memory_space<semaphore_mem>>) src(%dma_wait3A_271 : memref<10000x128xf32, #tpu.memory_space<hbm>>) dst(%arg13 : memref<50x128xf32, #tpu.memory_space<vmem>>)
      %run_scoped3A_272 = arith.constant 18 : i32
      "tpu.region"() ({
        %run_scoped3A_317 = tpu.sem_alloc : memref<!tpu.dma_semaphore, #tpu.memory_space<semaphore_mem>>
        %dma_start3A_318 = arith.constant 0 : i32
        %dma_start3A_319 = tpu.memref_slice %arg10[%run_scoped3A_272, %dma_start3A_318] : memref<20x50xi32, #tpu.memory_space<vmem>> -> memref<1x50xi32, #tpu.memory_space<vmem>>
        %dma_start3A_320 = tpu.memref_squeeze %dma_start3A_319 : memref<1x50xi32, #tpu.memory_space<vmem>> -> memref<50xi32, #tpu.memory_space<vmem>>
        %dma_start3A_321 = arith.constant 0 : i32
        %dma_start3A_322 = arith.constant 0 : i32
        %dma_start3A_323 = tpu.memref_slice %arg15[%dma_start3A_321, %dma_start3A_322] : memref<10112x128xf32, #tpu.memory_space<vmem_shared>> -> memref<10112x128xf32, #tpu.memory_space<vmem_shared>>
        tpu.enqueue_indirect_dma source(%arg13 : memref<50x128xf32, #tpu.memory_space<vmem>>) target(%dma_start3A_323 : memref<10112x128xf32, #tpu.memory_space<vmem_shared>>) offsets(%dma_start3A_320 : memref<50xi32, #tpu.memory_space<vmem>>) semaphore(%run_scoped3A_317 : memref<!tpu.dma_semaphore, #tpu.memory_space<semaphore_mem>>) {add = true}
        %dma_wait3A_324 = arith.constant 0 : i32
        %dma_wait3A_325 = tpu.memref_slice %arg10[%run_scoped3A_272, %dma_wait3A_324] : memref<20x50xi32, #tpu.memory_space<vmem>> -> memref<1x50xi32, #tpu.memory_space<vmem>>
        %dma_wait3A_326 = tpu.memref_squeeze %dma_wait3A_325 : memref<1x50xi32, #tpu.memory_space<vmem>> -> memref<50xi32, #tpu.memory_space<vmem>>
        %dma_wait3A_327 = arith.constant 0 : i32
        %dma_wait3A_328 = arith.constant 0 : i32
        %dma_wait3A_329 = tpu.memref_slice %arg15[%dma_wait3A_327, %dma_wait3A_328] : memref<10112x128xf32, #tpu.memory_space<vmem_shared>> -> memref<10112x128xf32, #tpu.memory_space<vmem_shared>>
        tpu.wait_indirect_dma semaphore(%run_scoped3A_317 : memref<!tpu.dma_semaphore, #tpu.memory_space<semaphore_mem>>) src(%arg13 : memref<50x128xf32, #tpu.memory_space<vmem>>) dst(%dma_wait3A_329 : memref<10112x128xf32, #tpu.memory_space<vmem_shared>>)
        tpu.yield
      }) : () -> ()
      %dma_start3A_273 = arith.constant 2 : i32
      %dma_start3A_274 = arith.constant 0 : i32
      %dma_start3A_275 = tpu.memref_slice %arg7[%dma_start3A_273, %dma_start3A_274] : memref<20x50xi32, #tpu.memory_space<vmem>> -> memref<1x50xi32, #tpu.memory_space<vmem>>
      %dma_start3A_276 = tpu.memref_squeeze %dma_start3A_275 : memref<1x50xi32, #tpu.memory_space<vmem>> -> memref<50xi32, #tpu.memory_space<vmem>>
      %dma_start3A_277 = arith.constant 0 : i32
      %dma_start3A_278 = arith.constant 0 : i32
      %dma_start3A_279 = tpu.memref_slice %arg2[%dma_start3A_277, %dma_start3A_278] : memref<10000x128xf32, #tpu.memory_space<hbm>> -> memref<10000x128xf32, #tpu.memory_space<hbm>>
      tpu.enqueue_indirect_dma source(%dma_start3A_279 : memref<10000x128xf32, #tpu.memory_space<hbm>>) target(%arg13 : memref<50x128xf32, #tpu.memory_space<vmem>>) offsets(%dma_start3A_276 : memref<50xi32, #tpu.memory_space<vmem>>) semaphore(%arg20 : memref<!tpu.dma_semaphore, #tpu.memory_space<semaphore_mem>>)
      %dma_wait3A_280 = arith.constant 19 : i32
      %dma_wait3A_281 = arith.constant 0 : i32
      %dma_wait3A_282 = tpu.memref_slice %arg9[%dma_wait3A_280, %dma_wait3A_281] : memref<20x50xi32, #tpu.memory_space<vmem>> -> memref<1x50xi32, #tpu.memory_space<vmem>>
      %dma_wait3A_283 = tpu.memref_squeeze %dma_wait3A_282 : memref<1x50xi32, #tpu.memory_space<vmem>> -> memref<50xi32, #tpu.memory_space<vmem>>
      %dma_wait3A_284 = arith.constant 0 : i32
      %dma_wait3A_285 = arith.constant 0 : i32
      %dma_wait3A_286 = tpu.memref_slice %arg2[%dma_wait3A_284, %dma_wait3A_285] : memref<10000x128xf32, #tpu.memory_space<hbm>> -> memref<10000x128xf32, #tpu.memory_space<hbm>>
      tpu.wait_indirect_dma semaphore(%arg21 : memref<!tpu.dma_semaphore, #tpu.memory_space<semaphore_mem>>) src(%dma_wait3A_286 : memref<10000x128xf32, #tpu.memory_space<hbm>>) dst(%arg14 : memref<50x128xf32, #tpu.memory_space<vmem>>)
      %run_scoped3A_287 = arith.constant 19 : i32
      "tpu.region"() ({
        %run_scoped3A_317 = tpu.sem_alloc : memref<!tpu.dma_semaphore, #tpu.memory_space<semaphore_mem>>
        %dma_start3A_318 = arith.constant 0 : i32
        %dma_start3A_319 = tpu.memref_slice %arg10[%run_scoped3A_287, %dma_start3A_318] : memref<20x50xi32, #tpu.memory_space<vmem>> -> memref<1x50xi32, #tpu.memory_space<vmem>>
        %dma_start3A_320 = tpu.memref_squeeze %dma_start3A_319 : memref<1x50xi32, #tpu.memory_space<vmem>> -> memref<50xi32, #tpu.memory_space<vmem>>
        %dma_start3A_321 = arith.constant 0 : i32
        %dma_start3A_322 = arith.constant 0 : i32
        %dma_start3A_323 = tpu.memref_slice %arg15[%dma_start3A_321, %dma_start3A_322] : memref<10112x128xf32, #tpu.memory_space<vmem_shared>> -> memref<10112x128xf32, #tpu.memory_space<vmem_shared>>
        tpu.enqueue_indirect_dma source(%arg14 : memref<50x128xf32, #tpu.memory_space<vmem>>) target(%dma_start3A_323 : memref<10112x128xf32, #tpu.memory_space<vmem_shared>>) offsets(%dma_start3A_320 : memref<50xi32, #tpu.memory_space<vmem>>) semaphore(%run_scoped3A_317 : memref<!tpu.dma_semaphore, #tpu.memory_space<semaphore_mem>>) {add = true}
        %dma_wait3A_324 = arith.constant 0 : i32
        %dma_wait3A_325 = tpu.memref_slice %arg10[%run_scoped3A_287, %dma_wait3A_324] : memref<20x50xi32, #tpu.memory_space<vmem>> -> memref<1x50xi32, #tpu.memory_space<vmem>>
        %dma_wait3A_326 = tpu.memref_squeeze %dma_wait3A_325 : memref<1x50xi32, #tpu.memory_space<vmem>> -> memref<50xi32, #tpu.memory_space<vmem>>
        %dma_wait3A_327 = arith.constant 0 : i32
        %dma_wait3A_328 = arith.constant 0 : i32
        %dma_wait3A_329 = tpu.memref_slice %arg15[%dma_wait3A_327, %dma_wait3A_328] : memref<10112x128xf32, #tpu.memory_space<vmem_shared>> -> memref<10112x128xf32, #tpu.memory_space<vmem_shared>>
        tpu.wait_indirect_dma semaphore(%run_scoped3A_317 : memref<!tpu.dma_semaphore, #tpu.memory_space<semaphore_mem>>) src(%arg14 : memref<50x128xf32, #tpu.memory_space<vmem>>) dst(%dma_wait3A_329 : memref<10112x128xf32, #tpu.memory_space<vmem_shared>>)
        tpu.yield
      }) : () -> ()
      %dma_start3A_288 = arith.constant 3 : i32
      %dma_start3A_289 = arith.constant 0 : i32
      %dma_start3A_290 = tpu.memref_slice %arg7[%dma_start3A_288, %dma_start3A_289] : memref<20x50xi32, #tpu.memory_space<vmem>> -> memref<1x50xi32, #tpu.memory_space<vmem>>
      %dma_start3A_291 = tpu.memref_squeeze %dma_start3A_290 : memref<1x50xi32, #tpu.memory_space<vmem>> -> memref<50xi32, #tpu.memory_space<vmem>>
      %dma_start3A_292 = arith.constant 0 : i32
      %dma_start3A_293 = arith.constant 0 : i32
      %dma_start3A_294 = tpu.memref_slice %arg2[%dma_start3A_292, %dma_start3A_293] : memref<10000x128xf32, #tpu.memory_space<hbm>> -> memref<10000x128xf32, #tpu.memory_space<hbm>>
      tpu.enqueue_indirect_dma source(%dma_start3A_294 : memref<10000x128xf32, #tpu.memory_space<hbm>>) target(%arg14 : memref<50x128xf32, #tpu.memory_space<vmem>>) offsets(%dma_start3A_291 : memref<50xi32, #tpu.memory_space<vmem>>) semaphore(%arg21 : memref<!tpu.dma_semaphore, #tpu.memory_space<semaphore_mem>>)
      %add3A_295 = arith.constant 1 : i32
      %add3A_296 = arith.addi %add3A_107, %add3A_295 : i32
      %add3A_297 = arith.constant 2 : i32
      %add3A_298 = arith.addi %add3A_296, %add3A_297 : i32
      %min3A_299 = arith.constant 9 : i32
      %min3A_300 = arith.minsi %add3A_298, %min3A_299 : i32
      %dma_start3A_301 = arith.constant 0 : i32
      %dma_start3A_302 = arith.constant 0 : i32
      %dma_start3A_303 = tpu.memref_slice %arg3[%add3A, %min3A_300, %dma_start3A_301, %dma_start3A_302] : memref<32x10x20x50xi32, #tpu.memory_space<hbm>> -> memref<1x1x20x50xi32, #tpu.memory_space<hbm>>
      %dma_start3A_304 = tpu.memref_squeeze %dma_start3A_303 : memref<1x1x20x50xi32, #tpu.memory_space<hbm>> -> memref<20x50xi32, #tpu.memory_space<hbm>>
      %dma_start3A_305 = arith.constant 0 : i32
      %dma_start3A_306 = arith.constant 0 : i32
      %dma_start3A_307 = tpu.memref_slice %arg3[%add3A, %min3A_300, %dma_start3A_305, %dma_start3A_306] : memref<32x10x20x50xi32, #tpu.memory_space<hbm>> -> memref<1x1x20x50xi32, #tpu.memory_space<hbm>>
      %dma_start3A_308 = tpu.memref_squeeze %dma_start3A_307 : memref<1x1x20x50xi32, #tpu.memory_space<hbm>> -> memref<20x50xi32, #tpu.memory_space<hbm>>
      tpu.enqueue_dma source(%dma_start3A_308 : memref<20x50xi32, #tpu.memory_space<hbm>>) target(%arg9 : memref<20x50xi32, #tpu.memory_space<vmem>>) target_semaphore(%arg17 : memref<!tpu.dma_semaphore, #tpu.memory_space<semaphore_mem>>)
      %dma_start3A_309 = arith.constant 0 : i32
      %dma_start3A_310 = arith.constant 0 : i32
      %dma_start3A_311 = tpu.memref_slice %arg4[%add3A, %min3A_300, %dma_start3A_309, %dma_start3A_310] : memref<32x10x20x50xi32, #tpu.memory_space<hbm>> -> memref<1x1x20x50xi32, #tpu.memory_space<hbm>>
      %dma_start3A_312 = tpu.memref_squeeze %dma_start3A_311 : memref<1x1x20x50xi32, #tpu.memory_space<hbm>> -> memref<20x50xi32, #tpu.memory_space<hbm>>
      %dma_start3A_313 = arith.constant 0 : i32
      %dma_start3A_314 = arith.constant 0 : i32
      %dma_start3A_315 = tpu.memref_slice %arg4[%add3A, %min3A_300, %dma_start3A_313, %dma_start3A_314] : memref<32x10x20x50xi32, #tpu.memory_space<hbm>> -> memref<1x1x20x50xi32, #tpu.memory_space<hbm>>
      %dma_start3A_316 = tpu.memref_squeeze %dma_start3A_315 : memref<1x1x20x50xi32, #tpu.memory_space<hbm>> -> memref<20x50xi32, #tpu.memory_space<hbm>>
      tpu.enqueue_dma source(%dma_start3A_316 : memref<20x50xi32, #tpu.memory_space<hbm>>) target(%arg10 : memref<20x50xi32, #tpu.memory_space<vmem>>) target_semaphore(%arg17 : memref<!tpu.dma_semaphore, #tpu.memory_space<semaphore_mem>>)
    }
    %scan3A_52 = arith.constant 5 : i32
    %dma_wait3A = arith.constant 0 : i32
    %dma_wait3A_53 = arith.constant 0 : i32
    %dma_wait3A_54 = tpu.memref_slice %arg7[%dma_wait3A, %dma_wait3A_53] : memref<20x50xi32, #tpu.memory_space<vmem>> -> memref<1x50xi32, #tpu.memory_space<vmem>>
    %dma_wait3A_55 = tpu.memref_squeeze %dma_wait3A_54 : memref<1x50xi32, #tpu.memory_space<vmem>> -> memref<50xi32, #tpu.memory_space<vmem>>
    %dma_wait3A_56 = arith.constant 0 : i32
    %dma_wait3A_57 = arith.constant 0 : i32
    %dma_wait3A_58 = tpu.memref_slice %arg2[%dma_wait3A_56, %dma_wait3A_57] : memref<10000x128xf32, #tpu.memory_space<hbm>> -> memref<10000x128xf32, #tpu.memory_space<hbm>>
    tpu.wait_indirect_dma semaphore(%arg18 : memref<!tpu.dma_semaphore, #tpu.memory_space<semaphore_mem>>) src(%dma_wait3A_58 : memref<10000x128xf32, #tpu.memory_space<hbm>>) dst(%arg11 : memref<50x128xf32, #tpu.memory_space<vmem>>)
    %dma_wait3A_59 = arith.constant 1 : i32
    %dma_wait3A_60 = arith.constant 0 : i32
    %dma_wait3A_61 = tpu.memref_slice %arg7[%dma_wait3A_59, %dma_wait3A_60] : memref<20x50xi32, #tpu.memory_space<vmem>> -> memref<1x50xi32, #tpu.memory_space<vmem>>
    %dma_wait3A_62 = tpu.memref_squeeze %dma_wait3A_61 : memref<1x50xi32, #tpu.memory_space<vmem>> -> memref<50xi32, #tpu.memory_space<vmem>>
    %dma_wait3A_63 = arith.constant 0 : i32
    %dma_wait3A_64 = arith.constant 0 : i32
    %dma_wait3A_65 = tpu.memref_slice %arg2[%dma_wait3A_63, %dma_wait3A_64] : memref<10000x128xf32, #tpu.memory_space<hbm>> -> memref<10000x128xf32, #tpu.memory_space<hbm>>
    tpu.wait_indirect_dma semaphore(%arg19 : memref<!tpu.dma_semaphore, #tpu.memory_space<semaphore_mem>>) src(%dma_wait3A_65 : memref<10000x128xf32, #tpu.memory_space<hbm>>) dst(%arg12 : memref<50x128xf32, #tpu.memory_space<vmem>>)
    %dma_wait3A_66 = arith.constant 2 : i32
    %dma_wait3A_67 = arith.constant 0 : i32
    %dma_wait3A_68 = tpu.memref_slice %arg7[%dma_wait3A_66, %dma_wait3A_67] : memref<20x50xi32, #tpu.memory_space<vmem>> -> memref<1x50xi32, #tpu.memory_space<vmem>>
    %dma_wait3A_69 = tpu.memref_squeeze %dma_wait3A_68 : memref<1x50xi32, #tpu.memory_space<vmem>> -> memref<50xi32, #tpu.memory_space<vmem>>
    %dma_wait3A_70 = arith.constant 0 : i32
    %dma_wait3A_71 = arith.constant 0 : i32
    %dma_wait3A_72 = tpu.memref_slice %arg2[%dma_wait3A_70, %dma_wait3A_71] : memref<10000x128xf32, #tpu.memory_space<hbm>> -> memref<10000x128xf32, #tpu.memory_space<hbm>>
    tpu.wait_indirect_dma semaphore(%arg20 : memref<!tpu.dma_semaphore, #tpu.memory_space<semaphore_mem>>) src(%dma_wait3A_72 : memref<10000x128xf32, #tpu.memory_space<hbm>>) dst(%arg13 : memref<50x128xf32, #tpu.memory_space<vmem>>)
    %dma_wait3A_73 = arith.constant 3 : i32
    %dma_wait3A_74 = arith.constant 0 : i32
    %dma_wait3A_75 = tpu.memref_slice %arg7[%dma_wait3A_73, %dma_wait3A_74] : memref<20x50xi32, #tpu.memory_space<vmem>> -> memref<1x50xi32, #tpu.memory_space<vmem>>
    %dma_wait3A_76 = tpu.memref_squeeze %dma_wait3A_75 : memref<1x50xi32, #tpu.memory_space<vmem>> -> memref<50xi32, #tpu.memory_space<vmem>>
    %dma_wait3A_77 = arith.constant 0 : i32
    %dma_wait3A_78 = arith.constant 0 : i32
    %dma_wait3A_79 = tpu.memref_slice %arg2[%dma_wait3A_77, %dma_wait3A_78] : memref<10000x128xf32, #tpu.memory_space<hbm>> -> memref<10000x128xf32, #tpu.memory_space<hbm>>
    tpu.wait_indirect_dma semaphore(%arg21 : memref<!tpu.dma_semaphore, #tpu.memory_space<semaphore_mem>>) src(%dma_wait3A_79 : memref<10000x128xf32, #tpu.memory_space<hbm>>) dst(%arg14 : memref<50x128xf32, #tpu.memory_space<vmem>>)
    %dma_wait3A_80 = arith.constant 0 : i32
    %dma_wait3A_81 = arith.constant 0 : i32
    %dma_wait3A_82 = arith.constant 0 : i32
    %dma_wait3A_83 = tpu.memref_slice %arg3[%add3A, %dma_wait3A_80, %dma_wait3A_81, %dma_wait3A_82] : memref<32x10x20x50xi32, #tpu.memory_space<hbm>> -> memref<1x1x20x50xi32, #tpu.memory_space<hbm>>
    %dma_wait3A_84 = tpu.memref_squeeze %dma_wait3A_83 : memref<1x1x20x50xi32, #tpu.memory_space<hbm>> -> memref<20x50xi32, #tpu.memory_space<hbm>>
    %dma_wait3A_85 = arith.constant 0 : i32
    %dma_wait3A_86 = arith.constant 0 : i32
    %dma_wait3A_87 = tpu.memref_slice %arg3[%add3A, %dma_wait3A_80, %dma_wait3A_85, %dma_wait3A_86] : memref<32x10x20x50xi32, #tpu.memory_space<hbm>> -> memref<1x1x20x50xi32, #tpu.memory_space<hbm>>
    %dma_wait3A_88 = tpu.memref_squeeze %dma_wait3A_87 : memref<1x1x20x50xi32, #tpu.memory_space<hbm>> -> memref<20x50xi32, #tpu.memory_space<hbm>>
    tpu.wait_dma2 semaphore(%arg17 : memref<!tpu.dma_semaphore, #tpu.memory_space<semaphore_mem>>) src(%dma_wait3A_88 : memref<20x50xi32, #tpu.memory_space<hbm>>) dst(%arg9 : memref<20x50xi32, #tpu.memory_space<vmem>>)
    %dma_wait3A_89 = arith.constant 0 : i32
    %dma_wait3A_90 = arith.constant 0 : i32
    %dma_wait3A_91 = arith.constant 0 : i32
    %dma_wait3A_92 = tpu.memref_slice %arg4[%add3A, %dma_wait3A_89, %dma_wait3A_90, %dma_wait3A_91] : memref<32x10x20x50xi32, #tpu.memory_space<hbm>> -> memref<1x1x20x50xi32, #tpu.memory_space<hbm>>
    %dma_wait3A_93 = tpu.memref_squeeze %dma_wait3A_92 : memref<1x1x20x50xi32, #tpu.memory_space<hbm>> -> memref<20x50xi32, #tpu.memory_space<hbm>>
    %dma_wait3A_94 = arith.constant 0 : i32
    %dma_wait3A_95 = arith.constant 0 : i32
    %dma_wait3A_96 = tpu.memref_slice %arg4[%add3A, %dma_wait3A_89, %dma_wait3A_94, %dma_wait3A_95] : memref<32x10x20x50xi32, #tpu.memory_space<hbm>> -> memref<1x1x20x50xi32, #tpu.memory_space<hbm>>
    %dma_wait3A_97 = tpu.memref_squeeze %dma_wait3A_96 : memref<1x1x20x50xi32, #tpu.memory_space<hbm>> -> memref<20x50xi32, #tpu.memory_space<hbm>>
    tpu.wait_dma2 semaphore(%arg17 : memref<!tpu.dma_semaphore, #tpu.memory_space<semaphore_mem>>) src(%dma_wait3A_97 : memref<20x50xi32, #tpu.memory_space<hbm>>) dst(%arg10 : memref<20x50xi32, #tpu.memory_space<vmem>>)
    %barrier3A_98 = arith.constant 0 : index
    tpu.barrier barrier_id(%barrier3A_98)
    %mul3A_99 = arith.constant 632 : i32
    %mul3A_100 = arith.muli %arg1, %mul3A_99 : i32
    %mul3A_101 = arith.constant 632 : i32
    %mul3A_102 = arith.muli %arg1, %mul3A_101 : i32
    "tpu.region"() ({
      %run_scoped3A_103 = tpu.sem_alloc : memref<!tpu.dma_semaphore, #tpu.memory_space<semaphore_mem>>
      %dma_start3A_104 = arith.constant 0 : i32
      %dma_start3A_105 = tpu.memref_slice %arg6[%arg0, %mul3A_102, %dma_start3A_104] : memref<2x10112x128xf32, #tpu.memory_space<hbm>> -> memref<1x632x128xf32, #tpu.memory_space<hbm>>
      %dma_start3A_106 = tpu.memref_squeeze %dma_start3A_105 : memref<1x632x128xf32, #tpu.memory_space<hbm>> -> memref<632x128xf32, #tpu.memory_space<hbm>>
      %dma_start3A_107 = arith.constant 0 : i32
      %dma_start3A_108 = tpu.memref_slice %arg15[%mul3A_100, %dma_start3A_107] : memref<10112x128xf32, #tpu.memory_space<vmem_shared>> -> memref<632x128xf32, #tpu.memory_space<vmem_shared>>
      tpu.enqueue_dma source(%dma_start3A_108 : memref<632x128xf32, #tpu.memory_space<vmem_shared>>) target(%dma_start3A_106 : memref<632x128xf32, #tpu.memory_space<hbm>>) target_semaphore(%run_scoped3A_103 : memref<!tpu.dma_semaphore, #tpu.memory_space<semaphore_mem>>)
      %dma_wait3A_109 = arith.constant 0 : i32
      %dma_wait3A_110 = tpu.memref_slice %arg6[%arg0, %mul3A_102, %dma_wait3A_109] : memref<2x10112x128xf32, #tpu.memory_space<hbm>> -> memref<1x632x128xf32, #tpu.memory_space<hbm>>
      %dma_wait3A_111 = tpu.memref_squeeze %dma_wait3A_110 : memref<1x632x128xf32, #tpu.memory_space<hbm>> -> memref<632x128xf32, #tpu.memory_space<hbm>>
      %dma_wait3A_112 = arith.constant 0 : i32
      %dma_wait3A_113 = tpu.memref_slice %arg15[%mul3A_100, %dma_wait3A_112] : memref<10112x128xf32, #tpu.memory_space<vmem_shared>> -> memref<632x128xf32, #tpu.memory_space<vmem_shared>>
      tpu.wait_dma2 semaphore(%run_scoped3A_103 : memref<!tpu.dma_semaphore, #tpu.memory_space<semaphore_mem>>) src(%dma_wait3A_113 : memref<632x128xf32, #tpu.memory_space<vmem_shared>>) dst(%dma_wait3A_111 : memref<632x128xf32, #tpu.memory_space<hbm>>)
      tpu.yield
    }) : () -> ()
    return
  }
}

#map = affine_map<(d0, d1) -> (0, 0, 0)>
#map1 = affine_map<(d0, d1) -> (0, 0)>
module attributes {stable_mosaic.version = 14 : i64} {
  func.func @deg_call(%arg0: i32, %arg1: i32, %arg2: memref<32x100x100xi32, #tpu.memory_space<hbm>>, %arg3: memref<632x128xf32, #tpu.memory_space<hbm>>, %arg4: memref<100x128xf32, #tpu.memory_space<hbm>>, %arg5: memref<2x10112x128xf32, #tpu.memory_space<hbm>>, %arg6: memref<100x100xi32, #tpu.memory_space<vmem>>, %arg7: memref<100x128xf32, #tpu.memory_space<vmem>>, %arg8: memref<10112x128xf32, #tpu.memory_space<vmem_shared>>) attributes {dimension_semantics = [#tpu.dimension_semantics<core_parallel>, #tpu.dimension_semantics<subcore_parallel>], iteration_bounds = array<i64: 2, 16>, scalar_prefetch = 0 : i64, scratch_operands = 3 : i64, tpu.core_type = #tpu.core_type<sc_vector_subcore>, window_params = [{transform_indices = #map}, {transform_indices = #map1}, {transform_indices = #map1}, {transform_indices = #map}]} {
    %mul3A = arith.constant 16 : i32
    %mul3A_0 = arith.muli %arg0, %mul3A : i32
    %add3A = arith.addi %mul3A_0, %arg1 : i32
    "tpu.region"() ({
      %run_scoped3A = tpu.sem_alloc : memref<!tpu.dma_semaphore, #tpu.memory_space<semaphore_mem>>
      tpu.enqueue_dma source(%arg4 : memref<100x128xf32, #tpu.memory_space<hbm>>) target(%arg7 : memref<100x128xf32, #tpu.memory_space<vmem>>) target_semaphore(%run_scoped3A : memref<!tpu.dma_semaphore, #tpu.memory_space<semaphore_mem>>)
      tpu.wait_dma2 semaphore(%run_scoped3A : memref<!tpu.dma_semaphore, #tpu.memory_space<semaphore_mem>>) src(%arg4 : memref<100x128xf32, #tpu.memory_space<hbm>>) dst(%arg7 : memref<100x128xf32, #tpu.memory_space<vmem>>)
      tpu.yield
    }) : () -> ()
    %mul3A_1 = arith.constant 632 : i32
    %mul3A_2 = arith.muli %arg1, %mul3A_1 : i32
    "tpu.region"() ({
      %run_scoped3A = tpu.sem_alloc : memref<!tpu.dma_semaphore, #tpu.memory_space<semaphore_mem>>
      %dma_start3A = arith.constant 0 : i32
      %dma_start3A_12 = tpu.memref_slice %arg8[%mul3A_2, %dma_start3A] : memref<10112x128xf32, #tpu.memory_space<vmem_shared>> -> memref<632x128xf32, #tpu.memory_space<vmem_shared>>
      tpu.enqueue_dma source(%arg3 : memref<632x128xf32, #tpu.memory_space<hbm>>) target(%dma_start3A_12 : memref<632x128xf32, #tpu.memory_space<vmem_shared>>) target_semaphore(%run_scoped3A : memref<!tpu.dma_semaphore, #tpu.memory_space<semaphore_mem>>)
      %dma_wait3A = arith.constant 0 : i32
      %dma_wait3A_13 = tpu.memref_slice %arg8[%mul3A_2, %dma_wait3A] : memref<10112x128xf32, #tpu.memory_space<vmem_shared>> -> memref<632x128xf32, #tpu.memory_space<vmem_shared>>
      tpu.wait_dma2 semaphore(%run_scoped3A : memref<!tpu.dma_semaphore, #tpu.memory_space<semaphore_mem>>) src(%arg3 : memref<632x128xf32, #tpu.memory_space<hbm>>) dst(%dma_wait3A_13 : memref<632x128xf32, #tpu.memory_space<vmem_shared>>)
      tpu.yield
    }) : () -> ()
    "tpu.region"() ({
      %run_scoped3A = tpu.sem_alloc : memref<!tpu.dma_semaphore, #tpu.memory_space<semaphore_mem>>
      %dma_start3A = arith.constant 0 : i32
      %dma_start3A_12 = arith.constant 0 : i32
      %dma_start3A_13 = tpu.memref_slice %arg2[%add3A, %dma_start3A, %dma_start3A_12] : memref<32x100x100xi32, #tpu.memory_space<hbm>> -> memref<1x100x100xi32, #tpu.memory_space<hbm>>
      %dma_start3A_14 = tpu.memref_squeeze %dma_start3A_13 : memref<1x100x100xi32, #tpu.memory_space<hbm>> -> memref<100x100xi32, #tpu.memory_space<hbm>>
      %dma_start3A_15 = arith.constant 0 : i32
      %dma_start3A_16 = arith.constant 0 : i32
      %dma_start3A_17 = tpu.memref_slice %arg2[%add3A, %dma_start3A_15, %dma_start3A_16] : memref<32x100x100xi32, #tpu.memory_space<hbm>> -> memref<1x100x100xi32, #tpu.memory_space<hbm>>
      %dma_start3A_18 = tpu.memref_squeeze %dma_start3A_17 : memref<1x100x100xi32, #tpu.memory_space<hbm>> -> memref<100x100xi32, #tpu.memory_space<hbm>>
      tpu.enqueue_dma source(%dma_start3A_18 : memref<100x100xi32, #tpu.memory_space<hbm>>) target(%arg6 : memref<100x100xi32, #tpu.memory_space<vmem>>) target_semaphore(%run_scoped3A : memref<!tpu.dma_semaphore, #tpu.memory_space<semaphore_mem>>)
      %dma_wait3A = arith.constant 0 : i32
      %dma_wait3A_19 = arith.constant 0 : i32
      %dma_wait3A_20 = tpu.memref_slice %arg2[%add3A, %dma_wait3A, %dma_wait3A_19] : memref<32x100x100xi32, #tpu.memory_space<hbm>> -> memref<1x100x100xi32, #tpu.memory_space<hbm>>
      %dma_wait3A_21 = tpu.memref_squeeze %dma_wait3A_20 : memref<1x100x100xi32, #tpu.memory_space<hbm>> -> memref<100x100xi32, #tpu.memory_space<hbm>>
      %dma_wait3A_22 = arith.constant 0 : i32
      %dma_wait3A_23 = arith.constant 0 : i32
      %dma_wait3A_24 = tpu.memref_slice %arg2[%add3A, %dma_wait3A_22, %dma_wait3A_23] : memref<32x100x100xi32, #tpu.memory_space<hbm>> -> memref<1x100x100xi32, #tpu.memory_space<hbm>>
      %dma_wait3A_25 = tpu.memref_squeeze %dma_wait3A_24 : memref<1x100x100xi32, #tpu.memory_space<hbm>> -> memref<100x100xi32, #tpu.memory_space<hbm>>
      tpu.wait_dma2 semaphore(%run_scoped3A : memref<!tpu.dma_semaphore, #tpu.memory_space<semaphore_mem>>) src(%dma_wait3A_25 : memref<100x100xi32, #tpu.memory_space<hbm>>) dst(%arg6 : memref<100x100xi32, #tpu.memory_space<vmem>>)
      tpu.yield
    }) : () -> ()
    %barrier3A = arith.constant 0 : index
    tpu.barrier barrier_id(%barrier3A)
    %scan3A = arith.constant 0 : i32
    %scan3A_3 = arith.constant 100 : i32
    %scan3A_4 = arith.addi %scan3A, %scan3A_3 : i32
    %scan3A_5 = arith.constant 1 : i32
    scf.for %scan3A_12 = %scan3A to %scan3A_4 step %scan3A_5  : i32 {
      %mul3A_13 = arith.constant 1 : i32
      %mul3A_14 = arith.muli %scan3A_12, %mul3A_13 : i32
      %add3A_15 = arith.constant 0 : i32
      %add3A_16 = arith.addi %add3A_15, %mul3A_14 : i32
      "tpu.region"() ({
        %run_scoped3A = tpu.sem_alloc : memref<!tpu.dma_semaphore, #tpu.memory_space<semaphore_mem>>
        %dma_start3A = arith.constant 0 : i32
        %dma_start3A_17 = tpu.memref_slice %arg6[%add3A_16, %dma_start3A] : memref<100x100xi32, #tpu.memory_space<vmem>> -> memref<1x100xi32, #tpu.memory_space<vmem>>
        %dma_start3A_18 = tpu.memref_squeeze %dma_start3A_17 : memref<1x100xi32, #tpu.memory_space<vmem>> -> memref<100xi32, #tpu.memory_space<vmem>>
        %dma_start3A_19 = arith.constant 0 : i32
        %dma_start3A_20 = arith.constant 0 : i32
        %dma_start3A_21 = tpu.memref_slice %arg8[%dma_start3A_19, %dma_start3A_20] : memref<10112x128xf32, #tpu.memory_space<vmem_shared>> -> memref<10112x128xf32, #tpu.memory_space<vmem_shared>>
        tpu.enqueue_indirect_dma source(%arg7 : memref<100x128xf32, #tpu.memory_space<vmem>>) target(%dma_start3A_21 : memref<10112x128xf32, #tpu.memory_space<vmem_shared>>) offsets(%dma_start3A_18 : memref<100xi32, #tpu.memory_space<vmem>>) semaphore(%run_scoped3A : memref<!tpu.dma_semaphore, #tpu.memory_space<semaphore_mem>>) {add = true}
        %dma_wait3A = arith.constant 0 : i32
        %dma_wait3A_22 = tpu.memref_slice %arg6[%add3A_16, %dma_wait3A] : memref<100x100xi32, #tpu.memory_space<vmem>> -> memref<1x100xi32, #tpu.memory_space<vmem>>
        %dma_wait3A_23 = tpu.memref_squeeze %dma_wait3A_22 : memref<1x100xi32, #tpu.memory_space<vmem>> -> memref<100xi32, #tpu.memory_space<vmem>>
        %dma_wait3A_24 = arith.constant 0 : i32
        %dma_wait3A_25 = arith.constant 0 : i32
        %dma_wait3A_26 = tpu.memref_slice %arg8[%dma_wait3A_24, %dma_wait3A_25] : memref<10112x128xf32, #tpu.memory_space<vmem_shared>> -> memref<10112x128xf32, #tpu.memory_space<vmem_shared>>
        tpu.wait_indirect_dma semaphore(%run_scoped3A : memref<!tpu.dma_semaphore, #tpu.memory_space<semaphore_mem>>) src(%arg7 : memref<100x128xf32, #tpu.memory_space<vmem>>) dst(%dma_wait3A_26 : memref<10112x128xf32, #tpu.memory_space<vmem_shared>>)
        tpu.yield
      }) : () -> ()
    }
    %scan3A_6 = arith.constant 100 : i32
    %barrier3A_7 = arith.constant 0 : index
    tpu.barrier barrier_id(%barrier3A_7)
    %mul3A_8 = arith.constant 632 : i32
    %mul3A_9 = arith.muli %arg1, %mul3A_8 : i32
    %mul3A_10 = arith.constant 632 : i32
    %mul3A_11 = arith.muli %arg1, %mul3A_10 : i32
    "tpu.region"() ({
      %run_scoped3A = tpu.sem_alloc : memref<!tpu.dma_semaphore, #tpu.memory_space<semaphore_mem>>
      %dma_start3A = arith.constant 0 : i32
      %dma_start3A_12 = tpu.memref_slice %arg5[%arg0, %mul3A_11, %dma_start3A] : memref<2x10112x128xf32, #tpu.memory_space<hbm>> -> memref<1x632x128xf32, #tpu.memory_space<hbm>>
      %dma_start3A_13 = tpu.memref_squeeze %dma_start3A_12 : memref<1x632x128xf32, #tpu.memory_space<hbm>> -> memref<632x128xf32, #tpu.memory_space<hbm>>
      %dma_start3A_14 = arith.constant 0 : i32
      %dma_start3A_15 = tpu.memref_slice %arg8[%mul3A_9, %dma_start3A_14] : memref<10112x128xf32, #tpu.memory_space<vmem_shared>> -> memref<632x128xf32, #tpu.memory_space<vmem_shared>>
      tpu.enqueue_dma source(%dma_start3A_15 : memref<632x128xf32, #tpu.memory_space<vmem_shared>>) target(%dma_start3A_13 : memref<632x128xf32, #tpu.memory_space<hbm>>) target_semaphore(%run_scoped3A : memref<!tpu.dma_semaphore, #tpu.memory_space<semaphore_mem>>)
      %dma_wait3A = arith.constant 0 : i32
      %dma_wait3A_16 = tpu.memref_slice %arg5[%arg0, %mul3A_11, %dma_wait3A] : memref<2x10112x128xf32, #tpu.memory_space<hbm>> -> memref<1x632x128xf32, #tpu.memory_space<hbm>>
      %dma_wait3A_17 = tpu.memref_squeeze %dma_wait3A_16 : memref<1x632x128xf32, #tpu.memory_space<hbm>> -> memref<632x128xf32, #tpu.memory_space<hbm>>
      %dma_wait3A_18 = arith.constant 0 : i32
      %dma_wait3A_19 = tpu.memref_slice %arg8[%mul3A_9, %dma_wait3A_18] : memref<10112x128xf32, #tpu.memory_space<vmem_shared>> -> memref<632x128xf32, #tpu.memory_space<vmem_shared>>
      tpu.wait_dma2 semaphore(%run_scoped3A : memref<!tpu.dma_semaphore, #tpu.memory_space<semaphore_mem>>) src(%dma_wait3A_19 : memref<632x128xf32, #tpu.memory_space<vmem_shared>>) dst(%dma_wait3A_17 : memref<632x128xf32, #tpu.memory_space<hbm>>)
      tpu.yield
    }) : () -> ()
    return
  }
}

#map = affine_map<(d0, d1) -> (0, 0)>
#map1 = affine_map<(d0, d1) -> (0, 0, 0, 0)>
#map2 = affine_map<(d0, d1) -> (0, 0, 0)>
module attributes {stable_mosaic.version = 14 : i64} {
  func.func @agg_call(%arg0: i32, %arg1: i32, %arg2: memref<10000x128xf32, #tpu.memory_space<hbm>>, %arg3: memref<32x10x20x50xi32, #tpu.memory_space<hbm>>, %arg4: memref<32x10x20x50xi32, #tpu.memory_space<hbm>>, %arg5: memref<632x128xf32, #tpu.memory_space<hbm>>, %arg6: memref<2x10112x128xf32, #tpu.memory_space<hbm>>, %arg7: memref<20x50xi32, #tpu.memory_space<vmem>>, %arg8: memref<20x50xi32, #tpu.memory_space<vmem>>, %arg9: memref<20x50xi32, #tpu.memory_space<vmem>>, %arg10: memref<20x50xi32, #tpu.memory_space<vmem>>, %arg11: memref<50x128xf32, #tpu.memory_space<vmem>>, %arg12: memref<50x128xf32, #tpu.memory_space<vmem>>, %arg13: memref<50x128xf32, #tpu.memory_space<vmem>>, %arg14: memref<50x128xf32, #tpu.memory_space<vmem>>, %arg15: memref<10112x128xf32, #tpu.memory_space<vmem_shared>>, %arg16: memref<!tpu.dma_semaphore, #tpu.memory_space<semaphore_mem>>, %arg17: memref<!tpu.dma_semaphore, #tpu.memory_space<semaphore_mem>>, %arg18: memref<!tpu.dma_semaphore, #tpu.memory_space<semaphore_mem>>, %arg19: memref<!tpu.dma_semaphore, #tpu.memory_space<semaphore_mem>>, %arg20: memref<!tpu.dma_semaphore, #tpu.memory_space<semaphore_mem>>, %arg21: memref<!tpu.dma_semaphore, #tpu.memory_space<semaphore_mem>>) attributes {dimension_semantics = [#tpu.dimension_semantics<core_parallel>, #tpu.dimension_semantics<subcore_parallel>], iteration_bounds = array<i64: 2, 16>, scalar_prefetch = 0 : i64, scratch_operands = 15 : i64, tpu.core_type = #tpu.core_type<sc_vector_subcore>, window_params = [{transform_indices = #map}, {transform_indices = #map1}, {transform_indices = #map1}, {transform_indices = #map}, {transform_indices = #map2}]} {
    %mul3A = arith.constant 16 : i32
    %mul3A_0 = arith.muli %arg0, %mul3A : i32
    %add3A = arith.addi %mul3A_0, %arg1 : i32
    %mul3A_1 = arith.constant 632 : i32
    %mul3A_2 = arith.muli %arg1, %mul3A_1 : i32
    "tpu.region"() ({
      %run_scoped3A_103 = tpu.sem_alloc : memref<!tpu.dma_semaphore, #tpu.memory_space<semaphore_mem>>
      %dma_start3A_104 = arith.constant 0 : i32
      %dma_start3A_105 = tpu.memref_slice %arg15[%mul3A_2, %dma_start3A_104] : memref<10112x128xf32, #tpu.memory_space<vmem_shared>> -> memref<632x128xf32, #tpu.memory_space<vmem_shared>>
      tpu.enqueue_dma source(%arg5 : memref<632x128xf32, #tpu.memory_space<hbm>>) target(%dma_start3A_105 : memref<632x128xf32, #tpu.memory_space<vmem_shared>>) target_semaphore(%run_scoped3A_103 : memref<!tpu.dma_semaphore, #tpu.memory_space<semaphore_mem>>)
      %dma_wait3A_106 = arith.constant 0 : i32
      %dma_wait3A_107 = tpu.memref_slice %arg15[%mul3A_2, %dma_wait3A_106] : memref<10112x128xf32, #tpu.memory_space<vmem_shared>> -> memref<632x128xf32, #tpu.memory_space<vmem_shared>>
      tpu.wait_dma2 semaphore(%run_scoped3A_103 : memref<!tpu.dma_semaphore, #tpu.memory_space<semaphore_mem>>) src(%arg5 : memref<632x128xf32, #tpu.memory_space<hbm>>) dst(%dma_wait3A_107 : memref<632x128xf32, #tpu.memory_space<vmem_shared>>)
      tpu.yield
    }) : () -> ()
    %barrier3A = arith.constant 0 : index
    tpu.barrier barrier_id(%barrier3A)
    %run_scoped3A = arith.constant 0 : i32
    "tpu.region"() ({
      %run_scoped3A_103 = tpu.sem_alloc : memref<!tpu.dma_semaphore, #tpu.memory_space<semaphore_mem>>
      %dma_start3A_104 = arith.constant 0 : i32
      %dma_start3A_105 = arith.constant 0 : i32
      %dma_start3A_106 = tpu.memref_slice %arg3[%add3A, %run_scoped3A, %dma_start3A_104, %dma_start3A_105] : memref<32x10x20x50xi32, #tpu.memory_space<hbm>> -> memref<1x1x20x50xi32, #tpu.memory_space<hbm>>
      %dma_start3A_107 = tpu.memref_squeeze %dma_start3A_106 : memref<1x1x20x50xi32, #tpu.memory_space<hbm>> -> memref<20x50xi32, #tpu.memory_space<hbm>>
      %dma_start3A_108 = arith.constant 0 : i32
      %dma_start3A_109 = arith.constant 0 : i32
      %dma_start3A_110 = tpu.memref_slice %arg3[%add3A, %run_scoped3A, %dma_start3A_108, %dma_start3A_109] : memref<32x10x20x50xi32, #tpu.memory_space<hbm>> -> memref<1x1x20x50xi32, #tpu.memory_space<hbm>>
      %dma_start3A_111 = tpu.memref_squeeze %dma_start3A_110 : memref<1x1x20x50xi32, #tpu.memory_space<hbm>> -> memref<20x50xi32, #tpu.memory_space<hbm>>
      tpu.enqueue_dma source(%dma_start3A_111 : memref<20x50xi32, #tpu.memory_space<hbm>>) target(%arg7 : memref<20x50xi32, #tpu.memory_space<vmem>>) target_semaphore(%run_scoped3A_103 : memref<!tpu.dma_semaphore, #tpu.memory_space<semaphore_mem>>)
      %dma_wait3A_112 = arith.constant 0 : i32
      %dma_wait3A_113 = arith.constant 0 : i32
      %dma_wait3A_114 = tpu.memref_slice %arg3[%add3A, %run_scoped3A, %dma_wait3A_112, %dma_wait3A_113] : memref<32x10x20x50xi32, #tpu.memory_space<hbm>> -> memref<1x1x20x50xi32, #tpu.memory_space<hbm>>
      %dma_wait3A_115 = tpu.memref_squeeze %dma_wait3A_114 : memref<1x1x20x50xi32, #tpu.memory_space<hbm>> -> memref<20x50xi32, #tpu.memory_space<hbm>>
      %dma_wait3A_116 = arith.constant 0 : i32
      %dma_wait3A_117 = arith.constant 0 : i32
      %dma_wait3A_118 = tpu.memref_slice %arg3[%add3A, %run_scoped3A, %dma_wait3A_116, %dma_wait3A_117] : memref<32x10x20x50xi32, #tpu.memory_space<hbm>> -> memref<1x1x20x50xi32, #tpu.memory_space<hbm>>
      %dma_wait3A_119 = tpu.memref_squeeze %dma_wait3A_118 : memref<1x1x20x50xi32, #tpu.memory_space<hbm>> -> memref<20x50xi32, #tpu.memory_space<hbm>>
      tpu.wait_dma2 semaphore(%run_scoped3A_103 : memref<!tpu.dma_semaphore, #tpu.memory_space<semaphore_mem>>) src(%dma_wait3A_119 : memref<20x50xi32, #tpu.memory_space<hbm>>) dst(%arg7 : memref<20x50xi32, #tpu.memory_space<vmem>>)
      tpu.yield
    }) : () -> ()
    %run_scoped3A_3 = arith.constant 0 : i32
    "tpu.region"() ({
      %run_scoped3A_103 = tpu.sem_alloc : memref<!tpu.dma_semaphore, #tpu.memory_space<semaphore_mem>>
      %dma_start3A_104 = arith.constant 0 : i32
      %dma_start3A_105 = arith.constant 0 : i32
      %dma_start3A_106 = tpu.memref_slice %arg4[%add3A, %run_scoped3A_3, %dma_start3A_104, %dma_start3A_105] : memref<32x10x20x50xi32, #tpu.memory_space<hbm>> -> memref<1x1x20x50xi32, #tpu.memory_space<hbm>>
      %dma_start3A_107 = tpu.memref_squeeze %dma_start3A_106 : memref<1x1x20x50xi32, #tpu.memory_space<hbm>> -> memref<20x50xi32, #tpu.memory_space<hbm>>
      %dma_start3A_108 = arith.constant 0 : i32
      %dma_start3A_109 = arith.constant 0 : i32
      %dma_start3A_110 = tpu.memref_slice %arg4[%add3A, %run_scoped3A_3, %dma_start3A_108, %dma_start3A_109] : memref<32x10x20x50xi32, #tpu.memory_space<hbm>> -> memref<1x1x20x50xi32, #tpu.memory_space<hbm>>
      %dma_start3A_111 = tpu.memref_squeeze %dma_start3A_110 : memref<1x1x20x50xi32, #tpu.memory_space<hbm>> -> memref<20x50xi32, #tpu.memory_space<hbm>>
      tpu.enqueue_dma source(%dma_start3A_111 : memref<20x50xi32, #tpu.memory_space<hbm>>) target(%arg8 : memref<20x50xi32, #tpu.memory_space<vmem>>) target_semaphore(%run_scoped3A_103 : memref<!tpu.dma_semaphore, #tpu.memory_space<semaphore_mem>>)
      %dma_wait3A_112 = arith.constant 0 : i32
      %dma_wait3A_113 = arith.constant 0 : i32
      %dma_wait3A_114 = tpu.memref_slice %arg4[%add3A, %run_scoped3A_3, %dma_wait3A_112, %dma_wait3A_113] : memref<32x10x20x50xi32, #tpu.memory_space<hbm>> -> memref<1x1x20x50xi32, #tpu.memory_space<hbm>>
      %dma_wait3A_115 = tpu.memref_squeeze %dma_wait3A_114 : memref<1x1x20x50xi32, #tpu.memory_space<hbm>> -> memref<20x50xi32, #tpu.memory_space<hbm>>
      %dma_wait3A_116 = arith.constant 0 : i32
      %dma_wait3A_117 = arith.constant 0 : i32
      %dma_wait3A_118 = tpu.memref_slice %arg4[%add3A, %run_scoped3A_3, %dma_wait3A_116, %dma_wait3A_117] : memref<32x10x20x50xi32, #tpu.memory_space<hbm>> -> memref<1x1x20x50xi32, #tpu.memory_space<hbm>>
      %dma_wait3A_119 = tpu.memref_squeeze %dma_wait3A_118 : memref<1x1x20x50xi32, #tpu.memory_space<hbm>> -> memref<20x50xi32, #tpu.memory_space<hbm>>
      tpu.wait_dma2 semaphore(%run_scoped3A_103 : memref<!tpu.dma_semaphore, #tpu.memory_space<semaphore_mem>>) src(%dma_wait3A_119 : memref<20x50xi32, #tpu.memory_space<hbm>>) dst(%arg8 : memref<20x50xi32, #tpu.memory_space<vmem>>)
      tpu.yield
    }) : () -> ()
    %dma_start3A = arith.constant 1 : i32
    %dma_start3A_4 = arith.constant 0 : i32
    %dma_start3A_5 = arith.constant 0 : i32
    %dma_start3A_6 = tpu.memref_slice %arg3[%add3A, %dma_start3A, %dma_start3A_4, %dma_start3A_5] : memref<32x10x20x50xi32, #tpu.memory_space<hbm>> -> memref<1x1x20x50xi32, #tpu.memory_space<hbm>>
    %dma_start3A_7 = tpu.memref_squeeze %dma_start3A_6 : memref<1x1x20x50xi32, #tpu.memory_space<hbm>> -> memref<20x50xi32, #tpu.memory_space<hbm>>
    %dma_start3A_8 = arith.constant 0 : i32
    %dma_start3A_9 = arith.constant 0 : i32
    %dma_start3A_10 = tpu.memref_slice %arg3[%add3A, %dma_start3A, %dma_start3A_8, %dma_start3A_9] : memref<32x10x20x50xi32, #tpu.memory_space<hbm>> -> memref<1x1x20x50xi32, #tpu.memory_space<hbm>>
    %dma_start3A_11 = tpu.memref_squeeze %dma_start3A_10 : memref<1x1x20x50xi32, #tpu.memory_space<hbm>> -> memref<20x50xi32, #tpu.memory_space<hbm>>
    tpu.enqueue_dma source(%dma_start3A_11 : memref<20x50xi32, #tpu.memory_space<hbm>>) target(%arg9 : memref<20x50xi32, #tpu.memory_space<vmem>>) target_semaphore(%arg17 : memref<!tpu.dma_semaphore, #tpu.memory_space<semaphore_mem>>)
    %dma_start3A_12 = arith.constant 1 : i32
    %dma_start3A_13 = arith.constant 0 : i32
    %dma_start3A_14 = arith.constant 0 : i32
    %dma_start3A_15 = tpu.memref_slice %arg4[%add3A, %dma_start3A_12, %dma_start3A_13, %dma_start3A_14] : memref<32x10x20x50xi32, #tpu.memory_space<hbm>> -> memref<1x1x20x50xi32, #tpu.memory_space<hbm>>
    %dma_start3A_16 = tpu.memref_squeeze %dma_start3A_15 : memref<1x1x20x50xi32, #tpu.memory_space<hbm>> -> memref<20x50xi32, #tpu.memory_space<hbm>>
    %dma_start3A_17 = arith.constant 0 : i32
    %dma_start3A_18 = arith.constant 0 : i32
    %dma_start3A_19 = tpu.memref_slice %arg4[%add3A, %dma_start3A_12, %dma_start3A_17, %dma_start3A_18] : memref<32x10x20x50xi32, #tpu.memory_space<hbm>> -> memref<1x1x20x50xi32, #tpu.memory_space<hbm>>
    %dma_start3A_20 = tpu.memref_squeeze %dma_start3A_19 : memref<1x1x20x50xi32, #tpu.memory_space<hbm>> -> memref<20x50xi32, #tpu.memory_space<hbm>>
    tpu.enqueue_dma source(%dma_start3A_20 : memref<20x50xi32, #tpu.memory_space<hbm>>) target(%arg10 : memref<20x50xi32, #tpu.memory_space<vmem>>) target_semaphore(%arg17 : memref<!tpu.dma_semaphore, #tpu.memory_space<semaphore_mem>>)
    %dma_start3A_21 = arith.constant 0 : i32
    %dma_start3A_22 = arith.constant 0 : i32
    %dma_start3A_23 = tpu.memref_slice %arg7[%dma_start3A_21, %dma_start3A_22] : memref<20x50xi32, #tpu.memory_space<vmem>> -> memref<1x50xi32, #tpu.memory_space<vmem>>
    %dma_start3A_24 = tpu.memref_squeeze %dma_start3A_23 : memref<1x50xi32, #tpu.memory_space<vmem>> -> memref<50xi32, #tpu.memory_space<vmem>>
    %dma_start3A_25 = arith.constant 0 : i32
    %dma_start3A_26 = arith.constant 0 : i32
    %dma_start3A_27 = tpu.memref_slice %arg2[%dma_start3A_25, %dma_start3A_26] : memref<10000x128xf32, #tpu.memory_space<hbm>> -> memref<10000x128xf32, #tpu.memory_space<hbm>>
    tpu.enqueue_indirect_dma source(%dma_start3A_27 : memref<10000x128xf32, #tpu.memory_space<hbm>>) target(%arg11 : memref<50x128xf32, #tpu.memory_space<vmem>>) offsets(%dma_start3A_24 : memref<50xi32, #tpu.memory_space<vmem>>) semaphore(%arg18 : memref<!tpu.dma_semaphore, #tpu.memory_space<semaphore_mem>>)
    %dma_start3A_28 = arith.constant 1 : i32
    %dma_start3A_29 = arith.constant 0 : i32
    %dma_start3A_30 = tpu.memref_slice %arg7[%dma_start3A_28, %dma_start3A_29] : memref<20x50xi32, #tpu.memory_space<vmem>> -> memref<1x50xi32, #tpu.memory_space<vmem>>
    %dma_start3A_31 = tpu.memref_squeeze %dma_start3A_30 : memref<1x50xi32, #tpu.memory_space<vmem>> -> memref<50xi32, #tpu.memory_space<vmem>>
    %dma_start3A_32 = arith.constant 0 : i32
    %dma_start3A_33 = arith.constant 0 : i32
    %dma_start3A_34 = tpu.memref_slice %arg2[%dma_start3A_32, %dma_start3A_33] : memref<10000x128xf32, #tpu.memory_space<hbm>> -> memref<10000x128xf32, #tpu.memory_space<hbm>>
    tpu.enqueue_indirect_dma source(%dma_start3A_34 : memref<10000x128xf32, #tpu.memory_space<hbm>>) target(%arg12 : memref<50x128xf32, #tpu.memory_space<vmem>>) offsets(%dma_start3A_31 : memref<50xi32, #tpu.memory_space<vmem>>) semaphore(%arg19 : memref<!tpu.dma_semaphore, #tpu.memory_space<semaphore_mem>>)
    %dma_start3A_35 = arith.constant 2 : i32
    %dma_start3A_36 = arith.constant 0 : i32
    %dma_start3A_37 = tpu.memref_slice %arg7[%dma_start3A_35, %dma_start3A_36] : memref<20x50xi32, #tpu.memory_space<vmem>> -> memref<1x50xi32, #tpu.memory_space<vmem>>
    %dma_start3A_38 = tpu.memref_squeeze %dma_start3A_37 : memref<1x50xi32, #tpu.memory_space<vmem>> -> memref<50xi32, #tpu.memory_space<vmem>>
    %dma_start3A_39 = arith.constant 0 : i32
    %dma_start3A_40 = arith.constant 0 : i32
    %dma_start3A_41 = tpu.memref_slice %arg2[%dma_start3A_39, %dma_start3A_40] : memref<10000x128xf32, #tpu.memory_space<hbm>> -> memref<10000x128xf32, #tpu.memory_space<hbm>>
    tpu.enqueue_indirect_dma source(%dma_start3A_41 : memref<10000x128xf32, #tpu.memory_space<hbm>>) target(%arg13 : memref<50x128xf32, #tpu.memory_space<vmem>>) offsets(%dma_start3A_38 : memref<50xi32, #tpu.memory_space<vmem>>) semaphore(%arg20 : memref<!tpu.dma_semaphore, #tpu.memory_space<semaphore_mem>>)
    %dma_start3A_42 = arith.constant 3 : i32
    %dma_start3A_43 = arith.constant 0 : i32
    %dma_start3A_44 = tpu.memref_slice %arg7[%dma_start3A_42, %dma_start3A_43] : memref<20x50xi32, #tpu.memory_space<vmem>> -> memref<1x50xi32, #tpu.memory_space<vmem>>
    %dma_start3A_45 = tpu.memref_squeeze %dma_start3A_44 : memref<1x50xi32, #tpu.memory_space<vmem>> -> memref<50xi32, #tpu.memory_space<vmem>>
    %dma_start3A_46 = arith.constant 0 : i32
    %dma_start3A_47 = arith.constant 0 : i32
    %dma_start3A_48 = tpu.memref_slice %arg2[%dma_start3A_46, %dma_start3A_47] : memref<10000x128xf32, #tpu.memory_space<hbm>> -> memref<10000x128xf32, #tpu.memory_space<hbm>>
    tpu.enqueue_indirect_dma source(%dma_start3A_48 : memref<10000x128xf32, #tpu.memory_space<hbm>>) target(%arg14 : memref<50x128xf32, #tpu.memory_space<vmem>>) offsets(%dma_start3A_45 : memref<50xi32, #tpu.memory_space<vmem>>) semaphore(%arg21 : memref<!tpu.dma_semaphore, #tpu.memory_space<semaphore_mem>>)
    %scan3A = arith.constant 0 : i32
    %scan3A_49 = arith.constant 5 : i32
    %scan3A_50 = arith.addi %scan3A, %scan3A_49 : i32
    %scan3A_51 = arith.constant 1 : i32
    scf.for %scan3A_103 = %scan3A to %scan3A_50 step %scan3A_51  : i32 {
      %mul3A_104 = arith.constant 2 : i32
      %mul3A_105 = arith.muli %scan3A_103, %mul3A_104 : i32
      %add3A_106 = arith.constant 0 : i32
      %add3A_107 = arith.addi %add3A_106, %mul3A_105 : i32
      %scan3A_108 = arith.constant 0 : i32
      %scan3A_109 = arith.constant 4 : i32
      %scan3A_110 = arith.addi %scan3A_108, %scan3A_109 : i32
      %scan3A_111 = arith.constant 1 : i32
      scf.for %scan3A_317 = %scan3A_108 to %scan3A_110 step %scan3A_111  : i32 {
        %mul3A_318 = arith.constant 4 : i32
        %mul3A_319 = arith.muli %scan3A_317, %mul3A_318 : i32
        %add3A_320 = arith.constant 0 : i32
        %add3A_321 = arith.addi %add3A_320, %mul3A_319 : i32
        %add3A_322 = arith.constant 0 : i32
        %add3A_323 = arith.addi %add3A_321, %add3A_322 : i32
        %dma_wait3A_324 = arith.constant 0 : i32
        %dma_wait3A_325 = tpu.memref_slice %arg7[%add3A_323, %dma_wait3A_324] : memref<20x50xi32, #tpu.memory_space<vmem>> -> memref<1x50xi32, #tpu.memory_space<vmem>>
        %dma_wait3A_326 = tpu.memref_squeeze %dma_wait3A_325 : memref<1x50xi32, #tpu.memory_space<vmem>> -> memref<50xi32, #tpu.memory_space<vmem>>
        %dma_wait3A_327 = arith.constant 0 : i32
        %dma_wait3A_328 = arith.constant 0 : i32
        %dma_wait3A_329 = tpu.memref_slice %arg2[%dma_wait3A_327, %dma_wait3A_328] : memref<10000x128xf32, #tpu.memory_space<hbm>> -> memref<10000x128xf32, #tpu.memory_space<hbm>>
        tpu.wait_indirect_dma semaphore(%arg18 : memref<!tpu.dma_semaphore, #tpu.memory_space<semaphore_mem>>) src(%dma_wait3A_329 : memref<10000x128xf32, #tpu.memory_space<hbm>>) dst(%arg11 : memref<50x128xf32, #tpu.memory_space<vmem>>)
        "tpu.region"() ({
          %run_scoped3A_386 = tpu.sem_alloc : memref<!tpu.dma_semaphore, #tpu.memory_space<semaphore_mem>>
          %dma_start3A_387 = arith.constant 0 : i32
          %dma_start3A_388 = tpu.memref_slice %arg8[%add3A_323, %dma_start3A_387] : memref<20x50xi32, #tpu.memory_space<vmem>> -> memref<1x50xi32, #tpu.memory_space<vmem>>
          %dma_start3A_389 = tpu.memref_squeeze %dma_start3A_388 : memref<1x50xi32, #tpu.memory_space<vmem>> -> memref<50xi32, #tpu.memory_space<vmem>>
          %dma_start3A_390 = arith.constant 0 : i32
          %dma_start3A_391 = arith.constant 0 : i32
          %dma_start3A_392 = tpu.memref_slice %arg15[%dma_start3A_390, %dma_start3A_391] : memref<10112x128xf32, #tpu.memory_space<vmem_shared>> -> memref<10112x128xf32, #tpu.memory_space<vmem_shared>>
          tpu.enqueue_indirect_dma source(%arg11 : memref<50x128xf32, #tpu.memory_space<vmem>>) target(%dma_start3A_392 : memref<10112x128xf32, #tpu.memory_space<vmem_shared>>) offsets(%dma_start3A_389 : memref<50xi32, #tpu.memory_space<vmem>>) semaphore(%run_scoped3A_386 : memref<!tpu.dma_semaphore, #tpu.memory_space<semaphore_mem>>) {add = true}
          %dma_wait3A_393 = arith.constant 0 : i32
          %dma_wait3A_394 = tpu.memref_slice %arg8[%add3A_323, %dma_wait3A_393] : memref<20x50xi32, #tpu.memory_space<vmem>> -> memref<1x50xi32, #tpu.memory_space<vmem>>
          %dma_wait3A_395 = tpu.memref_squeeze %dma_wait3A_394 : memref<1x50xi32, #tpu.memory_space<vmem>> -> memref<50xi32, #tpu.memory_space<vmem>>
          %dma_wait3A_396 = arith.constant 0 : i32
          %dma_wait3A_397 = arith.constant 0 : i32
          %dma_wait3A_398 = tpu.memref_slice %arg15[%dma_wait3A_396, %dma_wait3A_397] : memref<10112x128xf32, #tpu.memory_space<vmem_shared>> -> memref<10112x128xf32, #tpu.memory_space<vmem_shared>>
          tpu.wait_indirect_dma semaphore(%run_scoped3A_386 : memref<!tpu.dma_semaphore, #tpu.memory_space<semaphore_mem>>) src(%arg11 : memref<50x128xf32, #tpu.memory_space<vmem>>) dst(%dma_wait3A_398 : memref<10112x128xf32, #tpu.memory_space<vmem_shared>>)
          tpu.yield
        }) : () -> ()
        %add3A_330 = arith.constant 4 : i32
        %add3A_331 = arith.addi %add3A_323, %add3A_330 : i32
        %dma_start3A_332 = arith.constant 0 : i32
        %dma_start3A_333 = tpu.memref_slice %arg7[%add3A_331, %dma_start3A_332] : memref<20x50xi32, #tpu.memory_space<vmem>> -> memref<1x50xi32, #tpu.memory_space<vmem>>
        %dma_start3A_334 = tpu.memref_squeeze %dma_start3A_333 : memref<1x50xi32, #tpu.memory_space<vmem>> -> memref<50xi32, #tpu.memory_space<vmem>>
        %dma_start3A_335 = arith.constant 0 : i32
        %dma_start3A_336 = arith.constant 0 : i32
        %dma_start3A_337 = tpu.memref_slice %arg2[%dma_start3A_335, %dma_start3A_336] : memref<10000x128xf32, #tpu.memory_space<hbm>> -> memref<10000x128xf32, #tpu.memory_space<hbm>>
        tpu.enqueue_indirect_dma source(%dma_start3A_337 : memref<10000x128xf32, #tpu.memory_space<hbm>>) target(%arg11 : memref<50x128xf32, #tpu.memory_space<vmem>>) offsets(%dma_start3A_334 : memref<50xi32, #tpu.memory_space<vmem>>) semaphore(%arg18 : memref<!tpu.dma_semaphore, #tpu.memory_space<semaphore_mem>>)
        %add3A_338 = arith.constant 1 : i32
        %add3A_339 = arith.addi %add3A_321, %add3A_338 : i32
        %dma_wait3A_340 = arith.constant 0 : i32
        %dma_wait3A_341 = tpu.memref_slice %arg7[%add3A_339, %dma_wait3A_340] : memref<20x50xi32, #tpu.memory_space<vmem>> -> memref<1x50xi32, #tpu.memory_space<vmem>>
        %dma_wait3A_342 = tpu.memref_squeeze %dma_wait3A_341 : memref<1x50xi32, #tpu.memory_space<vmem>> -> memref<50xi32, #tpu.memory_space<vmem>>
        %dma_wait3A_343 = arith.constant 0 : i32
        %dma_wait3A_344 = arith.constant 0 : i32
        %dma_wait3A_345 = tpu.memref_slice %arg2[%dma_wait3A_343, %dma_wait3A_344] : memref<10000x128xf32, #tpu.memory_space<hbm>> -> memref<10000x128xf32, #tpu.memory_space<hbm>>
        tpu.wait_indirect_dma semaphore(%arg19 : memref<!tpu.dma_semaphore, #tpu.memory_space<semaphore_mem>>) src(%dma_wait3A_345 : memref<10000x128xf32, #tpu.memory_space<hbm>>) dst(%arg12 : memref<50x128xf32, #tpu.memory_space<vmem>>)
        "tpu.region"() ({
          %run_scoped3A_386 = tpu.sem_alloc : memref<!tpu.dma_semaphore, #tpu.memory_space<semaphore_mem>>
          %dma_start3A_387 = arith.constant 0 : i32
          %dma_start3A_388 = tpu.memref_slice %arg8[%add3A_339, %dma_start3A_387] : memref<20x50xi32, #tpu.memory_space<vmem>> -> memref<1x50xi32, #tpu.memory_space<vmem>>
          %dma_start3A_389 = tpu.memref_squeeze %dma_start3A_388 : memref<1x50xi32, #tpu.memory_space<vmem>> -> memref<50xi32, #tpu.memory_space<vmem>>
          %dma_start3A_390 = arith.constant 0 : i32
          %dma_start3A_391 = arith.constant 0 : i32
          %dma_start3A_392 = tpu.memref_slice %arg15[%dma_start3A_390, %dma_start3A_391] : memref<10112x128xf32, #tpu.memory_space<vmem_shared>> -> memref<10112x128xf32, #tpu.memory_space<vmem_shared>>
          tpu.enqueue_indirect_dma source(%arg12 : memref<50x128xf32, #tpu.memory_space<vmem>>) target(%dma_start3A_392 : memref<10112x128xf32, #tpu.memory_space<vmem_shared>>) offsets(%dma_start3A_389 : memref<50xi32, #tpu.memory_space<vmem>>) semaphore(%run_scoped3A_386 : memref<!tpu.dma_semaphore, #tpu.memory_space<semaphore_mem>>) {add = true}
          %dma_wait3A_393 = arith.constant 0 : i32
          %dma_wait3A_394 = tpu.memref_slice %arg8[%add3A_339, %dma_wait3A_393] : memref<20x50xi32, #tpu.memory_space<vmem>> -> memref<1x50xi32, #tpu.memory_space<vmem>>
          %dma_wait3A_395 = tpu.memref_squeeze %dma_wait3A_394 : memref<1x50xi32, #tpu.memory_space<vmem>> -> memref<50xi32, #tpu.memory_space<vmem>>
          %dma_wait3A_396 = arith.constant 0 : i32
          %dma_wait3A_397 = arith.constant 0 : i32
          %dma_wait3A_398 = tpu.memref_slice %arg15[%dma_wait3A_396, %dma_wait3A_397] : memref<10112x128xf32, #tpu.memory_space<vmem_shared>> -> memref<10112x128xf32, #tpu.memory_space<vmem_shared>>
          tpu.wait_indirect_dma semaphore(%run_scoped3A_386 : memref<!tpu.dma_semaphore, #tpu.memory_space<semaphore_mem>>) src(%arg12 : memref<50x128xf32, #tpu.memory_space<vmem>>) dst(%dma_wait3A_398 : memref<10112x128xf32, #tpu.memory_space<vmem_shared>>)
          tpu.yield
        }) : () -> ()
        %add3A_346 = arith.constant 4 : i32
        %add3A_347 = arith.addi %add3A_339, %add3A_346 : i32
        %dma_start3A_348 = arith.constant 0 : i32
        %dma_start3A_349 = tpu.memref_slice %arg7[%add3A_347, %dma_start3A_348] : memref<20x50xi32, #tpu.memory_space<vmem>> -> memref<1x50xi32, #tpu.memory_space<vmem>>
        %dma_start3A_350 = tpu.memref_squeeze %dma_start3A_349 : memref<1x50xi32, #tpu.memory_space<vmem>> -> memref<50xi32, #tpu.memory_space<vmem>>
        %dma_start3A_351 = arith.constant 0 : i32
        %dma_start3A_352 = arith.constant 0 : i32
        %dma_start3A_353 = tpu.memref_slice %arg2[%dma_start3A_351, %dma_start3A_352] : memref<10000x128xf32, #tpu.memory_space<hbm>> -> memref<10000x128xf32, #tpu.memory_space<hbm>>
        tpu.enqueue_indirect_dma source(%dma_start3A_353 : memref<10000x128xf32, #tpu.memory_space<hbm>>) target(%arg12 : memref<50x128xf32, #tpu.memory_space<vmem>>) offsets(%dma_start3A_350 : memref<50xi32, #tpu.memory_space<vmem>>) semaphore(%arg19 : memref<!tpu.dma_semaphore, #tpu.memory_space<semaphore_mem>>)
        %add3A_354 = arith.constant 2 : i32
        %add3A_355 = arith.addi %add3A_321, %add3A_354 : i32
        %dma_wait3A_356 = arith.constant 0 : i32
        %dma_wait3A_357 = tpu.memref_slice %arg7[%add3A_355, %dma_wait3A_356] : memref<20x50xi32, #tpu.memory_space<vmem>> -> memref<1x50xi32, #tpu.memory_space<vmem>>
        %dma_wait3A_358 = tpu.memref_squeeze %dma_wait3A_357 : memref<1x50xi32, #tpu.memory_space<vmem>> -> memref<50xi32, #tpu.memory_space<vmem>>
        %dma_wait3A_359 = arith.constant 0 : i32
        %dma_wait3A_360 = arith.constant 0 : i32
        %dma_wait3A_361 = tpu.memref_slice %arg2[%dma_wait3A_359, %dma_wait3A_360] : memref<10000x128xf32, #tpu.memory_space<hbm>> -> memref<10000x128xf32, #tpu.memory_space<hbm>>
        tpu.wait_indirect_dma semaphore(%arg20 : memref<!tpu.dma_semaphore, #tpu.memory_space<semaphore_mem>>) src(%dma_wait3A_361 : memref<10000x128xf32, #tpu.memory_space<hbm>>) dst(%arg13 : memref<50x128xf32, #tpu.memory_space<vmem>>)
        "tpu.region"() ({
          %run_scoped3A_386 = tpu.sem_alloc : memref<!tpu.dma_semaphore, #tpu.memory_space<semaphore_mem>>
          %dma_start3A_387 = arith.constant 0 : i32
          %dma_start3A_388 = tpu.memref_slice %arg8[%add3A_355, %dma_start3A_387] : memref<20x50xi32, #tpu.memory_space<vmem>> -> memref<1x50xi32, #tpu.memory_space<vmem>>
          %dma_start3A_389 = tpu.memref_squeeze %dma_start3A_388 : memref<1x50xi32, #tpu.memory_space<vmem>> -> memref<50xi32, #tpu.memory_space<vmem>>
          %dma_start3A_390 = arith.constant 0 : i32
          %dma_start3A_391 = arith.constant 0 : i32
          %dma_start3A_392 = tpu.memref_slice %arg15[%dma_start3A_390, %dma_start3A_391] : memref<10112x128xf32, #tpu.memory_space<vmem_shared>> -> memref<10112x128xf32, #tpu.memory_space<vmem_shared>>
          tpu.enqueue_indirect_dma source(%arg13 : memref<50x128xf32, #tpu.memory_space<vmem>>) target(%dma_start3A_392 : memref<10112x128xf32, #tpu.memory_space<vmem_shared>>) offsets(%dma_start3A_389 : memref<50xi32, #tpu.memory_space<vmem>>) semaphore(%run_scoped3A_386 : memref<!tpu.dma_semaphore, #tpu.memory_space<semaphore_mem>>) {add = true}
          %dma_wait3A_393 = arith.constant 0 : i32
          %dma_wait3A_394 = tpu.memref_slice %arg8[%add3A_355, %dma_wait3A_393] : memref<20x50xi32, #tpu.memory_space<vmem>> -> memref<1x50xi32, #tpu.memory_space<vmem>>
          %dma_wait3A_395 = tpu.memref_squeeze %dma_wait3A_394 : memref<1x50xi32, #tpu.memory_space<vmem>> -> memref<50xi32, #tpu.memory_space<vmem>>
          %dma_wait3A_396 = arith.constant 0 : i32
          %dma_wait3A_397 = arith.constant 0 : i32
          %dma_wait3A_398 = tpu.memref_slice %arg15[%dma_wait3A_396, %dma_wait3A_397] : memref<10112x128xf32, #tpu.memory_space<vmem_shared>> -> memref<10112x128xf32, #tpu.memory_space<vmem_shared>>
          tpu.wait_indirect_dma semaphore(%run_scoped3A_386 : memref<!tpu.dma_semaphore, #tpu.memory_space<semaphore_mem>>) src(%arg13 : memref<50x128xf32, #tpu.memory_space<vmem>>) dst(%dma_wait3A_398 : memref<10112x128xf32, #tpu.memory_space<vmem_shared>>)
          tpu.yield
        }) : () -> ()
        %add3A_362 = arith.constant 4 : i32
        %add3A_363 = arith.addi %add3A_355, %add3A_362 : i32
        %dma_start3A_364 = arith.constant 0 : i32
        %dma_start3A_365 = tpu.memref_slice %arg7[%add3A_363, %dma_start3A_364] : memref<20x50xi32, #tpu.memory_space<vmem>> -> memref<1x50xi32, #tpu.memory_space<vmem>>
        %dma_start3A_366 = tpu.memref_squeeze %dma_start3A_365 : memref<1x50xi32, #tpu.memory_space<vmem>> -> memref<50xi32, #tpu.memory_space<vmem>>
        %dma_start3A_367 = arith.constant 0 : i32
        %dma_start3A_368 = arith.constant 0 : i32
        %dma_start3A_369 = tpu.memref_slice %arg2[%dma_start3A_367, %dma_start3A_368] : memref<10000x128xf32, #tpu.memory_space<hbm>> -> memref<10000x128xf32, #tpu.memory_space<hbm>>
        tpu.enqueue_indirect_dma source(%dma_start3A_369 : memref<10000x128xf32, #tpu.memory_space<hbm>>) target(%arg13 : memref<50x128xf32, #tpu.memory_space<vmem>>) offsets(%dma_start3A_366 : memref<50xi32, #tpu.memory_space<vmem>>) semaphore(%arg20 : memref<!tpu.dma_semaphore, #tpu.memory_space<semaphore_mem>>)
        %add3A_370 = arith.constant 3 : i32
        %add3A_371 = arith.addi %add3A_321, %add3A_370 : i32
        %dma_wait3A_372 = arith.constant 0 : i32
        %dma_wait3A_373 = tpu.memref_slice %arg7[%add3A_371, %dma_wait3A_372] : memref<20x50xi32, #tpu.memory_space<vmem>> -> memref<1x50xi32, #tpu.memory_space<vmem>>
        %dma_wait3A_374 = tpu.memref_squeeze %dma_wait3A_373 : memref<1x50xi32, #tpu.memory_space<vmem>> -> memref<50xi32, #tpu.memory_space<vmem>>
        %dma_wait3A_375 = arith.constant 0 : i32
        %dma_wait3A_376 = arith.constant 0 : i32
        %dma_wait3A_377 = tpu.memref_slice %arg2[%dma_wait3A_375, %dma_wait3A_376] : memref<10000x128xf32, #tpu.memory_space<hbm>> -> memref<10000x128xf32, #tpu.memory_space<hbm>>
        tpu.wait_indirect_dma semaphore(%arg21 : memref<!tpu.dma_semaphore, #tpu.memory_space<semaphore_mem>>) src(%dma_wait3A_377 : memref<10000x128xf32, #tpu.memory_space<hbm>>) dst(%arg14 : memref<50x128xf32, #tpu.memory_space<vmem>>)
        "tpu.region"() ({
          %run_scoped3A_386 = tpu.sem_alloc : memref<!tpu.dma_semaphore, #tpu.memory_space<semaphore_mem>>
          %dma_start3A_387 = arith.constant 0 : i32
          %dma_start3A_388 = tpu.memref_slice %arg8[%add3A_371, %dma_start3A_387] : memref<20x50xi32, #tpu.memory_space<vmem>> -> memref<1x50xi32, #tpu.memory_space<vmem>>
          %dma_start3A_389 = tpu.memref_squeeze %dma_start3A_388 : memref<1x50xi32, #tpu.memory_space<vmem>> -> memref<50xi32, #tpu.memory_space<vmem>>
          %dma_start3A_390 = arith.constant 0 : i32
          %dma_start3A_391 = arith.constant 0 : i32
          %dma_start3A_392 = tpu.memref_slice %arg15[%dma_start3A_390, %dma_start3A_391] : memref<10112x128xf32, #tpu.memory_space<vmem_shared>> -> memref<10112x128xf32, #tpu.memory_space<vmem_shared>>
          tpu.enqueue_indirect_dma source(%arg14 : memref<50x128xf32, #tpu.memory_space<vmem>>) target(%dma_start3A_392 : memref<10112x128xf32, #tpu.memory_space<vmem_shared>>) offsets(%dma_start3A_389 : memref<50xi32, #tpu.memory_space<vmem>>) semaphore(%run_scoped3A_386 : memref<!tpu.dma_semaphore, #tpu.memory_space<semaphore_mem>>) {add = true}
          %dma_wait3A_393 = arith.constant 0 : i32
          %dma_wait3A_394 = tpu.memref_slice %arg8[%add3A_371, %dma_wait3A_393] : memref<20x50xi32, #tpu.memory_space<vmem>> -> memref<1x50xi32, #tpu.memory_space<vmem>>
          %dma_wait3A_395 = tpu.memref_squeeze %dma_wait3A_394 : memref<1x50xi32, #tpu.memory_space<vmem>> -> memref<50xi32, #tpu.memory_space<vmem>>
          %dma_wait3A_396 = arith.constant 0 : i32
          %dma_wait3A_397 = arith.constant 0 : i32
          %dma_wait3A_398 = tpu.memref_slice %arg15[%dma_wait3A_396, %dma_wait3A_397] : memref<10112x128xf32, #tpu.memory_space<vmem_shared>> -> memref<10112x128xf32, #tpu.memory_space<vmem_shared>>
          tpu.wait_indirect_dma semaphore(%run_scoped3A_386 : memref<!tpu.dma_semaphore, #tpu.memory_space<semaphore_mem>>) src(%arg14 : memref<50x128xf32, #tpu.memory_space<vmem>>) dst(%dma_wait3A_398 : memref<10112x128xf32, #tpu.memory_space<vmem_shared>>)
          tpu.yield
        }) : () -> ()
        %add3A_378 = arith.constant 4 : i32
        %add3A_379 = arith.addi %add3A_371, %add3A_378 : i32
        %dma_start3A_380 = arith.constant 0 : i32
        %dma_start3A_381 = tpu.memref_slice %arg7[%add3A_379, %dma_start3A_380] : memref<20x50xi32, #tpu.memory_space<vmem>> -> memref<1x50xi32, #tpu.memory_space<vmem>>
        %dma_start3A_382 = tpu.memref_squeeze %dma_start3A_381 : memref<1x50xi32, #tpu.memory_space<vmem>> -> memref<50xi32, #tpu.memory_space<vmem>>
        %dma_start3A_383 = arith.constant 0 : i32
        %dma_start3A_384 = arith.constant 0 : i32
        %dma_start3A_385 = tpu.memref_slice %arg2[%dma_start3A_383, %dma_start3A_384] : memref<10000x128xf32, #tpu.memory_space<hbm>> -> memref<10000x128xf32, #tpu.memory_space<hbm>>
        tpu.enqueue_indirect_dma source(%dma_start3A_385 : memref<10000x128xf32, #tpu.memory_space<hbm>>) target(%arg14 : memref<50x128xf32, #tpu.memory_space<vmem>>) offsets(%dma_start3A_382 : memref<50xi32, #tpu.memory_space<vmem>>) semaphore(%arg21 : memref<!tpu.dma_semaphore, #tpu.memory_space<semaphore_mem>>)
      }
      %scan3A_112 = arith.constant 4 : i32
      %dma_wait3A_113 = arith.constant 0 : i32
      %dma_wait3A_114 = arith.constant 0 : i32
      %dma_wait3A_115 = arith.constant 0 : i32
      %dma_wait3A_116 = tpu.memref_slice %arg3[%add3A, %dma_wait3A_113, %dma_wait3A_114, %dma_wait3A_115] : memref<32x10x20x50xi32, #tpu.memory_space<hbm>> -> memref<1x1x20x50xi32, #tpu.memory_space<hbm>>
      %dma_wait3A_117 = tpu.memref_squeeze %dma_wait3A_116 : memref<1x1x20x50xi32, #tpu.memory_space<hbm>> -> memref<20x50xi32, #tpu.memory_space<hbm>>
      %dma_wait3A_118 = arith.constant 0 : i32
      %dma_wait3A_119 = arith.constant 0 : i32
      %dma_wait3A_120 = tpu.memref_slice %arg3[%add3A, %dma_wait3A_113, %dma_wait3A_118, %dma_wait3A_119] : memref<32x10x20x50xi32, #tpu.memory_space<hbm>> -> memref<1x1x20x50xi32, #tpu.memory_space<hbm>>
      %dma_wait3A_121 = tpu.memref_squeeze %dma_wait3A_120 : memref<1x1x20x50xi32, #tpu.memory_space<hbm>> -> memref<20x50xi32, #tpu.memory_space<hbm>>
      tpu.wait_dma2 semaphore(%arg17 : memref<!tpu.dma_semaphore, #tpu.memory_space<semaphore_mem>>) src(%dma_wait3A_121 : memref<20x50xi32, #tpu.memory_space<hbm>>) dst(%arg9 : memref<20x50xi32, #tpu.memory_space<vmem>>)
      %dma_wait3A_122 = arith.constant 0 : i32
      %dma_wait3A_123 = arith.constant 0 : i32
      %dma_wait3A_124 = arith.constant 0 : i32
      %dma_wait3A_125 = tpu.memref_slice %arg4[%add3A, %dma_wait3A_122, %dma_wait3A_123, %dma_wait3A_124] : memref<32x10x20x50xi32, #tpu.memory_space<hbm>> -> memref<1x1x20x50xi32, #tpu.memory_space<hbm>>
      %dma_wait3A_126 = tpu.memref_squeeze %dma_wait3A_125 : memref<1x1x20x50xi32, #tpu.memory_space<hbm>> -> memref<20x50xi32, #tpu.memory_space<hbm>>
      %dma_wait3A_127 = arith.constant 0 : i32
      %dma_wait3A_128 = arith.constant 0 : i32
      %dma_wait3A_129 = tpu.memref_slice %arg4[%add3A, %dma_wait3A_122, %dma_wait3A_127, %dma_wait3A_128] : memref<32x10x20x50xi32, #tpu.memory_space<hbm>> -> memref<1x1x20x50xi32, #tpu.memory_space<hbm>>
      %dma_wait3A_130 = tpu.memref_squeeze %dma_wait3A_129 : memref<1x1x20x50xi32, #tpu.memory_space<hbm>> -> memref<20x50xi32, #tpu.memory_space<hbm>>
      tpu.wait_dma2 semaphore(%arg17 : memref<!tpu.dma_semaphore, #tpu.memory_space<semaphore_mem>>) src(%dma_wait3A_130 : memref<20x50xi32, #tpu.memory_space<hbm>>) dst(%arg10 : memref<20x50xi32, #tpu.memory_space<vmem>>)
      %dma_wait3A_131 = arith.constant 16 : i32
      %dma_wait3A_132 = arith.constant 0 : i32
      %dma_wait3A_133 = tpu.memref_slice %arg7[%dma_wait3A_131, %dma_wait3A_132] : memref<20x50xi32, #tpu.memory_space<vmem>> -> memref<1x50xi32, #tpu.memory_space<vmem>>
      %dma_wait3A_134 = tpu.memref_squeeze %dma_wait3A_133 : memref<1x50xi32, #tpu.memory_space<vmem>> -> memref<50xi32, #tpu.memory_space<vmem>>
      %dma_wait3A_135 = arith.constant 0 : i32
      %dma_wait3A_136 = arith.constant 0 : i32
      %dma_wait3A_137 = tpu.memref_slice %arg2[%dma_wait3A_135, %dma_wait3A_136] : memref<10000x128xf32, #tpu.memory_space<hbm>> -> memref<10000x128xf32, #tpu.memory_space<hbm>>
      tpu.wait_indirect_dma semaphore(%arg18 : memref<!tpu.dma_semaphore, #tpu.memory_space<semaphore_mem>>) src(%dma_wait3A_137 : memref<10000x128xf32, #tpu.memory_space<hbm>>) dst(%arg11 : memref<50x128xf32, #tpu.memory_space<vmem>>)
      %run_scoped3A_138 = arith.constant 16 : i32
      "tpu.region"() ({
        %run_scoped3A_317 = tpu.sem_alloc : memref<!tpu.dma_semaphore, #tpu.memory_space<semaphore_mem>>
        %dma_start3A_318 = arith.constant 0 : i32
        %dma_start3A_319 = tpu.memref_slice %arg8[%run_scoped3A_138, %dma_start3A_318] : memref<20x50xi32, #tpu.memory_space<vmem>> -> memref<1x50xi32, #tpu.memory_space<vmem>>
        %dma_start3A_320 = tpu.memref_squeeze %dma_start3A_319 : memref<1x50xi32, #tpu.memory_space<vmem>> -> memref<50xi32, #tpu.memory_space<vmem>>
        %dma_start3A_321 = arith.constant 0 : i32
        %dma_start3A_322 = arith.constant 0 : i32
        %dma_start3A_323 = tpu.memref_slice %arg15[%dma_start3A_321, %dma_start3A_322] : memref<10112x128xf32, #tpu.memory_space<vmem_shared>> -> memref<10112x128xf32, #tpu.memory_space<vmem_shared>>
        tpu.enqueue_indirect_dma source(%arg11 : memref<50x128xf32, #tpu.memory_space<vmem>>) target(%dma_start3A_323 : memref<10112x128xf32, #tpu.memory_space<vmem_shared>>) offsets(%dma_start3A_320 : memref<50xi32, #tpu.memory_space<vmem>>) semaphore(%run_scoped3A_317 : memref<!tpu.dma_semaphore, #tpu.memory_space<semaphore_mem>>) {add = true}
        %dma_wait3A_324 = arith.constant 0 : i32
        %dma_wait3A_325 = tpu.memref_slice %arg8[%run_scoped3A_138, %dma_wait3A_324] : memref<20x50xi32, #tpu.memory_space<vmem>> -> memref<1x50xi32, #tpu.memory_space<vmem>>
        %dma_wait3A_326 = tpu.memref_squeeze %dma_wait3A_325 : memref<1x50xi32, #tpu.memory_space<vmem>> -> memref<50xi32, #tpu.memory_space<vmem>>
        %dma_wait3A_327 = arith.constant 0 : i32
        %dma_wait3A_328 = arith.constant 0 : i32
        %dma_wait3A_329 = tpu.memref_slice %arg15[%dma_wait3A_327, %dma_wait3A_328] : memref<10112x128xf32, #tpu.memory_space<vmem_shared>> -> memref<10112x128xf32, #tpu.memory_space<vmem_shared>>
        tpu.wait_indirect_dma semaphore(%run_scoped3A_317 : memref<!tpu.dma_semaphore, #tpu.memory_space<semaphore_mem>>) src(%arg11 : memref<50x128xf32, #tpu.memory_space<vmem>>) dst(%dma_wait3A_329 : memref<10112x128xf32, #tpu.memory_space<vmem_shared>>)
        tpu.yield
      }) : () -> ()
      %dma_start3A_139 = arith.constant 0 : i32
      %dma_start3A_140 = arith.constant 0 : i32
      %dma_start3A_141 = tpu.memref_slice %arg9[%dma_start3A_139, %dma_start3A_140] : memref<20x50xi32, #tpu.memory_space<vmem>> -> memref<1x50xi32, #tpu.memory_space<vmem>>
      %dma_start3A_142 = tpu.memref_squeeze %dma_start3A_141 : memref<1x50xi32, #tpu.memory_space<vmem>> -> memref<50xi32, #tpu.memory_space<vmem>>
      %dma_start3A_143 = arith.constant 0 : i32
      %dma_start3A_144 = arith.constant 0 : i32
      %dma_start3A_145 = tpu.memref_slice %arg2[%dma_start3A_143, %dma_start3A_144] : memref<10000x128xf32, #tpu.memory_space<hbm>> -> memref<10000x128xf32, #tpu.memory_space<hbm>>
      tpu.enqueue_indirect_dma source(%dma_start3A_145 : memref<10000x128xf32, #tpu.memory_space<hbm>>) target(%arg11 : memref<50x128xf32, #tpu.memory_space<vmem>>) offsets(%dma_start3A_142 : memref<50xi32, #tpu.memory_space<vmem>>) semaphore(%arg18 : memref<!tpu.dma_semaphore, #tpu.memory_space<semaphore_mem>>)
      %dma_wait3A_146 = arith.constant 17 : i32
      %dma_wait3A_147 = arith.constant 0 : i32
      %dma_wait3A_148 = tpu.memref_slice %arg7[%dma_wait3A_146, %dma_wait3A_147] : memref<20x50xi32, #tpu.memory_space<vmem>> -> memref<1x50xi32, #tpu.memory_space<vmem>>
      %dma_wait3A_149 = tpu.memref_squeeze %dma_wait3A_148 : memref<1x50xi32, #tpu.memory_space<vmem>> -> memref<50xi32, #tpu.memory_space<vmem>>
      %dma_wait3A_150 = arith.constant 0 : i32
      %dma_wait3A_151 = arith.constant 0 : i32
      %dma_wait3A_152 = tpu.memref_slice %arg2[%dma_wait3A_150, %dma_wait3A_151] : memref<10000x128xf32, #tpu.memory_space<hbm>> -> memref<10000x128xf32, #tpu.memory_space<hbm>>
      tpu.wait_indirect_dma semaphore(%arg19 : memref<!tpu.dma_semaphore, #tpu.memory_space<semaphore_mem>>) src(%dma_wait3A_152 : memref<10000x128xf32, #tpu.memory_space<hbm>>) dst(%arg12 : memref<50x128xf32, #tpu.memory_space<vmem>>)
      %run_scoped3A_153 = arith.constant 17 : i32
      "tpu.region"() ({
        %run_scoped3A_317 = tpu.sem_alloc : memref<!tpu.dma_semaphore, #tpu.memory_space<semaphore_mem>>
        %dma_start3A_318 = arith.constant 0 : i32
        %dma_start3A_319 = tpu.memref_slice %arg8[%run_scoped3A_153, %dma_start3A_318] : memref<20x50xi32, #tpu.memory_space<vmem>> -> memref<1x50xi32, #tpu.memory_space<vmem>>
        %dma_start3A_320 = tpu.memref_squeeze %dma_start3A_319 : memref<1x50xi32, #tpu.memory_space<vmem>> -> memref<50xi32, #tpu.memory_space<vmem>>
        %dma_start3A_321 = arith.constant 0 : i32
        %dma_start3A_322 = arith.constant 0 : i32
        %dma_start3A_323 = tpu.memref_slice %arg15[%dma_start3A_321, %dma_start3A_322] : memref<10112x128xf32, #tpu.memory_space<vmem_shared>> -> memref<10112x128xf32, #tpu.memory_space<vmem_shared>>
        tpu.enqueue_indirect_dma source(%arg12 : memref<50x128xf32, #tpu.memory_space<vmem>>) target(%dma_start3A_323 : memref<10112x128xf32, #tpu.memory_space<vmem_shared>>) offsets(%dma_start3A_320 : memref<50xi32, #tpu.memory_space<vmem>>) semaphore(%run_scoped3A_317 : memref<!tpu.dma_semaphore, #tpu.memory_space<semaphore_mem>>) {add = true}
        %dma_wait3A_324 = arith.constant 0 : i32
        %dma_wait3A_325 = tpu.memref_slice %arg8[%run_scoped3A_153, %dma_wait3A_324] : memref<20x50xi32, #tpu.memory_space<vmem>> -> memref<1x50xi32, #tpu.memory_space<vmem>>
        %dma_wait3A_326 = tpu.memref_squeeze %dma_wait3A_325 : memref<1x50xi32, #tpu.memory_space<vmem>> -> memref<50xi32, #tpu.memory_space<vmem>>
        %dma_wait3A_327 = arith.constant 0 : i32
        %dma_wait3A_328 = arith.constant 0 : i32
        %dma_wait3A_329 = tpu.memref_slice %arg15[%dma_wait3A_327, %dma_wait3A_328] : memref<10112x128xf32, #tpu.memory_space<vmem_shared>> -> memref<10112x128xf32, #tpu.memory_space<vmem_shared>>
        tpu.wait_indirect_dma semaphore(%run_scoped3A_317 : memref<!tpu.dma_semaphore, #tpu.memory_space<semaphore_mem>>) src(%arg12 : memref<50x128xf32, #tpu.memory_space<vmem>>) dst(%dma_wait3A_329 : memref<10112x128xf32, #tpu.memory_space<vmem_shared>>)
        tpu.yield
      }) : () -> ()
      %dma_start3A_154 = arith.constant 1 : i32
      %dma_start3A_155 = arith.constant 0 : i32
      %dma_start3A_156 = tpu.memref_slice %arg9[%dma_start3A_154, %dma_start3A_155] : memref<20x50xi32, #tpu.memory_space<vmem>> -> memref<1x50xi32, #tpu.memory_space<vmem>>
      %dma_start3A_157 = tpu.memref_squeeze %dma_start3A_156 : memref<1x50xi32, #tpu.memory_space<vmem>> -> memref<50xi32, #tpu.memory_space<vmem>>
      %dma_start3A_158 = arith.constant 0 : i32
      %dma_start3A_159 = arith.constant 0 : i32
      %dma_start3A_160 = tpu.memref_slice %arg2[%dma_start3A_158, %dma_start3A_159] : memref<10000x128xf32, #tpu.memory_space<hbm>> -> memref<10000x128xf32, #tpu.memory_space<hbm>>
      tpu.enqueue_indirect_dma source(%dma_start3A_160 : memref<10000x128xf32, #tpu.memory_space<hbm>>) target(%arg12 : memref<50x128xf32, #tpu.memory_space<vmem>>) offsets(%dma_start3A_157 : memref<50xi32, #tpu.memory_space<vmem>>) semaphore(%arg19 : memref<!tpu.dma_semaphore, #tpu.memory_space<semaphore_mem>>)
      %dma_wait3A_161 = arith.constant 18 : i32
      %dma_wait3A_162 = arith.constant 0 : i32
      %dma_wait3A_163 = tpu.memref_slice %arg7[%dma_wait3A_161, %dma_wait3A_162] : memref<20x50xi32, #tpu.memory_space<vmem>> -> memref<1x50xi32, #tpu.memory_space<vmem>>
      %dma_wait3A_164 = tpu.memref_squeeze %dma_wait3A_163 : memref<1x50xi32, #tpu.memory_space<vmem>> -> memref<50xi32, #tpu.memory_space<vmem>>
      %dma_wait3A_165 = arith.constant 0 : i32
      %dma_wait3A_166 = arith.constant 0 : i32
      %dma_wait3A_167 = tpu.memref_slice %arg2[%dma_wait3A_165, %dma_wait3A_166] : memref<10000x128xf32, #tpu.memory_space<hbm>> -> memref<10000x128xf32, #tpu.memory_space<hbm>>
      tpu.wait_indirect_dma semaphore(%arg20 : memref<!tpu.dma_semaphore, #tpu.memory_space<semaphore_mem>>) src(%dma_wait3A_167 : memref<10000x128xf32, #tpu.memory_space<hbm>>) dst(%arg13 : memref<50x128xf32, #tpu.memory_space<vmem>>)
      %run_scoped3A_168 = arith.constant 18 : i32
      "tpu.region"() ({
        %run_scoped3A_317 = tpu.sem_alloc : memref<!tpu.dma_semaphore, #tpu.memory_space<semaphore_mem>>
        %dma_start3A_318 = arith.constant 0 : i32
        %dma_start3A_319 = tpu.memref_slice %arg8[%run_scoped3A_168, %dma_start3A_318] : memref<20x50xi32, #tpu.memory_space<vmem>> -> memref<1x50xi32, #tpu.memory_space<vmem>>
        %dma_start3A_320 = tpu.memref_squeeze %dma_start3A_319 : memref<1x50xi32, #tpu.memory_space<vmem>> -> memref<50xi32, #tpu.memory_space<vmem>>
        %dma_start3A_321 = arith.constant 0 : i32
        %dma_start3A_322 = arith.constant 0 : i32
        %dma_start3A_323 = tpu.memref_slice %arg15[%dma_start3A_321, %dma_start3A_322] : memref<10112x128xf32, #tpu.memory_space<vmem_shared>> -> memref<10112x128xf32, #tpu.memory_space<vmem_shared>>
        tpu.enqueue_indirect_dma source(%arg13 : memref<50x128xf32, #tpu.memory_space<vmem>>) target(%dma_start3A_323 : memref<10112x128xf32, #tpu.memory_space<vmem_shared>>) offsets(%dma_start3A_320 : memref<50xi32, #tpu.memory_space<vmem>>) semaphore(%run_scoped3A_317 : memref<!tpu.dma_semaphore, #tpu.memory_space<semaphore_mem>>) {add = true}
        %dma_wait3A_324 = arith.constant 0 : i32
        %dma_wait3A_325 = tpu.memref_slice %arg8[%run_scoped3A_168, %dma_wait3A_324] : memref<20x50xi32, #tpu.memory_space<vmem>> -> memref<1x50xi32, #tpu.memory_space<vmem>>
        %dma_wait3A_326 = tpu.memref_squeeze %dma_wait3A_325 : memref<1x50xi32, #tpu.memory_space<vmem>> -> memref<50xi32, #tpu.memory_space<vmem>>
        %dma_wait3A_327 = arith.constant 0 : i32
        %dma_wait3A_328 = arith.constant 0 : i32
        %dma_wait3A_329 = tpu.memref_slice %arg15[%dma_wait3A_327, %dma_wait3A_328] : memref<10112x128xf32, #tpu.memory_space<vmem_shared>> -> memref<10112x128xf32, #tpu.memory_space<vmem_shared>>
        tpu.wait_indirect_dma semaphore(%run_scoped3A_317 : memref<!tpu.dma_semaphore, #tpu.memory_space<semaphore_mem>>) src(%arg13 : memref<50x128xf32, #tpu.memory_space<vmem>>) dst(%dma_wait3A_329 : memref<10112x128xf32, #tpu.memory_space<vmem_shared>>)
        tpu.yield
      }) : () -> ()
      %dma_start3A_169 = arith.constant 2 : i32
      %dma_start3A_170 = arith.constant 0 : i32
      %dma_start3A_171 = tpu.memref_slice %arg9[%dma_start3A_169, %dma_start3A_170] : memref<20x50xi32, #tpu.memory_space<vmem>> -> memref<1x50xi32, #tpu.memory_space<vmem>>
      %dma_start3A_172 = tpu.memref_squeeze %dma_start3A_171 : memref<1x50xi32, #tpu.memory_space<vmem>> -> memref<50xi32, #tpu.memory_space<vmem>>
      %dma_start3A_173 = arith.constant 0 : i32
      %dma_start3A_174 = arith.constant 0 : i32
      %dma_start3A_175 = tpu.memref_slice %arg2[%dma_start3A_173, %dma_start3A_174] : memref<10000x128xf32, #tpu.memory_space<hbm>> -> memref<10000x128xf32, #tpu.memory_space<hbm>>
      tpu.enqueue_indirect_dma source(%dma_start3A_175 : memref<10000x128xf32, #tpu.memory_space<hbm>>) target(%arg13 : memref<50x128xf32, #tpu.memory_space<vmem>>) offsets(%dma_start3A_172 : memref<50xi32, #tpu.memory_space<vmem>>) semaphore(%arg20 : memref<!tpu.dma_semaphore, #tpu.memory_space<semaphore_mem>>)
      %dma_wait3A_176 = arith.constant 19 : i32
      %dma_wait3A_177 = arith.constant 0 : i32
      %dma_wait3A_178 = tpu.memref_slice %arg7[%dma_wait3A_176, %dma_wait3A_177] : memref<20x50xi32, #tpu.memory_space<vmem>> -> memref<1x50xi32, #tpu.memory_space<vmem>>
      %dma_wait3A_179 = tpu.memref_squeeze %dma_wait3A_178 : memref<1x50xi32, #tpu.memory_space<vmem>> -> memref<50xi32, #tpu.memory_space<vmem>>
      %dma_wait3A_180 = arith.constant 0 : i32
      %dma_wait3A_181 = arith.constant 0 : i32
      %dma_wait3A_182 = tpu.memref_slice %arg2[%dma_wait3A_180, %dma_wait3A_181] : memref<10000x128xf32, #tpu.memory_space<hbm>> -> memref<10000x128xf32, #tpu.memory_space<hbm>>
      tpu.wait_indirect_dma semaphore(%arg21 : memref<!tpu.dma_semaphore, #tpu.memory_space<semaphore_mem>>) src(%dma_wait3A_182 : memref<10000x128xf32, #tpu.memory_space<hbm>>) dst(%arg14 : memref<50x128xf32, #tpu.memory_space<vmem>>)
      %run_scoped3A_183 = arith.constant 19 : i32
      "tpu.region"() ({
        %run_scoped3A_317 = tpu.sem_alloc : memref<!tpu.dma_semaphore, #tpu.memory_space<semaphore_mem>>
        %dma_start3A_318 = arith.constant 0 : i32
        %dma_start3A_319 = tpu.memref_slice %arg8[%run_scoped3A_183, %dma_start3A_318] : memref<20x50xi32, #tpu.memory_space<vmem>> -> memref<1x50xi32, #tpu.memory_space<vmem>>
        %dma_start3A_320 = tpu.memref_squeeze %dma_start3A_319 : memref<1x50xi32, #tpu.memory_space<vmem>> -> memref<50xi32, #tpu.memory_space<vmem>>
        %dma_start3A_321 = arith.constant 0 : i32
        %dma_start3A_322 = arith.constant 0 : i32
        %dma_start3A_323 = tpu.memref_slice %arg15[%dma_start3A_321, %dma_start3A_322] : memref<10112x128xf32, #tpu.memory_space<vmem_shared>> -> memref<10112x128xf32, #tpu.memory_space<vmem_shared>>
        tpu.enqueue_indirect_dma source(%arg14 : memref<50x128xf32, #tpu.memory_space<vmem>>) target(%dma_start3A_323 : memref<10112x128xf32, #tpu.memory_space<vmem_shared>>) offsets(%dma_start3A_320 : memref<50xi32, #tpu.memory_space<vmem>>) semaphore(%run_scoped3A_317 : memref<!tpu.dma_semaphore, #tpu.memory_space<semaphore_mem>>) {add = true}
        %dma_wait3A_324 = arith.constant 0 : i32
        %dma_wait3A_325 = tpu.memref_slice %arg8[%run_scoped3A_183, %dma_wait3A_324] : memref<20x50xi32, #tpu.memory_space<vmem>> -> memref<1x50xi32, #tpu.memory_space<vmem>>
        %dma_wait3A_326 = tpu.memref_squeeze %dma_wait3A_325 : memref<1x50xi32, #tpu.memory_space<vmem>> -> memref<50xi32, #tpu.memory_space<vmem>>
        %dma_wait3A_327 = arith.constant 0 : i32
        %dma_wait3A_328 = arith.constant 0 : i32
        %dma_wait3A_329 = tpu.memref_slice %arg15[%dma_wait3A_327, %dma_wait3A_328] : memref<10112x128xf32, #tpu.memory_space<vmem_shared>> -> memref<10112x128xf32, #tpu.memory_space<vmem_shared>>
        tpu.wait_indirect_dma semaphore(%run_scoped3A_317 : memref<!tpu.dma_semaphore, #tpu.memory_space<semaphore_mem>>) src(%arg14 : memref<50x128xf32, #tpu.memory_space<vmem>>) dst(%dma_wait3A_329 : memref<10112x128xf32, #tpu.memory_space<vmem_shared>>)
        tpu.yield
      }) : () -> ()
      %dma_start3A_184 = arith.constant 3 : i32
      %dma_start3A_185 = arith.constant 0 : i32
      %dma_start3A_186 = tpu.memref_slice %arg9[%dma_start3A_184, %dma_start3A_185] : memref<20x50xi32, #tpu.memory_space<vmem>> -> memref<1x50xi32, #tpu.memory_space<vmem>>
      %dma_start3A_187 = tpu.memref_squeeze %dma_start3A_186 : memref<1x50xi32, #tpu.memory_space<vmem>> -> memref<50xi32, #tpu.memory_space<vmem>>
      %dma_start3A_188 = arith.constant 0 : i32
      %dma_start3A_189 = arith.constant 0 : i32
      %dma_start3A_190 = tpu.memref_slice %arg2[%dma_start3A_188, %dma_start3A_189] : memref<10000x128xf32, #tpu.memory_space<hbm>> -> memref<10000x128xf32, #tpu.memory_space<hbm>>
      tpu.enqueue_indirect_dma source(%dma_start3A_190 : memref<10000x128xf32, #tpu.memory_space<hbm>>) target(%arg14 : memref<50x128xf32, #tpu.memory_space<vmem>>) offsets(%dma_start3A_187 : memref<50xi32, #tpu.memory_space<vmem>>) semaphore(%arg21 : memref<!tpu.dma_semaphore, #tpu.memory_space<semaphore_mem>>)
      %add3A_191 = arith.constant 0 : i32
      %add3A_192 = arith.addi %add3A_107, %add3A_191 : i32
      %add3A_193 = arith.constant 2 : i32
      %add3A_194 = arith.addi %add3A_192, %add3A_193 : i32
      %min3A = arith.constant 9 : i32
      %min3A_195 = arith.minsi %add3A_194, %min3A : i32
      %dma_start3A_196 = arith.constant 0 : i32
      %dma_start3A_197 = arith.constant 0 : i32
      %dma_start3A_198 = tpu.memref_slice %arg3[%add3A, %min3A_195, %dma_start3A_196, %dma_start3A_197] : memref<32x10x20x50xi32, #tpu.memory_space<hbm>> -> memref<1x1x20x50xi32, #tpu.memory_space<hbm>>
      %dma_start3A_199 = tpu.memref_squeeze %dma_start3A_198 : memref<1x1x20x50xi32, #tpu.memory_space<hbm>> -> memref<20x50xi32, #tpu.memory_space<hbm>>
      %dma_start3A_200 = arith.constant 0 : i32
      %dma_start3A_201 = arith.constant 0 : i32
      %dma_start3A_202 = tpu.memref_slice %arg3[%add3A, %min3A_195, %dma_start3A_200, %dma_start3A_201] : memref<32x10x20x50xi32, #tpu.memory_space<hbm>> -> memref<1x1x20x50xi32, #tpu.memory_space<hbm>>
      %dma_start3A_203 = tpu.memref_squeeze %dma_start3A_202 : memref<1x1x20x50xi32, #tpu.memory_space<hbm>> -> memref<20x50xi32, #tpu.memory_space<hbm>>
      tpu.enqueue_dma source(%dma_start3A_203 : memref<20x50xi32, #tpu.memory_space<hbm>>) target(%arg7 : memref<20x50xi32, #tpu.memory_space<vmem>>) target_semaphore(%arg16 : memref<!tpu.dma_semaphore, #tpu.memory_space<semaphore_mem>>)
      %dma_start3A_204 = arith.constant 0 : i32
      %dma_start3A_205 = arith.constant 0 : i32
      %dma_start3A_206 = tpu.memref_slice %arg4[%add3A, %min3A_195, %dma_start3A_204, %dma_start3A_205] : memref<32x10x20x50xi32, #tpu.memory_space<hbm>> -> memref<1x1x20x50xi32, #tpu.memory_space<hbm>>
      %dma_start3A_207 = tpu.memref_squeeze %dma_start3A_206 : memref<1x1x20x50xi32, #tpu.memory_space<hbm>> -> memref<20x50xi32, #tpu.memory_space<hbm>>
      %dma_start3A_208 = arith.constant 0 : i32
      %dma_start3A_209 = arith.constant 0 : i32
      %dma_start3A_210 = tpu.memref_slice %arg4[%add3A, %min3A_195, %dma_start3A_208, %dma_start3A_209] : memref<32x10x20x50xi32, #tpu.memory_space<hbm>> -> memref<1x1x20x50xi32, #tpu.memory_space<hbm>>
      %dma_start3A_211 = tpu.memref_squeeze %dma_start3A_210 : memref<1x1x20x50xi32, #tpu.memory_space<hbm>> -> memref<20x50xi32, #tpu.memory_space<hbm>>
      tpu.enqueue_dma source(%dma_start3A_211 : memref<20x50xi32, #tpu.memory_space<hbm>>) target(%arg8 : memref<20x50xi32, #tpu.memory_space<vmem>>) target_semaphore(%arg16 : memref<!tpu.dma_semaphore, #tpu.memory_space<semaphore_mem>>)
      %scan3A_212 = arith.constant 0 : i32
      %scan3A_213 = arith.constant 4 : i32
      %scan3A_214 = arith.addi %scan3A_212, %scan3A_213 : i32
      %scan3A_215 = arith.constant 1 : i32
      scf.for %scan3A_317 = %scan3A_212 to %scan3A_214 step %scan3A_215  : i32 {
        %mul3A_318 = arith.constant 4 : i32
        %mul3A_319 = arith.muli %scan3A_317, %mul3A_318 : i32
        %add3A_320 = arith.constant 0 : i32
        %add3A_321 = arith.addi %add3A_320, %mul3A_319 : i32
        %add3A_322 = arith.constant 0 : i32
        %add3A_323 = arith.addi %add3A_321, %add3A_322 : i32
        %dma_wait3A_324 = arith.constant 0 : i32
        %dma_wait3A_325 = tpu.memref_slice %arg9[%add3A_323, %dma_wait3A_324] : memref<20x50xi32, #tpu.memory_space<vmem>> -> memref<1x50xi32, #tpu.memory_space<vmem>>
        %dma_wait3A_326 = tpu.memref_squeeze %dma_wait3A_325 : memref<1x50xi32, #tpu.memory_space<vmem>> -> memref<50xi32, #tpu.memory_space<vmem>>
        %dma_wait3A_327 = arith.constant 0 : i32
        %dma_wait3A_328 = arith.constant 0 : i32
        %dma_wait3A_329 = tpu.memref_slice %arg2[%dma_wait3A_327, %dma_wait3A_328] : memref<10000x128xf32, #tpu.memory_space<hbm>> -> memref<10000x128xf32, #tpu.memory_space<hbm>>
        tpu.wait_indirect_dma semaphore(%arg18 : memref<!tpu.dma_semaphore, #tpu.memory_space<semaphore_mem>>) src(%dma_wait3A_329 : memref<10000x128xf32, #tpu.memory_space<hbm>>) dst(%arg11 : memref<50x128xf32, #tpu.memory_space<vmem>>)
        "tpu.region"() ({
          %run_scoped3A_386 = tpu.sem_alloc : memref<!tpu.dma_semaphore, #tpu.memory_space<semaphore_mem>>
          %dma_start3A_387 = arith.constant 0 : i32
          %dma_start3A_388 = tpu.memref_slice %arg10[%add3A_323, %dma_start3A_387] : memref<20x50xi32, #tpu.memory_space<vmem>> -> memref<1x50xi32, #tpu.memory_space<vmem>>
          %dma_start3A_389 = tpu.memref_squeeze %dma_start3A_388 : memref<1x50xi32, #tpu.memory_space<vmem>> -> memref<50xi32, #tpu.memory_space<vmem>>
          %dma_start3A_390 = arith.constant 0 : i32
          %dma_start3A_391 = arith.constant 0 : i32
          %dma_start3A_392 = tpu.memref_slice %arg15[%dma_start3A_390, %dma_start3A_391] : memref<10112x128xf32, #tpu.memory_space<vmem_shared>> -> memref<10112x128xf32, #tpu.memory_space<vmem_shared>>
          tpu.enqueue_indirect_dma source(%arg11 : memref<50x128xf32, #tpu.memory_space<vmem>>) target(%dma_start3A_392 : memref<10112x128xf32, #tpu.memory_space<vmem_shared>>) offsets(%dma_start3A_389 : memref<50xi32, #tpu.memory_space<vmem>>) semaphore(%run_scoped3A_386 : memref<!tpu.dma_semaphore, #tpu.memory_space<semaphore_mem>>) {add = true}
          %dma_wait3A_393 = arith.constant 0 : i32
          %dma_wait3A_394 = tpu.memref_slice %arg10[%add3A_323, %dma_wait3A_393] : memref<20x50xi32, #tpu.memory_space<vmem>> -> memref<1x50xi32, #tpu.memory_space<vmem>>
          %dma_wait3A_395 = tpu.memref_squeeze %dma_wait3A_394 : memref<1x50xi32, #tpu.memory_space<vmem>> -> memref<50xi32, #tpu.memory_space<vmem>>
          %dma_wait3A_396 = arith.constant 0 : i32
          %dma_wait3A_397 = arith.constant 0 : i32
          %dma_wait3A_398 = tpu.memref_slice %arg15[%dma_wait3A_396, %dma_wait3A_397] : memref<10112x128xf32, #tpu.memory_space<vmem_shared>> -> memref<10112x128xf32, #tpu.memory_space<vmem_shared>>
          tpu.wait_indirect_dma semaphore(%run_scoped3A_386 : memref<!tpu.dma_semaphore, #tpu.memory_space<semaphore_mem>>) src(%arg11 : memref<50x128xf32, #tpu.memory_space<vmem>>) dst(%dma_wait3A_398 : memref<10112x128xf32, #tpu.memory_space<vmem_shared>>)
          tpu.yield
        }) : () -> ()
        %add3A_330 = arith.constant 4 : i32
        %add3A_331 = arith.addi %add3A_323, %add3A_330 : i32
        %dma_start3A_332 = arith.constant 0 : i32
        %dma_start3A_333 = tpu.memref_slice %arg9[%add3A_331, %dma_start3A_332] : memref<20x50xi32, #tpu.memory_space<vmem>> -> memref<1x50xi32, #tpu.memory_space<vmem>>
        %dma_start3A_334 = tpu.memref_squeeze %dma_start3A_333 : memref<1x50xi32, #tpu.memory_space<vmem>> -> memref<50xi32, #tpu.memory_space<vmem>>
        %dma_start3A_335 = arith.constant 0 : i32
        %dma_start3A_336 = arith.constant 0 : i32
        %dma_start3A_337 = tpu.memref_slice %arg2[%dma_start3A_335, %dma_start3A_336] : memref<10000x128xf32, #tpu.memory_space<hbm>> -> memref<10000x128xf32, #tpu.memory_space<hbm>>
        tpu.enqueue_indirect_dma source(%dma_start3A_337 : memref<10000x128xf32, #tpu.memory_space<hbm>>) target(%arg11 : memref<50x128xf32, #tpu.memory_space<vmem>>) offsets(%dma_start3A_334 : memref<50xi32, #tpu.memory_space<vmem>>) semaphore(%arg18 : memref<!tpu.dma_semaphore, #tpu.memory_space<semaphore_mem>>)
        %add3A_338 = arith.constant 1 : i32
        %add3A_339 = arith.addi %add3A_321, %add3A_338 : i32
        %dma_wait3A_340 = arith.constant 0 : i32
        %dma_wait3A_341 = tpu.memref_slice %arg9[%add3A_339, %dma_wait3A_340] : memref<20x50xi32, #tpu.memory_space<vmem>> -> memref<1x50xi32, #tpu.memory_space<vmem>>
        %dma_wait3A_342 = tpu.memref_squeeze %dma_wait3A_341 : memref<1x50xi32, #tpu.memory_space<vmem>> -> memref<50xi32, #tpu.memory_space<vmem>>
        %dma_wait3A_343 = arith.constant 0 : i32
        %dma_wait3A_344 = arith.constant 0 : i32
        %dma_wait3A_345 = tpu.memref_slice %arg2[%dma_wait3A_343, %dma_wait3A_344] : memref<10000x128xf32, #tpu.memory_space<hbm>> -> memref<10000x128xf32, #tpu.memory_space<hbm>>
        tpu.wait_indirect_dma semaphore(%arg19 : memref<!tpu.dma_semaphore, #tpu.memory_space<semaphore_mem>>) src(%dma_wait3A_345 : memref<10000x128xf32, #tpu.memory_space<hbm>>) dst(%arg12 : memref<50x128xf32, #tpu.memory_space<vmem>>)
        "tpu.region"() ({
          %run_scoped3A_386 = tpu.sem_alloc : memref<!tpu.dma_semaphore, #tpu.memory_space<semaphore_mem>>
          %dma_start3A_387 = arith.constant 0 : i32
          %dma_start3A_388 = tpu.memref_slice %arg10[%add3A_339, %dma_start3A_387] : memref<20x50xi32, #tpu.memory_space<vmem>> -> memref<1x50xi32, #tpu.memory_space<vmem>>
          %dma_start3A_389 = tpu.memref_squeeze %dma_start3A_388 : memref<1x50xi32, #tpu.memory_space<vmem>> -> memref<50xi32, #tpu.memory_space<vmem>>
          %dma_start3A_390 = arith.constant 0 : i32
          %dma_start3A_391 = arith.constant 0 : i32
          %dma_start3A_392 = tpu.memref_slice %arg15[%dma_start3A_390, %dma_start3A_391] : memref<10112x128xf32, #tpu.memory_space<vmem_shared>> -> memref<10112x128xf32, #tpu.memory_space<vmem_shared>>
          tpu.enqueue_indirect_dma source(%arg12 : memref<50x128xf32, #tpu.memory_space<vmem>>) target(%dma_start3A_392 : memref<10112x128xf32, #tpu.memory_space<vmem_shared>>) offsets(%dma_start3A_389 : memref<50xi32, #tpu.memory_space<vmem>>) semaphore(%run_scoped3A_386 : memref<!tpu.dma_semaphore, #tpu.memory_space<semaphore_mem>>) {add = true}
          %dma_wait3A_393 = arith.constant 0 : i32
          %dma_wait3A_394 = tpu.memref_slice %arg10[%add3A_339, %dma_wait3A_393] : memref<20x50xi32, #tpu.memory_space<vmem>> -> memref<1x50xi32, #tpu.memory_space<vmem>>
          %dma_wait3A_395 = tpu.memref_squeeze %dma_wait3A_394 : memref<1x50xi32, #tpu.memory_space<vmem>> -> memref<50xi32, #tpu.memory_space<vmem>>
          %dma_wait3A_396 = arith.constant 0 : i32
          %dma_wait3A_397 = arith.constant 0 : i32
          %dma_wait3A_398 = tpu.memref_slice %arg15[%dma_wait3A_396, %dma_wait3A_397] : memref<10112x128xf32, #tpu.memory_space<vmem_shared>> -> memref<10112x128xf32, #tpu.memory_space<vmem_shared>>
          tpu.wait_indirect_dma semaphore(%run_scoped3A_386 : memref<!tpu.dma_semaphore, #tpu.memory_space<semaphore_mem>>) src(%arg12 : memref<50x128xf32, #tpu.memory_space<vmem>>) dst(%dma_wait3A_398 : memref<10112x128xf32, #tpu.memory_space<vmem_shared>>)
          tpu.yield
        }) : () -> ()
        %add3A_346 = arith.constant 4 : i32
        %add3A_347 = arith.addi %add3A_339, %add3A_346 : i32
        %dma_start3A_348 = arith.constant 0 : i32
        %dma_start3A_349 = tpu.memref_slice %arg9[%add3A_347, %dma_start3A_348] : memref<20x50xi32, #tpu.memory_space<vmem>> -> memref<1x50xi32, #tpu.memory_space<vmem>>
        %dma_start3A_350 = tpu.memref_squeeze %dma_start3A_349 : memref<1x50xi32, #tpu.memory_space<vmem>> -> memref<50xi32, #tpu.memory_space<vmem>>
        %dma_start3A_351 = arith.constant 0 : i32
        %dma_start3A_352 = arith.constant 0 : i32
        %dma_start3A_353 = tpu.memref_slice %arg2[%dma_start3A_351, %dma_start3A_352] : memref<10000x128xf32, #tpu.memory_space<hbm>> -> memref<10000x128xf32, #tpu.memory_space<hbm>>
        tpu.enqueue_indirect_dma source(%dma_start3A_353 : memref<10000x128xf32, #tpu.memory_space<hbm>>) target(%arg12 : memref<50x128xf32, #tpu.memory_space<vmem>>) offsets(%dma_start3A_350 : memref<50xi32, #tpu.memory_space<vmem>>) semaphore(%arg19 : memref<!tpu.dma_semaphore, #tpu.memory_space<semaphore_mem>>)
        %add3A_354 = arith.constant 2 : i32
        %add3A_355 = arith.addi %add3A_321, %add3A_354 : i32
        %dma_wait3A_356 = arith.constant 0 : i32
        %dma_wait3A_357 = tpu.memref_slice %arg9[%add3A_355, %dma_wait3A_356] : memref<20x50xi32, #tpu.memory_space<vmem>> -> memref<1x50xi32, #tpu.memory_space<vmem>>
        %dma_wait3A_358 = tpu.memref_squeeze %dma_wait3A_357 : memref<1x50xi32, #tpu.memory_space<vmem>> -> memref<50xi32, #tpu.memory_space<vmem>>
        %dma_wait3A_359 = arith.constant 0 : i32
        %dma_wait3A_360 = arith.constant 0 : i32
        %dma_wait3A_361 = tpu.memref_slice %arg2[%dma_wait3A_359, %dma_wait3A_360] : memref<10000x128xf32, #tpu.memory_space<hbm>> -> memref<10000x128xf32, #tpu.memory_space<hbm>>
        tpu.wait_indirect_dma semaphore(%arg20 : memref<!tpu.dma_semaphore, #tpu.memory_space<semaphore_mem>>) src(%dma_wait3A_361 : memref<10000x128xf32, #tpu.memory_space<hbm>>) dst(%arg13 : memref<50x128xf32, #tpu.memory_space<vmem>>)
        "tpu.region"() ({
          %run_scoped3A_386 = tpu.sem_alloc : memref<!tpu.dma_semaphore, #tpu.memory_space<semaphore_mem>>
          %dma_start3A_387 = arith.constant 0 : i32
          %dma_start3A_388 = tpu.memref_slice %arg10[%add3A_355, %dma_start3A_387] : memref<20x50xi32, #tpu.memory_space<vmem>> -> memref<1x50xi32, #tpu.memory_space<vmem>>
          %dma_start3A_389 = tpu.memref_squeeze %dma_start3A_388 : memref<1x50xi32, #tpu.memory_space<vmem>> -> memref<50xi32, #tpu.memory_space<vmem>>
          %dma_start3A_390 = arith.constant 0 : i32
          %dma_start3A_391 = arith.constant 0 : i32
          %dma_start3A_392 = tpu.memref_slice %arg15[%dma_start3A_390, %dma_start3A_391] : memref<10112x128xf32, #tpu.memory_space<vmem_shared>> -> memref<10112x128xf32, #tpu.memory_space<vmem_shared>>
          tpu.enqueue_indirect_dma source(%arg13 : memref<50x128xf32, #tpu.memory_space<vmem>>) target(%dma_start3A_392 : memref<10112x128xf32, #tpu.memory_space<vmem_shared>>) offsets(%dma_start3A_389 : memref<50xi32, #tpu.memory_space<vmem>>) semaphore(%run_scoped3A_386 : memref<!tpu.dma_semaphore, #tpu.memory_space<semaphore_mem>>) {add = true}
          %dma_wait3A_393 = arith.constant 0 : i32
          %dma_wait3A_394 = tpu.memref_slice %arg10[%add3A_355, %dma_wait3A_393] : memref<20x50xi32, #tpu.memory_space<vmem>> -> memref<1x50xi32, #tpu.memory_space<vmem>>
          %dma_wait3A_395 = tpu.memref_squeeze %dma_wait3A_394 : memref<1x50xi32, #tpu.memory_space<vmem>> -> memref<50xi32, #tpu.memory_space<vmem>>
          %dma_wait3A_396 = arith.constant 0 : i32
          %dma_wait3A_397 = arith.constant 0 : i32
          %dma_wait3A_398 = tpu.memref_slice %arg15[%dma_wait3A_396, %dma_wait3A_397] : memref<10112x128xf32, #tpu.memory_space<vmem_shared>> -> memref<10112x128xf32, #tpu.memory_space<vmem_shared>>
          tpu.wait_indirect_dma semaphore(%run_scoped3A_386 : memref<!tpu.dma_semaphore, #tpu.memory_space<semaphore_mem>>) src(%arg13 : memref<50x128xf32, #tpu.memory_space<vmem>>) dst(%dma_wait3A_398 : memref<10112x128xf32, #tpu.memory_space<vmem_shared>>)
          tpu.yield
        }) : () -> ()
        %add3A_362 = arith.constant 4 : i32
        %add3A_363 = arith.addi %add3A_355, %add3A_362 : i32
        %dma_start3A_364 = arith.constant 0 : i32
        %dma_start3A_365 = tpu.memref_slice %arg9[%add3A_363, %dma_start3A_364] : memref<20x50xi32, #tpu.memory_space<vmem>> -> memref<1x50xi32, #tpu.memory_space<vmem>>
        %dma_start3A_366 = tpu.memref_squeeze %dma_start3A_365 : memref<1x50xi32, #tpu.memory_space<vmem>> -> memref<50xi32, #tpu.memory_space<vmem>>
        %dma_start3A_367 = arith.constant 0 : i32
        %dma_start3A_368 = arith.constant 0 : i32
        %dma_start3A_369 = tpu.memref_slice %arg2[%dma_start3A_367, %dma_start3A_368] : memref<10000x128xf32, #tpu.memory_space<hbm>> -> memref<10000x128xf32, #tpu.memory_space<hbm>>
        tpu.enqueue_indirect_dma source(%dma_start3A_369 : memref<10000x128xf32, #tpu.memory_space<hbm>>) target(%arg13 : memref<50x128xf32, #tpu.memory_space<vmem>>) offsets(%dma_start3A_366 : memref<50xi32, #tpu.memory_space<vmem>>) semaphore(%arg20 : memref<!tpu.dma_semaphore, #tpu.memory_space<semaphore_mem>>)
        %add3A_370 = arith.constant 3 : i32
        %add3A_371 = arith.addi %add3A_321, %add3A_370 : i32
        %dma_wait3A_372 = arith.constant 0 : i32
        %dma_wait3A_373 = tpu.memref_slice %arg9[%add3A_371, %dma_wait3A_372] : memref<20x50xi32, #tpu.memory_space<vmem>> -> memref<1x50xi32, #tpu.memory_space<vmem>>
        %dma_wait3A_374 = tpu.memref_squeeze %dma_wait3A_373 : memref<1x50xi32, #tpu.memory_space<vmem>> -> memref<50xi32, #tpu.memory_space<vmem>>
        %dma_wait3A_375 = arith.constant 0 : i32
        %dma_wait3A_376 = arith.constant 0 : i32
        %dma_wait3A_377 = tpu.memref_slice %arg2[%dma_wait3A_375, %dma_wait3A_376] : memref<10000x128xf32, #tpu.memory_space<hbm>> -> memref<10000x128xf32, #tpu.memory_space<hbm>>
        tpu.wait_indirect_dma semaphore(%arg21 : memref<!tpu.dma_semaphore, #tpu.memory_space<semaphore_mem>>) src(%dma_wait3A_377 : memref<10000x128xf32, #tpu.memory_space<hbm>>) dst(%arg14 : memref<50x128xf32, #tpu.memory_space<vmem>>)
        "tpu.region"() ({
          %run_scoped3A_386 = tpu.sem_alloc : memref<!tpu.dma_semaphore, #tpu.memory_space<semaphore_mem>>
          %dma_start3A_387 = arith.constant 0 : i32
          %dma_start3A_388 = tpu.memref_slice %arg10[%add3A_371, %dma_start3A_387] : memref<20x50xi32, #tpu.memory_space<vmem>> -> memref<1x50xi32, #tpu.memory_space<vmem>>
          %dma_start3A_389 = tpu.memref_squeeze %dma_start3A_388 : memref<1x50xi32, #tpu.memory_space<vmem>> -> memref<50xi32, #tpu.memory_space<vmem>>
          %dma_start3A_390 = arith.constant 0 : i32
          %dma_start3A_391 = arith.constant 0 : i32
          %dma_start3A_392 = tpu.memref_slice %arg15[%dma_start3A_390, %dma_start3A_391] : memref<10112x128xf32, #tpu.memory_space<vmem_shared>> -> memref<10112x128xf32, #tpu.memory_space<vmem_shared>>
          tpu.enqueue_indirect_dma source(%arg14 : memref<50x128xf32, #tpu.memory_space<vmem>>) target(%dma_start3A_392 : memref<10112x128xf32, #tpu.memory_space<vmem_shared>>) offsets(%dma_start3A_389 : memref<50xi32, #tpu.memory_space<vmem>>) semaphore(%run_scoped3A_386 : memref<!tpu.dma_semaphore, #tpu.memory_space<semaphore_mem>>) {add = true}
          %dma_wait3A_393 = arith.constant 0 : i32
          %dma_wait3A_394 = tpu.memref_slice %arg10[%add3A_371, %dma_wait3A_393] : memref<20x50xi32, #tpu.memory_space<vmem>> -> memref<1x50xi32, #tpu.memory_space<vmem>>
          %dma_wait3A_395 = tpu.memref_squeeze %dma_wait3A_394 : memref<1x50xi32, #tpu.memory_space<vmem>> -> memref<50xi32, #tpu.memory_space<vmem>>
          %dma_wait3A_396 = arith.constant 0 : i32
          %dma_wait3A_397 = arith.constant 0 : i32
          %dma_wait3A_398 = tpu.memref_slice %arg15[%dma_wait3A_396, %dma_wait3A_397] : memref<10112x128xf32, #tpu.memory_space<vmem_shared>> -> memref<10112x128xf32, #tpu.memory_space<vmem_shared>>
          tpu.wait_indirect_dma semaphore(%run_scoped3A_386 : memref<!tpu.dma_semaphore, #tpu.memory_space<semaphore_mem>>) src(%arg14 : memref<50x128xf32, #tpu.memory_space<vmem>>) dst(%dma_wait3A_398 : memref<10112x128xf32, #tpu.memory_space<vmem_shared>>)
          tpu.yield
        }) : () -> ()
        %add3A_378 = arith.constant 4 : i32
        %add3A_379 = arith.addi %add3A_371, %add3A_378 : i32
        %dma_start3A_380 = arith.constant 0 : i32
        %dma_start3A_381 = tpu.memref_slice %arg9[%add3A_379, %dma_start3A_380] : memref<20x50xi32, #tpu.memory_space<vmem>> -> memref<1x50xi32, #tpu.memory_space<vmem>>
        %dma_start3A_382 = tpu.memref_squeeze %dma_start3A_381 : memref<1x50xi32, #tpu.memory_space<vmem>> -> memref<50xi32, #tpu.memory_space<vmem>>
        %dma_start3A_383 = arith.constant 0 : i32
        %dma_start3A_384 = arith.constant 0 : i32
        %dma_start3A_385 = tpu.memref_slice %arg2[%dma_start3A_383, %dma_start3A_384] : memref<10000x128xf32, #tpu.memory_space<hbm>> -> memref<10000x128xf32, #tpu.memory_space<hbm>>
        tpu.enqueue_indirect_dma source(%dma_start3A_385 : memref<10000x128xf32, #tpu.memory_space<hbm>>) target(%arg14 : memref<50x128xf32, #tpu.memory_space<vmem>>) offsets(%dma_start3A_382 : memref<50xi32, #tpu.memory_space<vmem>>) semaphore(%arg21 : memref<!tpu.dma_semaphore, #tpu.memory_space<semaphore_mem>>)
      }
      %scan3A_216 = arith.constant 4 : i32
      %dma_wait3A_217 = arith.constant 0 : i32
      %dma_wait3A_218 = arith.constant 0 : i32
      %dma_wait3A_219 = arith.constant 0 : i32
      %dma_wait3A_220 = tpu.memref_slice %arg3[%add3A, %dma_wait3A_217, %dma_wait3A_218, %dma_wait3A_219] : memref<32x10x20x50xi32, #tpu.memory_space<hbm>> -> memref<1x1x20x50xi32, #tpu.memory_space<hbm>>
      %dma_wait3A_221 = tpu.memref_squeeze %dma_wait3A_220 : memref<1x1x20x50xi32, #tpu.memory_space<hbm>> -> memref<20x50xi32, #tpu.memory_space<hbm>>
      %dma_wait3A_222 = arith.constant 0 : i32
      %dma_wait3A_223 = arith.constant 0 : i32
      %dma_wait3A_224 = tpu.memref_slice %arg3[%add3A, %dma_wait3A_217, %dma_wait3A_222, %dma_wait3A_223] : memref<32x10x20x50xi32, #tpu.memory_space<hbm>> -> memref<1x1x20x50xi32, #tpu.memory_space<hbm>>
      %dma_wait3A_225 = tpu.memref_squeeze %dma_wait3A_224 : memref<1x1x20x50xi32, #tpu.memory_space<hbm>> -> memref<20x50xi32, #tpu.memory_space<hbm>>
      tpu.wait_dma2 semaphore(%arg16 : memref<!tpu.dma_semaphore, #tpu.memory_space<semaphore_mem>>) src(%dma_wait3A_225 : memref<20x50xi32, #tpu.memory_space<hbm>>) dst(%arg7 : memref<20x50xi32, #tpu.memory_space<vmem>>)
      %dma_wait3A_226 = arith.constant 0 : i32
      %dma_wait3A_227 = arith.constant 0 : i32
      %dma_wait3A_228 = arith.constant 0 : i32
      %dma_wait3A_229 = tpu.memref_slice %arg4[%add3A, %dma_wait3A_226, %dma_wait3A_227, %dma_wait3A_228] : memref<32x10x20x50xi32, #tpu.memory_space<hbm>> -> memref<1x1x20x50xi32, #tpu.memory_space<hbm>>
      %dma_wait3A_230 = tpu.memref_squeeze %dma_wait3A_229 : memref<1x1x20x50xi32, #tpu.memory_space<hbm>> -> memref<20x50xi32, #tpu.memory_space<hbm>>
      %dma_wait3A_231 = arith.constant 0 : i32
      %dma_wait3A_232 = arith.constant 0 : i32
      %dma_wait3A_233 = tpu.memref_slice %arg4[%add3A, %dma_wait3A_226, %dma_wait3A_231, %dma_wait3A_232] : memref<32x10x20x50xi32, #tpu.memory_space<hbm>> -> memref<1x1x20x50xi32, #tpu.memory_space<hbm>>
      %dma_wait3A_234 = tpu.memref_squeeze %dma_wait3A_233 : memref<1x1x20x50xi32, #tpu.memory_space<hbm>> -> memref<20x50xi32, #tpu.memory_space<hbm>>
      tpu.wait_dma2 semaphore(%arg16 : memref<!tpu.dma_semaphore, #tpu.memory_space<semaphore_mem>>) src(%dma_wait3A_234 : memref<20x50xi32, #tpu.memory_space<hbm>>) dst(%arg8 : memref<20x50xi32, #tpu.memory_space<vmem>>)
      %dma_wait3A_235 = arith.constant 16 : i32
      %dma_wait3A_236 = arith.constant 0 : i32
      %dma_wait3A_237 = tpu.memref_slice %arg9[%dma_wait3A_235, %dma_wait3A_236] : memref<20x50xi32, #tpu.memory_space<vmem>> -> memref<1x50xi32, #tpu.memory_space<vmem>>
      %dma_wait3A_238 = tpu.memref_squeeze %dma_wait3A_237 : memref<1x50xi32, #tpu.memory_space<vmem>> -> memref<50xi32, #tpu.memory_space<vmem>>
      %dma_wait3A_239 = arith.constant 0 : i32
      %dma_wait3A_240 = arith.constant 0 : i32
      %dma_wait3A_241 = tpu.memref_slice %arg2[%dma_wait3A_239, %dma_wait3A_240] : memref<10000x128xf32, #tpu.memory_space<hbm>> -> memref<10000x128xf32, #tpu.memory_space<hbm>>
      tpu.wait_indirect_dma semaphore(%arg18 : memref<!tpu.dma_semaphore, #tpu.memory_space<semaphore_mem>>) src(%dma_wait3A_241 : memref<10000x128xf32, #tpu.memory_space<hbm>>) dst(%arg11 : memref<50x128xf32, #tpu.memory_space<vmem>>)
      %run_scoped3A_242 = arith.constant 16 : i32
      "tpu.region"() ({
        %run_scoped3A_317 = tpu.sem_alloc : memref<!tpu.dma_semaphore, #tpu.memory_space<semaphore_mem>>
        %dma_start3A_318 = arith.constant 0 : i32
        %dma_start3A_319 = tpu.memref_slice %arg10[%run_scoped3A_242, %dma_start3A_318] : memref<20x50xi32, #tpu.memory_space<vmem>> -> memref<1x50xi32, #tpu.memory_space<vmem>>
        %dma_start3A_320 = tpu.memref_squeeze %dma_start3A_319 : memref<1x50xi32, #tpu.memory_space<vmem>> -> memref<50xi32, #tpu.memory_space<vmem>>
        %dma_start3A_321 = arith.constant 0 : i32
        %dma_start3A_322 = arith.constant 0 : i32
        %dma_start3A_323 = tpu.memref_slice %arg15[%dma_start3A_321, %dma_start3A_322] : memref<10112x128xf32, #tpu.memory_space<vmem_shared>> -> memref<10112x128xf32, #tpu.memory_space<vmem_shared>>
        tpu.enqueue_indirect_dma source(%arg11 : memref<50x128xf32, #tpu.memory_space<vmem>>) target(%dma_start3A_323 : memref<10112x128xf32, #tpu.memory_space<vmem_shared>>) offsets(%dma_start3A_320 : memref<50xi32, #tpu.memory_space<vmem>>) semaphore(%run_scoped3A_317 : memref<!tpu.dma_semaphore, #tpu.memory_space<semaphore_mem>>) {add = true}
        %dma_wait3A_324 = arith.constant 0 : i32
        %dma_wait3A_325 = tpu.memref_slice %arg10[%run_scoped3A_242, %dma_wait3A_324] : memref<20x50xi32, #tpu.memory_space<vmem>> -> memref<1x50xi32, #tpu.memory_space<vmem>>
        %dma_wait3A_326 = tpu.memref_squeeze %dma_wait3A_325 : memref<1x50xi32, #tpu.memory_space<vmem>> -> memref<50xi32, #tpu.memory_space<vmem>>
        %dma_wait3A_327 = arith.constant 0 : i32
        %dma_wait3A_328 = arith.constant 0 : i32
        %dma_wait3A_329 = tpu.memref_slice %arg15[%dma_wait3A_327, %dma_wait3A_328] : memref<10112x128xf32, #tpu.memory_space<vmem_shared>> -> memref<10112x128xf32, #tpu.memory_space<vmem_shared>>
        tpu.wait_indirect_dma semaphore(%run_scoped3A_317 : memref<!tpu.dma_semaphore, #tpu.memory_space<semaphore_mem>>) src(%arg11 : memref<50x128xf32, #tpu.memory_space<vmem>>) dst(%dma_wait3A_329 : memref<10112x128xf32, #tpu.memory_space<vmem_shared>>)
        tpu.yield
      }) : () -> ()
      %dma_start3A_243 = arith.constant 0 : i32
      %dma_start3A_244 = arith.constant 0 : i32
      %dma_start3A_245 = tpu.memref_slice %arg7[%dma_start3A_243, %dma_start3A_244] : memref<20x50xi32, #tpu.memory_space<vmem>> -> memref<1x50xi32, #tpu.memory_space<vmem>>
      %dma_start3A_246 = tpu.memref_squeeze %dma_start3A_245 : memref<1x50xi32, #tpu.memory_space<vmem>> -> memref<50xi32, #tpu.memory_space<vmem>>
      %dma_start3A_247 = arith.constant 0 : i32
      %dma_start3A_248 = arith.constant 0 : i32
      %dma_start3A_249 = tpu.memref_slice %arg2[%dma_start3A_247, %dma_start3A_248] : memref<10000x128xf32, #tpu.memory_space<hbm>> -> memref<10000x128xf32, #tpu.memory_space<hbm>>
      tpu.enqueue_indirect_dma source(%dma_start3A_249 : memref<10000x128xf32, #tpu.memory_space<hbm>>) target(%arg11 : memref<50x128xf32, #tpu.memory_space<vmem>>) offsets(%dma_start3A_246 : memref<50xi32, #tpu.memory_space<vmem>>) semaphore(%arg18 : memref<!tpu.dma_semaphore, #tpu.memory_space<semaphore_mem>>)
      %dma_wait3A_250 = arith.constant 17 : i32
      %dma_wait3A_251 = arith.constant 0 : i32
      %dma_wait3A_252 = tpu.memref_slice %arg9[%dma_wait3A_250, %dma_wait3A_251] : memref<20x50xi32, #tpu.memory_space<vmem>> -> memref<1x50xi32, #tpu.memory_space<vmem>>
      %dma_wait3A_253 = tpu.memref_squeeze %dma_wait3A_252 : memref<1x50xi32, #tpu.memory_space<vmem>> -> memref<50xi32, #tpu.memory_space<vmem>>
      %dma_wait3A_254 = arith.constant 0 : i32
      %dma_wait3A_255 = arith.constant 0 : i32
      %dma_wait3A_256 = tpu.memref_slice %arg2[%dma_wait3A_254, %dma_wait3A_255] : memref<10000x128xf32, #tpu.memory_space<hbm>> -> memref<10000x128xf32, #tpu.memory_space<hbm>>
      tpu.wait_indirect_dma semaphore(%arg19 : memref<!tpu.dma_semaphore, #tpu.memory_space<semaphore_mem>>) src(%dma_wait3A_256 : memref<10000x128xf32, #tpu.memory_space<hbm>>) dst(%arg12 : memref<50x128xf32, #tpu.memory_space<vmem>>)
      %run_scoped3A_257 = arith.constant 17 : i32
      "tpu.region"() ({
        %run_scoped3A_317 = tpu.sem_alloc : memref<!tpu.dma_semaphore, #tpu.memory_space<semaphore_mem>>
        %dma_start3A_318 = arith.constant 0 : i32
        %dma_start3A_319 = tpu.memref_slice %arg10[%run_scoped3A_257, %dma_start3A_318] : memref<20x50xi32, #tpu.memory_space<vmem>> -> memref<1x50xi32, #tpu.memory_space<vmem>>
        %dma_start3A_320 = tpu.memref_squeeze %dma_start3A_319 : memref<1x50xi32, #tpu.memory_space<vmem>> -> memref<50xi32, #tpu.memory_space<vmem>>
        %dma_start3A_321 = arith.constant 0 : i32
        %dma_start3A_322 = arith.constant 0 : i32
        %dma_start3A_323 = tpu.memref_slice %arg15[%dma_start3A_321, %dma_start3A_322] : memref<10112x128xf32, #tpu.memory_space<vmem_shared>> -> memref<10112x128xf32, #tpu.memory_space<vmem_shared>>
        tpu.enqueue_indirect_dma source(%arg12 : memref<50x128xf32, #tpu.memory_space<vmem>>) target(%dma_start3A_323 : memref<10112x128xf32, #tpu.memory_space<vmem_shared>>) offsets(%dma_start3A_320 : memref<50xi32, #tpu.memory_space<vmem>>) semaphore(%run_scoped3A_317 : memref<!tpu.dma_semaphore, #tpu.memory_space<semaphore_mem>>) {add = true}
        %dma_wait3A_324 = arith.constant 0 : i32
        %dma_wait3A_325 = tpu.memref_slice %arg10[%run_scoped3A_257, %dma_wait3A_324] : memref<20x50xi32, #tpu.memory_space<vmem>> -> memref<1x50xi32, #tpu.memory_space<vmem>>
        %dma_wait3A_326 = tpu.memref_squeeze %dma_wait3A_325 : memref<1x50xi32, #tpu.memory_space<vmem>> -> memref<50xi32, #tpu.memory_space<vmem>>
        %dma_wait3A_327 = arith.constant 0 : i32
        %dma_wait3A_328 = arith.constant 0 : i32
        %dma_wait3A_329 = tpu.memref_slice %arg15[%dma_wait3A_327, %dma_wait3A_328] : memref<10112x128xf32, #tpu.memory_space<vmem_shared>> -> memref<10112x128xf32, #tpu.memory_space<vmem_shared>>
        tpu.wait_indirect_dma semaphore(%run_scoped3A_317 : memref<!tpu.dma_semaphore, #tpu.memory_space<semaphore_mem>>) src(%arg12 : memref<50x128xf32, #tpu.memory_space<vmem>>) dst(%dma_wait3A_329 : memref<10112x128xf32, #tpu.memory_space<vmem_shared>>)
        tpu.yield
      }) : () -> ()
      %dma_start3A_258 = arith.constant 1 : i32
      %dma_start3A_259 = arith.constant 0 : i32
      %dma_start3A_260 = tpu.memref_slice %arg7[%dma_start3A_258, %dma_start3A_259] : memref<20x50xi32, #tpu.memory_space<vmem>> -> memref<1x50xi32, #tpu.memory_space<vmem>>
      %dma_start3A_261 = tpu.memref_squeeze %dma_start3A_260 : memref<1x50xi32, #tpu.memory_space<vmem>> -> memref<50xi32, #tpu.memory_space<vmem>>
      %dma_start3A_262 = arith.constant 0 : i32
      %dma_start3A_263 = arith.constant 0 : i32
      %dma_start3A_264 = tpu.memref_slice %arg2[%dma_start3A_262, %dma_start3A_263] : memref<10000x128xf32, #tpu.memory_space<hbm>> -> memref<10000x128xf32, #tpu.memory_space<hbm>>
      tpu.enqueue_indirect_dma source(%dma_start3A_264 : memref<10000x128xf32, #tpu.memory_space<hbm>>) target(%arg12 : memref<50x128xf32, #tpu.memory_space<vmem>>) offsets(%dma_start3A_261 : memref<50xi32, #tpu.memory_space<vmem>>) semaphore(%arg19 : memref<!tpu.dma_semaphore, #tpu.memory_space<semaphore_mem>>)
      %dma_wait3A_265 = arith.constant 18 : i32
      %dma_wait3A_266 = arith.constant 0 : i32
      %dma_wait3A_267 = tpu.memref_slice %arg9[%dma_wait3A_265, %dma_wait3A_266] : memref<20x50xi32, #tpu.memory_space<vmem>> -> memref<1x50xi32, #tpu.memory_space<vmem>>
      %dma_wait3A_268 = tpu.memref_squeeze %dma_wait3A_267 : memref<1x50xi32, #tpu.memory_space<vmem>> -> memref<50xi32, #tpu.memory_space<vmem>>
      %dma_wait3A_269 = arith.constant 0 : i32
      %dma_wait3A_270 = arith.constant 0 : i32
      %dma_wait3A_271 = tpu.memref_slice %arg2[%dma_wait3A_269, %dma_wait3A_270] : memref<10000x128xf32, #tpu.memory_space<hbm>> -> memref<10000x128xf32, #tpu.memory_space<hbm>>
      tpu.wait_indirect_dma semaphore(%arg20 : memref<!tpu.dma_semaphore, #tpu.memory_space<semaphore_mem>>) src(%dma_wait3A_271 : memref<10000x128xf32, #tpu.memory_space<hbm>>) dst(%arg13 : memref<50x128xf32, #tpu.memory_space<vmem>>)
      %run_scoped3A_272 = arith.constant 18 : i32
      "tpu.region"() ({
        %run_scoped3A_317 = tpu.sem_alloc : memref<!tpu.dma_semaphore, #tpu.memory_space<semaphore_mem>>
        %dma_start3A_318 = arith.constant 0 : i32
        %dma_start3A_319 = tpu.memref_slice %arg10[%run_scoped3A_272, %dma_start3A_318] : memref<20x50xi32, #tpu.memory_space<vmem>> -> memref<1x50xi32, #tpu.memory_space<vmem>>
        %dma_start3A_320 = tpu.memref_squeeze %dma_start3A_319 : memref<1x50xi32, #tpu.memory_space<vmem>> -> memref<50xi32, #tpu.memory_space<vmem>>
        %dma_start3A_321 = arith.constant 0 : i32
        %dma_start3A_322 = arith.constant 0 : i32
        %dma_start3A_323 = tpu.memref_slice %arg15[%dma_start3A_321, %dma_start3A_322] : memref<10112x128xf32, #tpu.memory_space<vmem_shared>> -> memref<10112x128xf32, #tpu.memory_space<vmem_shared>>
        tpu.enqueue_indirect_dma source(%arg13 : memref<50x128xf32, #tpu.memory_space<vmem>>) target(%dma_start3A_323 : memref<10112x128xf32, #tpu.memory_space<vmem_shared>>) offsets(%dma_start3A_320 : memref<50xi32, #tpu.memory_space<vmem>>) semaphore(%run_scoped3A_317 : memref<!tpu.dma_semaphore, #tpu.memory_space<semaphore_mem>>) {add = true}
        %dma_wait3A_324 = arith.constant 0 : i32
        %dma_wait3A_325 = tpu.memref_slice %arg10[%run_scoped3A_272, %dma_wait3A_324] : memref<20x50xi32, #tpu.memory_space<vmem>> -> memref<1x50xi32, #tpu.memory_space<vmem>>
        %dma_wait3A_326 = tpu.memref_squeeze %dma_wait3A_325 : memref<1x50xi32, #tpu.memory_space<vmem>> -> memref<50xi32, #tpu.memory_space<vmem>>
        %dma_wait3A_327 = arith.constant 0 : i32
        %dma_wait3A_328 = arith.constant 0 : i32
        %dma_wait3A_329 = tpu.memref_slice %arg15[%dma_wait3A_327, %dma_wait3A_328] : memref<10112x128xf32, #tpu.memory_space<vmem_shared>> -> memref<10112x128xf32, #tpu.memory_space<vmem_shared>>
        tpu.wait_indirect_dma semaphore(%run_scoped3A_317 : memref<!tpu.dma_semaphore, #tpu.memory_space<semaphore_mem>>) src(%arg13 : memref<50x128xf32, #tpu.memory_space<vmem>>) dst(%dma_wait3A_329 : memref<10112x128xf32, #tpu.memory_space<vmem_shared>>)
        tpu.yield
      }) : () -> ()
      %dma_start3A_273 = arith.constant 2 : i32
      %dma_start3A_274 = arith.constant 0 : i32
      %dma_start3A_275 = tpu.memref_slice %arg7[%dma_start3A_273, %dma_start3A_274] : memref<20x50xi32, #tpu.memory_space<vmem>> -> memref<1x50xi32, #tpu.memory_space<vmem>>
      %dma_start3A_276 = tpu.memref_squeeze %dma_start3A_275 : memref<1x50xi32, #tpu.memory_space<vmem>> -> memref<50xi32, #tpu.memory_space<vmem>>
      %dma_start3A_277 = arith.constant 0 : i32
      %dma_start3A_278 = arith.constant 0 : i32
      %dma_start3A_279 = tpu.memref_slice %arg2[%dma_start3A_277, %dma_start3A_278] : memref<10000x128xf32, #tpu.memory_space<hbm>> -> memref<10000x128xf32, #tpu.memory_space<hbm>>
      tpu.enqueue_indirect_dma source(%dma_start3A_279 : memref<10000x128xf32, #tpu.memory_space<hbm>>) target(%arg13 : memref<50x128xf32, #tpu.memory_space<vmem>>) offsets(%dma_start3A_276 : memref<50xi32, #tpu.memory_space<vmem>>) semaphore(%arg20 : memref<!tpu.dma_semaphore, #tpu.memory_space<semaphore_mem>>)
      %dma_wait3A_280 = arith.constant 19 : i32
      %dma_wait3A_281 = arith.constant 0 : i32
      %dma_wait3A_282 = tpu.memref_slice %arg9[%dma_wait3A_280, %dma_wait3A_281] : memref<20x50xi32, #tpu.memory_space<vmem>> -> memref<1x50xi32, #tpu.memory_space<vmem>>
      %dma_wait3A_283 = tpu.memref_squeeze %dma_wait3A_282 : memref<1x50xi32, #tpu.memory_space<vmem>> -> memref<50xi32, #tpu.memory_space<vmem>>
      %dma_wait3A_284 = arith.constant 0 : i32
      %dma_wait3A_285 = arith.constant 0 : i32
      %dma_wait3A_286 = tpu.memref_slice %arg2[%dma_wait3A_284, %dma_wait3A_285] : memref<10000x128xf32, #tpu.memory_space<hbm>> -> memref<10000x128xf32, #tpu.memory_space<hbm>>
      tpu.wait_indirect_dma semaphore(%arg21 : memref<!tpu.dma_semaphore, #tpu.memory_space<semaphore_mem>>) src(%dma_wait3A_286 : memref<10000x128xf32, #tpu.memory_space<hbm>>) dst(%arg14 : memref<50x128xf32, #tpu.memory_space<vmem>>)
      %run_scoped3A_287 = arith.constant 19 : i32
      "tpu.region"() ({
        %run_scoped3A_317 = tpu.sem_alloc : memref<!tpu.dma_semaphore, #tpu.memory_space<semaphore_mem>>
        %dma_start3A_318 = arith.constant 0 : i32
        %dma_start3A_319 = tpu.memref_slice %arg10[%run_scoped3A_287, %dma_start3A_318] : memref<20x50xi32, #tpu.memory_space<vmem>> -> memref<1x50xi32, #tpu.memory_space<vmem>>
        %dma_start3A_320 = tpu.memref_squeeze %dma_start3A_319 : memref<1x50xi32, #tpu.memory_space<vmem>> -> memref<50xi32, #tpu.memory_space<vmem>>
        %dma_start3A_321 = arith.constant 0 : i32
        %dma_start3A_322 = arith.constant 0 : i32
        %dma_start3A_323 = tpu.memref_slice %arg15[%dma_start3A_321, %dma_start3A_322] : memref<10112x128xf32, #tpu.memory_space<vmem_shared>> -> memref<10112x128xf32, #tpu.memory_space<vmem_shared>>
        tpu.enqueue_indirect_dma source(%arg14 : memref<50x128xf32, #tpu.memory_space<vmem>>) target(%dma_start3A_323 : memref<10112x128xf32, #tpu.memory_space<vmem_shared>>) offsets(%dma_start3A_320 : memref<50xi32, #tpu.memory_space<vmem>>) semaphore(%run_scoped3A_317 : memref<!tpu.dma_semaphore, #tpu.memory_space<semaphore_mem>>) {add = true}
        %dma_wait3A_324 = arith.constant 0 : i32
        %dma_wait3A_325 = tpu.memref_slice %arg10[%run_scoped3A_287, %dma_wait3A_324] : memref<20x50xi32, #tpu.memory_space<vmem>> -> memref<1x50xi32, #tpu.memory_space<vmem>>
        %dma_wait3A_326 = tpu.memref_squeeze %dma_wait3A_325 : memref<1x50xi32, #tpu.memory_space<vmem>> -> memref<50xi32, #tpu.memory_space<vmem>>
        %dma_wait3A_327 = arith.constant 0 : i32
        %dma_wait3A_328 = arith.constant 0 : i32
        %dma_wait3A_329 = tpu.memref_slice %arg15[%dma_wait3A_327, %dma_wait3A_328] : memref<10112x128xf32, #tpu.memory_space<vmem_shared>> -> memref<10112x128xf32, #tpu.memory_space<vmem_shared>>
        tpu.wait_indirect_dma semaphore(%run_scoped3A_317 : memref<!tpu.dma_semaphore, #tpu.memory_space<semaphore_mem>>) src(%arg14 : memref<50x128xf32, #tpu.memory_space<vmem>>) dst(%dma_wait3A_329 : memref<10112x128xf32, #tpu.memory_space<vmem_shared>>)
        tpu.yield
      }) : () -> ()
      %dma_start3A_288 = arith.constant 3 : i32
      %dma_start3A_289 = arith.constant 0 : i32
      %dma_start3A_290 = tpu.memref_slice %arg7[%dma_start3A_288, %dma_start3A_289] : memref<20x50xi32, #tpu.memory_space<vmem>> -> memref<1x50xi32, #tpu.memory_space<vmem>>
      %dma_start3A_291 = tpu.memref_squeeze %dma_start3A_290 : memref<1x50xi32, #tpu.memory_space<vmem>> -> memref<50xi32, #tpu.memory_space<vmem>>
      %dma_start3A_292 = arith.constant 0 : i32
      %dma_start3A_293 = arith.constant 0 : i32
      %dma_start3A_294 = tpu.memref_slice %arg2[%dma_start3A_292, %dma_start3A_293] : memref<10000x128xf32, #tpu.memory_space<hbm>> -> memref<10000x128xf32, #tpu.memory_space<hbm>>
      tpu.enqueue_indirect_dma source(%dma_start3A_294 : memref<10000x128xf32, #tpu.memory_space<hbm>>) target(%arg14 : memref<50x128xf32, #tpu.memory_space<vmem>>) offsets(%dma_start3A_291 : memref<50xi32, #tpu.memory_space<vmem>>) semaphore(%arg21 : memref<!tpu.dma_semaphore, #tpu.memory_space<semaphore_mem>>)
      %add3A_295 = arith.constant 1 : i32
      %add3A_296 = arith.addi %add3A_107, %add3A_295 : i32
      %add3A_297 = arith.constant 2 : i32
      %add3A_298 = arith.addi %add3A_296, %add3A_297 : i32
      %min3A_299 = arith.constant 9 : i32
      %min3A_300 = arith.minsi %add3A_298, %min3A_299 : i32
      %dma_start3A_301 = arith.constant 0 : i32
      %dma_start3A_302 = arith.constant 0 : i32
      %dma_start3A_303 = tpu.memref_slice %arg3[%add3A, %min3A_300, %dma_start3A_301, %dma_start3A_302] : memref<32x10x20x50xi32, #tpu.memory_space<hbm>> -> memref<1x1x20x50xi32, #tpu.memory_space<hbm>>
      %dma_start3A_304 = tpu.memref_squeeze %dma_start3A_303 : memref<1x1x20x50xi32, #tpu.memory_space<hbm>> -> memref<20x50xi32, #tpu.memory_space<hbm>>
      %dma_start3A_305 = arith.constant 0 : i32
      %dma_start3A_306 = arith.constant 0 : i32
      %dma_start3A_307 = tpu.memref_slice %arg3[%add3A, %min3A_300, %dma_start3A_305, %dma_start3A_306] : memref<32x10x20x50xi32, #tpu.memory_space<hbm>> -> memref<1x1x20x50xi32, #tpu.memory_space<hbm>>
      %dma_start3A_308 = tpu.memref_squeeze %dma_start3A_307 : memref<1x1x20x50xi32, #tpu.memory_space<hbm>> -> memref<20x50xi32, #tpu.memory_space<hbm>>
      tpu.enqueue_dma source(%dma_start3A_308 : memref<20x50xi32, #tpu.memory_space<hbm>>) target(%arg9 : memref<20x50xi32, #tpu.memory_space<vmem>>) target_semaphore(%arg17 : memref<!tpu.dma_semaphore, #tpu.memory_space<semaphore_mem>>)
      %dma_start3A_309 = arith.constant 0 : i32
      %dma_start3A_310 = arith.constant 0 : i32
      %dma_start3A_311 = tpu.memref_slice %arg4[%add3A, %min3A_300, %dma_start3A_309, %dma_start3A_310] : memref<32x10x20x50xi32, #tpu.memory_space<hbm>> -> memref<1x1x20x50xi32, #tpu.memory_space<hbm>>
      %dma_start3A_312 = tpu.memref_squeeze %dma_start3A_311 : memref<1x1x20x50xi32, #tpu.memory_space<hbm>> -> memref<20x50xi32, #tpu.memory_space<hbm>>
      %dma_start3A_313 = arith.constant 0 : i32
      %dma_start3A_314 = arith.constant 0 : i32
      %dma_start3A_315 = tpu.memref_slice %arg4[%add3A, %min3A_300, %dma_start3A_313, %dma_start3A_314] : memref<32x10x20x50xi32, #tpu.memory_space<hbm>> -> memref<1x1x20x50xi32, #tpu.memory_space<hbm>>
      %dma_start3A_316 = tpu.memref_squeeze %dma_start3A_315 : memref<1x1x20x50xi32, #tpu.memory_space<hbm>> -> memref<20x50xi32, #tpu.memory_space<hbm>>
      tpu.enqueue_dma source(%dma_start3A_316 : memref<20x50xi32, #tpu.memory_space<hbm>>) target(%arg10 : memref<20x50xi32, #tpu.memory_space<vmem>>) target_semaphore(%arg17 : memref<!tpu.dma_semaphore, #tpu.memory_space<semaphore_mem>>)
    }
    %scan3A_52 = arith.constant 5 : i32
    %dma_wait3A = arith.constant 0 : i32
    %dma_wait3A_53 = arith.constant 0 : i32
    %dma_wait3A_54 = tpu.memref_slice %arg7[%dma_wait3A, %dma_wait3A_53] : memref<20x50xi32, #tpu.memory_space<vmem>> -> memref<1x50xi32, #tpu.memory_space<vmem>>
    %dma_wait3A_55 = tpu.memref_squeeze %dma_wait3A_54 : memref<1x50xi32, #tpu.memory_space<vmem>> -> memref<50xi32, #tpu.memory_space<vmem>>
    %dma_wait3A_56 = arith.constant 0 : i32
    %dma_wait3A_57 = arith.constant 0 : i32
    %dma_wait3A_58 = tpu.memref_slice %arg2[%dma_wait3A_56, %dma_wait3A_57] : memref<10000x128xf32, #tpu.memory_space<hbm>> -> memref<10000x128xf32, #tpu.memory_space<hbm>>
    tpu.wait_indirect_dma semaphore(%arg18 : memref<!tpu.dma_semaphore, #tpu.memory_space<semaphore_mem>>) src(%dma_wait3A_58 : memref<10000x128xf32, #tpu.memory_space<hbm>>) dst(%arg11 : memref<50x128xf32, #tpu.memory_space<vmem>>)
    %dma_wait3A_59 = arith.constant 1 : i32
    %dma_wait3A_60 = arith.constant 0 : i32
    %dma_wait3A_61 = tpu.memref_slice %arg7[%dma_wait3A_59, %dma_wait3A_60] : memref<20x50xi32, #tpu.memory_space<vmem>> -> memref<1x50xi32, #tpu.memory_space<vmem>>
    %dma_wait3A_62 = tpu.memref_squeeze %dma_wait3A_61 : memref<1x50xi32, #tpu.memory_space<vmem>> -> memref<50xi32, #tpu.memory_space<vmem>>
    %dma_wait3A_63 = arith.constant 0 : i32
    %dma_wait3A_64 = arith.constant 0 : i32
    %dma_wait3A_65 = tpu.memref_slice %arg2[%dma_wait3A_63, %dma_wait3A_64] : memref<10000x128xf32, #tpu.memory_space<hbm>> -> memref<10000x128xf32, #tpu.memory_space<hbm>>
    tpu.wait_indirect_dma semaphore(%arg19 : memref<!tpu.dma_semaphore, #tpu.memory_space<semaphore_mem>>) src(%dma_wait3A_65 : memref<10000x128xf32, #tpu.memory_space<hbm>>) dst(%arg12 : memref<50x128xf32, #tpu.memory_space<vmem>>)
    %dma_wait3A_66 = arith.constant 2 : i32
    %dma_wait3A_67 = arith.constant 0 : i32
    %dma_wait3A_68 = tpu.memref_slice %arg7[%dma_wait3A_66, %dma_wait3A_67] : memref<20x50xi32, #tpu.memory_space<vmem>> -> memref<1x50xi32, #tpu.memory_space<vmem>>
    %dma_wait3A_69 = tpu.memref_squeeze %dma_wait3A_68 : memref<1x50xi32, #tpu.memory_space<vmem>> -> memref<50xi32, #tpu.memory_space<vmem>>
    %dma_wait3A_70 = arith.constant 0 : i32
    %dma_wait3A_71 = arith.constant 0 : i32
    %dma_wait3A_72 = tpu.memref_slice %arg2[%dma_wait3A_70, %dma_wait3A_71] : memref<10000x128xf32, #tpu.memory_space<hbm>> -> memref<10000x128xf32, #tpu.memory_space<hbm>>
    tpu.wait_indirect_dma semaphore(%arg20 : memref<!tpu.dma_semaphore, #tpu.memory_space<semaphore_mem>>) src(%dma_wait3A_72 : memref<10000x128xf32, #tpu.memory_space<hbm>>) dst(%arg13 : memref<50x128xf32, #tpu.memory_space<vmem>>)
    %dma_wait3A_73 = arith.constant 3 : i32
    %dma_wait3A_74 = arith.constant 0 : i32
    %dma_wait3A_75 = tpu.memref_slice %arg7[%dma_wait3A_73, %dma_wait3A_74] : memref<20x50xi32, #tpu.memory_space<vmem>> -> memref<1x50xi32, #tpu.memory_space<vmem>>
    %dma_wait3A_76 = tpu.memref_squeeze %dma_wait3A_75 : memref<1x50xi32, #tpu.memory_space<vmem>> -> memref<50xi32, #tpu.memory_space<vmem>>
    %dma_wait3A_77 = arith.constant 0 : i32
    %dma_wait3A_78 = arith.constant 0 : i32
    %dma_wait3A_79 = tpu.memref_slice %arg2[%dma_wait3A_77, %dma_wait3A_78] : memref<10000x128xf32, #tpu.memory_space<hbm>> -> memref<10000x128xf32, #tpu.memory_space<hbm>>
    tpu.wait_indirect_dma semaphore(%arg21 : memref<!tpu.dma_semaphore, #tpu.memory_space<semaphore_mem>>) src(%dma_wait3A_79 : memref<10000x128xf32, #tpu.memory_space<hbm>>) dst(%arg14 : memref<50x128xf32, #tpu.memory_space<vmem>>)
    %dma_wait3A_80 = arith.constant 0 : i32
    %dma_wait3A_81 = arith.constant 0 : i32
    %dma_wait3A_82 = arith.constant 0 : i32
    %dma_wait3A_83 = tpu.memref_slice %arg3[%add3A, %dma_wait3A_80, %dma_wait3A_81, %dma_wait3A_82] : memref<32x10x20x50xi32, #tpu.memory_space<hbm>> -> memref<1x1x20x50xi32, #tpu.memory_space<hbm>>
    %dma_wait3A_84 = tpu.memref_squeeze %dma_wait3A_83 : memref<1x1x20x50xi32, #tpu.memory_space<hbm>> -> memref<20x50xi32, #tpu.memory_space<hbm>>
    %dma_wait3A_85 = arith.constant 0 : i32
    %dma_wait3A_86 = arith.constant 0 : i32
    %dma_wait3A_87 = tpu.memref_slice %arg3[%add3A, %dma_wait3A_80, %dma_wait3A_85, %dma_wait3A_86] : memref<32x10x20x50xi32, #tpu.memory_space<hbm>> -> memref<1x1x20x50xi32, #tpu.memory_space<hbm>>
    %dma_wait3A_88 = tpu.memref_squeeze %dma_wait3A_87 : memref<1x1x20x50xi32, #tpu.memory_space<hbm>> -> memref<20x50xi32, #tpu.memory_space<hbm>>
    tpu.wait_dma2 semaphore(%arg17 : memref<!tpu.dma_semaphore, #tpu.memory_space<semaphore_mem>>) src(%dma_wait3A_88 : memref<20x50xi32, #tpu.memory_space<hbm>>) dst(%arg9 : memref<20x50xi32, #tpu.memory_space<vmem>>)
    %dma_wait3A_89 = arith.constant 0 : i32
    %dma_wait3A_90 = arith.constant 0 : i32
    %dma_wait3A_91 = arith.constant 0 : i32
    %dma_wait3A_92 = tpu.memref_slice %arg4[%add3A, %dma_wait3A_89, %dma_wait3A_90, %dma_wait3A_91] : memref<32x10x20x50xi32, #tpu.memory_space<hbm>> -> memref<1x1x20x50xi32, #tpu.memory_space<hbm>>
    %dma_wait3A_93 = tpu.memref_squeeze %dma_wait3A_92 : memref<1x1x20x50xi32, #tpu.memory_space<hbm>> -> memref<20x50xi32, #tpu.memory_space<hbm>>
    %dma_wait3A_94 = arith.constant 0 : i32
    %dma_wait3A_95 = arith.constant 0 : i32
    %dma_wait3A_96 = tpu.memref_slice %arg4[%add3A, %dma_wait3A_89, %dma_wait3A_94, %dma_wait3A_95] : memref<32x10x20x50xi32, #tpu.memory_space<hbm>> -> memref<1x1x20x50xi32, #tpu.memory_space<hbm>>
    %dma_wait3A_97 = tpu.memref_squeeze %dma_wait3A_96 : memref<1x1x20x50xi32, #tpu.memory_space<hbm>> -> memref<20x50xi32, #tpu.memory_space<hbm>>
    tpu.wait_dma2 semaphore(%arg17 : memref<!tpu.dma_semaphore, #tpu.memory_space<semaphore_mem>>) src(%dma_wait3A_97 : memref<20x50xi32, #tpu.memory_space<hbm>>) dst(%arg10 : memref<20x50xi32, #tpu.memory_space<vmem>>)
    %barrier3A_98 = arith.constant 0 : index
    tpu.barrier barrier_id(%barrier3A_98)
    %mul3A_99 = arith.constant 632 : i32
    %mul3A_100 = arith.muli %arg1, %mul3A_99 : i32
    %mul3A_101 = arith.constant 632 : i32
    %mul3A_102 = arith.muli %arg1, %mul3A_101 : i32
    "tpu.region"() ({
      %run_scoped3A_103 = tpu.sem_alloc : memref<!tpu.dma_semaphore, #tpu.memory_space<semaphore_mem>>
      %dma_start3A_104 = arith.constant 0 : i32
      %dma_start3A_105 = tpu.memref_slice %arg6[%arg0, %mul3A_102, %dma_start3A_104] : memref<2x10112x128xf32, #tpu.memory_space<hbm>> -> memref<1x632x128xf32, #tpu.memory_space<hbm>>
      %dma_start3A_106 = tpu.memref_squeeze %dma_start3A_105 : memref<1x632x128xf32, #tpu.memory_space<hbm>> -> memref<632x128xf32, #tpu.memory_space<hbm>>
      %dma_start3A_107 = arith.constant 0 : i32
      %dma_start3A_108 = tpu.memref_slice %arg15[%mul3A_100, %dma_start3A_107] : memref<10112x128xf32, #tpu.memory_space<vmem_shared>> -> memref<632x128xf32, #tpu.memory_space<vmem_shared>>
      tpu.enqueue_dma source(%dma_start3A_108 : memref<632x128xf32, #tpu.memory_space<vmem_shared>>) target(%dma_start3A_106 : memref<632x128xf32, #tpu.memory_space<hbm>>) target_semaphore(%run_scoped3A_103 : memref<!tpu.dma_semaphore, #tpu.memory_space<semaphore_mem>>)
      %dma_wait3A_109 = arith.constant 0 : i32
      %dma_wait3A_110 = tpu.memref_slice %arg6[%arg0, %mul3A_102, %dma_wait3A_109] : memref<2x10112x128xf32, #tpu.memory_space<hbm>> -> memref<1x632x128xf32, #tpu.memory_space<hbm>>
      %dma_wait3A_111 = tpu.memref_squeeze %dma_wait3A_110 : memref<1x632x128xf32, #tpu.memory_space<hbm>> -> memref<632x128xf32, #tpu.memory_space<hbm>>
      %dma_wait3A_112 = arith.constant 0 : i32
      %dma_wait3A_113 = tpu.memref_slice %arg15[%mul3A_100, %dma_wait3A_112] : memref<10112x128xf32, #tpu.memory_space<vmem_shared>> -> memref<632x128xf32, #tpu.memory_space<vmem_shared>>
      tpu.wait_dma2 semaphore(%run_scoped3A_103 : memref<!tpu.dma_semaphore, #tpu.memory_space<semaphore_mem>>) src(%dma_wait3A_113 : memref<632x128xf32, #tpu.memory_space<vmem_shared>>) dst(%dma_wait3A_111 : memref<632x128xf32, #tpu.memory_space<hbm>>)
      tpu.yield
    }) : () -> ()
    return
  }
}

module attributes {stable_mosaic.version = 14 : i64} {
  func.func @_hk_body(%arg0: i32, %arg1: memref<5000x128xf32, #tpu.memory_space<vmem>>, %arg2: memref<128x128xf32, #tpu.memory_space<vmem>>, %arg3: memref<1x128xf32, #tpu.memory_space<vmem>>, %arg4: memref<128x128xf32, #tpu.memory_space<vmem>>, %arg5: memref<1x128xf32, #tpu.memory_space<vmem>>, %arg6: memref<5000x128xf32, #tpu.memory_space<vmem>>) attributes {dimension_semantics = [#tpu.dimension_semantics<arbitrary>], iteration_bounds = array<i64: 2>, scalar_prefetch = 0 : i64, scratch_operands = 0 : i64, tpu.core_type = #tpu.core_type<tc>, window_params = [{transform_indices = @transform_0, window_bounds = array<i64: 5000, 128>}, {pipeline_mode = #tpu.pipeline_mode<synchronous>, transform_indices = @transform_1, window_bounds = array<i64: 128, 128>}, {pipeline_mode = #tpu.pipeline_mode<synchronous>, transform_indices = @transform_2, window_bounds = array<i64: 1, 128>}, {pipeline_mode = #tpu.pipeline_mode<synchronous>, transform_indices = @transform_3, window_bounds = array<i64: 128, 128>}, {pipeline_mode = #tpu.pipeline_mode<synchronous>, transform_indices = @transform_4, window_bounds = array<i64: 1, 128>}, {transform_indices = @transform_5, window_bounds = array<i64: 5000, 128>}]} {
    %get3A = arith.constant 0 : index
    %get3A_0 = arith.constant 0 : index
    %get3A_1 = vector.load %arg1[%get3A, %get3A_0] : memref<5000x128xf32, #tpu.memory_space<vmem>>, vector<5000x128xf32>
    %get3A_2 = arith.constant 0 : index
    %get3A_3 = arith.constant 0 : index
    %get3A_4 = vector.load %arg2[%get3A_2, %get3A_3] : memref<128x128xf32, #tpu.memory_space<vmem>>, vector<128x128xf32>
    %dot_general3A = arith.constant dense<0.000000e+00> : vector<5000x128xf32>
    %dot_general3A_5 = tpu.matmul %get3A_1, %get3A_4, %dot_general3A {dimension_numbers = #tpu.dot_dimension_numbers<[1], [0], [0], [1], [0, 0, 1, 1], [], []>, transpose_lhs_hint = false} : vector<5000x128xf32>, vector<128x128xf32>, vector<5000x128xf32> -> vector<5000x128xf32>
    %get3A_6 = arith.constant 0 : index
    %get3A_7 = arith.constant 0 : index
    %get3A_8 = vector.load %arg3[%get3A_6, %get3A_7] : memref<1x128xf32, #tpu.memory_space<vmem>>, vector<1x128xf32>
    %add3A = vector.broadcast %get3A_8 : vector<1x128xf32> to vector<5000x128xf32>
    %add3A_9 = arith.addf %dot_general3A_5, %add3A : vector<5000x128xf32>
    %max3A = arith.constant 0.000000e+00 : f32
    %max3A_10 = vector.broadcast %max3A : f32 to vector<5000x128xf32>
    %max3A_11 = arith.maximumf %add3A_9, %max3A_10 : vector<5000x128xf32>
    %get3A_12 = arith.constant 0 : index
    %get3A_13 = arith.constant 0 : index
    %get3A_14 = vector.load %arg4[%get3A_12, %get3A_13] : memref<128x128xf32, #tpu.memory_space<vmem>>, vector<128x128xf32>
    %dot_general3A_15 = arith.constant dense<0.000000e+00> : vector<5000x128xf32>
    %dot_general3A_16 = tpu.matmul %max3A_11, %get3A_14, %dot_general3A_15 {dimension_numbers = #tpu.dot_dimension_numbers<[1], [0], [0], [1], [0, 0, 1, 1], [], []>, transpose_lhs_hint = false} : vector<5000x128xf32>, vector<128x128xf32>, vector<5000x128xf32> -> vector<5000x128xf32>
    %get3A_17 = arith.constant 0 : index
    %get3A_18 = arith.constant 0 : index
    %get3A_19 = vector.load %arg5[%get3A_17, %get3A_18] : memref<1x128xf32, #tpu.memory_space<vmem>>, vector<1x128xf32>
    %add3A_20 = vector.broadcast %get3A_19 : vector<1x128xf32> to vector<5000x128xf32>
    %add3A_21 = arith.addf %dot_general3A_16, %add3A_20 : vector<5000x128xf32>
    %max3A_22 = arith.constant 0.000000e+00 : f32
    %max3A_23 = vector.broadcast %max3A_22 : f32 to vector<5000x128xf32>
    %max3A_24 = arith.maximumf %add3A_21, %max3A_23 : vector<5000x128xf32>
    %swap3A = arith.constant 0 : index
    %swap3A_25 = arith.constant 0 : index
    %swap3A_26 = vector.load %arg6[%swap3A, %swap3A_25] : memref<5000x128xf32, #tpu.memory_space<vmem>>, vector<5000x128xf32>
    tpu.vector_store %arg6[%swap3A, %swap3A_25], %max3A_24 {strides = array<i32>} : memref<5000x128xf32, #tpu.memory_space<vmem>>, vector<5000x128xf32>,
    return
  }
  func.func @transform_0(%arg0: i32) -> (i32, i32) {
    %c0_i32 = arith.constant 0 : i32
    %c0_i32_0 = arith.constant 0 : i32
    return %arg0, %c0_i32 : i32, i32
  }
  func.func @transform_1(%arg0: i32) -> (i32, i32) {
    %c0_i32 = arith.constant 0 : i32
    %c0_i32_0 = arith.constant 0 : i32
    %c0_i32_1 = arith.constant 0 : i32
    return %c0_i32, %c0_i32_0 : i32, i32
  }
  func.func @transform_2(%arg0: i32) -> (i32, i32) {
    %c0_i32 = arith.constant 0 : i32
    %c0_i32_0 = arith.constant 0 : i32
    %c0_i32_1 = arith.constant 0 : i32
    return %c0_i32, %c0_i32_0 : i32, i32
  }
  func.func @transform_3(%arg0: i32) -> (i32, i32) {
    %c0_i32 = arith.constant 0 : i32
    %c0_i32_0 = arith.constant 0 : i32
    %c0_i32_1 = arith.constant 0 : i32
    return %c0_i32, %c0_i32_0 : i32, i32
  }
  func.func @transform_4(%arg0: i32) -> (i32, i32) {
    %c0_i32 = arith.constant 0 : i32
    %c0_i32_0 = arith.constant 0 : i32
    %c0_i32_1 = arith.constant 0 : i32
    return %c0_i32, %c0_i32_0 : i32, i32
  }
  func.func @transform_5(%arg0: i32) -> (i32, i32) {
    %c0_i32 = arith.constant 0 : i32
    %c0_i32_0 = arith.constant 0 : i32
    return %arg0, %c0_i32 : i32, i32
  }
}

module attributes {stable_mosaic.version = 14 : i64} {
  func.func @_scale_body(%arg0: i32, %arg1: memref<5000x128xf32, #tpu.memory_space<vmem>>, %arg2: memref<5000x128xf32, #tpu.memory_space<vmem>>, %arg3: memref<5000x128xf32, #tpu.memory_space<vmem>>, %arg4: memref<5000x128xf32, #tpu.memory_space<vmem>>, %arg5: memref<5000x16xf32, #tpu.memory_space<vmem>>) attributes {dimension_semantics = [#tpu.dimension_semantics<arbitrary>], iteration_bounds = array<i64: 2>, scalar_prefetch = 0 : i64, scratch_operands = 0 : i64, tpu.core_type = #tpu.core_type<tc>, window_params = [{transform_indices = @transform_0, window_bounds = array<i64: 5000, 128>}, {transform_indices = @transform_1, window_bounds = array<i64: 5000, 128>}, {transform_indices = @transform_2, window_bounds = array<i64: 5000, 128>}, {transform_indices = @transform_3, window_bounds = array<i64: 5000, 128>}, {transform_indices = @transform_4, window_bounds = array<i64: 5000, 16>}]} {
    %get3A = arith.constant 0 : index
    %get3A_0 = arith.constant 0 : index
    %get3A_1 = vector.load %arg2[%get3A, %get3A_0] : memref<5000x128xf32, #tpu.memory_space<vmem>>, vector<5000x128xf32>
    %slice3A = vector.extract_strided_slice %get3A_1 {offsets = [0, 0], sizes = [5000, 1], strides = [1, 1]} : vector<5000x128xf32> to vector<5000x1xf32>
    %get3A_2 = arith.constant 0 : index
    %get3A_3 = arith.constant 0 : index
    %get3A_4 = vector.load %arg3[%get3A_2, %get3A_3] : memref<5000x128xf32, #tpu.memory_space<vmem>>, vector<5000x128xf32>
    %slice3A_5 = vector.extract_strided_slice %get3A_4 {offsets = [0, 0], sizes = [5000, 1], strides = [1, 1]} : vector<5000x128xf32> to vector<5000x1xf32>
    %add3A = arith.addf %slice3A, %slice3A_5 : vector<5000x1xf32>
    %max3A = arith.constant 1.000000e+00 : f32
    %max3A_6 = vector.broadcast %max3A : f32 to vector<5000x1xf32>
    %max3A_7 = arith.maximumf %add3A, %max3A_6 : vector<5000x1xf32>
    %rsqrt3A = math.rsqrt %max3A_7 : vector<5000x1xf32>
    %broadcast_in_dim3A = vector.shape_cast %rsqrt3A : vector<5000x1xf32> to vector<5000x1xf32>
    %broadcast_in_dim3A_8 = vector.broadcast %broadcast_in_dim3A : vector<5000x1xf32> to vector<5000x16xf32>
    %swap3A = arith.constant 0 : index
    %swap3A_9 = arith.constant 0 : index
    %swap3A_10 = vector.load %arg5[%swap3A, %swap3A_9] : memref<5000x16xf32, #tpu.memory_space<vmem>>, vector<5000x16xf32>
    tpu.vector_store %arg5[%swap3A, %swap3A_9], %broadcast_in_dim3A_8 {strides = array<i32>} : memref<5000x16xf32, #tpu.memory_space<vmem>>, vector<5000x16xf32>,
    %get3A_11 = arith.constant 0 : index
    %get3A_12 = arith.constant 0 : index
    %get3A_13 = vector.load %arg1[%get3A_11, %get3A_12] : memref<5000x128xf32, #tpu.memory_space<vmem>>, vector<5000x128xf32>
    %mul3A = vector.broadcast %rsqrt3A : vector<5000x1xf32> to vector<5000x128xf32>
    %mul3A_14 = arith.mulf %get3A_13, %mul3A : vector<5000x128xf32>
    %swap3A_15 = arith.constant 0 : index
    %swap3A_16 = arith.constant 0 : index
    %swap3A_17 = vector.load %arg4[%swap3A_15, %swap3A_16] : memref<5000x128xf32, #tpu.memory_space<vmem>>, vector<5000x128xf32>
    tpu.vector_store %arg4[%swap3A_15, %swap3A_16], %mul3A_14 {strides = array<i32>} : memref<5000x128xf32, #tpu.memory_space<vmem>>, vector<5000x128xf32>,
    return
  }
  func.func @transform_0(%arg0: i32) -> (i32, i32) {
    %c0_i32 = arith.constant 0 : i32
    %c0_i32_0 = arith.constant 0 : i32
    return %arg0, %c0_i32 : i32, i32
  }
  func.func @transform_1(%arg0: i32) -> (i32, i32) {
    %c0_i32 = arith.constant 0 : i32
    %c0_i32_0 = arith.constant 0 : i32
    return %arg0, %c0_i32 : i32, i32
  }
  func.func @transform_2(%arg0: i32) -> (i32, i32) {
    %c0_i32 = arith.constant 0 : i32
    %c0_i32_0 = arith.constant 0 : i32
    return %arg0, %c0_i32 : i32, i32
  }
  func.func @transform_3(%arg0: i32) -> (i32, i32) {
    %c0_i32 = arith.constant 0 : i32
    %c0_i32_0 = arith.constant 0 : i32
    return %arg0, %c0_i32 : i32, i32
  }
  func.func @transform_4(%arg0: i32) -> (i32, i32) {
    %c0_i32 = arith.constant 0 : i32
    %c0_i32_0 = arith.constant 0 : i32
    return %arg0, %c0_i32 : i32, i32
  }
}

module attributes {stable_mosaic.version = 14 : i64} {
  func.func @_lap_body(%arg0: i32, %arg1: memref<5000x128xf32, #tpu.memory_space<vmem>>, %arg2: memref<5000x128xf32, #tpu.memory_space<vmem>>, %arg3: memref<5000x128xf32, #tpu.memory_space<vmem>>, %arg4: memref<5000x16xf32, #tpu.memory_space<vmem>>, %arg5: memref<5000x128xf32, #tpu.memory_space<vmem>>, %arg6: memref<5000x128xf32, #tpu.memory_space<vmem>>) attributes {dimension_semantics = [#tpu.dimension_semantics<arbitrary>], iteration_bounds = array<i64: 2>, scalar_prefetch = 0 : i64, scratch_operands = 0 : i64, tpu.core_type = #tpu.core_type<tc>, window_params = [{transform_indices = @transform_0, window_bounds = array<i64: 5000, 128>}, {transform_indices = @transform_1, window_bounds = array<i64: 5000, 128>}, {transform_indices = @transform_2, window_bounds = array<i64: 5000, 128>}, {transform_indices = @transform_3, window_bounds = array<i64: 5000, 16>}, {transform_indices = @transform_4, window_bounds = array<i64: 5000, 128>}, {transform_indices = @transform_5, window_bounds = array<i64: 5000, 128>}]} {
    %get3A = arith.constant 0 : index
    %get3A_0 = arith.constant 0 : index
    %get3A_1 = vector.load %arg4[%get3A, %get3A_0] : memref<5000x16xf32, #tpu.memory_space<vmem>>, vector<5000x16xf32>
    %slice3A = vector.extract_strided_slice %get3A_1 {offsets = [0, 0], sizes = [5000, 1], strides = [1, 1]} : vector<5000x16xf32> to vector<5000x1xf32>
    %get3A_2 = arith.constant 0 : index
    %get3A_3 = arith.constant 0 : index
    %get3A_4 = vector.load %arg1[%get3A_2, %get3A_3] : memref<5000x128xf32, #tpu.memory_space<vmem>>, vector<5000x128xf32>
    %get3A_5 = arith.constant 0 : index
    %get3A_6 = arith.constant 0 : index
    %get3A_7 = vector.load %arg2[%get3A_5, %get3A_6] : memref<5000x128xf32, #tpu.memory_space<vmem>>, vector<5000x128xf32>
    %get3A_8 = arith.constant 0 : index
    %get3A_9 = arith.constant 0 : index
    %get3A_10 = vector.load %arg3[%get3A_8, %get3A_9] : memref<5000x128xf32, #tpu.memory_space<vmem>>, vector<5000x128xf32>
    %add3A = arith.addf %get3A_7, %get3A_10 : vector<5000x128xf32>
    %mul3A = vector.broadcast %slice3A : vector<5000x1xf32> to vector<5000x128xf32>
    %mul3A_11 = arith.mulf %add3A, %mul3A : vector<5000x128xf32>
    %sub3A = arith.subf %get3A_4, %mul3A_11 : vector<5000x128xf32>
    %swap3A = arith.constant 0 : index
    %swap3A_12 = arith.constant 0 : index
    %swap3A_13 = vector.load %arg5[%swap3A, %swap3A_12] : memref<5000x128xf32, #tpu.memory_space<vmem>>, vector<5000x128xf32>
    tpu.vector_store %arg5[%swap3A, %swap3A_12], %sub3A {strides = array<i32>} : memref<5000x128xf32, #tpu.memory_space<vmem>>, vector<5000x128xf32>,
    %mul3A_14 = vector.broadcast %slice3A : vector<5000x1xf32> to vector<5000x128xf32>
    %mul3A_15 = arith.mulf %sub3A, %mul3A_14 : vector<5000x128xf32>
    %swap3A_16 = arith.constant 0 : index
    %swap3A_17 = arith.constant 0 : index
    %swap3A_18 = vector.load %arg6[%swap3A_16, %swap3A_17] : memref<5000x128xf32, #tpu.memory_space<vmem>>, vector<5000x128xf32>
    tpu.vector_store %arg6[%swap3A_16, %swap3A_17], %mul3A_15 {strides = array<i32>} : memref<5000x128xf32, #tpu.memory_space<vmem>>, vector<5000x128xf32>,
    return
  }
  func.func @transform_0(%arg0: i32) -> (i32, i32) {
    %c0_i32 = arith.constant 0 : i32
    %c0_i32_0 = arith.constant 0 : i32
    return %arg0, %c0_i32 : i32, i32
  }
  func.func @transform_1(%arg0: i32) -> (i32, i32) {
    %c0_i32 = arith.constant 0 : i32
    %c0_i32_0 = arith.constant 0 : i32
    return %arg0, %c0_i32 : i32, i32
  }
  func.func @transform_2(%arg0: i32) -> (i32, i32) {
    %c0_i32 = arith.constant 0 : i32
    %c0_i32_0 = arith.constant 0 : i32
    return %arg0, %c0_i32 : i32, i32
  }
  func.func @transform_3(%arg0: i32) -> (i32, i32) {
    %c0_i32 = arith.constant 0 : i32
    %c0_i32_0 = arith.constant 0 : i32
    return %arg0, %c0_i32 : i32, i32
  }
  func.func @transform_4(%arg0: i32) -> (i32, i32) {
    %c0_i32 = arith.constant 0 : i32
    %c0_i32_0 = arith.constant 0 : i32
    return %arg0, %c0_i32 : i32, i32
  }
  func.func @transform_5(%arg0: i32) -> (i32, i32) {
    %c0_i32 = arith.constant 0 : i32
    %c0_i32_0 = arith.constant 0 : i32
    return %arg0, %c0_i32 : i32, i32
  }
}

module attributes {stable_mosaic.version = 14 : i64} {
  func.func @_final_body(%arg0: i32, %arg1: memref<5000x128xf32, #tpu.memory_space<vmem>>, %arg2: memref<5000x128xf32, #tpu.memory_space<vmem>>, %arg3: memref<5000x128xf32, #tpu.memory_space<vmem>>, %arg4: memref<5000x128xf32, #tpu.memory_space<vmem>>, %arg5: memref<5000x16xf32, #tpu.memory_space<vmem>>, %arg6: memref<384x128xf32, #tpu.memory_space<vmem>>, %arg7: memref<1x128xf32, #tpu.memory_space<vmem>>, %arg8: memref<128x2xf32, #tpu.memory_space<vmem>>, %arg9: memref<1x2xf32, #tpu.memory_space<vmem>>, %arg10: memref<5000x2xf32, #tpu.memory_space<vmem>>) attributes {dimension_semantics = [#tpu.dimension_semantics<arbitrary>], iteration_bounds = array<i64: 2>, scalar_prefetch = 0 : i64, scratch_operands = 0 : i64, tpu.core_type = #tpu.core_type<tc>, window_params = [{transform_indices = @transform_0, window_bounds = array<i64: 5000, 128>}, {transform_indices = @transform_1, window_bounds = array<i64: 5000, 128>}, {transform_indices = @transform_2, window_bounds = array<i64: 5000, 128>}, {transform_indices = @transform_3, window_bounds = array<i64: 5000, 128>}, {transform_indices = @transform_4, window_bounds = array<i64: 5000, 16>}, {pipeline_mode = #tpu.pipeline_mode<synchronous>, transform_indices = @transform_5, window_bounds = array<i64: 384, 128>}, {pipeline_mode = #tpu.pipeline_mode<synchronous>, transform_indices = @transform_6, window_bounds = array<i64: 1, 128>}, {pipeline_mode = #tpu.pipeline_mode<synchronous>, transform_indices = @transform_7, window_bounds = array<i64: 128, 2>}, {pipeline_mode = #tpu.pipeline_mode<synchronous>, transform_indices = @transform_8, window_bounds = array<i64: 1, 2>}, {transform_indices = @transform_9, window_bounds = array<i64: 5000, 2>}]} {
    %get3A = arith.constant 0 : index
    %get3A_0 = arith.constant 0 : index
    %get3A_1 = vector.load %arg5[%get3A, %get3A_0] : memref<5000x16xf32, #tpu.memory_space<vmem>>, vector<5000x16xf32>
    %slice3A = vector.extract_strided_slice %get3A_1 {offsets = [0, 0], sizes = [5000, 1], strides = [1, 1]} : vector<5000x16xf32> to vector<5000x1xf32>
    %get3A_2 = arith.constant 0 : index
    %get3A_3 = arith.constant 0 : index
    %get3A_4 = vector.load %arg2[%get3A_2, %get3A_3] : memref<5000x128xf32, #tpu.memory_space<vmem>>, vector<5000x128xf32>
    %get3A_5 = arith.constant 0 : index
    %get3A_6 = arith.constant 0 : index
    %get3A_7 = vector.load %arg3[%get3A_5, %get3A_6] : memref<5000x128xf32, #tpu.memory_space<vmem>>, vector<5000x128xf32>
    %get3A_8 = arith.constant 0 : index
    %get3A_9 = arith.constant 0 : index
    %get3A_10 = vector.load %arg4[%get3A_8, %get3A_9] : memref<5000x128xf32, #tpu.memory_space<vmem>>, vector<5000x128xf32>
    %add3A = arith.addf %get3A_7, %get3A_10 : vector<5000x128xf32>
    %mul3A = vector.broadcast %slice3A : vector<5000x1xf32> to vector<5000x128xf32>
    %mul3A_11 = arith.mulf %add3A, %mul3A : vector<5000x128xf32>
    %sub3A = arith.subf %get3A_4, %mul3A_11 : vector<5000x128xf32>
    %get3A_12 = arith.constant 0 : index
    %get3A_13 = arith.constant 0 : index
    %get3A_14 = vector.load %arg6[%get3A_12, %get3A_13] : memref<384x128xf32, #tpu.memory_space<vmem>>, vector<384x128xf32>
    %slice3A_15 = vector.extract_strided_slice %get3A_14 {offsets = [0, 0], sizes = [128, 128], strides = [1, 1]} : vector<384x128xf32> to vector<128x128xf32>
    %slice3A_16 = vector.extract_strided_slice %get3A_14 {offsets = [128, 0], sizes = [128, 128], strides = [1, 1]} : vector<384x128xf32> to vector<128x128xf32>
    %slice3A_17 = vector.extract_strided_slice %get3A_14 {offsets = [256, 0], sizes = [128, 128], strides = [1, 1]} : vector<384x128xf32> to vector<128x128xf32>
    %mul3A_18 = arith.constant 3.000000e+00 : f32
    %mul3A_19 = vector.broadcast %mul3A_18 : f32 to vector<128x128xf32>
    %mul3A_20 = arith.mulf %mul3A_19, %slice3A_15 : vector<128x128xf32>
    %mul3A_21 = arith.constant 3.000000e+00 : f32
    %mul3A_22 = vector.broadcast %mul3A_21 : f32 to vector<128x128xf32>
    %mul3A_23 = arith.mulf %mul3A_22, %slice3A_16 : vector<128x128xf32>
    %mul3A_24 = arith.constant 3.000000e+00 : f32
    %mul3A_25 = vector.broadcast %mul3A_24 : f32 to vector<128x128xf32>
    %mul3A_26 = arith.mulf %mul3A_25, %slice3A_15 : vector<128x128xf32>
    %sub3A_27 = arith.subf %mul3A_23, %mul3A_26 : vector<128x128xf32>
    %mul3A_28 = arith.constant 7.500000e-01 : f32
    %mul3A_29 = vector.broadcast %mul3A_28 : f32 to vector<128x128xf32>
    %mul3A_30 = arith.mulf %mul3A_29, %slice3A_15 : vector<128x128xf32>
    %mul3A_31 = arith.constant 1.500000e+00 : f32
    %mul3A_32 = vector.broadcast %mul3A_31 : f32 to vector<128x128xf32>
    %mul3A_33 = arith.mulf %mul3A_32, %slice3A_16 : vector<128x128xf32>
    %sub3A_34 = arith.subf %mul3A_30, %mul3A_33 : vector<128x128xf32>
    %mul3A_35 = arith.constant 7.500000e-01 : f32
    %mul3A_36 = vector.broadcast %mul3A_35 : f32 to vector<128x128xf32>
    %mul3A_37 = arith.mulf %mul3A_36, %slice3A_17 : vector<128x128xf32>
    %add3A_38 = arith.addf %sub3A_34, %mul3A_37 : vector<128x128xf32>
    %get3A_39 = arith.constant 0 : index
    %get3A_40 = arith.constant 0 : index
    %get3A_41 = vector.load %arg1[%get3A_39, %get3A_40] : memref<5000x128xf32, #tpu.memory_space<vmem>>, vector<5000x128xf32>
    %dot_general3A = arith.constant dense<0.000000e+00> : vector<5000x128xf32>
    %dot_general3A_42 = tpu.matmul %get3A_41, %mul3A_20, %dot_general3A {dimension_numbers = #tpu.dot_dimension_numbers<[1], [0], [0], [1], [0, 0, 1, 1], [], []>, transpose_lhs_hint = false} : vector<5000x128xf32>, vector<128x128xf32>, vector<5000x128xf32> -> vector<5000x128xf32>
    %dot_general3A_43 = arith.constant dense<0.000000e+00> : vector<5000x128xf32>
    %dot_general3A_44 = tpu.matmul %get3A_4, %sub3A_27, %dot_general3A_43 {dimension_numbers = #tpu.dot_dimension_numbers<[1], [0], [0], [1], [0, 0, 1, 1], [], []>, transpose_lhs_hint = false} : vector<5000x128xf32>, vector<128x128xf32>, vector<5000x128xf32> -> vector<5000x128xf32>
    %add3A_45 = arith.addf %dot_general3A_42, %dot_general3A_44 : vector<5000x128xf32>
    %dot_general3A_46 = arith.constant dense<0.000000e+00> : vector<5000x128xf32>
    %dot_general3A_47 = tpu.matmul %sub3A, %add3A_38, %dot_general3A_46 {dimension_numbers = #tpu.dot_dimension_numbers<[1], [0], [0], [1], [0, 0, 1, 1], [], []>, transpose_lhs_hint = false} : vector<5000x128xf32>, vector<128x128xf32>, vector<5000x128xf32> -> vector<5000x128xf32>
    %add3A_48 = arith.addf %add3A_45, %dot_general3A_47 : vector<5000x128xf32>
    %get3A_49 = arith.constant 0 : index
    %get3A_50 = arith.constant 0 : index
    %get3A_51 = vector.load %arg7[%get3A_49, %get3A_50] : memref<1x128xf32, #tpu.memory_space<vmem>>, vector<1x128xf32>
    %add3A_52 = vector.broadcast %get3A_51 : vector<1x128xf32> to vector<5000x128xf32>
    %add3A_53 = arith.addf %add3A_48, %add3A_52 : vector<5000x128xf32>
    %max3A = arith.constant 0.000000e+00 : f32
    %max3A_54 = vector.broadcast %max3A : f32 to vector<5000x128xf32>
    %max3A_55 = arith.maximumf %add3A_53, %max3A_54 : vector<5000x128xf32>
    %get3A_56 = arith.constant 0 : index
    %get3A_57 = arith.constant 0 : index
    %get3A_58 = vector.load %arg8[%get3A_56, %get3A_57] : memref<128x2xf32, #tpu.memory_space<vmem>>, vector<128x2xf32>
    %dot_general3A_59 = arith.constant dense<0.000000e+00> : vector<5000x2xf32>
    %dot_general3A_60 = tpu.matmul %max3A_55, %get3A_58, %dot_general3A_59 {dimension_numbers = #tpu.dot_dimension_numbers<[1], [0], [0], [1], [0, 0, 1, 1], [], []>, transpose_lhs_hint = false} : vector<5000x128xf32>, vector<128x2xf32>, vector<5000x2xf32> -> vector<5000x2xf32>
    %get3A_61 = arith.constant 0 : index
    %get3A_62 = arith.constant 0 : index
    %get3A_63 = vector.load %arg9[%get3A_61, %get3A_62] : memref<1x2xf32, #tpu.memory_space<vmem>>, vector<1x2xf32>
    %add3A_64 = vector.broadcast %get3A_63 : vector<1x2xf32> to vector<5000x2xf32>
    %add3A_65 = arith.addf %dot_general3A_60, %add3A_64 : vector<5000x2xf32>
    %swap3A = arith.constant 0 : index
    %swap3A_66 = arith.constant 0 : index
    %swap3A_67 = vector.load %arg10[%swap3A, %swap3A_66] : memref<5000x2xf32, #tpu.memory_space<vmem>>, vector<5000x2xf32>
    tpu.vector_store %arg10[%swap3A, %swap3A_66], %add3A_65 {strides = array<i32>} : memref<5000x2xf32, #tpu.memory_space<vmem>>, vector<5000x2xf32>,
    return
  }
  func.func @transform_0(%arg0: i32) -> (i32, i32) {
    %c0_i32 = arith.constant 0 : i32
    %c0_i32_0 = arith.constant 0 : i32
    return %arg0, %c0_i32 : i32, i32
  }
  func.func @transform_1(%arg0: i32) -> (i32, i32) {
    %c0_i32 = arith.constant 0 : i32
    %c0_i32_0 = arith.constant 0 : i32
    return %arg0, %c0_i32 : i32, i32
  }
  func.func @transform_2(%arg0: i32) -> (i32, i32) {
    %c0_i32 = arith.constant 0 : i32
    %c0_i32_0 = arith.constant 0 : i32
    return %arg0, %c0_i32 : i32, i32
  }
  func.func @transform_3(%arg0: i32) -> (i32, i32) {
    %c0_i32 = arith.constant 0 : i32
    %c0_i32_0 = arith.constant 0 : i32
    return %arg0, %c0_i32 : i32, i32
  }
  func.func @transform_4(%arg0: i32) -> (i32, i32) {
    %c0_i32 = arith.constant 0 : i32
    %c0_i32_0 = arith.constant 0 : i32
    return %arg0, %c0_i32 : i32, i32
  }
  func.func @transform_5(%arg0: i32) -> (i32, i32) {
    %c0_i32 = arith.constant 0 : i32
    %c0_i32_0 = arith.constant 0 : i32
    %c0_i32_1 = arith.constant 0 : i32
    return %c0_i32, %c0_i32_0 : i32, i32
  }
  func.func @transform_6(%arg0: i32) -> (i32, i32) {
    %c0_i32 = arith.constant 0 : i32
    %c0_i32_0 = arith.constant 0 : i32
    %c0_i32_1 = arith.constant 0 : i32
    return %c0_i32, %c0_i32_0 : i32, i32
  }
  func.func @transform_7(%arg0: i32) -> (i32, i32) {
    %c0_i32 = arith.constant 0 : i32
    %c0_i32_0 = arith.constant 0 : i32
    %c0_i32_1 = arith.constant 0 : i32
    return %c0_i32, %c0_i32_0 : i32, i32
  }
  func.func @transform_8(%arg0: i32) -> (i32, i32) {
    %c0_i32 = arith.constant 0 : i32
    %c0_i32_0 = arith.constant 0 : i32
    %c0_i32_1 = arith.constant 0 : i32
    return %c0_i32, %c0_i32_0 : i32, i32
  }
  func.func @transform_9(%arg0: i32) -> (i32, i32) {
    %c0_i32 = arith.constant 0 : i32
    %c0_i32_0 = arith.constant 0 : i32
    return %arg0, %c0_i32 : i32, i32
  }
}

</mosaic_0001>

<sc_bundles>
// kernel: kernel.12.cloned.1.call-start
scs
__scs_entry_jumppad:
0x0: {  	(pc) =	sbr.rel $0x88, $3  }
0x1: {  	(tag) =	ssettag $0x0;
	lr =	simm.s32 $0x1  }
0x2: {  	[smem:$0x3F97] =	sst lr;
	_ =	strace $0xD0000000  }
0x3: {  	_ = 	snop  }
0x4: {  	_ = 	snop  }
0x5: {  	_ = 	snop  }
0x6: {  	_ = 	snop  }
0x7: {  	_ = 	snop  }
__scs_overlays_trampoline_lowered:
0x8: {  	[smem:$0x3FA6] =	sst s0  }
0x9: {  	[smem:$0x3FA7] =	sst s1  }
0xa: {  	[smem:$0x3FA8] =	sst s2  }
0xb: {  	[smem:$0x3FA9] =	sst s3  }
0xc: {  	[smem:$0x3FAA] =	sst s4  }
0xd: {  	[smem:$0x3FAB] =	sst s5  }
0xe: {  	[smem:$0x3FAC] =	sst s6  }
0xf: {  	[smem:$0x3FAD] =	sst s7  }
0x10: {  	[smem:$0x3FAE] =	sst s8  }
0x11: {  	[smem:$0x3FAF] =	sst s9;
	s0 =	simm.s32 @!p0 $0x0  }
0x12: {  	s1 =	sld [smem:$0x3F95];
	s0 =	simm.s32 @p0 $0x1  }
0x13: {  	[smem:$0x3FB0] =	sst s0;
	s0 =	simm.s32 @!p1 $0x0  }
0x14: {  	s2 =	sld [smem:$0x3F94];
	s0 =	simm.s32 @p1 $0x1  }
0x15: {  	[smem:$0x3FB1] =	sst s0;
	s0 =	simm.s32 @!p2 $0x0  }
0x16: {  	s3 =	sld [smem:$0x3FDB];
	s0 =	simm.s32 @p2 $0x1  }
0x17: {  	s4 =	simm.s32 $0x1BF5;
	[smem:$0x3FB3] =	sst s0  }
0x18: {  	s0 =	sld [smem:$0x3F96];
	_ =	swait.ge [sflag:s4], $0x0  }
0x19: {  	s7 =	sld [smem:$0x3F97]  }
0x1a: {  	s8 =	sadd.s32 $0xFFFFE003, lr  }
0x1b: {  	s9 =	sadd.s32 $0xFFFFFEF7, lr;
	s5 =	simm.s32 $0xFFFFFFFF;
	p2 =	slt.u32 s8, $0xFFFFF086  }
0x1c: {  	p1 =	slt.u32 s9, $0xF7A;
	s5 =	simm.s32 @!p2 $0x0  }
0x1d: {  	s5 =	simm.s32 @p1 $0x1;
	p0 =	seq.s32 s7, s2  }
0x1e: {  	s7 =	smul.u32 @!p0 $0xF7A, s2;
	p2 =	seq.s32 @!p0 s5, $0x0  }
0x1f: {  	s9 =	smul.u32 $0xF7A, s1;
	s8 =	simm.s32 @!p0 $0x1BF5;
	p2 =	por !p2, p0  }
0x20: {  	[sflag:s8] =	ssyncset.s32 @!p0 $0xFFFFF086;
	s6 =	sadd.s32 @!p0 s3, s7;
	s7 =	simm.s32 @!p0 $0x108  }
0x21: {  	s3 =	sadd.s32 s3, s9;
	s6 =	sadd.s32 @!p0 $0x88, s6;
	s7 =	simm.s32 @p2 $0x1082  }
0x22: {  	[simem:s7], [sflag:s8] =	dma.local @!p0 [hbm:s6], $0xF7A  }
0x23: {  	s9 =	sor.u32 $0xD0000000, s2;
	s6 =	simm.s32 $0x108;
	_ =	swait.ge @!p0 [sflag:s8], $0x0  }
0x24: {  	s3 =	sadd.s32 $0x88, s3;
	s6 =	simm.s32 @!p1 $0x1082;
	[sflag:s4] =	ssyncset.s32 $0xFFFFF086  }
0x25: {  	[simem:s6], [sflag:s4] =	dma.local [hbm:s3], $0xF7A  }
0x26: {  	[smem:$0x3F97] =	sst s1;
	(tag) =	ssettag s2;
	_ =	strace s9  }
0x27: {  	s1 =	sld [smem:$0x3FA7]  }
0x28: {  	s2 =	sld [smem:$0x3FA8]  }
0x29: {  	s4 =	sld [smem:$0x3FAA]  }
0x2a: {  	p0 =	seq.s32 s5, $0x0;
	s5 =	sld [smem:$0x3FAB]  }
0x2b: {  	s6 =	sld [smem:$0x3FAC]  }
0x2c: {  	s7 =	sld [smem:$0x3FAD]  }
0x2d: {  	s3 =	simm.s32 $0x108;
	s8 =	sld [smem:$0x3FAE]  }
0x2e: {  	s3 =	simm.s32 @!p0 $0x1082;
	s9 =	sld [smem:$0x3FAF]  }
0x2f: {  	lr =	sadd.s32 s0, s3;
	s0 =	sld [smem:$0x3FA6]  }
0x30: {  	s3 =	sld [smem:$0x3FA9]  }
0x31: {  	[smem:$0x3FB2] =	sst s10  }
0x32: {  	s10 =	sld [smem:$0x3FB0];
	_ =	sdelay $0x3  }
0x33: {  	p0 =	seq.s32 s10, $0x1;
	s10 =	sld [smem:$0x3FB2];
	_ =	sdelay $0x3  }
0x34: {  	[smem:$0x3FB2] =	sst s10  }
0x35: {  	s10 =	sld [smem:$0x3FB1];
	_ =	sdelay $0x3  }
0x36: {  	p1 =	seq.s32 s10, $0x1;
	s10 =	sld [smem:$0x3FB2];
	_ =	sdelay $0x3  }
0x37: {  	[smem:$0x3FB2] =	sst s10  }
0x38: {  	s10 =	sld [smem:$0x3FB3]  }
0x39: {  	_ = 	snop;
	(pc) =	sbr.ind lr, $3  }
0x3a: {  	_ = 	snop  }
0x3b: {  	_ = 	snop  }
0x3c: {  	p2 =	seq.s32 s10, $0x1;
	s10 =	sld [smem:$0x3FB2]  }
0x3d: {  	_ =	shalt  }
0x3e: {  	_ =	shalt  }
0x3f: {  	_ =	shalt  }
0x40: {  	_ =	shalt  }
0x41: {  	_ =	shalt  }
0x42: {  	_ =	shalt  }
0x43: {  	_ =	shalt  }
0x44: {  	_ =	shalt  }
0x45: {  	_ =	shalt  }
0x46: {  	_ =	shalt  }
0x47: {  	_ =	shalt  }
0x48: {  	_ =	shalt  }
0x49: {  	_ =	shalt  }
0x4a: {  	_ =	shalt  }
0x4b: {  	_ =	shalt  }
0x4c: {  	_ =	shalt  }
0x4d: {  	_ =	shalt  }
0x4e: {  	_ =	shalt  }
0x4f: {  	_ =	shalt  }
0x50: {  	_ =	shalt  }
0x51: {  	_ =	shalt  }
0x52: {  	_ =	shalt  }
0x53: {  	_ =	shalt  }
0x54: {  	_ =	shalt  }
0x55: {  	_ =	shalt  }
0x56: {  	_ =	shalt  }
0x57: {  	_ =	shalt  }
0x58: {  	_ =	shalt  }
0x59: {  	_ =	shalt  }
0x5a: {  	_ =	shalt  }
0x5b: {  	_ =	shalt  }
0x5c: {  	_ =	shalt  }
0x5d: {  	_ =	shalt  }
0x5e: {  	_ =	shalt  }
0x5f: {  	_ =	shalt  }
0x60: {  	_ =	shalt  }
0x61: {  	_ =	shalt  }
0x62: {  	_ =	shalt  }
0x63: {  	_ =	shalt  }
0x64: {  	_ =	shalt  }
0x65: {  	_ =	shalt  }
0x66: {  	_ =	shalt  }
0x67: {  	_ =	shalt  }
0x68: {  	_ =	shalt  }
0x69: {  	_ =	shalt  }
0x6a: {  	_ =	shalt  }
0x6b: {  	_ =	shalt  }
0x6c: {  	_ =	shalt  }
0x6d: {  	_ =	shalt  }
0x6e: {  	_ =	shalt  }
0x6f: {  	_ =	shalt  }
0x70: {  	_ =	shalt  }
0x71: {  	_ =	shalt  }
0x72: {  	_ =	shalt  }
0x73: {  	_ =	shalt  }
0x74: {  	_ =	shalt  }
0x75: {  	_ =	shalt  }
0x76: {  	_ =	shalt  }
0x77: {  	_ =	shalt  }
0x78: {  	_ =	shalt  }
0x79: {  	_ =	shalt  }
0x7a: {  	_ =	shalt  }
0x7b: {  	_ =	shalt  }
0x7c: {  	_ =	shalt  }
0x7d: {  	_ =	shalt  }
0x7e: {  	_ =	shalt  }
0x7f: {  	_ =	shalt  }
0x80: {  	_ =	shalt  }
0x81: {  	_ =	shalt  }
0x82: {  	_ =	shalt  }
0x83: {  	_ =	shalt  }
0x84: {  	_ =	shalt  }
0x85: {  	_ =	shalt  }
0x86: {  	_ =	shalt  }
0x87: {  	_ =	shalt  }
.Lfunc_end0:
.L_simem_size_0:
called_computation.1_lowered:
.L_overlay_start_0:
0x88: {  	s2 =	sld [smem:$0x3FD9]  }
0x89: {  	s3 =	sld [smem:$0x3FFE];
	_ =	sdelay $0x1  }
0x8a: {  	s1 =	srdreg.scid  }
0x8b: {  	s0 =	sand.u32 $0x1, s1  }
0x8c: {  	s16 =	sshll.u32 s0, $0xA;
	s2 =	sadd.s32 s3, s2  }
0x8d: {  	s2 =	sadd.s32 s2, s16  }
0x8e: {  	[smem:$0x3FBE] =	sst s2  }
0x8f: {  	_ = 	snop  }
0x90: {  	(tm) =	ssettm $0x1  }
0x91: {  	s17 =	sld [smem:$0x3FFB];
	_ =	sdelay $0x3  }
0x92: {  	_ =	strace s17  }
0x93: {  	s2 =	sld [smem:$0x3FFC];
	_ =	sdelay $0x3  }
0x94: {  	_ =	strace s2  }
0x95: {  	s2 =	sld [smem:$0x3FFD];
	_ =	sdelay $0x3  }
0x96: {  	_ =	strace s2  }
0x97: {  	_ =	strace $0x8FFFFFFF  }
0x98: {  	s18 =	sld [smem:$0x3FDB];
	_ =	sdelay $0x1  }
0x99: {  	s19 =	simm.s32 $_scs_section_size  }
0x9a: {  	s4 =	simm.s32 $_size__tile_overlayer_lowered;
	s5 =	simm.s32 $_tile_overlayer_lowered  }
0x9b: {  	s22 =	simm.s32 $0x1BFF;
	s21 =	sshll.u32 s5, $0x1;
	s2 =	sadd.s32 s19, s18  }
0x9c: {  	s6 =	simm.s32 $0x0;
	s20 =	sshll.u32 s4, $0x1;
	s4 =	sadd.s32 s21, s2  }
0x9d: {  	[timem:s6], [sflag:s22] =	dma.local [hbm:s4], s20  }
0x9e: {  	_ =	swait.ge [sflag:s22], s20  }
0x9f: {  	s3 =	ssub.s32 $0x0, s20;
	[sflag:s22] =	ssyncset.done $0x0  }
0xa0: {  	[sflag:s22] =	ssyncadd.s32 s3;
	_ =	sdelay $0x1  }
0xa1: {  	s23 =	simm.s32 $0x1B8B  }
0xa2: {  	_ =	swait.ge [sflag:s23], $0x1  }
0xa3: {  	[sflag:s23] =	ssyncset.done $0x0  }
0xa4: {  	s25 =	simm.s32 $0x1B8E;
	s24 =	sld [smem:$0x3FFE];
	[sflag:s23] =	ssyncadd.s32 $0xFFFFFFFF  }
0xa5: {  	s26 =	simm.s32 $execute0_lowered;
	[smem:$0x3FD2] =	sst s25  }
0xa6: {  	s4 =	sshll.u32 s26, $0x1;
	_ =	strace $0x80000049;
	[dreg:$0x1] =	wrdreg $0xFFFFFFFF  }
0xa7: {  	s28 =	simm.s32 $_size_execute0_lowered;
	s2 =	sadd.s32 s2, s4;
	[dreg:$0x0] =	wrdreg $0x0  }
0xa8: {  	s4 =	sshll.u32 s28, $0x1;
	[dreg:$0x2] =	wrdreg s2  }
0xa9: {  	[dreg:$0x3] =	wrdreg s4  }
0xaa: {  	[dreg:$0x4] =	wrdreg $0xC0  }
0xab: {  	_ =	task [dreg:s6], $0x5FFFF  }
0xac: {  	[dreg:$0x1] =	wrdreg $0xFFFFFFFF  }
0xad: {  	[dreg:$0x0] =	wrdreg $0x60  }
0xae: {  	[dreg:$0x2] =	wrdreg s24  }
0xaf: {  	[dreg:$0x3] =	wrdreg $0xA0000  }
0xb0: {  	[dreg:$0x4] =	wrdreg $0x9  }
0xb1: {  	_ =	task.clear_ibuf [dreg:s6], $0x5FFFF;
	_ =	strace $0x90000049  }
0xb2: {  	s29 =	simm.s32 $0x9;
	_ =	strace $0x8000004B  }
0xb3: {  	_ =	swait.ge [sflag:s29], $0x1  }
0xb4: {  	[sflag:s29] =	ssyncadd.s32 $0xFFFFFFFF  }
0xb5: {  	_ =	strace $0x9000004B  }
0xb6: {  	_ =	sfence  }
0xb7: {  	s30 =	sld [smem:$0x0];
	_ =	sdelay $0x2  }
0xb8: {  	s31 =	sshll.u32 s1, $0xD;
	s1 =	sshrl.u32 s1, $0x2  }
0xb9: {  	s3 =	sand.u32 $0x4000, s31;
	s1 =	sadd.s32 s1, s30  }
0xba: {  	s0 =	sor.u32 s3, s0;
	s1 =	sshll.u32 s1, $0x11  }
0xbb: {  	s0 =	sor.u32 s1, s0  }
0xbc: {  	s0 =	sadd.s32 $0x8F2B, s0  }
0xbd: {  	[sflag:s0] =	ssyncadd.remote.s32 $0x1  }
0xbe: {  	_ =	sfence.sel $0xFFFF  }
0xbf: {  	[dreg:$0x0] =	wrdreg $0xFFFFFFFF;
	(pc) =	sbr.abs _section_cstart, $3  }
0xc0: {  	[dreg:$0x1] =	wrdreg $0xFFFFFFFF  }
0xc1: {  	_ =	task.clear_ibuf [dreg:s6], $0x2FFFF;
	_ =	strace $0x9FFFFFFF  }
0xc2: {  	(tm) =	ssettm $0x7FFFFFFF  }
0xc3: {  	_ =	shalt  }
tec
execute0_lowered:
.L_overlay_start_1:
0x0: {  	(tag) =	ssettag $0x1  }
0x1: {  	s7 =	rddreg [dreg:$0x0]  }
0x2: {  	s2 =	rddreg [dreg:$0x1];
	s3 =	simm.s32 $0x0  }
0x3: {  	s23 =	simm.s32 $0x200;
	[smem:$0x7FF] =	sst s3  }
0x4: {  	s24 =	simm.s32 $0xC80;
	_ =	strace $0x8000004A;
	[dreg:$0x5] =	wrdreg s23  }
0x5: {  	s25 =	simm.s32 $0x280;
	[dreg:$0x6] =	wrdreg s24  }
0x6: {  	s26 =	simm.s32 $0xD00;
	[dreg:$0x7] =	wrdreg s25  }
0x7: {  	s5 =	simm.s32 $0x300;
	[dreg:$0x8] =	wrdreg s26  }
0x8: {  	s6 =	simm.s32 $0xD80;
	[dreg:$0x9] =	wrdreg s5  }
0x9: {  	s8 =	simm.s32 $0x380;
	[dreg:$0xa] =	wrdreg s6  }
0xa: {  	s9 =	simm.s32 $0xE00;
	[dreg:$0xb] =	wrdreg s8  }
0xb: {  	s10 =	simm.s32 $0x400;
	[dreg:$0xc] =	wrdreg s9  }
0xc: {  	s12 =	simm.s32 $0xE80;
	[dreg:$0xd] =	wrdreg s10  }
0xd: {  	s13 =	simm.s32 $0x480;
	[dreg:$0xe] =	wrdreg s12  }
0xe: {  	s14 =	simm.s32 $0xF00;
	[dreg:$0xf] =	wrdreg s13  }
0xf: {  	s15 =	simm.s32 $0x500;
	[dreg:$0x10] =	wrdreg s14  }
0x10: {  	s16 =	simm.s32 $0xF80;
	[dreg:$0x11] =	wrdreg s15  }
0x11: {  	s17 =	simm.s32 $0x580;
	[dreg:$0x12] =	wrdreg s16  }
0x12: {  	s18 =	simm.s32 $0x1000;
	[dreg:$0x13] =	wrdreg s17  }
0x13: {  	s19 =	simm.s32 $0x600;
	[dreg:$0x14] =	wrdreg s18  }
0x14: {  	s20 =	simm.s32 $0x1080;
	[dreg:$0x15] =	wrdreg s19  }
0x15: {  	s21 =	simm.s32 $0x680;
	[dreg:$0x16] =	wrdreg s20  }
0x16: {  	[dreg:$0x17] =	wrdreg s21;
	s23 =	simm.s32 $0x700  }
0x17: {  	s24 =	simm.s32 $0x1180;
	[dreg:$0x19] =	wrdreg s23  }
0x18: {  	s25 =	simm.s32 $0x780;
	[dreg:$0x1a] =	wrdreg s24  }
0x19: {  	s26 =	simm.s32 $0x1200;
	[dreg:$0x1b] =	wrdreg s25  }
0x1a: {  	s5 =	simm.s32 $0x800;
	[dreg:$0x1c] =	wrdreg s26  }
0x1b: {  	s6 =	simm.s32 $0x1280;
	[dreg:$0x1d] =	wrdreg s5  }
0x1c: {  	s8 =	simm.s32 $0x880;
	[dreg:$0x1e] =	wrdreg s6  }
0x1d: {  	s9 =	simm.s32 $0x1300;
	[dreg:$0x1f] =	wrdreg s8  }
0x1e: {  	s10 =	simm.s32 $0x900;
	[smem:$0x7C9] =	sst s9  }
0x1f: {  	s12 =	simm.s32 $0x1380;
	[smem:$0x7CA] =	sst s10  }
0x20: {  	s13 =	simm.s32 $0x980;
	[smem:$0x7CB] =	sst s12  }
0x21: {  	s14 =	simm.s32 $0x1400;
	[smem:$0x7CC] =	sst s13  }
0x22: {  	s15 =	simm.s32 $0x1480;
	[smem:$0x7CD] =	sst s14  }
0x23: {  	s16 =	simm.s32 $0x1880;
	[smem:$0x7CE] =	sst s15  }
0x24: {  	s17 =	simm.s32 $0x1500;
	[smem:$0x7CF] =	sst s16  }
0x25: {  	s18 =	simm.s32 $0x1900;
	[smem:$0x7D0] =	sst s17  }
0x26: {  	s19 =	simm.s32 $0x1580;
	[smem:$0x7D1] =	sst s18  }
0x27: {  	s20 =	simm.s32 $0x1980;
	[smem:$0x7D2] =	sst s19  }
0x28: {  	s21 =	simm.s32 $0x2500;
	[smem:$0x7D3] =	sst s20  }
0x29: {  	s5 =	simm.s32 $0x1A00;
	[smem:$0x7D7] =	sst s21  }
0x2a: {  	s6 =	simm.s32 $0x2480;
	[smem:$0x7D4] =	sst s5  }
0x2b: {  	s0 =	srdreg.scid;
	s8 =	simm.s32 $0x1A80;
	[smem:$0x7D5] =	sst s6  }
0x2c: {  	s11 =	stileid.u32;
	s12 =	sadd.s32 $0xFA00, s7;
	[smem:$0x7D6] =	sst s8  }
0x2d: {  	s28 =	simm.s32 $0x8400;
	s23 =	simm.s32 $0x2580;
	[smem:$0x7D9] =	sst s12  }
0x2e: {  	s29 =	simm.s32 $0x3;
	s24 =	simm.s32 $0x1B80;
	[smem:$0x7DA] =	sst s23  }
0x2f: {  	s30 =	simm.s32 $0x4;
	s25 =	simm.s32 $0x2600;
	[smem:$0x7DB] =	sst s24  }
0x30: {  	s31 =	simm.s32 $0x5;
	s26 =	simm.s32 $0x1C00;
	[smem:$0x7DC] =	sst s25  }
0x31: {  	s1 =	sand.u32 $0x1, s0;
	s13 =	simm.s32 $0x2700;
	[smem:$0x7DD] =	sst s26  }
0x32: {  	s0 =	sshll.u32 s1, $0x4;
	s15 =	simm.s32 $0x1D00;
	[smem:$0x7E0] =	sst s13  }
0x33: {  	s0 =	sor.u32 s11, s0;
	s16 =	simm.s32 $0x2780;
	[smem:$0x7E1] =	sst s15  }
0x34: {  	s9 =	smul.u32 $0x13C000, s1;
	s18 =	simm.s32 $0x1D80;
	[smem:$0x7E2] =	sst s16  }
0x35: {  	s10 =	smul.u32 $0x13C00, s11;
	s19 =	simm.s32 $0x2800;
	[smem:$0x7E3] =	sst s18  }
0x36: {  	s14 =	smul.u32 $0x4F000, s11;
	s21 =	simm.s32 $0x1E00;
	[smem:$0x7E4] =	sst s19  }
0x37: {  	s20 =	sshll.u32 s11, $0x6;
	s11 =	simm.s32 $0x1F00;
	[smem:$0x7E5] =	sst s21  }
0x38: {  	s1 =	ssub.s32 $0x2, s1;
	s23 =	simm.s32 $0x1E80;
	[smem:$0x7EB] =	sst s11  }
0x39: {  	s0 =	smul.u32 $0x7800, s0;
	s25 =	simm.s32 $0x2900;
	[smem:$0x7E8] =	sst s23  }
0x3a: {  	s5 =	sadd.s32 $0x7F200, s7;
	s15 =	simm.s32 $0x2A00;
	[smem:$0x7EA] =	sst s25  }
0x3b: {  	s6 =	sadd.s32 $0x61200, s7;
	s16 =	simm.s32 $0x2000;
	[smem:$0x7F1] =	sst s15  }
0x3c: {  	s12 =	sshrl.u32 s1, $0x1;
	s18 =	simm.s32 $0x2080;
	[smem:$0x7F3] =	sst s16  }
0x3d: {  	s8 =	sor.u32 $0x1C07, s20;
	s19 =	simm.s32 $0x2B00;
	[smem:$0x7F5] =	sst s18  }
0x3e: {  	s20 =	simm.s32 $0x2100;
	s21 =	simm.s32 $0x2B80;
	[smem:$0x7F6] =	sst s19  }
0x3f: {  	s9 =	sadd.s32 s10, s9;
	s10 =	simm.s32 $0x1C80;
	[smem:$0x7F7] =	sst s20  }
0x40: {  	s1 =	ssub.s32 s1, s12;
	s17 =	sshrl.u32 s14, $0x2;
	[smem:$0x7F8] =	sst s21  }
0x41: {  	s12 =	simm.s32 $0x2980;
	s14 =	simm.s32 $0x1F80;
	[smem:$0x7DF] =	sst s10  }
0x42: {  	s16 =	simm.s32 $0x7;
	s18 =	simm.s32 $0x1800;
	[smem:$0x7ED] =	sst s12  }
0x43: {  	s19 =	simm.s32 $0x2400;
	s23 =	simm.s32 $0x2C00;
	[smem:$0x7EF] =	sst s14  }
0x44: {  	s20 =	simm.s32 $0x32;
	s25 =	simm.s32 $0x2D00;
	[smem:$0x7FA] =	sst s23  }
0x45: {  	s21 =	simm.s32 $0x3000;
	s4 =	sadd.s32 $0x1800, s0;
	[smem:$0x7FC] =	sst s25  }
0x46: {  	s22 =	sadd.s32 $0x2400, s0;
	s9 =	sshrl.u32 s9, $0x3;
	[dreg:$0x3] =	wrdreg s4  }
0x47: {  	s0 =	sshrl.u32 s0, $0x3;
	s1 =	smax.u32 s1, $0x1;
	[dreg:$0x4] =	wrdreg s22  }
0x48: {  	s22 =	simm.s32 $0x1100;
	s4 =	sadd.s32 $0x12200, s7;
	[smem:$0x7F2] =	sst s1  }
0x49: {  	s7 =	sadd.s32 s9, s7;
	s9 =	simm.s32 $0x2680;
	[dreg:$0x18] =	wrdreg s22  }
0x4a: {  	s23 =	simm.s32 $0x4C00;
	s24 =	sadd.s32 s5, s0;
	[smem:$0x7DE] =	sst s9  }
0x4b: {  	s25 =	simm.s32 $0x6800;
	s26 =	sadd.s32 s6, s0;
	[smem:$0x7E7] =	sst s24  }
0x4c: {  	s0 =	sadd.s32 $0x180, s0;
	s22 =	simm.s32 $0x1B00;
	[smem:$0x7E9] =	sst s26  }
0x4d: {  	s1 =	simm.s32 $0x6;
	s13 =	sadd.s32 s5, s0;
	[smem:$0x7D8] =	sst s22  }
0x4e: {  	s9 =	sadd.s32 s17, s2;
	s0 =	sadd.s32 s6, s0;
	[smem:$0x7EC] =	sst s13  }
0x4f: {  	s7 =	sadd.s32 $0x9D200, s7;
	s17 =	simm.s32 $0x2A80;
	[smem:$0x7EE] =	sst s0  }
0x50: {  	s24 =	simm.s32 $0x2C80;
	s26 =	simm.s32 $0x2D80;
	[smem:$0x7F0] =	sst s7  }
0x51: {  	s22 =	simm.s32 $0x2880;
	s15 =	sshrl.u32 s9, $0x3;
	[smem:$0x7F4] =	sst s17  }
0x52: {  	s17 =	simm.s32 $0xC00;
	[smem:$0x7FB] =	sst s24;
	s24 =	simm.s32 $0x100  }
0x53: {  	[smem:$0x7FD] =	sst s26;
	s26 =	simm.s32 $0x180;
	s0 =	simm.s32 $0x2  }
0x54: {  	s7 =	simm.s32 $0x1;
	[smem:$0x7E6] =	sst s22;
	s22 =	simm.s32 $0x2180  }
0x55: {  	s9 =	simm.s32 $0x0;
	[smem:$0x7F9] =	sst s22;
	s22 =	simm.s32 $0x80  }
.LBB2_1:
0x56: {  	s10 =	sld [smem:$0x7D9];
	_ =	sdelay $0x2  }
0x57: {  	[spmem:s15], [sflag:s8] =	dma.local [hbm:s10], $0x2780  }
0x58: {  	_ =	swait.ge [sflag:s16], $0x2780  }
0x59: {  	[sflag:s16] =	ssyncset.done $0x0  }
0x5a: {  	[sflag:s16] =	ssyncadd.s32 $0xFFFFD880  }
0x5b: {  	[bflag:$0x0] =	sbarrier.arrive $0xFFFF  }
0x5c: {  	s13 =	sld [smem:$0x7E7];
	_ =	sdelay $0x2  }
0x5d: {  	[tilespmem:s3], [sflag:$0x7] =	stream.linear.gather [hbm4b:s13+s3], $0xA00, $0x38;
	[tilespmem:$0x1DC00] =	vst v63  }
0x5e: {  	_ =	swait.ge [sflag:s16], $0xA00  }
0x5f: {  	s14 =	sld [smem:$0x7E9]  }
0x60: {  	[sflag:s16] =	ssyncset.done $0x0  }
0x61: {  	[sflag:s16] =	ssyncadd.s32 $0xFFFFF600  }
0x62: {  	[tilespmem:s17], [sflag:$0x7] =	stream.linear.gather [hbm4b:s14+s3], $0xA00, $0x38;
	[tilespmem:$0x1DC00] =	vst v63  }
0x63: {  	_ =	swait.ge [sflag:s16], $0xA00  }
0x64: {  	s11 =	sld [smem:$0x7EC]  }
0x65: {  	[sflag:s16] =	ssyncset.done $0x0  }
0x66: {  	s12 =	sld [smem:$0x7EE];
	[sflag:s16] =	ssyncadd.s32 $0xFFFFF600  }
0x67: {  	[tilespmem:s18], [sflag:$0x2] =	stream.linear.gather [hbm4b:s11+s3], $0xA00, $0x38;
	[tilespmem:$0x1DC00] =	vst v63  }
0x68: {  	_ = 	snop  }
0x69: {  	[tilespmem:s19], [sflag:$0x2] =	stream.linear.gather [hbm4b:s12+s3], $0xA00, $0x38;
	[tilespmem:$0x1DC00] =	vst v63  }
0x6a: {  	_ = 	snop  }
0x6b: {  	[tilespmem:s21], [sflag:$0x3] =	stream.indirect.gather [hbm4b:s4+s20], $0x80, s3, s20, $0xb8;
	[tilespmem:$0x1DC00] =	vst v63  }
0x6c: {  	_ = 	snop  }
0x6d: {  	[tilespmem:s23], [sflag:$0x4] =	stream.indirect.gather [hbm4b:s4+s20], $0x80, s22, s20, $0xb8;
	[tilespmem:$0x1DC00] =	vst v63  }
0x6e: {  	_ = 	snop  }
0x6f: {  	[tilespmem:s25], [sflag:$0x5] =	stream.indirect.gather [hbm4b:s4+s20], $0x80, s24, s20, $0xb8;
	[tilespmem:$0x1DC00] =	vst v63  }
0x70: {  	_ = 	snop  }
0x71: {  	[tilespmem:s28], [sflag:$0x6] =	stream.indirect.gather [hbm4b:s4+s20], $0x80, s26, s20, $0xb8;
	[tilespmem:$0x1DC00] =	vst v63  }
0x72: {  	_ =	swait.ge [sflag:s29], $0x1900  }
0x73: {  	[sflag:s29] =	ssyncset.done $0x0  }
0x74: {  	[sflag:s29] =	ssyncadd.s32 $0xFFFFE700  }
0x75: {  	[spmem:s2] =	stream.indirect.scatter.add.f32 [tilespmem:s21], [sflag:$0x7], $0x80, s17, s20, $0xb8;
	[tilespmem:$0x1DC00] =	vst v63  }
0x76: {  	_ =	swait.ge [sflag:s16], $0x1900  }
0x77: {  	[sflag:s16] =	ssyncset.done $0x0  }
0x78: {  	s13 =	rddreg [dreg:$0x5];
	[sflag:s16] =	ssyncadd.s32 $0xFFFFE700  }
0x79: {  	[tilespmem:s21], [sflag:$0x3] =	stream.indirect.gather [hbm4b:s4+s20], $0x80, s13, s20, $0xb8;
	[tilespmem:$0x1DC00] =	vst v63  }
0x7a: {  	_ =	swait.ge [sflag:s30], $0x1900  }
0x7b: {  	[sflag:s30] =	ssyncset.done $0x0  }
0x7c: {  	s14 =	rddreg [dreg:$0x6];
	[sflag:s30] =	ssyncadd.s32 $0xFFFFE700  }
0x7d: {  	[spmem:s2] =	stream.indirect.scatter.add.f32 [tilespmem:s23], [sflag:$0x7], $0x80, s14, s20, $0xb8;
	[tilespmem:$0x1DC00] =	vst v63  }
0x7e: {  	_ =	swait.ge [sflag:s16], $0x1900  }
0x7f: {  	[sflag:s16] =	ssyncset.done $0x0  }
0x80: {  	s11 =	rddreg [dreg:$0x7];
	[sflag:s16] =	ssyncadd.s32 $0xFFFFE700  }
0x81: {  	[tilespmem:s23], [sflag:$0x4] =	stream.indirect.gather [hbm4b:s4+s20], $0x80, s11, s20, $0xb8;
	[tilespmem:$0x1DC00] =	vst v63  }
0x82: {  	_ =	swait.ge [sflag:s31], $0x1900  }
0x83: {  	[sflag:s31] =	ssyncset.done $0x0  }
0x84: {  	s12 =	rddreg [dreg:$0x8];
	[sflag:s31] =	ssyncadd.s32 $0xFFFFE700  }
0x85: {  	[spmem:s2] =	stream.indirect.scatter.add.f32 [tilespmem:s25], [sflag:$0x7], $0x80, s12, s20, $0xb8;
	[tilespmem:$0x1DC00] =	vst v63  }
0x86: {  	_ =	swait.ge [sflag:s16], $0x1900  }
0x87: {  	[sflag:s16] =	ssyncset.done $0x0  }
0x88: {  	s13 =	rddreg [dreg:$0x9];
	[sflag:s16] =	ssyncadd.s32 $0xFFFFE700  }
0x89: {  	[tilespmem:s25], [sflag:$0x5] =	stream.indirect.gather [hbm4b:s4+s20], $0x80, s13, s20, $0xb8;
	[tilespmem:$0x1DC00] =	vst v63  }
0x8a: {  	_ =	swait.ge [sflag:s1], $0x1900  }
0x8b: {  	[sflag:s1] =	ssyncset.done $0x0  }
0x8c: {  	s14 =	rddreg [dreg:$0xa];
	[sflag:s1] =	ssyncadd.s32 $0xFFFFE700  }
0x8d: {  	[spmem:s2] =	stream.indirect.scatter.add.f32 [tilespmem:s28], [sflag:$0x7], $0x80, s14, s20, $0xb8;
	[tilespmem:$0x1DC00] =	vst v63  }
0x8e: {  	_ =	swait.ge [sflag:s16], $0x1900  }
0x8f: {  	[sflag:s16] =	ssyncset.done $0x0  }
0x90: {  	s11 =	rddreg [dreg:$0xb];
	[sflag:s16] =	ssyncadd.s32 $0xFFFFE700  }
0x91: {  	[tilespmem:s28], [sflag:$0x6] =	stream.indirect.gather [hbm4b:s4+s20], $0x80, s11, s20, $0xb8;
	[tilespmem:$0x1DC00] =	vst v63  }
0x92: {  	_ =	swait.ge [sflag:s29], $0x1900  }
0x93: {  	[sflag:s29] =	ssyncset.done $0x0  }
0x94: {  	s12 =	rddreg [dreg:$0xc];
	[sflag:s29] =	ssyncadd.s32 $0xFFFFE700  }
0x95: {  	[spmem:s2] =	stream.indirect.scatter.add.f32 [tilespmem:s21], [sflag:$0x7], $0x80, s12, s20, $0xb8;
	[tilespmem:$0x1DC00] =	vst v63  }
0x96: {  	_ =	swait.ge [sflag:s16], $0x1900  }
0x97: {  	[sflag:s16] =	ssyncset.done $0x0  }
0x98: {  	s13 =	rddreg [dreg:$0xd];
	[sflag:s16] =	ssyncadd.s32 $0xFFFFE700  }
0x99: {  	[tilespmem:s21], [sflag:$0x3] =	stream.indirect.gather [hbm4b:s4+s20], $0x80, s13, s20, $0xb8;
	[tilespmem:$0x1DC00] =	vst v63  }
0x9a: {  	_ =	swait.ge [sflag:s30], $0x1900  }
0x9b: {  	[sflag:s30] =	ssyncset.done $0x0  }
0x9c: {  	s14 =	rddreg [dreg:$0xe];
	[sflag:s30] =	ssyncadd.s32 $0xFFFFE700  }
0x9d: {  	[spmem:s2] =	stream.indirect.scatter.add.f32 [tilespmem:s23], [sflag:$0x7], $0x80, s14, s20, $0xb8;
	[tilespmem:$0x1DC00] =	vst v63  }
0x9e: {  	_ =	swait.ge [sflag:s16], $0x1900  }
0x9f: {  	[sflag:s16] =	ssyncset.done $0x0  }
0xa0: {  	s11 =	rddreg [dreg:$0xf];
	[sflag:s16] =	ssyncadd.s32 $0xFFFFE700  }
0xa1: {  	[tilespmem:s23], [sflag:$0x4] =	stream.indirect.gather [hbm4b:s4+s20], $0x80, s11, s20, $0xb8;
	[tilespmem:$0x1DC00] =	vst v63  }
0xa2: {  	_ =	swait.ge [sflag:s31], $0x1900  }
0xa3: {  	[sflag:s31] =	ssyncset.done $0x0  }
0xa4: {  	s12 =	rddreg [dreg:$0x10];
	[sflag:s31] =	ssyncadd.s32 $0xFFFFE700  }
0xa5: {  	[spmem:s2] =	stream.indirect.scatter.add.f32 [tilespmem:s25], [sflag:$0x7], $0x80, s12, s20, $0xb8;
	[tilespmem:$0x1DC00] =	vst v63  }
0xa6: {  	_ =	swait.ge [sflag:s16], $0x1900  }
0xa7: {  	[sflag:s16] =	ssyncset.done $0x0  }
0xa8: {  	s13 =	rddreg [dreg:$0x11];
	[sflag:s16] =	ssyncadd.s32 $0xFFFFE700  }
0xa9: {  	[tilespmem:s25], [sflag:$0x5] =	stream.indirect.gather [hbm4b:s4+s20], $0x80, s13, s20, $0xb8;
	[tilespmem:$0x1DC00] =	vst v63  }
0xaa: {  	_ =	swait.ge [sflag:s1], $0x1900  }
0xab: {  	[sflag:s1] =	ssyncset.done $0x0  }
0xac: {  	s14 =	rddreg [dreg:$0x12];
	[sflag:s1] =	ssyncadd.s32 $0xFFFFE700  }
0xad: {  	[spmem:s2] =	stream.indirect.scatter.add.f32 [tilespmem:s28], [sflag:$0x7], $0x80, s14, s20, $0xb8;
	[tilespmem:$0x1DC00] =	vst v63  }
0xae: {  	_ =	swait.ge [sflag:s16], $0x1900  }
0xaf: {  	[sflag:s16] =	ssyncset.done $0x0  }
0xb0: {  	s11 =	rddreg [dreg:$0x13];
	[sflag:s16] =	ssyncadd.s32 $0xFFFFE700  }
0xb1: {  	[tilespmem:s28], [sflag:$0x6] =	stream.indirect.gather [hbm4b:s4+s20], $0x80, s11, s20, $0xb8;
	[tilespmem:$0x1DC00] =	vst v63  }
0xb2: {  	_ =	swait.ge [sflag:s29], $0x1900  }
0xb3: {  	[sflag:s29] =	ssyncset.done $0x0  }
0xb4: {  	s12 =	rddreg [dreg:$0x14];
	[sflag:s29] =	ssyncadd.s32 $0xFFFFE700  }
0xb5: {  	[spmem:s2] =	stream.indirect.scatter.add.f32 [tilespmem:s21], [sflag:$0x7], $0x80, s12, s20, $0xb8;
	[tilespmem:$0x1DC00] =	vst v63  }
0xb6: {  	_ =	swait.ge [sflag:s16], $0x1900  }
0xb7: {  	[sflag:s16] =	ssyncset.done $0x0  }
0xb8: {  	s13 =	rddreg [dreg:$0x15];
	[sflag:s16] =	ssyncadd.s32 $0xFFFFE700  }
0xb9: {  	[tilespmem:s21], [sflag:$0x3] =	stream.indirect.gather [hbm4b:s4+s20], $0x80, s13, s20, $0xb8;
	[tilespmem:$0x1DC00] =	vst v63  }
0xba: {  	_ =	swait.ge [sflag:s30], $0x1900  }
0xbb: {  	[sflag:s30] =	ssyncset.done $0x0  }
0xbc: {  	s14 =	rddreg [dreg:$0x16];
	[sflag:s30] =	ssyncadd.s32 $0xFFFFE700  }
0xbd: {  	[spmem:s2] =	stream.indirect.scatter.add.f32 [tilespmem:s23], [sflag:$0x7], $0x80, s14, s20, $0xb8;
	[tilespmem:$0x1DC00] =	vst v63  }
0xbe: {  	_ =	swait.ge [sflag:s16], $0x1900  }
0xbf: {  	[sflag:s16] =	ssyncset.done $0x0  }
0xc0: {  	s11 =	rddreg [dreg:$0x17];
	[sflag:s16] =	ssyncadd.s32 $0xFFFFE700  }
0xc1: {  	[tilespmem:s23], [sflag:$0x4] =	stream.indirect.gather [hbm4b:s4+s20], $0x80, s11, s20, $0xb8;
	[tilespmem:$0x1DC00] =	vst v63  }
0xc2: {  	_ =	swait.ge [sflag:s31], $0x1900  }
0xc3: {  	[sflag:s31] =	ssyncset.done $0x0  }
0xc4: {  	s12 =	rddreg [dreg:$0x18];
	[sflag:s31] =	ssyncadd.s32 $0xFFFFE700  }
0xc5: {  	[spmem:s2] =	stream.indirect.scatter.add.f32 [tilespmem:s25], [sflag:$0x7], $0x80, s12, s20, $0xb8;
	[tilespmem:$0x1DC00] =	vst v63  }
0xc6: {  	_ =	swait.ge [sflag:s16], $0x1900  }
0xc7: {  	[sflag:s16] =	ssyncset.done $0x0  }
0xc8: {  	s13 =	rddreg [dreg:$0x19];
	[sflag:s16] =	ssyncadd.s32 $0xFFFFE700  }
0xc9: {  	[tilespmem:s25], [sflag:$0x5] =	stream.indirect.gather [hbm4b:s4+s20], $0x80, s13, s20, $0xb8;
	[tilespmem:$0x1DC00] =	vst v63  }
0xca: {  	_ =	swait.ge [sflag:s1], $0x1900  }
0xcb: {  	[sflag:s1] =	ssyncset.done $0x0  }
0xcc: {  	s14 =	rddreg [dreg:$0x1a];
	[sflag:s1] =	ssyncadd.s32 $0xFFFFE700  }
0xcd: {  	[spmem:s2] =	stream.indirect.scatter.add.f32 [tilespmem:s28], [sflag:$0x7], $0x80, s14, s20, $0xb8;
	[tilespmem:$0x1DC00] =	vst v63  }
0xce: {  	_ =	swait.ge [sflag:s16], $0x1900  }
0xcf: {  	[sflag:s16] =	ssyncset.done $0x0  }
0xd0: {  	s11 =	rddreg [dreg:$0x1b];
	[sflag:s16] =	ssyncadd.s32 $0xFFFFE700  }
0xd1: {  	[tilespmem:s28], [sflag:$0x6] =	stream.indirect.gather [hbm4b:s4+s20], $0x80, s11, s20, $0xb8;
	[tilespmem:$0x1DC00] =	vst v63  }
0xd2: {  	_ =	swait.ge [sflag:s29], $0x1900  }
0xd3: {  	[sflag:s29] =	ssyncset.done $0x0  }
0xd4: {  	s12 =	rddreg [dreg:$0x1c];
	[sflag:s29] =	ssyncadd.s32 $0xFFFFE700  }
0xd5: {  	[spmem:s2] =	stream.indirect.scatter.add.f32 [tilespmem:s21], [sflag:$0x7], $0x80, s12, s20, $0xb8;
	[tilespmem:$0x1DC00] =	vst v63  }
0xd6: {  	_ =	swait.ge [sflag:s16], $0x1900  }
0xd7: {  	[sflag:s16] =	ssyncset.done $0x0  }
0xd8: {  	s13 =	rddreg [dreg:$0x1d];
	[sflag:s16] =	ssyncadd.s32 $0xFFFFE700  }
0xd9: {  	[tilespmem:s21], [sflag:$0x3] =	stream.indirect.gather [hbm4b:s4+s20], $0x80, s13, s20, $0xb8;
	[tilespmem:$0x1DC00] =	vst v63  }
0xda: {  	_ =	swait.ge [sflag:s30], $0x1900  }
0xdb: {  	[sflag:s30] =	ssyncset.done $0x0  }
0xdc: {  	s14 =	rddreg [dreg:$0x1e];
	[sflag:s30] =	ssyncadd.s32 $0xFFFFE700  }
0xdd: {  	[spmem:s2] =	stream.indirect.scatter.add.f32 [tilespmem:s23], [sflag:$0x7], $0x80, s14, s20, $0xb8;
	[tilespmem:$0x1DC00] =	vst v63  }
0xde: {  	_ =	swait.ge [sflag:s16], $0x1900  }
0xdf: {  	[sflag:s16] =	ssyncset.done $0x0  }
0xe0: {  	s11 =	rddreg [dreg:$0x1f];
	[sflag:s16] =	ssyncadd.s32 $0xFFFFE700  }
0xe1: {  	[tilespmem:s23], [sflag:$0x4] =	stream.indirect.gather [hbm4b:s4+s20], $0x80, s11, s20, $0xb8;
	[tilespmem:$0x1DC00] =	vst v63  }
0xe2: {  	_ =	swait.ge [sflag:s31], $0x1900  }
0xe3: {  	s12 =	sld [smem:$0x7C9]  }
0xe4: {  	[sflag:s31] =	ssyncset.done $0x0  }
0xe5: {  	[sflag:s31] =	ssyncadd.s32 $0xFFFFE700  }
0xe6: {  	[spmem:s2] =	stream.indirect.scatter.add.f32 [tilespmem:s25], [sflag:$0x7], $0x80, s12, s20, $0xb8;
	[tilespmem:$0x1DC00] =	vst v63  }
0xe7: {  	_ =	swait.ge [sflag:s16], $0x1900  }
0xe8: {  	s13 =	sld [smem:$0x7CA]  }
0xe9: {  	[sflag:s16] =	ssyncset.done $0x0  }
0xea: {  	[sflag:s16] =	ssyncadd.s32 $0xFFFFE700  }
0xeb: {  	[tilespmem:s25], [sflag:$0x5] =	stream.indirect.gather [hbm4b:s4+s20], $0x80, s13, s20, $0xb8;
	[tilespmem:$0x1DC00] =	vst v63  }
0xec: {  	_ =	swait.ge [sflag:s1], $0x1900  }
0xed: {  	s14 =	sld [smem:$0x7CB]  }
0xee: {  	[sflag:s1] =	ssyncset.done $0x0  }
0xef: {  	[sflag:s1] =	ssyncadd.s32 $0xFFFFE700  }
0xf0: {  	[spmem:s2] =	stream.indirect.scatter.add.f32 [tilespmem:s28], [sflag:$0x7], $0x80, s14, s20, $0xb8;
	[tilespmem:$0x1DC00] =	vst v63  }
0xf1: {  	_ =	swait.ge [sflag:s16], $0x1900  }
0xf2: {  	s11 =	sld [smem:$0x7CC]  }
0xf3: {  	[sflag:s16] =	ssyncset.done $0x0  }
0xf4: {  	[sflag:s16] =	ssyncadd.s32 $0xFFFFE700  }
0xf5: {  	[tilespmem:s28], [sflag:$0x6] =	stream.indirect.gather [hbm4b:s4+s20], $0x80, s11, s20, $0xb8;
	[tilespmem:$0x1DC00] =	vst v63  }
0xf6: {  	_ =	swait.ge [sflag:s0], $0xA00  }
0xf7: {  	[sflag:s0] =	ssyncset.done $0x0  }
0xf8: {  	[sflag:s0] =	ssyncadd.s32 $0xFFFFF600  }
0xf9: {  	_ =	swait.ge [sflag:s0], $0xA00  }
0xfa: {  	[sflag:s0] =	ssyncset.done $0x0  }
0xfb: {  	[sflag:s0] =	ssyncadd.s32 $0xFFFFF600  }
0xfc: {  	_ =	swait.ge [sflag:s29], $0x1900  }
0xfd: {  	s12 =	sld [smem:$0x7CD]  }
0xfe: {  	[sflag:s29] =	ssyncset.done $0x0  }
0xff: {  	[sflag:s29] =	ssyncadd.s32 $0xFFFFE700  }
0x100: {  	[spmem:s2] =	stream.indirect.scatter.add.f32 [tilespmem:s21], [sflag:$0x7], $0x80, s12, s20, $0xb8;
	[tilespmem:$0x1DC00] =	vst v63  }
0x101: {  	_ =	swait.ge [sflag:s16], $0x1900  }
0x102: {  	[sflag:s16] =	ssyncset.done $0x0  }
0x103: {  	[sflag:s16] =	ssyncadd.s32 $0xFFFFE700  }
0x104: {  	[tilespmem:s21], [sflag:$0x3] =	stream.indirect.gather [hbm4b:s4+s20], $0x80, s18, s20, $0xb8;
	[tilespmem:$0x1DC00] =	vst v63  }
0x105: {  	_ =	swait.ge [sflag:s30], $0x1900  }
0x106: {  	s13 =	sld [smem:$0x7CE]  }
0x107: {  	[sflag:s30] =	ssyncset.done $0x0  }
0x108: {  	[sflag:s30] =	ssyncadd.s32 $0xFFFFE700  }
0x109: {  	[spmem:s2] =	stream.indirect.scatter.add.f32 [tilespmem:s23], [sflag:$0x7], $0x80, s13, s20, $0xb8;
	[tilespmem:$0x1DC00] =	vst v63  }
0x10a: {  	_ =	swait.ge [sflag:s16], $0x1900  }
0x10b: {  	s14 =	sld [smem:$0x7CF]  }
0x10c: {  	[sflag:s16] =	ssyncset.done $0x0  }
0x10d: {  	[sflag:s16] =	ssyncadd.s32 $0xFFFFE700  }
0x10e: {  	[tilespmem:s23], [sflag:$0x4] =	stream.indirect.gather [hbm4b:s4+s20], $0x80, s14, s20, $0xb8;
	[tilespmem:$0x1DC00] =	vst v63  }
0x10f: {  	_ =	swait.ge [sflag:s31], $0x1900  }
0x110: {  	s11 =	sld [smem:$0x7D0]  }
0x111: {  	[sflag:s31] =	ssyncset.done $0x0  }
0x112: {  	[sflag:s31] =	ssyncadd.s32 $0xFFFFE700  }
0x113: {  	[spmem:s2] =	stream.indirect.scatter.add.f32 [tilespmem:s25], [sflag:$0x7], $0x80, s11, s20, $0xb8;
	[tilespmem:$0x1DC00] =	vst v63  }
0x114: {  	_ =	swait.ge [sflag:s16], $0x1900  }
0x115: {  	s12 =	sld [smem:$0x7D1]  }
0x116: {  	[sflag:s16] =	ssyncset.done $0x0  }
0x117: {  	[sflag:s16] =	ssyncadd.s32 $0xFFFFE700  }
0x118: {  	[tilespmem:s25], [sflag:$0x5] =	stream.indirect.gather [hbm4b:s4+s20], $0x80, s12, s20, $0xb8;
	[tilespmem:$0x1DC00] =	vst v63  }
0x119: {  	_ =	swait.ge [sflag:s1], $0x1900  }
0x11a: {  	s13 =	sld [smem:$0x7D2]  }
0x11b: {  	[sflag:s1] =	ssyncset.done $0x0  }
0x11c: {  	p0 =	por $0x1, $0x1;
	s10 =	simm.s32 $0x0;
	[sflag:s1] =	ssyncadd.s32 $0xFFFFE700  }
0x11d: {  	[spmem:s2] =	stream.indirect.scatter.add.f32 [tilespmem:s28], [sflag:$0x7], $0x80, s13, s20, $0xb8;
	[tilespmem:$0x1DC00] =	vst v63  }
0x11e: {  	s10 =	simm.s32 @!p0 $0x7;
	_ =	swait.ge [sflag:s16], $0x1900  }
0x11f: {  	s10 =	smul.u32 $0xC00, s10;
	s11 =	rddreg [dreg:$0x3]  }
0x120: {  	s12 =	sld [smem:$0x7D3]  }
0x121: {  	[sflag:s16] =	ssyncset.done $0x0;
	s10 =	sadd.s32 s10, s11  }
0x122: {  	[sflag:s16] =	ssyncadd.s32 $0xFFFFE700;
	s10 =	sshrl.u32 s10, $0x3  }
0x123: {  	[tilespmem:s28], [sflag:$0x6] =	stream.indirect.gather [hbm4b:s4+s20], $0x80, s12, s20, $0xb8;
	[tilespmem:$0x1DC00] =	vst v63  }
0x124: {  	s14 =	sadd.s32 s5, s10  }
0x125: {  	[tilespmem:s3], [sflag:$0x1] =	stream.linear.gather [hbm4b:s14+s3], $0xA00, $0x38;
	[tilespmem:$0x1DC00] =	vst v63  }
0x126: {  	s10 =	sadd.s32 s6, s10  }
0x127: {  	[tilespmem:s17], [sflag:$0x1] =	stream.linear.gather [hbm4b:s10+s3], $0xA00, $0x38;
	[tilespmem:$0x1DC00] =	vst v63  }
0x128: {  	_ =	swait.ge [sflag:s29], $0x1900  }
0x129: {  	[sflag:s29] =	ssyncset.done $0x0  }
0x12a: {  	[sflag:s29] =	ssyncadd.s32 $0xFFFFE700  }
0x12b: {  	[spmem:s2] =	stream.indirect.scatter.add.f32 [tilespmem:s21], [sflag:$0x7], $0x80, s19, s20, $0xb8;
	[tilespmem:$0x1DC00] =	vst v63  }
0x12c: {  	_ =	swait.ge [sflag:s16], $0x1900  }
0x12d: {  	s11 =	sld [smem:$0x7D4]  }
0x12e: {  	[sflag:s16] =	ssyncset.done $0x0  }
0x12f: {  	[sflag:s16] =	ssyncadd.s32 $0xFFFFE700  }
0x130: {  	[tilespmem:s21], [sflag:$0x3] =	stream.indirect.gather [hbm4b:s4+s20], $0x80, s11, s20, $0xb8;
	[tilespmem:$0x1DC00] =	vst v63  }
0x131: {  	_ =	swait.ge [sflag:s30], $0x1900  }
0x132: {  	s12 =	sld [smem:$0x7D5]  }
0x133: {  	[sflag:s30] =	ssyncset.done $0x0  }
0x134: {  	[sflag:s30] =	ssyncadd.s32 $0xFFFFE700  }
0x135: {  	[spmem:s2] =	stream.indirect.scatter.add.f32 [tilespmem:s23], [sflag:$0x7], $0x80, s12, s20, $0xb8;
	[tilespmem:$0x1DC00] =	vst v63  }
0x136: {  	_ =	swait.ge [sflag:s16], $0x1900  }
0x137: {  	s13 =	sld [smem:$0x7D6]  }
0x138: {  	[sflag:s16] =	ssyncset.done $0x0  }
0x139: {  	[sflag:s16] =	ssyncadd.s32 $0xFFFFE700  }
0x13a: {  	[tilespmem:s23], [sflag:$0x4] =	stream.indirect.gather [hbm4b:s4+s20], $0x80, s13, s20, $0xb8;
	[tilespmem:$0x1DC00] =	vst v63  }
0x13b: {  	_ =	swait.ge [sflag:s31], $0x1900  }
0x13c: {  	s14 =	sld [smem:$0x7D7]  }
0x13d: {  	[sflag:s31] =	ssyncset.done $0x0  }
0x13e: {  	[sflag:s31] =	ssyncadd.s32 $0xFFFFE700  }
0x13f: {  	[spmem:s2] =	stream.indirect.scatter.add.f32 [tilespmem:s25], [sflag:$0x7], $0x80, s14, s20, $0xb8;
	[tilespmem:$0x1DC00] =	vst v63  }
0x140: {  	_ =	swait.ge [sflag:s16], $0x1900  }
0x141: {  	s11 =	sld [smem:$0x7D8]  }
0x142: {  	[sflag:s16] =	ssyncset.done $0x0  }
0x143: {  	[sflag:s16] =	ssyncadd.s32 $0xFFFFE700  }
0x144: {  	[tilespmem:s25], [sflag:$0x5] =	stream.indirect.gather [hbm4b:s4+s20], $0x80, s11, s20, $0xb8;
	[tilespmem:$0x1DC00] =	vst v63  }
0x145: {  	_ =	swait.ge [sflag:s1], $0x1900  }
0x146: {  	s12 =	sld [smem:$0x7DA]  }
0x147: {  	[sflag:s1] =	ssyncset.done $0x0  }
0x148: {  	[sflag:s1] =	ssyncadd.s32 $0xFFFFE700  }
0x149: {  	[spmem:s2] =	stream.indirect.scatter.add.f32 [tilespmem:s28], [sflag:$0x7], $0x80, s12, s20, $0xb8;
	[tilespmem:$0x1DC00] =	vst v63  }
0x14a: {  	_ =	swait.ge [sflag:s16], $0x1900  }
0x14b: {  	s13 =	sld [smem:$0x7DB]  }
0x14c: {  	[sflag:s16] =	ssyncset.done $0x0  }
0x14d: {  	[sflag:s16] =	ssyncadd.s32 $0xFFFFE700  }
0x14e: {  	[tilespmem:s28], [sflag:$0x6] =	stream.indirect.gather [hbm4b:s4+s20], $0x80, s13, s20, $0xb8;
	[tilespmem:$0x1DC00] =	vst v63  }
0x14f: {  	_ =	swait.ge [sflag:s29], $0x1900  }
0x150: {  	s14 =	sld [smem:$0x7DC]  }
0x151: {  	[sflag:s29] =	ssyncset.done $0x0  }
0x152: {  	[sflag:s29] =	ssyncadd.s32 $0xFFFFE700  }
0x153: {  	[spmem:s2] =	stream.indirect.scatter.add.f32 [tilespmem:s21], [sflag:$0x7], $0x80, s14, s20, $0xb8;
	[tilespmem:$0x1DC00] =	vst v63  }
0x154: {  	_ =	swait.ge [sflag:s16], $0x1900  }
0x155: {  	s11 =	sld [smem:$0x7DD]  }
0x156: {  	[sflag:s16] =	ssyncset.done $0x0  }
0x157: {  	[sflag:s16] =	ssyncadd.s32 $0xFFFFE700  }
0x158: {  	[tilespmem:s21], [sflag:$0x3] =	stream.indirect.gather [hbm4b:s4+s20], $0x80, s11, s20, $0xb8;
	[tilespmem:$0x1DC00] =	vst v63  }
0x159: {  	_ =	swait.ge [sflag:s30], $0x1900  }
0x15a: {  	s12 =	sld [smem:$0x7DE]  }
0x15b: {  	[sflag:s30] =	ssyncset.done $0x0  }
0x15c: {  	[sflag:s30] =	ssyncadd.s32 $0xFFFFE700  }
0x15d: {  	[spmem:s2] =	stream.indirect.scatter.add.f32 [tilespmem:s23], [sflag:$0x7], $0x80, s12, s20, $0xb8;
	[tilespmem:$0x1DC00] =	vst v63  }
0x15e: {  	_ =	swait.ge [sflag:s16], $0x1900  }
0x15f: {  	s13 =	sld [smem:$0x7DF]  }
0x160: {  	[sflag:s16] =	ssyncset.done $0x0  }
0x161: {  	[sflag:s16] =	ssyncadd.s32 $0xFFFFE700  }
0x162: {  	[tilespmem:s23], [sflag:$0x4] =	stream.indirect.gather [hbm4b:s4+s20], $0x80, s13, s20, $0xb8;
	[tilespmem:$0x1DC00] =	vst v63  }
0x163: {  	_ =	swait.ge [sflag:s31], $0x1900  }
0x164: {  	s14 =	sld [smem:$0x7E0]  }
0x165: {  	[sflag:s31] =	ssyncset.done $0x0  }
0x166: {  	[sflag:s31] =	ssyncadd.s32 $0xFFFFE700  }
0x167: {  	[spmem:s2] =	stream.indirect.scatter.add.f32 [tilespmem:s25], [sflag:$0x7], $0x80, s14, s20, $0xb8;
	[tilespmem:$0x1DC00] =	vst v63  }
0x168: {  	_ =	swait.ge [sflag:s16], $0x1900  }
0x169: {  	s11 =	sld [smem:$0x7E1]  }
0x16a: {  	[sflag:s16] =	ssyncset.done $0x0  }
0x16b: {  	[sflag:s16] =	ssyncadd.s32 $0xFFFFE700  }
0x16c: {  	[tilespmem:s25], [sflag:$0x5] =	stream.indirect.gather [hbm4b:s4+s20], $0x80, s11, s20, $0xb8;
	[tilespmem:$0x1DC00] =	vst v63  }
0x16d: {  	_ =	swait.ge [sflag:s1], $0x1900  }
0x16e: {  	s12 =	sld [smem:$0x7E2]  }
0x16f: {  	[sflag:s1] =	ssyncset.done $0x0  }
0x170: {  	[sflag:s1] =	ssyncadd.s32 $0xFFFFE700  }
0x171: {  	[spmem:s2] =	stream.indirect.scatter.add.f32 [tilespmem:s28], [sflag:$0x7], $0x80, s12, s20, $0xb8;
	[tilespmem:$0x1DC00] =	vst v63  }
0x172: {  	_ =	swait.ge [sflag:s16], $0x1900  }
0x173: {  	s13 =	sld [smem:$0x7E3]  }
0x174: {  	[sflag:s16] =	ssyncset.done $0x0  }
0x175: {  	[sflag:s16] =	ssyncadd.s32 $0xFFFFE700  }
0x176: {  	[tilespmem:s28], [sflag:$0x6] =	stream.indirect.gather [hbm4b:s4+s20], $0x80, s13, s20, $0xb8;
	[tilespmem:$0x1DC00] =	vst v63  }
0x177: {  	_ =	swait.ge [sflag:s29], $0x1900  }
0x178: {  	s14 =	sld [smem:$0x7E4]  }
0x179: {  	[sflag:s29] =	ssyncset.done $0x0  }
0x17a: {  	[sflag:s29] =	ssyncadd.s32 $0xFFFFE700  }
0x17b: {  	[spmem:s2] =	stream.indirect.scatter.add.f32 [tilespmem:s21], [sflag:$0x7], $0x80, s14, s20, $0xb8;
	[tilespmem:$0x1DC00] =	vst v63  }
0x17c: {  	_ =	swait.ge [sflag:s16], $0x1900  }
0x17d: {  	s11 =	sld [smem:$0x7E5]  }
0x17e: {  	[sflag:s16] =	ssyncset.done $0x0  }
0x17f: {  	[sflag:s16] =	ssyncadd.s32 $0xFFFFE700  }
0x180: {  	[tilespmem:s21], [sflag:$0x3] =	stream.indirect.gather [hbm4b:s4+s20], $0x80, s11, s20, $0xb8;
	[tilespmem:$0x1DC00] =	vst v63  }
0x181: {  	_ =	swait.ge [sflag:s30], $0x1900  }
0x182: {  	s12 =	sld [smem:$0x7E6]  }
0x183: {  	[sflag:s30] =	ssyncset.done $0x0  }
0x184: {  	[sflag:s30] =	ssyncadd.s32 $0xFFFFE700  }
0x185: {  	[spmem:s2] =	stream.indirect.scatter.add.f32 [tilespmem:s23], [sflag:$0x7], $0x80, s12, s20, $0xb8;
	[tilespmem:$0x1DC00] =	vst v63  }
0x186: {  	_ =	swait.ge [sflag:s16], $0x1900  }
0x187: {  	s13 =	sld [smem:$0x7E8]  }
0x188: {  	[sflag:s16] =	ssyncset.done $0x0  }
0x189: {  	[sflag:s16] =	ssyncadd.s32 $0xFFFFE700  }
0x18a: {  	[tilespmem:s23], [sflag:$0x4] =	stream.indirect.gather [hbm4b:s4+s20], $0x80, s13, s20, $0xb8;
	[tilespmem:$0x1DC00] =	vst v63  }
0x18b: {  	_ =	swait.ge [sflag:s31], $0x1900  }
0x18c: {  	s14 =	sld [smem:$0x7EA]  }
0x18d: {  	[sflag:s31] =	ssyncset.done $0x0  }
0x18e: {  	[sflag:s31] =	ssyncadd.s32 $0xFFFFE700  }
0x18f: {  	[spmem:s2] =	stream.indirect.scatter.add.f32 [tilespmem:s25], [sflag:$0x7], $0x80, s14, s20, $0xb8;
	[tilespmem:$0x1DC00] =	vst v63  }
0x190: {  	_ =	swait.ge [sflag:s16], $0x1900  }
0x191: {  	s11 =	sld [smem:$0x7EB]  }
0x192: {  	[sflag:s16] =	ssyncset.done $0x0  }
0x193: {  	[sflag:s16] =	ssyncadd.s32 $0xFFFFE700  }
0x194: {  	[tilespmem:s25], [sflag:$0x5] =	stream.indirect.gather [hbm4b:s4+s20], $0x80, s11, s20, $0xb8;
	[tilespmem:$0x1DC00] =	vst v63  }
0x195: {  	_ =	swait.ge [sflag:s1], $0x1900  }
0x196: {  	s12 =	sld [smem:$0x7ED]  }
0x197: {  	[sflag:s1] =	ssyncset.done $0x0  }
0x198: {  	[sflag:s1] =	ssyncadd.s32 $0xFFFFE700  }
0x199: {  	[spmem:s2] =	stream.indirect.scatter.add.f32 [tilespmem:s28], [sflag:$0x7], $0x80, s12, s20, $0xb8;
	[tilespmem:$0x1DC00] =	vst v63  }
0x19a: {  	_ =	swait.ge [sflag:s16], $0x1900  }
0x19b: {  	s13 =	sld [smem:$0x7EF]  }
0x19c: {  	[sflag:s16] =	ssyncset.done $0x0  }
0x19d: {  	[sflag:s16] =	ssyncadd.s32 $0xFFFFE700  }
0x19e: {  	[tilespmem:s28], [sflag:$0x6] =	stream.indirect.gather [hbm4b:s4+s20], $0x80, s13, s20, $0xb8;
	[tilespmem:$0x1DC00] =	vst v63  }
0x19f: {  	_ =	swait.ge [sflag:s29], $0x1900  }
0x1a0: {  	s14 =	sld [smem:$0x7F1]  }
0x1a1: {  	[sflag:s29] =	ssyncset.done $0x0  }
0x1a2: {  	[sflag:s29] =	ssyncadd.s32 $0xFFFFE700  }
0x1a3: {  	[spmem:s2] =	stream.indirect.scatter.add.f32 [tilespmem:s21], [sflag:$0x7], $0x80, s14, s20, $0xb8;
	[tilespmem:$0x1DC00] =	vst v63  }
0x1a4: {  	_ =	swait.ge [sflag:s16], $0x1900  }
0x1a5: {  	s11 =	sld [smem:$0x7F3]  }
0x1a6: {  	[sflag:s16] =	ssyncset.done $0x0  }
0x1a7: {  	[sflag:s16] =	ssyncadd.s32 $0xFFFFE700  }
0x1a8: {  	[tilespmem:s21], [sflag:$0x3] =	stream.indirect.gather [hbm4b:s4+s20], $0x80, s11, s20, $0xb8;
	[tilespmem:$0x1DC00] =	vst v63  }
0x1a9: {  	_ =	swait.ge [sflag:s30], $0x1900  }
0x1aa: {  	s12 =	sld [smem:$0x7F4]  }
0x1ab: {  	[sflag:s30] =	ssyncset.done $0x0  }
0x1ac: {  	[sflag:s30] =	ssyncadd.s32 $0xFFFFE700  }
0x1ad: {  	[spmem:s2] =	stream.indirect.scatter.add.f32 [tilespmem:s23], [sflag:$0x7], $0x80, s12, s20, $0xb8;
	[tilespmem:$0x1DC00] =	vst v63  }
0x1ae: {  	_ =	swait.ge [sflag:s16], $0x1900  }
0x1af: {  	s13 =	sld [smem:$0x7F5]  }
0x1b0: {  	[sflag:s16] =	ssyncset.done $0x0  }
0x1b1: {  	[sflag:s16] =	ssyncadd.s32 $0xFFFFE700  }
0x1b2: {  	[tilespmem:s23], [sflag:$0x4] =	stream.indirect.gather [hbm4b:s4+s20], $0x80, s13, s20, $0xb8;
	[tilespmem:$0x1DC00] =	vst v63  }
0x1b3: {  	_ =	swait.ge [sflag:s31], $0x1900  }
0x1b4: {  	s14 =	sld [smem:$0x7F6]  }
0x1b5: {  	[sflag:s31] =	ssyncset.done $0x0  }
0x1b6: {  	[sflag:s31] =	ssyncadd.s32 $0xFFFFE700  }
0x1b7: {  	[spmem:s2] =	stream.indirect.scatter.add.f32 [tilespmem:s25], [sflag:$0x7], $0x80, s14, s20, $0xb8;
	[tilespmem:$0x1DC00] =	vst v63  }
0x1b8: {  	_ =	swait.ge [sflag:s16], $0x1900  }
0x1b9: {  	s11 =	sld [smem:$0x7F7]  }
0x1ba: {  	[sflag:s16] =	ssyncset.done $0x0  }
0x1bb: {  	[sflag:s16] =	ssyncadd.s32 $0xFFFFE700  }
0x1bc: {  	[tilespmem:s25], [sflag:$0x5] =	stream.indirect.gather [hbm4b:s4+s20], $0x80, s11, s20, $0xb8;
	[tilespmem:$0x1DC00] =	vst v63  }
0x1bd: {  	_ =	swait.ge [sflag:s1], $0x1900  }
0x1be: {  	s12 =	sld [smem:$0x7F8]  }
0x1bf: {  	[sflag:s1] =	ssyncset.done $0x0  }
0x1c0: {  	[sflag:s1] =	ssyncadd.s32 $0xFFFFE700  }
0x1c1: {  	[spmem:s2] =	stream.indirect.scatter.add.f32 [tilespmem:s28], [sflag:$0x7], $0x80, s12, s20, $0xb8;
	[tilespmem:$0x1DC00] =	vst v63  }
0x1c2: {  	_ =	swait.ge [sflag:s16], $0x1900  }
0x1c3: {  	s13 =	sld [smem:$0x7F9]  }
0x1c4: {  	[sflag:s16] =	ssyncset.done $0x0  }
0x1c5: {  	[sflag:s16] =	ssyncadd.s32 $0xFFFFE700  }
0x1c6: {  	[tilespmem:s28], [sflag:$0x6] =	stream.indirect.gather [hbm4b:s4+s20], $0x80, s13, s20, $0xb8;
	[tilespmem:$0x1DC00] =	vst v63  }
0x1c7: {  	_ =	swait.ge [sflag:s7], $0xA00  }
0x1c8: {  	[sflag:s7] =	ssyncset.done $0x0  }
0x1c9: {  	[sflag:s7] =	ssyncadd.s32 $0xFFFFF600  }
0x1ca: {  	_ =	swait.ge [sflag:s7], $0xA00  }
0x1cb: {  	[sflag:s7] =	ssyncset.done $0x0  }
0x1cc: {  	[sflag:s7] =	ssyncadd.s32 $0xFFFFF600  }
0x1cd: {  	_ =	swait.ge [sflag:s29], $0x1900  }
0x1ce: {  	s14 =	sld [smem:$0x7FA]  }
0x1cf: {  	[sflag:s29] =	ssyncset.done $0x0  }
0x1d0: {  	[sflag:s29] =	ssyncadd.s32 $0xFFFFE700  }
0x1d1: {  	[spmem:s2] =	stream.indirect.scatter.add.f32 [tilespmem:s21], [sflag:$0x7], $0x80, s14, s20, $0xb8;
	[tilespmem:$0x1DC00] =	vst v63  }
0x1d2: {  	_ =	swait.ge [sflag:s16], $0x1900  }
0x1d3: {  	[sflag:s16] =	ssyncset.done $0x0  }
0x1d4: {  	[sflag:s16] =	ssyncadd.s32 $0xFFFFE700  }
0x1d5: {  	[tilespmem:s21], [sflag:$0x3] =	stream.indirect.gather [hbm4b:s4+s20], $0x80, s3, s20, $0xb8;
	[tilespmem:$0x1DC00] =	vst v63  }
0x1d6: {  	_ =	swait.ge [sflag:s30], $0x1900  }
0x1d7: {  	s11 =	sld [smem:$0x7FB]  }
0x1d8: {  	[sflag:s30] =	ssyncset.done $0x0  }
0x1d9: {  	[sflag:s30] =	ssyncadd.s32 $0xFFFFE700  }
0x1da: {  	[spmem:s2] =	stream.indirect.scatter.add.f32 [tilespmem:s23], [sflag:$0x7], $0x80, s11, s20, $0xb8;
	[tilespmem:$0x1DC00] =	vst v63  }
0x1db: {  	_ =	swait.ge [sflag:s16], $0x1900  }
0x1dc: {  	[sflag:s16] =	ssyncset.done $0x0  }
0x1dd: {  	[sflag:s16] =	ssyncadd.s32 $0xFFFFE700  }
0x1de: {  	[tilespmem:s23], [sflag:$0x4] =	stream.indirect.gather [hbm4b:s4+s20], $0x80, s22, s20, $0xb8;
	[tilespmem:$0x1DC00] =	vst v63  }
0x1df: {  	_ =	swait.ge [sflag:s31], $0x1900  }
0x1e0: {  	s12 =	sld [smem:$0x7FC]  }
0x1e1: {  	[sflag:s31] =	ssyncset.done $0x0  }
0x1e2: {  	[sflag:s31] =	ssyncadd.s32 $0xFFFFE700  }
0x1e3: {  	[spmem:s2] =	stream.indirect.scatter.add.f32 [tilespmem:s25], [sflag:$0x7], $0x80, s12, s20, $0xb8;
	[tilespmem:$0x1DC00] =	vst v63  }
0x1e4: {  	_ =	swait.ge [sflag:s16], $0x1900  }
0x1e5: {  	[sflag:s16] =	ssyncset.done $0x0  }
0x1e6: {  	[sflag:s16] =	ssyncadd.s32 $0xFFFFE700  }
0x1e7: {  	[tilespmem:s25], [sflag:$0x5] =	stream.indirect.gather [hbm4b:s4+s20], $0x80, s24, s20, $0xb8;
	[tilespmem:$0x1DC00] =	vst v63  }
0x1e8: {  	_ =	swait.ge [sflag:s1], $0x1900  }
0x1e9: {  	s13 =	sld [smem:$0x7FD]  }
0x1ea: {  	p0 =	por $0x1, $0x1;
	s10 =	simm.s32 $0x0;
	[sflag:s1] =	ssyncset.done $0x0  }
0x1eb: {  	s10 =	simm.s32 @!p0 $0x6;
	[sflag:s1] =	ssyncadd.s32 $0xFFFFE700  }
0x1ec: {  	[spmem:s2] =	stream.indirect.scatter.add.f32 [tilespmem:s28], [sflag:$0x7], $0x80, s13, s20, $0xb8;
	[tilespmem:$0x1DC00] =	vst v63  }
0x1ed: {  	s10 =	smul.u32 $0xC00, s10;
	_ =	swait.ge [sflag:s16], $0x1900  }
0x1ee: {  	[sflag:s16] =	ssyncset.done $0x0;
	s14 =	rddreg [dreg:$0x4]  }
0x1ef: {  	[sflag:s16] =	ssyncadd.s32 $0xFFFFE700;
	s10 =	sadd.s32 s10, s14  }
0x1f0: {  	[tilespmem:s28], [sflag:$0x6] =	stream.indirect.gather [hbm4b:s4+s20], $0x80, s26, s20, $0xb8;
	[tilespmem:$0x1DC00] =	vst v63  }
0x1f1: {  	s12 =	sshrl.u32 s10, $0x3  }
0x1f2: {  	s10 =	simm.s32 $0x2;
	s11 =	sadd.s32 s5, s12  }
.LBB2_2:
0x1f3: {  	[tilespmem:s18], [sflag:$0x2] =	stream.linear.gather [hbm4b:s11+s3], $0xA00, $0x38;
	[tilespmem:$0x1DC00] =	vst v63  }
0x1f4: {  	s12 =	sadd.s32 s6, s12  }
0x1f5: {  	[tilespmem:s19], [sflag:$0x2] =	stream.linear.gather [hbm4b:s12+s3], $0xA00, $0x38;
	[tilespmem:$0x1DC00] =	vst v63  }
0x1f6: {  	_ =	swait.ge [sflag:s29], $0x1900  }
0x1f7: {  	[sflag:s29] =	ssyncset.done $0x0  }
0x1f8: {  	[sflag:s29] =	ssyncadd.s32 $0xFFFFE700  }
0x1f9: {  	[spmem:s2] =	stream.indirect.scatter.add.f32 [tilespmem:s21], [sflag:$0x7], $0x80, s17, s20, $0xb8;
	[tilespmem:$0x1DC00] =	vst v63  }
0x1fa: {  	_ =	swait.ge [sflag:s16], $0x1900  }
0x1fb: {  	[sflag:s16] =	ssyncset.done $0x0  }
0x1fc: {  	s14 =	rddreg [dreg:$0x5];
	[sflag:s16] =	ssyncadd.s32 $0xFFFFE700  }
0x1fd: {  	[tilespmem:s21], [sflag:$0x3] =	stream.indirect.gather [hbm4b:s4+s20], $0x80, s14, s20, $0xb8;
	[tilespmem:$0x1DC00] =	vst v63  }
0x1fe: {  	_ =	swait.ge [sflag:s30], $0x1900  }
0x1ff: {  	[sflag:s30] =	ssyncset.done $0x0  }
0x200: {  	s13 =	rddreg [dreg:$0x6];
	[sflag:s30] =	ssyncadd.s32 $0xFFFFE700  }
0x201: {  	[spmem:s2] =	stream.indirect.scatter.add.f32 [tilespmem:s23], [sflag:$0x7], $0x80, s13, s20, $0xb8;
	[tilespmem:$0x1DC00] =	vst v63  }
0x202: {  	_ =	swait.ge [sflag:s16], $0x1900  }
0x203: {  	[sflag:s16] =	ssyncset.done $0x0  }
0x204: {  	s14 =	rddreg [dreg:$0x7];
	[sflag:s16] =	ssyncadd.s32 $0xFFFFE700  }
0x205: {  	[tilespmem:s23], [sflag:$0x4] =	stream.indirect.gather [hbm4b:s4+s20], $0x80, s14, s20, $0xb8;
	[tilespmem:$0x1DC00] =	vst v63  }
0x206: {  	_ =	swait.ge [sflag:s31], $0x1900  }
0x207: {  	[sflag:s31] =	ssyncset.done $0x0  }
0x208: {  	s13 =	rddreg [dreg:$0x8];
	[sflag:s31] =	ssyncadd.s32 $0xFFFFE700  }
0x209: {  	[spmem:s2] =	stream.indirect.scatter.add.f32 [tilespmem:s25], [sflag:$0x7], $0x80, s13, s20, $0xb8;
	[tilespmem:$0x1DC00] =	vst v63  }
0x20a: {  	_ =	swait.ge [sflag:s16], $0x1900  }
0x20b: {  	[sflag:s16] =	ssyncset.done $0x0  }
0x20c: {  	s14 =	rddreg [dreg:$0x9];
	[sflag:s16] =	ssyncadd.s32 $0xFFFFE700  }
0x20d: {  	[tilespmem:s25], [sflag:$0x5] =	stream.indirect.gather [hbm4b:s4+s20], $0x80, s14, s20, $0xb8;
	[tilespmem:$0x1DC00] =	vst v63  }
0x20e: {  	_ =	swait.ge [sflag:s1], $0x1900  }
0x20f: {  	[sflag:s1] =	ssyncset.done $0x0  }
0x210: {  	s13 =	rddreg [dreg:$0xa];
	[sflag:s1] =	ssyncadd.s32 $0xFFFFE700  }
0x211: {  	[spmem:s2] =	stream.indirect.scatter.add.f32 [tilespmem:s28], [sflag:$0x7], $0x80, s13, s20, $0xb8;
	[tilespmem:$0x1DC00] =	vst v63  }
0x212: {  	_ =	swait.ge [sflag:s16], $0x1900  }
0x213: {  	[sflag:s16] =	ssyncset.done $0x0  }
0x214: {  	s14 =	rddreg [dreg:$0xb];
	[sflag:s16] =	ssyncadd.s32 $0xFFFFE700  }
0x215: {  	[tilespmem:s28], [sflag:$0x6] =	stream.indirect.gather [hbm4b:s4+s20], $0x80, s14, s20, $0xb8;
	[tilespmem:$0x1DC00] =	vst v63  }
0x216: {  	_ =	swait.ge [sflag:s29], $0x1900  }
0x217: {  	[sflag:s29] =	ssyncset.done $0x0  }
0x218: {  	s13 =	rddreg [dreg:$0xc];
	[sflag:s29] =	ssyncadd.s32 $0xFFFFE700  }
0x219: {  	[spmem:s2] =	stream.indirect.scatter.add.f32 [tilespmem:s21], [sflag:$0x7], $0x80, s13, s20, $0xb8;
	[tilespmem:$0x1DC00] =	vst v63  }
0x21a: {  	_ =	swait.ge [sflag:s16], $0x1900  }
0x21b: {  	[sflag:s16] =	ssyncset.done $0x0  }
0x21c: {  	s14 =	rddreg [dreg:$0xd];
	[sflag:s16] =	ssyncadd.s32 $0xFFFFE700  }
0x21d: {  	[tilespmem:s21], [sflag:$0x3] =	stream.indirect.gather [hbm4b:s4+s20], $0x80, s14, s20, $0xb8;
	[tilespmem:$0x1DC00] =	vst v63  }
0x21e: {  	_ =	swait.ge [sflag:s30], $0x1900  }
0x21f: {  	[sflag:s30] =	ssyncset.done $0x0  }
0x220: {  	s13 =	rddreg [dreg:$0xe];
	[sflag:s30] =	ssyncadd.s32 $0xFFFFE700  }
0x221: {  	[spmem:s2] =	stream.indirect.scatter.add.f32 [tilespmem:s23], [sflag:$0x7], $0x80, s13, s20, $0xb8;
	[tilespmem:$0x1DC00] =	vst v63  }
0x222: {  	_ =	swait.ge [sflag:s16], $0x1900  }
0x223: {  	[sflag:s16] =	ssyncset.done $0x0  }
0x224: {  	s14 =	rddreg [dreg:$0xf];
	[sflag:s16] =	ssyncadd.s32 $0xFFFFE700  }
0x225: {  	[tilespmem:s23], [sflag:$0x4] =	stream.indirect.gather [hbm4b:s4+s20], $0x80, s14, s20, $0xb8;
	[tilespmem:$0x1DC00] =	vst v63  }
0x226: {  	_ =	swait.ge [sflag:s31], $0x1900  }
0x227: {  	[sflag:s31] =	ssyncset.done $0x0  }
0x228: {  	s13 =	rddreg [dreg:$0x10];
	[sflag:s31] =	ssyncadd.s32 $0xFFFFE700  }
0x229: {  	[spmem:s2] =	stream.indirect.scatter.add.f32 [tilespmem:s25], [sflag:$0x7], $0x80, s13, s20, $0xb8;
	[tilespmem:$0x1DC00] =	vst v63  }
0x22a: {  	_ =	swait.ge [sflag:s16], $0x1900  }
0x22b: {  	[sflag:s16] =	ssyncset.done $0x0  }
0x22c: {  	s14 =	rddreg [dreg:$0x11];
	[sflag:s16] =	ssyncadd.s32 $0xFFFFE700  }
0x22d: {  	[tilespmem:s25], [sflag:$0x5] =	stream.indirect.gather [hbm4b:s4+s20], $0x80, s14, s20, $0xb8;
	[tilespmem:$0x1DC00] =	vst v63  }
0x22e: {  	_ =	swait.ge [sflag:s1], $0x1900  }
0x22f: {  	[sflag:s1] =	ssyncset.done $0x0  }
0x230: {  	s13 =	rddreg [dreg:$0x12];
	[sflag:s1] =	ssyncadd.s32 $0xFFFFE700  }
0x231: {  	[spmem:s2] =	stream.indirect.scatter.add.f32 [tilespmem:s28], [sflag:$0x7], $0x80, s13, s20, $0xb8;
	[tilespmem:$0x1DC00] =	vst v63  }
0x232: {  	_ =	swait.ge [sflag:s16], $0x1900  }
0x233: {  	[sflag:s16] =	ssyncset.done $0x0  }
0x234: {  	s14 =	rddreg [dreg:$0x13];
	[sflag:s16] =	ssyncadd.s32 $0xFFFFE700  }
0x235: {  	[tilespmem:s28], [sflag:$0x6] =	stream.indirect.gather [hbm4b:s4+s20], $0x80, s14, s20, $0xb8;
	[tilespmem:$0x1DC00] =	vst v63  }
0x236: {  	_ =	swait.ge [sflag:s29], $0x1900  }
0x237: {  	[sflag:s29] =	ssyncset.done $0x0  }
0x238: {  	s13 =	rddreg [dreg:$0x14];
	[sflag:s29] =	ssyncadd.s32 $0xFFFFE700  }
0x239: {  	[spmem:s2] =	stream.indirect.scatter.add.f32 [tilespmem:s21], [sflag:$0x7], $0x80, s13, s20, $0xb8;
	[tilespmem:$0x1DC00] =	vst v63  }
0x23a: {  	_ =	swait.ge [sflag:s16], $0x1900  }
0x23b: {  	[sflag:s16] =	ssyncset.done $0x0  }
0x23c: {  	s14 =	rddreg [dreg:$0x15];
	[sflag:s16] =	ssyncadd.s32 $0xFFFFE700  }
0x23d: {  	[tilespmem:s21], [sflag:$0x3] =	stream.indirect.gather [hbm4b:s4+s20], $0x80, s14, s20, $0xb8;
	[tilespmem:$0x1DC00] =	vst v63  }
0x23e: {  	_ =	swait.ge [sflag:s30], $0x1900  }
0x23f: {  	[sflag:s30] =	ssyncset.done $0x0  }
0x240: {  	s13 =	rddreg [dreg:$0x16];
	[sflag:s30] =	ssyncadd.s32 $0xFFFFE700  }
0x241: {  	[spmem:s2] =	stream.indirect.scatter.add.f32 [tilespmem:s23], [sflag:$0x7], $0x80, s13, s20, $0xb8;
	[tilespmem:$0x1DC00] =	vst v63  }
0x242: {  	_ =	swait.ge [sflag:s16], $0x1900  }
0x243: {  	[sflag:s16] =	ssyncset.done $0x0  }
0x244: {  	s14 =	rddreg [dreg:$0x17];
	[sflag:s16] =	ssyncadd.s32 $0xFFFFE700  }
0x245: {  	[tilespmem:s23], [sflag:$0x4] =	stream.indirect.gather [hbm4b:s4+s20], $0x80, s14, s20, $0xb8;
	[tilespmem:$0x1DC00] =	vst v63  }
0x246: {  	_ =	swait.ge [sflag:s31], $0x1900  }
0x247: {  	[sflag:s31] =	ssyncset.done $0x0  }
0x248: {  	s13 =	rddreg [dreg:$0x18];
	[sflag:s31] =	ssyncadd.s32 $0xFFFFE700  }
0x249: {  	[spmem:s2] =	stream.indirect.scatter.add.f32 [tilespmem:s25], [sflag:$0x7], $0x80, s13, s20, $0xb8;
	[tilespmem:$0x1DC00] =	vst v63  }
0x24a: {  	_ =	swait.ge [sflag:s16], $0x1900  }
0x24b: {  	[sflag:s16] =	ssyncset.done $0x0  }
0x24c: {  	s14 =	rddreg [dreg:$0x19];
	[sflag:s16] =	ssyncadd.s32 $0xFFFFE700  }
0x24d: {  	[tilespmem:s25], [sflag:$0x5] =	stream.indirect.gather [hbm4b:s4+s20], $0x80, s14, s20, $0xb8;
	[tilespmem:$0x1DC00] =	vst v63  }
0x24e: {  	_ =	swait.ge [sflag:s1], $0x1900  }
0x24f: {  	[sflag:s1] =	ssyncset.done $0x0  }
0x250: {  	s13 =	rddreg [dreg:$0x1a];
	[sflag:s1] =	ssyncadd.s32 $0xFFFFE700  }
0x251: {  	[spmem:s2] =	stream.indirect.scatter.add.f32 [tilespmem:s28], [sflag:$0x7], $0x80, s13, s20, $0xb8;
	[tilespmem:$0x1DC00] =	vst v63  }
0x252: {  	_ =	swait.ge [sflag:s16], $0x1900  }
0x253: {  	[sflag:s16] =	ssyncset.done $0x0  }
0x254: {  	s14 =	rddreg [dreg:$0x1b];
	[sflag:s16] =	ssyncadd.s32 $0xFFFFE700  }
0x255: {  	[tilespmem:s28], [sflag:$0x6] =	stream.indirect.gather [hbm4b:s4+s20], $0x80, s14, s20, $0xb8;
	[tilespmem:$0x1DC00] =	vst v63  }
0x256: {  	_ =	swait.ge [sflag:s29], $0x1900  }
0x257: {  	[sflag:s29] =	ssyncset.done $0x0  }
0x258: {  	s13 =	rddreg [dreg:$0x1c];
	[sflag:s29] =	ssyncadd.s32 $0xFFFFE700  }
0x259: {  	[spmem:s2] =	stream.indirect.scatter.add.f32 [tilespmem:s21], [sflag:$0x7], $0x80, s13, s20, $0xb8;
	[tilespmem:$0x1DC00] =	vst v63  }
0x25a: {  	_ =	swait.ge [sflag:s16], $0x1900  }
0x25b: {  	[sflag:s16] =	ssyncset.done $0x0  }
0x25c: {  	s14 =	rddreg [dreg:$0x1d];
	[sflag:s16] =	ssyncadd.s32 $0xFFFFE700  }
0x25d: {  	[tilespmem:s21], [sflag:$0x3] =	stream.indirect.gather [hbm4b:s4+s20], $0x80, s14, s20, $0xb8;
	[tilespmem:$0x1DC00] =	vst v63  }
0x25e: {  	_ =	swait.ge [sflag:s30], $0x1900  }
0x25f: {  	[sflag:s30] =	ssyncset.done $0x0  }
0x260: {  	s13 =	rddreg [dreg:$0x1e];
	[sflag:s30] =	ssyncadd.s32 $0xFFFFE700  }
0x261: {  	[spmem:s2] =	stream.indirect.scatter.add.f32 [tilespmem:s23], [sflag:$0x7], $0x80, s13, s20, $0xb8;
	[tilespmem:$0x1DC00] =	vst v63  }
0x262: {  	_ =	swait.ge [sflag:s16], $0x1900  }
0x263: {  	[sflag:s16] =	ssyncset.done $0x0  }
0x264: {  	s14 =	rddreg [dreg:$0x1f];
	[sflag:s16] =	ssyncadd.s32 $0xFFFFE700  }
0x265: {  	[tilespmem:s23], [sflag:$0x4] =	stream.indirect.gather [hbm4b:s4+s20], $0x80, s14, s20, $0xb8;
	[tilespmem:$0x1DC00] =	vst v63  }
0x266: {  	_ =	swait.ge [sflag:s31], $0x1900  }
0x267: {  	s13 =	sld [smem:$0x7C9]  }
0x268: {  	[sflag:s31] =	ssyncset.done $0x0  }
0x269: {  	[sflag:s31] =	ssyncadd.s32 $0xFFFFE700  }
0x26a: {  	[spmem:s2] =	stream.indirect.scatter.add.f32 [tilespmem:s25], [sflag:$0x7], $0x80, s13, s20, $0xb8;
	[tilespmem:$0x1DC00] =	vst v63  }
0x26b: {  	_ =	swait.ge [sflag:s16], $0x1900  }
0x26c: {  	s14 =	sld [smem:$0x7CA]  }
0x26d: {  	[sflag:s16] =	ssyncset.done $0x0  }
0x26e: {  	[sflag:s16] =	ssyncadd.s32 $0xFFFFE700  }
0x26f: {  	[tilespmem:s25], [sflag:$0x5] =	stream.indirect.gather [hbm4b:s4+s20], $0x80, s14, s20, $0xb8;
	[tilespmem:$0x1DC00] =	vst v63  }
0x270: {  	_ =	swait.ge [sflag:s1], $0x1900  }
0x271: {  	s13 =	sld [smem:$0x7CB]  }
0x272: {  	[sflag:s1] =	ssyncset.done $0x0  }
0x273: {  	[sflag:s1] =	ssyncadd.s32 $0xFFFFE700  }
0x274: {  	[spmem:s2] =	stream.indirect.scatter.add.f32 [tilespmem:s28], [sflag:$0x7], $0x80, s13, s20, $0xb8;
	[tilespmem:$0x1DC00] =	vst v63  }
0x275: {  	_ =	swait.ge [sflag:s16], $0x1900  }
0x276: {  	s14 =	sld [smem:$0x7CC]  }
0x277: {  	[sflag:s16] =	ssyncset.done $0x0  }
0x278: {  	[sflag:s16] =	ssyncadd.s32 $0xFFFFE700  }
0x279: {  	[tilespmem:s28], [sflag:$0x6] =	stream.indirect.gather [hbm4b:s4+s20], $0x80, s14, s20, $0xb8;
	[tilespmem:$0x1DC00] =	vst v63  }
0x27a: {  	_ =	swait.ge [sflag:s0], $0xA00  }
0x27b: {  	[sflag:s0] =	ssyncset.done $0x0  }
0x27c: {  	[sflag:s0] =	ssyncadd.s32 $0xFFFFF600  }
0x27d: {  	_ =	swait.ge [sflag:s0], $0xA00  }
0x27e: {  	[sflag:s0] =	ssyncset.done $0x0  }
0x27f: {  	[sflag:s0] =	ssyncadd.s32 $0xFFFFF600  }
0x280: {  	_ =	swait.ge [sflag:s29], $0x1900  }
0x281: {  	s13 =	sld [smem:$0x7CD]  }
0x282: {  	[sflag:s29] =	ssyncset.done $0x0  }
0x283: {  	[sflag:s29] =	ssyncadd.s32 $0xFFFFE700  }
0x284: {  	[spmem:s2] =	stream.indirect.scatter.add.f32 [tilespmem:s21], [sflag:$0x7], $0x80, s13, s20, $0xb8;
	[tilespmem:$0x1DC00] =	vst v63  }
0x285: {  	_ =	swait.ge [sflag:s16], $0x1900  }
0x286: {  	[sflag:s16] =	ssyncset.done $0x0  }
0x287: {  	[sflag:s16] =	ssyncadd.s32 $0xFFFFE700  }
0x288: {  	[tilespmem:s21], [sflag:$0x3] =	stream.indirect.gather [hbm4b:s4+s20], $0x80, s18, s20, $0xb8;
	[tilespmem:$0x1DC00] =	vst v63  }
0x289: {  	_ =	swait.ge [sflag:s30], $0x1900  }
0x28a: {  	s14 =	sld [smem:$0x7CE]  }
0x28b: {  	[sflag:s30] =	ssyncset.done $0x0  }
0x28c: {  	[sflag:s30] =	ssyncadd.s32 $0xFFFFE700  }
0x28d: {  	[spmem:s2] =	stream.indirect.scatter.add.f32 [tilespmem:s23], [sflag:$0x7], $0x80, s14, s20, $0xb8;
	[tilespmem:$0x1DC00] =	vst v63  }
0x28e: {  	_ =	swait.ge [sflag:s16], $0x1900  }
0x28f: {  	s13 =	sld [smem:$0x7CF]  }
0x290: {  	[sflag:s16] =	ssyncset.done $0x0  }
0x291: {  	[sflag:s16] =	ssyncadd.s32 $0xFFFFE700  }
0x292: {  	[tilespmem:s23], [sflag:$0x4] =	stream.indirect.gather [hbm4b:s4+s20], $0x80, s13, s20, $0xb8;
	[tilespmem:$0x1DC00] =	vst v63  }
0x293: {  	_ =	swait.ge [sflag:s31], $0x1900  }
0x294: {  	s14 =	sld [smem:$0x7D0]  }
0x295: {  	[sflag:s31] =	ssyncset.done $0x0  }
0x296: {  	[sflag:s31] =	ssyncadd.s32 $0xFFFFE700  }
0x297: {  	[spmem:s2] =	stream.indirect.scatter.add.f32 [tilespmem:s25], [sflag:$0x7], $0x80, s14, s20, $0xb8;
	[tilespmem:$0x1DC00] =	vst v63  }
0x298: {  	_ =	swait.ge [sflag:s16], $0x1900  }
0x299: {  	s13 =	sld [smem:$0x7D1]  }
0x29a: {  	[sflag:s16] =	ssyncset.done $0x0  }
0x29b: {  	[sflag:s16] =	ssyncadd.s32 $0xFFFFE700  }
0x29c: {  	[tilespmem:s25], [sflag:$0x5] =	stream.indirect.gather [hbm4b:s4+s20], $0x80, s13, s20, $0xb8;
	[tilespmem:$0x1DC00] =	vst v63  }
0x29d: {  	_ =	swait.ge [sflag:s1], $0x1900  }
0x29e: {  	s14 =	sld [smem:$0x7D2]  }
0x29f: {  	s11 =	smov.u32 s10;
	[sflag:s1] =	ssyncset.done $0x0  }
0x2a0: {  	p1 =	slt.s32 s11, $0x7;
	s12 =	smov.u32 s11;
	[sflag:s1] =	ssyncadd.s32 $0xFFFFE700  }
0x2a1: {  	[spmem:s2] =	stream.indirect.scatter.add.f32 [tilespmem:s28], [sflag:$0x7], $0x80, s14, s20, $0xb8;
	[tilespmem:$0x1DC00] =	vst v63  }
0x2a2: {  	s12 =	simm.s32 @!p1 $0x7;
	_ =	swait.ge [sflag:s16], $0x1900  }
0x2a3: {  	s12 =	smul.u32 $0xC00, s12;
	s13 =	rddreg [dreg:$0x3]  }
0x2a4: {  	s14 =	sld [smem:$0x7D3]  }
0x2a5: {  	[sflag:s16] =	ssyncset.done $0x0;
	s12 =	sadd.s32 s12, s13  }
0x2a6: {  	[sflag:s16] =	ssyncadd.s32 $0xFFFFE700;
	s12 =	sshrl.u32 s12, $0x3  }
0x2a7: {  	[tilespmem:s28], [sflag:$0x6] =	stream.indirect.gather [hbm4b:s4+s20], $0x80, s14, s20, $0xb8;
	[tilespmem:$0x1DC00] =	vst v63  }
0x2a8: {  	s13 =	sadd.s32 s5, s12  }
0x2a9: {  	[tilespmem:s3], [sflag:$0x1] =	stream.linear.gather [hbm4b:s13+s3], $0xA00, $0x38;
	[tilespmem:$0x1DC00] =	vst v63  }
0x2aa: {  	s12 =	sadd.s32 s6, s12  }
0x2ab: {  	[tilespmem:s17], [sflag:$0x1] =	stream.linear.gather [hbm4b:s12+s3], $0xA00, $0x38;
	[tilespmem:$0x1DC00] =	vst v63  }
0x2ac: {  	_ =	swait.ge [sflag:s29], $0x1900  }
0x2ad: {  	[sflag:s29] =	ssyncset.done $0x0  }
0x2ae: {  	[sflag:s29] =	ssyncadd.s32 $0xFFFFE700  }
0x2af: {  	[spmem:s2] =	stream.indirect.scatter.add.f32 [tilespmem:s21], [sflag:$0x7], $0x80, s19, s20, $0xb8;
	[tilespmem:$0x1DC00] =	vst v63  }
0x2b0: {  	_ =	swait.ge [sflag:s16], $0x1900  }
0x2b1: {  	s13 =	sld [smem:$0x7D4]  }
0x2b2: {  	[sflag:s16] =	ssyncset.done $0x0  }
0x2b3: {  	[sflag:s16] =	ssyncadd.s32 $0xFFFFE700  }
0x2b4: {  	[tilespmem:s21], [sflag:$0x3] =	stream.indirect.gather [hbm4b:s4+s20], $0x80, s13, s20, $0xb8;
	[tilespmem:$0x1DC00] =	vst v63  }
0x2b5: {  	_ =	swait.ge [sflag:s30], $0x1900  }
0x2b6: {  	s14 =	sld [smem:$0x7D5]  }
0x2b7: {  	[sflag:s30] =	ssyncset.done $0x0  }
0x2b8: {  	[sflag:s30] =	ssyncadd.s32 $0xFFFFE700  }
0x2b9: {  	[spmem:s2] =	stream.indirect.scatter.add.f32 [tilespmem:s23], [sflag:$0x7], $0x80, s14, s20, $0xb8;
	[tilespmem:$0x1DC00] =	vst v63  }
0x2ba: {  	_ =	swait.ge [sflag:s16], $0x1900  }
0x2bb: {  	s13 =	sld [smem:$0x7D6]  }
0x2bc: {  	[sflag:s16] =	ssyncset.done $0x0  }
0x2bd: {  	[sflag:s16] =	ssyncadd.s32 $0xFFFFE700  }
0x2be: {  	[tilespmem:s23], [sflag:$0x4] =	stream.indirect.gather [hbm4b:s4+s20], $0x80, s13, s20, $0xb8;
	[tilespmem:$0x1DC00] =	vst v63  }
0x2bf: {  	_ =	swait.ge [sflag:s31], $0x1900  }
0x2c0: {  	s14 =	sld [smem:$0x7D7]  }
0x2c1: {  	[sflag:s31] =	ssyncset.done $0x0  }
0x2c2: {  	[sflag:s31] =	ssyncadd.s32 $0xFFFFE700  }
0x2c3: {  	[spmem:s2] =	stream.indirect.scatter.add.f32 [tilespmem:s25], [sflag:$0x7], $0x80, s14, s20, $0xb8;
	[tilespmem:$0x1DC00] =	vst v63  }
0x2c4: {  	_ =	swait.ge [sflag:s16], $0x1900  }
0x2c5: {  	s13 =	sld [smem:$0x7D8]  }
0x2c6: {  	[sflag:s16] =	ssyncset.done $0x0  }
0x2c7: {  	[sflag:s16] =	ssyncadd.s32 $0xFFFFE700  }
0x2c8: {  	[tilespmem:s25], [sflag:$0x5] =	stream.indirect.gather [hbm4b:s4+s20], $0x80, s13, s20, $0xb8;
	[tilespmem:$0x1DC00] =	vst v63  }
0x2c9: {  	_ =	swait.ge [sflag:s1], $0x1900  }
0x2ca: {  	s14 =	sld [smem:$0x7DA]  }
0x2cb: {  	[sflag:s1] =	ssyncset.done $0x0  }
0x2cc: {  	[sflag:s1] =	ssyncadd.s32 $0xFFFFE700  }
0x2cd: {  	[spmem:s2] =	stream.indirect.scatter.add.f32 [tilespmem:s28], [sflag:$0x7], $0x80, s14, s20, $0xb8;
	[tilespmem:$0x1DC00] =	vst v63  }
0x2ce: {  	_ =	swait.ge [sflag:s16], $0x1900  }
0x2cf: {  	s13 =	sld [smem:$0x7DB]  }
0x2d0: {  	[sflag:s16] =	ssyncset.done $0x0  }
0x2d1: {  	[sflag:s16] =	ssyncadd.s32 $0xFFFFE700  }
0x2d2: {  	[tilespmem:s28], [sflag:$0x6] =	stream.indirect.gather [hbm4b:s4+s20], $0x80, s13, s20, $0xb8;
	[tilespmem:$0x1DC00] =	vst v63  }
0x2d3: {  	_ =	swait.ge [sflag:s29], $0x1900  }
0x2d4: {  	s14 =	sld [smem:$0x7DC]  }
0x2d5: {  	[sflag:s29] =	ssyncset.done $0x0  }
0x2d6: {  	[sflag:s29] =	ssyncadd.s32 $0xFFFFE700  }
0x2d7: {  	[spmem:s2] =	stream.indirect.scatter.add.f32 [tilespmem:s21], [sflag:$0x7], $0x80, s14, s20, $0xb8;
	[tilespmem:$0x1DC00] =	vst v63  }
0x2d8: {  	_ =	swait.ge [sflag:s16], $0x1900  }
0x2d9: {  	s13 =	sld [smem:$0x7DD]  }
0x2da: {  	[sflag:s16] =	ssyncset.done $0x0  }
0x2db: {  	[sflag:s16] =	ssyncadd.s32 $0xFFFFE700  }
0x2dc: {  	[tilespmem:s21], [sflag:$0x3] =	stream.indirect.gather [hbm4b:s4+s20], $0x80, s13, s20, $0xb8;
	[tilespmem:$0x1DC00] =	vst v63  }
0x2dd: {  	_ =	swait.ge [sflag:s30], $0x1900  }
0x2de: {  	s14 =	sld [smem:$0x7DE]  }
0x2df: {  	[sflag:s30] =	ssyncset.done $0x0  }
0x2e0: {  	[sflag:s30] =	ssyncadd.s32 $0xFFFFE700  }
0x2e1: {  	[spmem:s2] =	stream.indirect.scatter.add.f32 [tilespmem:s23], [sflag:$0x7], $0x80, s14, s20, $0xb8;
	[tilespmem:$0x1DC00] =	vst v63  }
0x2e2: {  	_ =	swait.ge [sflag:s16], $0x1900  }
0x2e3: {  	s13 =	sld [smem:$0x7DF]  }
0x2e4: {  	[sflag:s16] =	ssyncset.done $0x0  }
0x2e5: {  	[sflag:s16] =	ssyncadd.s32 $0xFFFFE700  }
0x2e6: {  	[tilespmem:s23], [sflag:$0x4] =	stream.indirect.gather [hbm4b:s4+s20], $0x80, s13, s20, $0xb8;
	[tilespmem:$0x1DC00] =	vst v63  }
0x2e7: {  	_ =	swait.ge [sflag:s31], $0x1900  }
0x2e8: {  	s14 =	sld [smem:$0x7E0]  }
0x2e9: {  	[sflag:s31] =	ssyncset.done $0x0  }
0x2ea: {  	[sflag:s31] =	ssyncadd.s32 $0xFFFFE700  }
0x2eb: {  	[spmem:s2] =	stream.indirect.scatter.add.f32 [tilespmem:s25], [sflag:$0x7], $0x80, s14, s20, $0xb8;
	[tilespmem:$0x1DC00] =	vst v63  }
0x2ec: {  	_ =	swait.ge [sflag:s16], $0x1900  }
0x2ed: {  	s13 =	sld [smem:$0x7E1]  }
0x2ee: {  	[sflag:s16] =	ssyncset.done $0x0  }
0x2ef: {  	[sflag:s16] =	ssyncadd.s32 $0xFFFFE700  }
0x2f0: {  	[tilespmem:s25], [sflag:$0x5] =	stream.indirect.gather [hbm4b:s4+s20], $0x80, s13, s20, $0xb8;
	[tilespmem:$0x1DC00] =	vst v63  }
0x2f1: {  	_ =	swait.ge [sflag:s1], $0x1900  }
0x2f2: {  	s14 =	sld [smem:$0x7E2]  }
0x2f3: {  	[sflag:s1] =	ssyncset.done $0x0  }
0x2f4: {  	[sflag:s1] =	ssyncadd.s32 $0xFFFFE700  }
0x2f5: {  	[spmem:s2] =	stream.indirect.scatter.add.f32 [tilespmem:s28], [sflag:$0x7], $0x80, s14, s20, $0xb8;
	[tilespmem:$0x1DC00] =	vst v63  }
0x2f6: {  	_ =	swait.ge [sflag:s16], $0x1900  }
0x2f7: {  	s13 =	sld [smem:$0x7E3]  }
0x2f8: {  	[sflag:s16] =	ssyncset.done $0x0  }
0x2f9: {  	[sflag:s16] =	ssyncadd.s32 $0xFFFFE700  }
0x2fa: {  	[tilespmem:s28], [sflag:$0x6] =	stream.indirect.gather [hbm4b:s4+s20], $0x80, s13, s20, $0xb8;
	[tilespmem:$0x1DC00] =	vst v63  }
0x2fb: {  	_ =	swait.ge [sflag:s29], $0x1900  }
0x2fc: {  	s14 =	sld [smem:$0x7E4]  }
0x2fd: {  	[sflag:s29] =	ssyncset.done $0x0  }
0x2fe: {  	[sflag:s29] =	ssyncadd.s32 $0xFFFFE700  }
0x2ff: {  	[spmem:s2] =	stream.indirect.scatter.add.f32 [tilespmem:s21], [sflag:$0x7], $0x80, s14, s20, $0xb8;
	[tilespmem:$0x1DC00] =	vst v63  }
0x300: {  	_ =	swait.ge [sflag:s16], $0x1900  }
0x301: {  	s13 =	sld [smem:$0x7E5]  }
0x302: {  	[sflag:s16] =	ssyncset.done $0x0  }
0x303: {  	[sflag:s16] =	ssyncadd.s32 $0xFFFFE700  }
0x304: {  	[tilespmem:s21], [sflag:$0x3] =	stream.indirect.gather [hbm4b:s4+s20], $0x80, s13, s20, $0xb8;
	[tilespmem:$0x1DC00] =	vst v63  }
0x305: {  	_ =	swait.ge [sflag:s30], $0x1900  }
0x306: {  	s14 =	sld [smem:$0x7E6]  }
0x307: {  	[sflag:s30] =	ssyncset.done $0x0  }
0x308: {  	[sflag:s30] =	ssyncadd.s32 $0xFFFFE700  }
0x309: {  	[spmem:s2] =	stream.indirect.scatter.add.f32 [tilespmem:s23], [sflag:$0x7], $0x80, s14, s20, $0xb8;
	[tilespmem:$0x1DC00] =	vst v63  }
0x30a: {  	_ =	swait.ge [sflag:s16], $0x1900  }
0x30b: {  	s13 =	sld [smem:$0x7E8]  }
0x30c: {  	[sflag:s16] =	ssyncset.done $0x0  }
0x30d: {  	[sflag:s16] =	ssyncadd.s32 $0xFFFFE700  }
0x30e: {  	[tilespmem:s23], [sflag:$0x4] =	stream.indirect.gather [hbm4b:s4+s20], $0x80, s13, s20, $0xb8;
	[tilespmem:$0x1DC00] =	vst v63  }
0x30f: {  	_ =	swait.ge [sflag:s31], $0x1900  }
0x310: {  	s14 =	sld [smem:$0x7EA]  }
0x311: {  	[sflag:s31] =	ssyncset.done $0x0  }
0x312: {  	[sflag:s31] =	ssyncadd.s32 $0xFFFFE700  }
0x313: {  	[spmem:s2] =	stream.indirect.scatter.add.f32 [tilespmem:s25], [sflag:$0x7], $0x80, s14, s20, $0xb8;
	[tilespmem:$0x1DC00] =	vst v63  }
0x314: {  	_ =	swait.ge [sflag:s16], $0x1900  }
0x315: {  	s13 =	sld [smem:$0x7EB]  }
0x316: {  	[sflag:s16] =	ssyncset.done $0x0  }
0x317: {  	[sflag:s16] =	ssyncadd.s32 $0xFFFFE700  }
0x318: {  	[tilespmem:s25], [sflag:$0x5] =	stream.indirect.gather [hbm4b:s4+s20], $0x80, s13, s20, $0xb8;
	[tilespmem:$0x1DC00] =	vst v63  }
0x319: {  	_ =	swait.ge [sflag:s1], $0x1900  }
0x31a: {  	s14 =	sld [smem:$0x7ED]  }
0x31b: {  	[sflag:s1] =	ssyncset.done $0x0  }
0x31c: {  	[sflag:s1] =	ssyncadd.s32 $0xFFFFE700  }
0x31d: {  	[spmem:s2] =	stream.indirect.scatter.add.f32 [tilespmem:s28], [sflag:$0x7], $0x80, s14, s20, $0xb8;
	[tilespmem:$0x1DC00] =	vst v63  }
0x31e: {  	_ =	swait.ge [sflag:s16], $0x1900  }
0x31f: {  	s13 =	sld [smem:$0x7EF]  }
0x320: {  	[sflag:s16] =	ssyncset.done $0x0  }
0x321: {  	[sflag:s16] =	ssyncadd.s32 $0xFFFFE700  }
0x322: {  	[tilespmem:s28], [sflag:$0x6] =	stream.indirect.gather [hbm4b:s4+s20], $0x80, s13, s20, $0xb8;
	[tilespmem:$0x1DC00] =	vst v63  }
0x323: {  	_ =	swait.ge [sflag:s29], $0x1900  }
0x324: {  	s14 =	sld [smem:$0x7F1]  }
0x325: {  	[sflag:s29] =	ssyncset.done $0x0  }
0x326: {  	[sflag:s29] =	ssyncadd.s32 $0xFFFFE700  }
0x327: {  	[spmem:s2] =	stream.indirect.scatter.add.f32 [tilespmem:s21], [sflag:$0x7], $0x80, s14, s20, $0xb8;
	[tilespmem:$0x1DC00] =	vst v63  }
0x328: {  	_ =	swait.ge [sflag:s16], $0x1900  }
0x329: {  	s13 =	sld [smem:$0x7F3]  }
0x32a: {  	[sflag:s16] =	ssyncset.done $0x0  }
0x32b: {  	[sflag:s16] =	ssyncadd.s32 $0xFFFFE700  }
0x32c: {  	[tilespmem:s21], [sflag:$0x3] =	stream.indirect.gather [hbm4b:s4+s20], $0x80, s13, s20, $0xb8;
	[tilespmem:$0x1DC00] =	vst v63  }
0x32d: {  	_ =	swait.ge [sflag:s30], $0x1900  }
0x32e: {  	s14 =	sld [smem:$0x7F4]  }
0x32f: {  	[sflag:s30] =	ssyncset.done $0x0  }
0x330: {  	[sflag:s30] =	ssyncadd.s32 $0xFFFFE700  }
0x331: {  	[spmem:s2] =	stream.indirect.scatter.add.f32 [tilespmem:s23], [sflag:$0x7], $0x80, s14, s20, $0xb8;
	[tilespmem:$0x1DC00] =	vst v63  }
0x332: {  	_ =	swait.ge [sflag:s16], $0x1900  }
0x333: {  	s13 =	sld [smem:$0x7F5]  }
0x334: {  	[sflag:s16] =	ssyncset.done $0x0  }
0x335: {  	[sflag:s16] =	ssyncadd.s32 $0xFFFFE700  }
0x336: {  	[tilespmem:s23], [sflag:$0x4] =	stream.indirect.gather [hbm4b:s4+s20], $0x80, s13, s20, $0xb8;
	[tilespmem:$0x1DC00] =	vst v63  }
0x337: {  	_ =	swait.ge [sflag:s31], $0x1900  }
0x338: {  	s14 =	sld [smem:$0x7F6]  }
0x339: {  	[sflag:s31] =	ssyncset.done $0x0  }
0x33a: {  	[sflag:s31] =	ssyncadd.s32 $0xFFFFE700  }
0x33b: {  	[spmem:s2] =	stream.indirect.scatter.add.f32 [tilespmem:s25], [sflag:$0x7], $0x80, s14, s20, $0xb8;
	[tilespmem:$0x1DC00] =	vst v63  }
0x33c: {  	_ =	swait.ge [sflag:s16], $0x1900  }
0x33d: {  	s13 =	sld [smem:$0x7F7]  }
0x33e: {  	[sflag:s16] =	ssyncset.done $0x0  }
0x33f: {  	[sflag:s16] =	ssyncadd.s32 $0xFFFFE700  }
0x340: {  	[tilespmem:s25], [sflag:$0x5] =	stream.indirect.gather [hbm4b:s4+s20], $0x80, s13, s20, $0xb8;
	[tilespmem:$0x1DC00] =	vst v63  }
0x341: {  	_ =	swait.ge [sflag:s1], $0x1900  }
0x342: {  	s14 =	sld [smem:$0x7F8]  }
0x343: {  	[sflag:s1] =	ssyncset.done $0x0  }
0x344: {  	[sflag:s1] =	ssyncadd.s32 $0xFFFFE700  }
0x345: {  	[spmem:s2] =	stream.indirect.scatter.add.f32 [tilespmem:s28], [sflag:$0x7], $0x80, s14, s20, $0xb8;
	[tilespmem:$0x1DC00] =	vst v63  }
0x346: {  	_ =	swait.ge [sflag:s16], $0x1900  }
0x347: {  	s13 =	sld [smem:$0x7F9]  }
0x348: {  	[sflag:s16] =	ssyncset.done $0x0  }
0x349: {  	[sflag:s16] =	ssyncadd.s32 $0xFFFFE700  }
0x34a: {  	[tilespmem:s28], [sflag:$0x6] =	stream.indirect.gather [hbm4b:s4+s20], $0x80, s13, s20, $0xb8;
	[tilespmem:$0x1DC00] =	vst v63  }
0x34b: {  	_ =	swait.ge [sflag:s7], $0xA00  }
0x34c: {  	[sflag:s7] =	ssyncset.done $0x0  }
0x34d: {  	[sflag:s7] =	ssyncadd.s32 $0xFFFFF600  }
0x34e: {  	_ =	swait.ge [sflag:s7], $0xA00  }
0x34f: {  	[sflag:s7] =	ssyncset.done $0x0  }
0x350: {  	[sflag:s7] =	ssyncadd.s32 $0xFFFFF600  }
0x351: {  	_ =	swait.ge [sflag:s29], $0x1900  }
0x352: {  	s14 =	sld [smem:$0x7FA]  }
0x353: {  	[sflag:s29] =	ssyncset.done $0x0  }
0x354: {  	[sflag:s29] =	ssyncadd.s32 $0xFFFFE700  }
0x355: {  	[spmem:s2] =	stream.indirect.scatter.add.f32 [tilespmem:s21], [sflag:$0x7], $0x80, s14, s20, $0xb8;
	[tilespmem:$0x1DC00] =	vst v63  }
0x356: {  	_ =	swait.ge [sflag:s16], $0x1900  }
0x357: {  	[sflag:s16] =	ssyncset.done $0x0  }
0x358: {  	[sflag:s16] =	ssyncadd.s32 $0xFFFFE700  }
0x359: {  	[tilespmem:s21], [sflag:$0x3] =	stream.indirect.gather [hbm4b:s4+s20], $0x80, s3, s20, $0xb8;
	[tilespmem:$0x1DC00] =	vst v63  }
0x35a: {  	_ =	swait.ge [sflag:s30], $0x1900  }
0x35b: {  	s13 =	sld [smem:$0x7FB]  }
0x35c: {  	[sflag:s30] =	ssyncset.done $0x0  }
0x35d: {  	[sflag:s30] =	ssyncadd.s32 $0xFFFFE700  }
0x35e: {  	[spmem:s2] =	stream.indirect.scatter.add.f32 [tilespmem:s23], [sflag:$0x7], $0x80, s13, s20, $0xb8;
	[tilespmem:$0x1DC00] =	vst v63  }
0x35f: {  	_ =	swait.ge [sflag:s16], $0x1900  }
0x360: {  	[sflag:s16] =	ssyncset.done $0x0  }
0x361: {  	[sflag:s16] =	ssyncadd.s32 $0xFFFFE700  }
0x362: {  	[tilespmem:s23], [sflag:$0x4] =	stream.indirect.gather [hbm4b:s4+s20], $0x80, s22, s20, $0xb8;
	[tilespmem:$0x1DC00] =	vst v63  }
0x363: {  	_ =	swait.ge [sflag:s31], $0x1900  }
0x364: {  	s14 =	sld [smem:$0x7FC]  }
0x365: {  	[sflag:s31] =	ssyncset.done $0x0  }
0x366: {  	[sflag:s31] =	ssyncadd.s32 $0xFFFFE700  }
0x367: {  	[spmem:s2] =	stream.indirect.scatter.add.f32 [tilespmem:s25], [sflag:$0x7], $0x80, s14, s20, $0xb8;
	[tilespmem:$0x1DC00] =	vst v63  }
0x368: {  	_ =	swait.ge [sflag:s16], $0x1900  }
0x369: {  	[sflag:s16] =	ssyncset.done $0x0  }
0x36a: {  	[sflag:s16] =	ssyncadd.s32 $0xFFFFE700  }
0x36b: {  	[tilespmem:s25], [sflag:$0x5] =	stream.indirect.gather [hbm4b:s4+s20], $0x80, s24, s20, $0xb8;
	[tilespmem:$0x1DC00] =	vst v63  }
0x36c: {  	_ =	swait.ge [sflag:s1], $0x1900  }
0x36d: {  	s13 =	sld [smem:$0x7FD]  }
0x36e: {  	p1 =	slt.s32 s11, $0x6;
	[sflag:s1] =	ssyncset.done $0x0  }
0x36f: {  	s11 =	simm.s32 @!p1 $0x6;
	[sflag:s1] =	ssyncadd.s32 $0xFFFFE700  }
0x370: {  	[spmem:s2] =	stream.indirect.scatter.add.f32 [tilespmem:s28], [sflag:$0x7], $0x80, s13, s20, $0xb8;
	[tilespmem:$0x1DC00] =	vst v63  }
0x371: {  	p0 =	sne.s32 s10, $0x8;
	s11 =	smul.u32 $0xC00, s11;
	_ =	swait.ge [sflag:s16], $0x1900  }
.Ltmp0:
0x372: {  	[sflag:s16] =	ssyncset.done $0x0;
	s14 =	rddreg [dreg:$0x4];
	(pc) =	sbr.rel @p0 .LBB2_2-.Ltmp0, $4  }
0x373: {  	[sflag:s16] =	ssyncadd.s32 $0xFFFFE700;
	s11 =	sadd.s32 s11, s14  }
0x374: {  	[tilespmem:s28], [sflag:$0x6] =	stream.indirect.gather [hbm4b:s4+s20], $0x80, s26, s20, $0xb8;
	[tilespmem:$0x1DC00] =	vst v63  }
0x375: {  	s12 =	sshrl.u32 s11, $0x3  }
0x376: {  	s10 =	sadd.s32 $0x2, s10;
	s11 =	sadd.s32 s5, s12  }
0x377: {  	[tilespmem:s18], [sflag:$0x2] =	stream.linear.gather [hbm4b:s11+s3], $0xA00, $0x38;
	[tilespmem:$0x1DC00] =	vst v63  }
0x378: {  	s10 =	sadd.s32 s6, s12  }
0x379: {  	[tilespmem:s19], [sflag:$0x2] =	stream.linear.gather [hbm4b:s10+s3], $0xA00, $0x38;
	[tilespmem:$0x1DC00] =	vst v63  }
0x37a: {  	_ =	swait.ge [sflag:s29], $0x1900  }
0x37b: {  	[sflag:s29] =	ssyncset.done $0x0  }
0x37c: {  	[sflag:s29] =	ssyncadd.s32 $0xFFFFE700  }
0x37d: {  	_ =	swait.ge [sflag:s30], $0x1900  }
0x37e: {  	[sflag:s30] =	ssyncset.done $0x0  }
0x37f: {  	[sflag:s30] =	ssyncadd.s32 $0xFFFFE700  }
0x380: {  	_ =	swait.ge [sflag:s31], $0x1900  }
0x381: {  	[sflag:s31] =	ssyncset.done $0x0  }
0x382: {  	[sflag:s31] =	ssyncadd.s32 $0xFFFFE700  }
0x383: {  	_ =	swait.ge [sflag:s1], $0x1900  }
0x384: {  	[sflag:s1] =	ssyncset.done $0x0  }
0x385: {  	[sflag:s1] =	ssyncadd.s32 $0xFFFFE700  }
0x386: {  	_ =	swait.ge [sflag:s0], $0xA00  }
0x387: {  	[sflag:s0] =	ssyncset.done $0x0  }
0x388: {  	[sflag:s0] =	ssyncadd.s32 $0xFFFFF600  }
0x389: {  	_ =	swait.ge [sflag:s0], $0xA00  }
0x38a: {  	[sflag:s0] =	ssyncset.done $0x0  }
0x38b: {  	[sflag:s0] =	ssyncadd.s32 $0xFFFFF600  }
0x38c: {  	[bflag:$0x0] =	sbarrier.arrive $0xFFFF  }
0x38d: {  	s13 =	sld [smem:$0x7F0];
	_ =	sdelay $0x2  }
0x38e: {  	[hbm:s13], [sflag:s8] =	dma.local [spmem:s15], $0x2780  }
0x38f: {  	_ =	swait.ge [sflag:s16], $0x2780  }
0x390: {  	s14 =	sld [smem:$0x7F2];
	_ =	sdelay $0x1  }
0x391: {  	s9 =	sadd.s32 $0x1, s9  }
0x392: {  	p0 =	sne.s32 s9, s14  }
.Ltmp1:
0x393: {  	_ = 	snop;
	(pc) =	sbr.rel @p0 .LBB2_1-.Ltmp1, $3  }
0x394: {  	_ =	sdelay $0x1  }
0x395: {  	[sflag:s16] =	ssyncset.done $0x0  }
0x396: {  	[sflag:s16] =	ssyncadd.s32 $0xFFFFD880  }
0x397: {  	_ =	sfence.sel $0x180000  }
0x398: {  	[bflag:$0x0] =	sbarrier.arrive $0xFFFF  }
0x399: {  	_ =	strace $0x9000004A  }
0x39a: {  	s0 =	stileid.u32;
	[bflag:$0x2] =	sbarrier.arrive $0xFFFF  }
0x39b: {  	p0 =	sne.s32 s0, $0x0;
	s0 =	rddreg [dreg:$0x2]  }
0x39c: {  	s0 =	sadd.s32 @!p0 $0x100000, s0  }
0x39d: {  	[sflag:s0] =	ssyncadd.tile.s32 @!p0 $0x1;
	_ =	shalt  }
.Lfunc_end2:
_tile_overlayer_lowered:
.L_overlay_start_2:
0x39e: {  	(tag) =	ssettag $0x2  }
0x39f: {  	s0 =	rddreg [dreg:$0x0];
	s2 =	stileid.u32  }
0x3a0: {  	s1 =	rddreg [dreg:$0x1];
	p0 =	sne.s32 s2, $0x0  }
0x3a1: {  	s3 =	rddreg [dreg:$0x2];
	[bflag:$0x3] =	sbarrier.arrive $0xFFFF;
	s2 =	simm.s32 @!p0 $0x1C07  }
0x3a2: {  	[timem:s3], [sflag:s2] =	dma.local @!p0 [hbm:s0], s1  }
0x3a3: {  	s0 =	simm.s32 @!p0 $0x7  }
0x3a4: {  	_ =	swait.ge @!p0 [sflag:s0], s1  }
0x3a5: {  	s1 =	ssub.s32 @!p0 $0x0, s1;
	[sflag:s0] =	ssyncset.done @!p0 $0x0  }
0x3a6: {  	[sflag:s0] =	ssyncadd.s32 @!p0 s1  }
0x3a7: {  	[bflag:$0x3] =	sbarrier.arrive $0xFFFF  }
0x3a8: {  	_ =	shalt  }

// kernel: kernel.15.cloned.1.call-start
scs
__scs_entry_jumppad:
0x0: {  	(pc) =	sbr.rel $0x88, $3  }
0x1: {  	(tag) =	ssettag $0x0;
	lr =	simm.s32 $0x1  }
0x2: {  	[smem:$0x3F97] =	sst lr;
	_ =	strace $0xD0000000  }
0x3: {  	_ = 	snop  }
0x4: {  	_ = 	snop  }
0x5: {  	_ = 	snop  }
0x6: {  	_ = 	snop  }
0x7: {  	_ = 	snop  }
__scs_overlays_trampoline_lowered:
0x8: {  	[smem:$0x3FA6] =	sst s0  }
0x9: {  	[smem:$0x3FA7] =	sst s1  }
0xa: {  	[smem:$0x3FA8] =	sst s2  }
0xb: {  	[smem:$0x3FA9] =	sst s3  }
0xc: {  	[smem:$0x3FAA] =	sst s4  }
0xd: {  	[smem:$0x3FAB] =	sst s5  }
0xe: {  	[smem:$0x3FAC] =	sst s6  }
0xf: {  	[smem:$0x3FAD] =	sst s7  }
0x10: {  	[smem:$0x3FAE] =	sst s8  }
0x11: {  	[smem:$0x3FAF] =	sst s9;
	s0 =	simm.s32 @!p0 $0x0  }
0x12: {  	s1 =	sld [smem:$0x3F95];
	s0 =	simm.s32 @p0 $0x1  }
0x13: {  	[smem:$0x3FB0] =	sst s0;
	s0 =	simm.s32 @!p1 $0x0  }
0x14: {  	s2 =	sld [smem:$0x3F94];
	s0 =	simm.s32 @p1 $0x1  }
0x15: {  	[smem:$0x3FB1] =	sst s0;
	s0 =	simm.s32 @!p2 $0x0  }
0x16: {  	s3 =	sld [smem:$0x3FDB];
	s0 =	simm.s32 @p2 $0x1  }
0x17: {  	s4 =	simm.s32 $0x1BF5;
	[smem:$0x3FB3] =	sst s0  }
0x18: {  	s0 =	sld [smem:$0x3F96];
	_ =	swait.ge [sflag:s4], $0x0  }
0x19: {  	s7 =	sld [smem:$0x3F97]  }
0x1a: {  	s8 =	sadd.s32 $0xFFFFE003, lr  }
0x1b: {  	s9 =	sadd.s32 $0xFFFFFEF7, lr;
	s5 =	simm.s32 $0xFFFFFFFF;
	p2 =	slt.u32 s8, $0xFFFFF086  }
0x1c: {  	p1 =	slt.u32 s9, $0xF7A;
	s5 =	simm.s32 @!p2 $0x0  }
0x1d: {  	s5 =	simm.s32 @p1 $0x1;
	p0 =	seq.s32 s7, s2  }
0x1e: {  	s7 =	smul.u32 @!p0 $0xF7A, s2;
	p2 =	seq.s32 @!p0 s5, $0x0  }
0x1f: {  	s9 =	smul.u32 $0xF7A, s1;
	s8 =	simm.s32 @!p0 $0x1BF5;
	p2 =	por !p2, p0  }
0x20: {  	[sflag:s8] =	ssyncset.s32 @!p0 $0xFFFFF086;
	s6 =	sadd.s32 @!p0 s3, s7;
	s7 =	simm.s32 @!p0 $0x108  }
0x21: {  	s3 =	sadd.s32 s3, s9;
	s6 =	sadd.s32 @!p0 $0x88, s6;
	s7 =	simm.s32 @p2 $0x1082  }
0x22: {  	[simem:s7], [sflag:s8] =	dma.local @!p0 [hbm:s6], $0xF7A  }
0x23: {  	s9 =	sor.u32 $0xD0000000, s2;
	s6 =	simm.s32 $0x108;
	_ =	swait.ge @!p0 [sflag:s8], $0x0  }
0x24: {  	s3 =	sadd.s32 $0x88, s3;
	s6 =	simm.s32 @!p1 $0x1082;
	[sflag:s4] =	ssyncset.s32 $0xFFFFF086  }
0x25: {  	[simem:s6], [sflag:s4] =	dma.local [hbm:s3], $0xF7A  }
0x26: {  	[smem:$0x3F97] =	sst s1;
	(tag) =	ssettag s2;
	_ =	strace s9  }
0x27: {  	s1 =	sld [smem:$0x3FA7]  }
0x28: {  	s2 =	sld [smem:$0x3FA8]  }
0x29: {  	s4 =	sld [smem:$0x3FAA]  }
0x2a: {  	p0 =	seq.s32 s5, $0x0;
	s5 =	sld [smem:$0x3FAB]  }
0x2b: {  	s6 =	sld [smem:$0x3FAC]  }
0x2c: {  	s7 =	sld [smem:$0x3FAD]  }
0x2d: {  	s3 =	simm.s32 $0x108;
	s8 =	sld [smem:$0x3FAE]  }
0x2e: {  	s3 =	simm.s32 @!p0 $0x1082;
	s9 =	sld [smem:$0x3FAF]  }
0x2f: {  	lr =	sadd.s32 s0, s3;
	s0 =	sld [smem:$0x3FA6]  }
0x30: {  	s3 =	sld [smem:$0x3FA9]  }
0x31: {  	[smem:$0x3FB2] =	sst s10  }
0x32: {  	s10 =	sld [smem:$0x3FB0];
	_ =	sdelay $0x3  }
0x33: {  	p0 =	seq.s32 s10, $0x1;
	s10 =	sld [smem:$0x3FB2];
	_ =	sdelay $0x3  }
0x34: {  	[smem:$0x3FB2] =	sst s10  }
0x35: {  	s10 =	sld [smem:$0x3FB1];
	_ =	sdelay $0x3  }
0x36: {  	p1 =	seq.s32 s10, $0x1;
	s10 =	sld [smem:$0x3FB2];
	_ =	sdelay $0x3  }
0x37: {  	[smem:$0x3FB2] =	sst s10  }
0x38: {  	s10 =	sld [smem:$0x3FB3]  }
0x39: {  	_ = 	snop;
	(pc) =	sbr.ind lr, $3  }
0x3a: {  	_ = 	snop  }
0x3b: {  	_ = 	snop  }
0x3c: {  	p2 =	seq.s32 s10, $0x1;
	s10 =	sld [smem:$0x3FB2]  }
0x3d: {  	_ =	shalt  }
0x3e: {  	_ =	shalt  }
0x3f: {  	_ =	shalt  }
0x40: {  	_ =	shalt  }
0x41: {  	_ =	shalt  }
0x42: {  	_ =	shalt  }
0x43: {  	_ =	shalt  }
0x44: {  	_ =	shalt  }
0x45: {  	_ =	shalt  }
0x46: {  	_ =	shalt  }
0x47: {  	_ =	shalt  }
0x48: {  	_ =	shalt  }
0x49: {  	_ =	shalt  }
0x4a: {  	_ =	shalt  }
0x4b: {  	_ =	shalt  }
0x4c: {  	_ =	shalt  }
0x4d: {  	_ =	shalt  }
0x4e: {  	_ =	shalt  }
0x4f: {  	_ =	shalt  }
0x50: {  	_ =	shalt  }
0x51: {  	_ =	shalt  }
0x52: {  	_ =	shalt  }
0x53: {  	_ =	shalt  }
0x54: {  	_ =	shalt  }
0x55: {  	_ =	shalt  }
0x56: {  	_ =	shalt  }
0x57: {  	_ =	shalt  }
0x58: {  	_ =	shalt  }
0x59: {  	_ =	shalt  }
0x5a: {  	_ =	shalt  }
0x5b: {  	_ =	shalt  }
0x5c: {  	_ =	shalt  }
0x5d: {  	_ =	shalt  }
0x5e: {  	_ =	shalt  }
0x5f: {  	_ =	shalt  }
0x60: {  	_ =	shalt  }
0x61: {  	_ =	shalt  }
0x62: {  	_ =	shalt  }
0x63: {  	_ =	shalt  }
0x64: {  	_ =	shalt  }
0x65: {  	_ =	shalt  }
0x66: {  	_ =	shalt  }
0x67: {  	_ =	shalt  }
0x68: {  	_ =	shalt  }
0x69: {  	_ =	shalt  }
0x6a: {  	_ =	shalt  }
0x6b: {  	_ =	shalt  }
0x6c: {  	_ =	shalt  }
0x6d: {  	_ =	shalt  }
0x6e: {  	_ =	shalt  }
0x6f: {  	_ =	shalt  }
0x70: {  	_ =	shalt  }
0x71: {  	_ =	shalt  }
0x72: {  	_ =	shalt  }
0x73: {  	_ =	shalt  }
0x74: {  	_ =	shalt  }
0x75: {  	_ =	shalt  }
0x76: {  	_ =	shalt  }
0x77: {  	_ =	shalt  }
0x78: {  	_ =	shalt  }
0x79: {  	_ =	shalt  }
0x7a: {  	_ =	shalt  }
0x7b: {  	_ =	shalt  }
0x7c: {  	_ =	shalt  }
0x7d: {  	_ =	shalt  }
0x7e: {  	_ =	shalt  }
0x7f: {  	_ =	shalt  }
0x80: {  	_ =	shalt  }
0x81: {  	_ =	shalt  }
0x82: {  	_ =	shalt  }
0x83: {  	_ =	shalt  }
0x84: {  	_ =	shalt  }
0x85: {  	_ =	shalt  }
0x86: {  	_ =	shalt  }
0x87: {  	_ =	shalt  }
.Lfunc_end0:
.L_simem_size_0:
called_computation.2_lowered:
.L_overlay_start_0:
0x88: {  	s2 =	sld [smem:$0x3FD9]  }
0x89: {  	s3 =	sld [smem:$0x3FFE];
	_ =	sdelay $0x1  }
0x8a: {  	s1 =	srdreg.scid  }
0x8b: {  	s0 =	sand.u32 $0x1, s1  }
0x8c: {  	s16 =	sshll.u32 s0, $0xA;
	s2 =	sadd.s32 s3, s2  }
0x8d: {  	s2 =	sadd.s32 s2, s16  }
0x8e: {  	[smem:$0x3FBE] =	sst s2  }
0x8f: {  	_ = 	snop  }
0x90: {  	(tm) =	ssettm $0x1  }
0x91: {  	s17 =	sld [smem:$0x3FFB];
	_ =	sdelay $0x3  }
0x92: {  	_ =	strace s17  }
0x93: {  	s2 =	sld [smem:$0x3FFC];
	_ =	sdelay $0x3  }
0x94: {  	_ =	strace s2  }
0x95: {  	s2 =	sld [smem:$0x3FFD];
	_ =	sdelay $0x3  }
0x96: {  	_ =	strace s2  }
0x97: {  	_ =	strace $0x8FFFFFFF  }
0x98: {  	s18 =	sld [smem:$0x3FDB];
	_ =	sdelay $0x1  }
0x99: {  	s19 =	simm.s32 $_scs_section_size  }
0x9a: {  	s4 =	simm.s32 $_size__tile_overlayer_lowered;
	s5 =	simm.s32 $_tile_overlayer_lowered  }
0x9b: {  	s22 =	simm.s32 $0x1BFF;
	s21 =	sshll.u32 s5, $0x1;
	s2 =	sadd.s32 s19, s18  }
0x9c: {  	s6 =	simm.s32 $0x0;
	s20 =	sshll.u32 s4, $0x1;
	s4 =	sadd.s32 s21, s2  }
0x9d: {  	[timem:s6], [sflag:s22] =	dma.local [hbm:s4], s20  }
0x9e: {  	_ =	swait.ge [sflag:s22], s20  }
0x9f: {  	s3 =	ssub.s32 $0x0, s20;
	[sflag:s22] =	ssyncset.done $0x0  }
0xa0: {  	[sflag:s22] =	ssyncadd.s32 s3;
	_ =	sdelay $0x1  }
0xa1: {  	s23 =	simm.s32 $0x1B8B  }
0xa2: {  	_ =	swait.ge [sflag:s23], $0x1  }
0xa3: {  	[sflag:s23] =	ssyncset.done $0x0  }
0xa4: {  	s25 =	simm.s32 $0x1B8E;
	s24 =	sld [smem:$0x3FFE];
	[sflag:s23] =	ssyncadd.s32 $0xFFFFFFFF  }
0xa5: {  	s26 =	simm.s32 $execute0_lowered;
	[smem:$0x3FD2] =	sst s25  }
0xa6: {  	s4 =	sshll.u32 s26, $0x1;
	_ =	strace $0x8000004C;
	[dreg:$0x1] =	wrdreg $0xFFFFFFFF  }
0xa7: {  	s28 =	simm.s32 $_size_execute0_lowered;
	s2 =	sadd.s32 s2, s4;
	[dreg:$0x0] =	wrdreg $0x0  }
0xa8: {  	s4 =	sshll.u32 s28, $0x1;
	[dreg:$0x2] =	wrdreg s2  }
0xa9: {  	[dreg:$0x3] =	wrdreg s4  }
0xaa: {  	[dreg:$0x4] =	wrdreg $0xC0  }
0xab: {  	_ =	task [dreg:s6], $0x5FFFF  }
0xac: {  	[dreg:$0x1] =	wrdreg $0xFFFFFFFF  }
0xad: {  	[dreg:$0x0] =	wrdreg $0x60  }
0xae: {  	[dreg:$0x2] =	wrdreg s24  }
0xaf: {  	[dreg:$0x3] =	wrdreg $0xA0000  }
0xb0: {  	[dreg:$0x4] =	wrdreg $0x9  }
0xb1: {  	_ =	task.clear_ibuf [dreg:s6], $0x5FFFF;
	_ =	strace $0x9000004C  }
0xb2: {  	s29 =	simm.s32 $0x9;
	_ =	strace $0x8000004E  }
0xb3: {  	_ =	swait.ge [sflag:s29], $0x1  }
0xb4: {  	[sflag:s29] =	ssyncadd.s32 $0xFFFFFFFF  }
0xb5: {  	_ =	strace $0x9000004E  }
0xb6: {  	_ =	sfence  }
0xb7: {  	s30 =	sld [smem:$0x0];
	_ =	sdelay $0x2  }
0xb8: {  	s31 =	sshll.u32 s1, $0xD;
	s1 =	sshrl.u32 s1, $0x2  }
0xb9: {  	s3 =	sand.u32 $0x4000, s31;
	s1 =	sadd.s32 s1, s30  }
0xba: {  	s0 =	sor.u32 s3, s0;
	s1 =	sshll.u32 s1, $0x11  }
0xbb: {  	s0 =	sor.u32 s1, s0  }
0xbc: {  	s0 =	sadd.s32 $0x8F2B, s0  }
0xbd: {  	[sflag:s0] =	ssyncadd.remote.s32 $0x1  }
0xbe: {  	_ =	sfence.sel $0xFFFF  }
0xbf: {  	[dreg:$0x0] =	wrdreg $0xFFFFFFFF;
	(pc) =	sbr.abs _section_cstart, $3  }
0xc0: {  	[dreg:$0x1] =	wrdreg $0xFFFFFFFF  }
0xc1: {  	_ =	task.clear_ibuf [dreg:s6], $0x2FFFF;
	_ =	strace $0x9FFFFFFF  }
0xc2: {  	(tm) =	ssettm $0x7FFFFFFF  }
0xc3: {  	_ =	shalt  }
tec
execute0_lowered:
.L_overlay_start_1:
0x0: {  	(tag) =	ssettag $0x1  }
0x1: {  	s7 =	rddreg [dreg:$0x0]  }
0x2: {  	s2 =	rddreg [dreg:$0x1];
	s3 =	simm.s32 $0x0  }
0x3: {  	s23 =	simm.s32 $0x200;
	[smem:$0x7FF] =	sst s3  }
0x4: {  	s24 =	simm.s32 $0xC80;
	_ =	strace $0x8000004D;
	[dreg:$0x5] =	wrdreg s23  }
0x5: {  	s25 =	simm.s32 $0x280;
	[dreg:$0x6] =	wrdreg s24  }
0x6: {  	s26 =	simm.s32 $0xD00;
	[dreg:$0x7] =	wrdreg s25  }
0x7: {  	s5 =	simm.s32 $0x300;
	[dreg:$0x8] =	wrdreg s26  }
0x8: {  	s6 =	simm.s32 $0xD80;
	[dreg:$0x9] =	wrdreg s5  }
0x9: {  	s8 =	simm.s32 $0x380;
	[dreg:$0xa] =	wrdreg s6  }
0xa: {  	s9 =	simm.s32 $0xE00;
	[dreg:$0xb] =	wrdreg s8  }
0xb: {  	s10 =	simm.s32 $0x400;
	[dreg:$0xc] =	wrdreg s9  }
0xc: {  	s12 =	simm.s32 $0xE80;
	[dreg:$0xd] =	wrdreg s10  }
0xd: {  	s13 =	simm.s32 $0x480;
	[dreg:$0xe] =	wrdreg s12  }
0xe: {  	s14 =	simm.s32 $0xF00;
	[dreg:$0xf] =	wrdreg s13  }
0xf: {  	s15 =	simm.s32 $0x500;
	[dreg:$0x10] =	wrdreg s14  }
0x10: {  	s16 =	simm.s32 $0xF80;
	[dreg:$0x11] =	wrdreg s15  }
0x11: {  	s17 =	simm.s32 $0x580;
	[dreg:$0x12] =	wrdreg s16  }
0x12: {  	s18 =	simm.s32 $0x1000;
	[dreg:$0x13] =	wrdreg s17  }
0x13: {  	s19 =	simm.s32 $0x600;
	[dreg:$0x14] =	wrdreg s18  }
0x14: {  	s20 =	simm.s32 $0x1080;
	[dreg:$0x15] =	wrdreg s19  }
0x15: {  	s21 =	simm.s32 $0x680;
	[dreg:$0x16] =	wrdreg s20  }
0x16: {  	[dreg:$0x17] =	wrdreg s21;
	s23 =	simm.s32 $0x700  }
0x17: {  	s24 =	simm.s32 $0x1180;
	[dreg:$0x19] =	wrdreg s23  }
0x18: {  	s25 =	simm.s32 $0x780;
	[dreg:$0x1a] =	wrdreg s24  }
0x19: {  	s26 =	simm.s32 $0x1200;
	[dreg:$0x1b] =	wrdreg s25  }
0x1a: {  	s5 =	simm.s32 $0x800;
	[dreg:$0x1c] =	wrdreg s26  }
0x1b: {  	s6 =	simm.s32 $0x1280;
	[dreg:$0x1d] =	wrdreg s5  }
0x1c: {  	s8 =	simm.s32 $0x880;
	[dreg:$0x1e] =	wrdreg s6  }
0x1d: {  	s9 =	simm.s32 $0x1300;
	[dreg:$0x1f] =	wrdreg s8  }
0x1e: {  	s10 =	simm.s32 $0x900;
	[smem:$0x7C9] =	sst s9  }
0x1f: {  	s12 =	simm.s32 $0x1380;
	[smem:$0x7CA] =	sst s10  }
0x20: {  	s13 =	simm.s32 $0x980;
	[smem:$0x7CB] =	sst s12  }
0x21: {  	s14 =	simm.s32 $0x1400;
	[smem:$0x7CC] =	sst s13  }
0x22: {  	s15 =	simm.s32 $0x1480;
	[smem:$0x7CD] =	sst s14  }
0x23: {  	s16 =	simm.s32 $0x1880;
	[smem:$0x7CE] =	sst s15  }
0x24: {  	s17 =	simm.s32 $0x1500;
	[smem:$0x7CF] =	sst s16  }
0x25: {  	s18 =	simm.s32 $0x1900;
	[smem:$0x7D0] =	sst s17  }
0x26: {  	s19 =	simm.s32 $0x1580;
	[smem:$0x7D1] =	sst s18  }
0x27: {  	s20 =	simm.s32 $0x1980;
	[smem:$0x7D2] =	sst s19  }
0x28: {  	s21 =	simm.s32 $0x2500;
	[smem:$0x7D3] =	sst s20  }
0x29: {  	s5 =	simm.s32 $0x1A00;
	[smem:$0x7D7] =	sst s21  }
0x2a: {  	s6 =	simm.s32 $0x2480;
	[smem:$0x7D4] =	sst s5  }
0x2b: {  	s0 =	srdreg.scid;
	s8 =	simm.s32 $0x1A80;
	[smem:$0x7D5] =	sst s6  }
0x2c: {  	s11 =	stileid.u32;
	s12 =	sadd.s32 $0xFA00, s7;
	[smem:$0x7D6] =	sst s8  }
0x2d: {  	s28 =	simm.s32 $0x8400;
	s23 =	simm.s32 $0x2580;
	[smem:$0x7D9] =	sst s12  }
0x2e: {  	s29 =	simm.s32 $0x3;
	s24 =	simm.s32 $0x1B80;
	[smem:$0x7DA] =	sst s23  }
0x2f: {  	s30 =	simm.s32 $0x4;
	s25 =	simm.s32 $0x2600;
	[smem:$0x7DB] =	sst s24  }
0x30: {  	s31 =	simm.s32 $0x5;
	s26 =	simm.s32 $0x1C00;
	[smem:$0x7DC] =	sst s25  }
0x31: {  	s1 =	sand.u32 $0x1, s0;
	s13 =	simm.s32 $0x2700;
	[smem:$0x7DD] =	sst s26  }
0x32: {  	s0 =	sshll.u32 s1, $0x4;
	s15 =	simm.s32 $0x1D00;
	[smem:$0x7E0] =	sst s13  }
0x33: {  	s0 =	sor.u32 s11, s0;
	s16 =	simm.s32 $0x2780;
	[smem:$0x7E1] =	sst s15  }
0x34: {  	s9 =	smul.u32 $0x13C000, s1;
	s18 =	simm.s32 $0x1D80;
	[smem:$0x7E2] =	sst s16  }
0x35: {  	s10 =	smul.u32 $0x13C00, s11;
	s19 =	simm.s32 $0x2800;
	[smem:$0x7E3] =	sst s18  }
0x36: {  	s14 =	smul.u32 $0x4F000, s11;
	s21 =	simm.s32 $0x1E00;
	[smem:$0x7E4] =	sst s19  }
0x37: {  	s20 =	sshll.u32 s11, $0x6;
	s11 =	simm.s32 $0x1F00;
	[smem:$0x7E5] =	sst s21  }
0x38: {  	s1 =	ssub.s32 $0x2, s1;
	s23 =	simm.s32 $0x1E80;
	[smem:$0x7EB] =	sst s11  }
0x39: {  	s0 =	smul.u32 $0x7800, s0;
	s25 =	simm.s32 $0x2900;
	[smem:$0x7E8] =	sst s23  }
0x3a: {  	s5 =	sadd.s32 $0x7F200, s7;
	s15 =	simm.s32 $0x2A00;
	[smem:$0x7EA] =	sst s25  }
0x3b: {  	s6 =	sadd.s32 $0x61200, s7;
	s16 =	simm.s32 $0x2000;
	[smem:$0x7F1] =	sst s15  }
0x3c: {  	s12 =	sshrl.u32 s1, $0x1;
	s18 =	simm.s32 $0x2080;
	[smem:$0x7F3] =	sst s16  }
0x3d: {  	s8 =	sor.u32 $0x1C07, s20;
	s19 =	simm.s32 $0x2B00;
	[smem:$0x7F5] =	sst s18  }
0x3e: {  	s20 =	simm.s32 $0x2100;
	s21 =	simm.s32 $0x2B80;
	[smem:$0x7F6] =	sst s19  }
0x3f: {  	s9 =	sadd.s32 s10, s9;
	s10 =	simm.s32 $0x1C80;
	[smem:$0x7F7] =	sst s20  }
0x40: {  	s1 =	ssub.s32 s1, s12;
	s17 =	sshrl.u32 s14, $0x2;
	[smem:$0x7F8] =	sst s21  }
0x41: {  	s12 =	simm.s32 $0x2980;
	s14 =	simm.s32 $0x1F80;
	[smem:$0x7DF] =	sst s10  }
0x42: {  	s16 =	simm.s32 $0x7;
	s18 =	simm.s32 $0x1800;
	[smem:$0x7ED] =	sst s12  }
0x43: {  	s19 =	simm.s32 $0x2400;
	s23 =	simm.s32 $0x2C00;
	[smem:$0x7EF] =	sst s14  }
0x44: {  	s20 =	simm.s32 $0x32;
	s25 =	simm.s32 $0x2D00;
	[smem:$0x7FA] =	sst s23  }
0x45: {  	s21 =	simm.s32 $0x3000;
	s4 =	sadd.s32 $0x1800, s0;
	[smem:$0x7FC] =	sst s25  }
0x46: {  	s22 =	sadd.s32 $0x2400, s0;
	s9 =	sshrl.u32 s9, $0x3;
	[dreg:$0x3] =	wrdreg s4  }
0x47: {  	s0 =	sshrl.u32 s0, $0x3;
	s1 =	smax.u32 s1, $0x1;
	[dreg:$0x4] =	wrdreg s22  }
0x48: {  	s22 =	simm.s32 $0x1100;
	s4 =	sadd.s32 $0x12200, s7;
	[smem:$0x7F2] =	sst s1  }
0x49: {  	s7 =	sadd.s32 s9, s7;
	s9 =	simm.s32 $0x2680;
	[dreg:$0x18] =	wrdreg s22  }
0x4a: {  	s23 =	simm.s32 $0x4C00;
	s24 =	sadd.s32 s5, s0;
	[smem:$0x7DE] =	sst s9  }
0x4b: {  	s25 =	simm.s32 $0x6800;
	s26 =	sadd.s32 s6, s0;
	[smem:$0x7E7] =	sst s24  }
0x4c: {  	s0 =	sadd.s32 $0x180, s0;
	s22 =	simm.s32 $0x1B00;
	[smem:$0x7E9] =	sst s26  }
0x4d: {  	s1 =	simm.s32 $0x6;
	s13 =	sadd.s32 s5, s0;
	[smem:$0x7D8] =	sst s22  }
0x4e: {  	s9 =	sadd.s32 s17, s2;
	s0 =	sadd.s32 s6, s0;
	[smem:$0x7EC] =	sst s13  }
0x4f: {  	s7 =	sadd.s32 $0x9D200, s7;
	s17 =	simm.s32 $0x2A80;
	[smem:$0x7EE] =	sst s0  }
0x50: {  	s24 =	simm.s32 $0x2C80;
	s26 =	simm.s32 $0x2D80;
	[smem:$0x7F0] =	sst s7  }
0x51: {  	s22 =	simm.s32 $0x2880;
	s15 =	sshrl.u32 s9, $0x3;
	[smem:$0x7F4] =	sst s17  }
0x52: {  	s17 =	simm.s32 $0xC00;
	[smem:$0x7FB] =	sst s24;
	s24 =	simm.s32 $0x100  }
0x53: {  	[smem:$0x7FD] =	sst s26;
	s26 =	simm.s32 $0x180;
	s0 =	simm.s32 $0x2  }
0x54: {  	s7 =	simm.s32 $0x1;
	[smem:$0x7E6] =	sst s22;
	s22 =	simm.s32 $0x2180  }
0x55: {  	s9 =	simm.s32 $0x0;
	[smem:$0x7F9] =	sst s22;
	s22 =	simm.s32 $0x80  }
.LBB2_1:
0x56: {  	s10 =	sld [smem:$0x7D9];
	_ =	sdelay $0x2  }
0x57: {  	[spmem:s15], [sflag:s8] =	dma.local [hbm:s10], $0x2780  }
0x58: {  	_ =	swait.ge [sflag:s16], $0x2780  }
0x59: {  	[sflag:s16] =	ssyncset.done $0x0  }
0x5a: {  	[sflag:s16] =	ssyncadd.s32 $0xFFFFD880  }
0x5b: {  	[bflag:$0x0] =	sbarrier.arrive $0xFFFF  }
0x5c: {  	s13 =	sld [smem:$0x7E7];
	_ =	sdelay $0x2  }
0x5d: {  	[tilespmem:s3], [sflag:$0x7] =	stream.linear.gather [hbm4b:s13+s3], $0xA00, $0x38;
	[tilespmem:$0x1DC00] =	vst v63  }
0x5e: {  	_ =	swait.ge [sflag:s16], $0xA00  }
0x5f: {  	s14 =	sld [smem:$0x7E9]  }
0x60: {  	[sflag:s16] =	ssyncset.done $0x0  }
0x61: {  	[sflag:s16] =	ssyncadd.s32 $0xFFFFF600  }
0x62: {  	[tilespmem:s17], [sflag:$0x7] =	stream.linear.gather [hbm4b:s14+s3], $0xA00, $0x38;
	[tilespmem:$0x1DC00] =	vst v63  }
0x63: {  	_ =	swait.ge [sflag:s16], $0xA00  }
0x64: {  	s11 =	sld [smem:$0x7EC]  }
0x65: {  	[sflag:s16] =	ssyncset.done $0x0  }
0x66: {  	s12 =	sld [smem:$0x7EE];
	[sflag:s16] =	ssyncadd.s32 $0xFFFFF600  }
0x67: {  	[tilespmem:s18], [sflag:$0x2] =	stream.linear.gather [hbm4b:s11+s3], $0xA00, $0x38;
	[tilespmem:$0x1DC00] =	vst v63  }
0x68: {  	_ = 	snop  }
0x69: {  	[tilespmem:s19], [sflag:$0x2] =	stream.linear.gather [hbm4b:s12+s3], $0xA00, $0x38;
	[tilespmem:$0x1DC00] =	vst v63  }
0x6a: {  	_ = 	snop  }
0x6b: {  	[tilespmem:s21], [sflag:$0x3] =	stream.indirect.gather [hbm4b:s4+s20], $0x80, s3, s20, $0xb8;
	[tilespmem:$0x1DC00] =	vst v63  }
0x6c: {  	_ = 	snop  }
0x6d: {  	[tilespmem:s23], [sflag:$0x4] =	stream.indirect.gather [hbm4b:s4+s20], $0x80, s22, s20, $0xb8;
	[tilespmem:$0x1DC00] =	vst v63  }
0x6e: {  	_ = 	snop  }
0x6f: {  	[tilespmem:s25], [sflag:$0x5] =	stream.indirect.gather [hbm4b:s4+s20], $0x80, s24, s20, $0xb8;
	[tilespmem:$0x1DC00] =	vst v63  }
0x70: {  	_ = 	snop  }
0x71: {  	[tilespmem:s28], [sflag:$0x6] =	stream.indirect.gather [hbm4b:s4+s20], $0x80, s26, s20, $0xb8;
	[tilespmem:$0x1DC00] =	vst v63  }
0x72: {  	_ =	swait.ge [sflag:s29], $0x1900  }
0x73: {  	[sflag:s29] =	ssyncset.done $0x0  }
0x74: {  	[sflag:s29] =	ssyncadd.s32 $0xFFFFE700  }
0x75: {  	[spmem:s2] =	stream.indirect.scatter.add.f32 [tilespmem:s21], [sflag:$0x7], $0x80, s17, s20, $0xb8;
	[tilespmem:$0x1DC00] =	vst v63  }
0x76: {  	_ =	swait.ge [sflag:s16], $0x1900  }
0x77: {  	[sflag:s16] =	ssyncset.done $0x0  }
0x78: {  	s13 =	rddreg [dreg:$0x5];
	[sflag:s16] =	ssyncadd.s32 $0xFFFFE700  }
0x79: {  	[tilespmem:s21], [sflag:$0x3] =	stream.indirect.gather [hbm4b:s4+s20], $0x80, s13, s20, $0xb8;
	[tilespmem:$0x1DC00] =	vst v63  }
0x7a: {  	_ =	swait.ge [sflag:s30], $0x1900  }
0x7b: {  	[sflag:s30] =	ssyncset.done $0x0  }
0x7c: {  	s14 =	rddreg [dreg:$0x6];
	[sflag:s30] =	ssyncadd.s32 $0xFFFFE700  }
0x7d: {  	[spmem:s2] =	stream.indirect.scatter.add.f32 [tilespmem:s23], [sflag:$0x7], $0x80, s14, s20, $0xb8;
	[tilespmem:$0x1DC00] =	vst v63  }
0x7e: {  	_ =	swait.ge [sflag:s16], $0x1900  }
0x7f: {  	[sflag:s16] =	ssyncset.done $0x0  }
0x80: {  	s11 =	rddreg [dreg:$0x7];
	[sflag:s16] =	ssyncadd.s32 $0xFFFFE700  }
0x81: {  	[tilespmem:s23], [sflag:$0x4] =	stream.indirect.gather [hbm4b:s4+s20], $0x80, s11, s20, $0xb8;
	[tilespmem:$0x1DC00] =	vst v63  }
0x82: {  	_ =	swait.ge [sflag:s31], $0x1900  }
0x83: {  	[sflag:s31] =	ssyncset.done $0x0  }
0x84: {  	s12 =	rddreg [dreg:$0x8];
	[sflag:s31] =	ssyncadd.s32 $0xFFFFE700  }
0x85: {  	[spmem:s2] =	stream.indirect.scatter.add.f32 [tilespmem:s25], [sflag:$0x7], $0x80, s12, s20, $0xb8;
	[tilespmem:$0x1DC00] =	vst v63  }
0x86: {  	_ =	swait.ge [sflag:s16], $0x1900  }
0x87: {  	[sflag:s16] =	ssyncset.done $0x0  }
0x88: {  	s13 =	rddreg [dreg:$0x9];
	[sflag:s16] =	ssyncadd.s32 $0xFFFFE700  }
0x89: {  	[tilespmem:s25], [sflag:$0x5] =	stream.indirect.gather [hbm4b:s4+s20], $0x80, s13, s20, $0xb8;
	[tilespmem:$0x1DC00] =	vst v63  }
0x8a: {  	_ =	swait.ge [sflag:s1], $0x1900  }
0x8b: {  	[sflag:s1] =	ssyncset.done $0x0  }
0x8c: {  	s14 =	rddreg [dreg:$0xa];
	[sflag:s1] =	ssyncadd.s32 $0xFFFFE700  }
0x8d: {  	[spmem:s2] =	stream.indirect.scatter.add.f32 [tilespmem:s28], [sflag:$0x7], $0x80, s14, s20, $0xb8;
	[tilespmem:$0x1DC00] =	vst v63  }
0x8e: {  	_ =	swait.ge [sflag:s16], $0x1900  }
0x8f: {  	[sflag:s16] =	ssyncset.done $0x0  }
0x90: {  	s11 =	rddreg [dreg:$0xb];
	[sflag:s16] =	ssyncadd.s32 $0xFFFFE700  }
0x91: {  	[tilespmem:s28], [sflag:$0x6] =	stream.indirect.gather [hbm4b:s4+s20], $0x80, s11, s20, $0xb8;
	[tilespmem:$0x1DC00] =	vst v63  }
0x92: {  	_ =	swait.ge [sflag:s29], $0x1900  }
0x93: {  	[sflag:s29] =	ssyncset.done $0x0  }
0x94: {  	s12 =	rddreg [dreg:$0xc];
	[sflag:s29] =	ssyncadd.s32 $0xFFFFE700  }
0x95: {  	[spmem:s2] =	stream.indirect.scatter.add.f32 [tilespmem:s21], [sflag:$0x7], $0x80, s12, s20, $0xb8;
	[tilespmem:$0x1DC00] =	vst v63  }
0x96: {  	_ =	swait.ge [sflag:s16], $0x1900  }
0x97: {  	[sflag:s16] =	ssyncset.done $0x0  }
0x98: {  	s13 =	rddreg [dreg:$0xd];
	[sflag:s16] =	ssyncadd.s32 $0xFFFFE700  }
0x99: {  	[tilespmem:s21], [sflag:$0x3] =	stream.indirect.gather [hbm4b:s4+s20], $0x80, s13, s20, $0xb8;
	[tilespmem:$0x1DC00] =	vst v63  }
0x9a: {  	_ =	swait.ge [sflag:s30], $0x1900  }
0x9b: {  	[sflag:s30] =	ssyncset.done $0x0  }
0x9c: {  	s14 =	rddreg [dreg:$0xe];
	[sflag:s30] =	ssyncadd.s32 $0xFFFFE700  }
0x9d: {  	[spmem:s2] =	stream.indirect.scatter.add.f32 [tilespmem:s23], [sflag:$0x7], $0x80, s14, s20, $0xb8;
	[tilespmem:$0x1DC00] =	vst v63  }
0x9e: {  	_ =	swait.ge [sflag:s16], $0x1900  }
0x9f: {  	[sflag:s16] =	ssyncset.done $0x0  }
0xa0: {  	s11 =	rddreg [dreg:$0xf];
	[sflag:s16] =	ssyncadd.s32 $0xFFFFE700  }
0xa1: {  	[tilespmem:s23], [sflag:$0x4] =	stream.indirect.gather [hbm4b:s4+s20], $0x80, s11, s20, $0xb8;
	[tilespmem:$0x1DC00] =	vst v63  }
0xa2: {  	_ =	swait.ge [sflag:s31], $0x1900  }
0xa3: {  	[sflag:s31] =	ssyncset.done $0x0  }
0xa4: {  	s12 =	rddreg [dreg:$0x10];
	[sflag:s31] =	ssyncadd.s32 $0xFFFFE700  }
0xa5: {  	[spmem:s2] =	stream.indirect.scatter.add.f32 [tilespmem:s25], [sflag:$0x7], $0x80, s12, s20, $0xb8;
	[tilespmem:$0x1DC00] =	vst v63  }
0xa6: {  	_ =	swait.ge [sflag:s16], $0x1900  }
0xa7: {  	[sflag:s16] =	ssyncset.done $0x0  }
0xa8: {  	s13 =	rddreg [dreg:$0x11];
	[sflag:s16] =	ssyncadd.s32 $0xFFFFE700  }
0xa9: {  	[tilespmem:s25], [sflag:$0x5] =	stream.indirect.gather [hbm4b:s4+s20], $0x80, s13, s20, $0xb8;
	[tilespmem:$0x1DC00] =	vst v63  }
0xaa: {  	_ =	swait.ge [sflag:s1], $0x1900  }
0xab: {  	[sflag:s1] =	ssyncset.done $0x0  }
0xac: {  	s14 =	rddreg [dreg:$0x12];
	[sflag:s1] =	ssyncadd.s32 $0xFFFFE700  }
0xad: {  	[spmem:s2] =	stream.indirect.scatter.add.f32 [tilespmem:s28], [sflag:$0x7], $0x80, s14, s20, $0xb8;
	[tilespmem:$0x1DC00] =	vst v63  }
0xae: {  	_ =	swait.ge [sflag:s16], $0x1900  }
0xaf: {  	[sflag:s16] =	ssyncset.done $0x0  }
0xb0: {  	s11 =	rddreg [dreg:$0x13];
	[sflag:s16] =	ssyncadd.s32 $0xFFFFE700  }
0xb1: {  	[tilespmem:s28], [sflag:$0x6] =	stream.indirect.gather [hbm4b:s4+s20], $0x80, s11, s20, $0xb8;
	[tilespmem:$0x1DC00] =	vst v63  }
0xb2: {  	_ =	swait.ge [sflag:s29], $0x1900  }
0xb3: {  	[sflag:s29] =	ssyncset.done $0x0  }
0xb4: {  	s12 =	rddreg [dreg:$0x14];
	[sflag:s29] =	ssyncadd.s32 $0xFFFFE700  }
0xb5: {  	[spmem:s2] =	stream.indirect.scatter.add.f32 [tilespmem:s21], [sflag:$0x7], $0x80, s12, s20, $0xb8;
	[tilespmem:$0x1DC00] =	vst v63  }
0xb6: {  	_ =	swait.ge [sflag:s16], $0x1900  }
0xb7: {  	[sflag:s16] =	ssyncset.done $0x0  }
0xb8: {  	s13 =	rddreg [dreg:$0x15];
	[sflag:s16] =	ssyncadd.s32 $0xFFFFE700  }
0xb9: {  	[tilespmem:s21], [sflag:$0x3] =	stream.indirect.gather [hbm4b:s4+s20], $0x80, s13, s20, $0xb8;
	[tilespmem:$0x1DC00] =	vst v63  }
0xba: {  	_ =	swait.ge [sflag:s30], $0x1900  }
0xbb: {  	[sflag:s30] =	ssyncset.done $0x0  }
0xbc: {  	s14 =	rddreg [dreg:$0x16];
	[sflag:s30] =	ssyncadd.s32 $0xFFFFE700  }
0xbd: {  	[spmem:s2] =	stream.indirect.scatter.add.f32 [tilespmem:s23], [sflag:$0x7], $0x80, s14, s20, $0xb8;
	[tilespmem:$0x1DC00] =	vst v63  }
0xbe: {  	_ =	swait.ge [sflag:s16], $0x1900  }
0xbf: {  	[sflag:s16] =	ssyncset.done $0x0  }
0xc0: {  	s11 =	rddreg [dreg:$0x17];
	[sflag:s16] =	ssyncadd.s32 $0xFFFFE700  }
0xc1: {  	[tilespmem:s23], [sflag:$0x4] =	stream.indirect.gather [hbm4b:s4+s20], $0x80, s11, s20, $0xb8;
	[tilespmem:$0x1DC00] =	vst v63  }
0xc2: {  	_ =	swait.ge [sflag:s31], $0x1900  }
0xc3: {  	[sflag:s31] =	ssyncset.done $0x0  }
0xc4: {  	s12 =	rddreg [dreg:$0x18];
	[sflag:s31] =	ssyncadd.s32 $0xFFFFE700  }
0xc5: {  	[spmem:s2] =	stream.indirect.scatter.add.f32 [tilespmem:s25], [sflag:$0x7], $0x80, s12, s20, $0xb8;
	[tilespmem:$0x1DC00] =	vst v63  }
0xc6: {  	_ =	swait.ge [sflag:s16], $0x1900  }
0xc7: {  	[sflag:s16] =	ssyncset.done $0x0  }
0xc8: {  	s13 =	rddreg [dreg:$0x19];
	[sflag:s16] =	ssyncadd.s32 $0xFFFFE700  }
0xc9: {  	[tilespmem:s25], [sflag:$0x5] =	stream.indirect.gather [hbm4b:s4+s20], $0x80, s13, s20, $0xb8;
	[tilespmem:$0x1DC00] =	vst v63  }
0xca: {  	_ =	swait.ge [sflag:s1], $0x1900  }
0xcb: {  	[sflag:s1] =	ssyncset.done $0x0  }
0xcc: {  	s14 =	rddreg [dreg:$0x1a];
	[sflag:s1] =	ssyncadd.s32 $0xFFFFE700  }
0xcd: {  	[spmem:s2] =	stream.indirect.scatter.add.f32 [tilespmem:s28], [sflag:$0x7], $0x80, s14, s20, $0xb8;
	[tilespmem:$0x1DC00] =	vst v63  }
0xce: {  	_ =	swait.ge [sflag:s16], $0x1900  }
0xcf: {  	[sflag:s16] =	ssyncset.done $0x0  }
0xd0: {  	s11 =	rddreg [dreg:$0x1b];
	[sflag:s16] =	ssyncadd.s32 $0xFFFFE700  }
0xd1: {  	[tilespmem:s28], [sflag:$0x6] =	stream.indirect.gather [hbm4b:s4+s20], $0x80, s11, s20, $0xb8;
	[tilespmem:$0x1DC00] =	vst v63  }
0xd2: {  	_ =	swait.ge [sflag:s29], $0x1900  }
0xd3: {  	[sflag:s29] =	ssyncset.done $0x0  }
0xd4: {  	s12 =	rddreg [dreg:$0x1c];
	[sflag:s29] =	ssyncadd.s32 $0xFFFFE700  }
0xd5: {  	[spmem:s2] =	stream.indirect.scatter.add.f32 [tilespmem:s21], [sflag:$0x7], $0x80, s12, s20, $0xb8;
	[tilespmem:$0x1DC00] =	vst v63  }
0xd6: {  	_ =	swait.ge [sflag:s16], $0x1900  }
0xd7: {  	[sflag:s16] =	ssyncset.done $0x0  }
0xd8: {  	s13 =	rddreg [dreg:$0x1d];
	[sflag:s16] =	ssyncadd.s32 $0xFFFFE700  }
0xd9: {  	[tilespmem:s21], [sflag:$0x3] =	stream.indirect.gather [hbm4b:s4+s20], $0x80, s13, s20, $0xb8;
	[tilespmem:$0x1DC00] =	vst v63  }
0xda: {  	_ =	swait.ge [sflag:s30], $0x1900  }
0xdb: {  	[sflag:s30] =	ssyncset.done $0x0  }
0xdc: {  	s14 =	rddreg [dreg:$0x1e];
	[sflag:s30] =	ssyncadd.s32 $0xFFFFE700  }
0xdd: {  	[spmem:s2] =	stream.indirect.scatter.add.f32 [tilespmem:s23], [sflag:$0x7], $0x80, s14, s20, $0xb8;
	[tilespmem:$0x1DC00] =	vst v63  }
0xde: {  	_ =	swait.ge [sflag:s16], $0x1900  }
0xdf: {  	[sflag:s16] =	ssyncset.done $0x0  }
0xe0: {  	s11 =	rddreg [dreg:$0x1f];
	[sflag:s16] =	ssyncadd.s32 $0xFFFFE700  }
0xe1: {  	[tilespmem:s23], [sflag:$0x4] =	stream.indirect.gather [hbm4b:s4+s20], $0x80, s11, s20, $0xb8;
	[tilespmem:$0x1DC00] =	vst v63  }
0xe2: {  	_ =	swait.ge [sflag:s31], $0x1900  }
0xe3: {  	s12 =	sld [smem:$0x7C9]  }
0xe4: {  	[sflag:s31] =	ssyncset.done $0x0  }
0xe5: {  	[sflag:s31] =	ssyncadd.s32 $0xFFFFE700  }
0xe6: {  	[spmem:s2] =	stream.indirect.scatter.add.f32 [tilespmem:s25], [sflag:$0x7], $0x80, s12, s20, $0xb8;
	[tilespmem:$0x1DC00] =	vst v63  }
0xe7: {  	_ =	swait.ge [sflag:s16], $0x1900  }
0xe8: {  	s13 =	sld [smem:$0x7CA]  }
0xe9: {  	[sflag:s16] =	ssyncset.done $0x0  }
0xea: {  	[sflag:s16] =	ssyncadd.s32 $0xFFFFE700  }
0xeb: {  	[tilespmem:s25], [sflag:$0x5] =	stream.indirect.gather [hbm4b:s4+s20], $0x80, s13, s20, $0xb8;
	[tilespmem:$0x1DC00] =	vst v63  }
0xec: {  	_ =	swait.ge [sflag:s1], $0x1900  }
0xed: {  	s14 =	sld [smem:$0x7CB]  }
0xee: {  	[sflag:s1] =	ssyncset.done $0x0  }
0xef: {  	[sflag:s1] =	ssyncadd.s32 $0xFFFFE700  }
0xf0: {  	[spmem:s2] =	stream.indirect.scatter.add.f32 [tilespmem:s28], [sflag:$0x7], $0x80, s14, s20, $0xb8;
	[tilespmem:$0x1DC00] =	vst v63  }
0xf1: {  	_ =	swait.ge [sflag:s16], $0x1900  }
0xf2: {  	s11 =	sld [smem:$0x7CC]  }
0xf3: {  	[sflag:s16] =	ssyncset.done $0x0  }
0xf4: {  	[sflag:s16] =	ssyncadd.s32 $0xFFFFE700  }
0xf5: {  	[tilespmem:s28], [sflag:$0x6] =	stream.indirect.gather [hbm4b:s4+s20], $0x80, s11, s20, $0xb8;
	[tilespmem:$0x1DC00] =	vst v63  }
0xf6: {  	_ =	swait.ge [sflag:s0], $0xA00  }
0xf7: {  	[sflag:s0] =	ssyncset.done $0x0  }
0xf8: {  	[sflag:s0] =	ssyncadd.s32 $0xFFFFF600  }
0xf9: {  	_ =	swait.ge [sflag:s0], $0xA00  }
0xfa: {  	[sflag:s0] =	ssyncset.done $0x0  }
0xfb: {  	[sflag:s0] =	ssyncadd.s32 $0xFFFFF600  }
0xfc: {  	_ =	swait.ge [sflag:s29], $0x1900  }
0xfd: {  	s12 =	sld [smem:$0x7CD]  }
0xfe: {  	[sflag:s29] =	ssyncset.done $0x0  }
0xff: {  	[sflag:s29] =	ssyncadd.s32 $0xFFFFE700  }
0x100: {  	[spmem:s2] =	stream.indirect.scatter.add.f32 [tilespmem:s21], [sflag:$0x7], $0x80, s12, s20, $0xb8;
	[tilespmem:$0x1DC00] =	vst v63  }
0x101: {  	_ =	swait.ge [sflag:s16], $0x1900  }
0x102: {  	[sflag:s16] =	ssyncset.done $0x0  }
0x103: {  	[sflag:s16] =	ssyncadd.s32 $0xFFFFE700  }
0x104: {  	[tilespmem:s21], [sflag:$0x3] =	stream.indirect.gather [hbm4b:s4+s20], $0x80, s18, s20, $0xb8;
	[tilespmem:$0x1DC00] =	vst v63  }
0x105: {  	_ =	swait.ge [sflag:s30], $0x1900  }
0x106: {  	s13 =	sld [smem:$0x7CE]  }
0x107: {  	[sflag:s30] =	ssyncset.done $0x0  }
0x108: {  	[sflag:s30] =	ssyncadd.s32 $0xFFFFE700  }
0x109: {  	[spmem:s2] =	stream.indirect.scatter.add.f32 [tilespmem:s23], [sflag:$0x7], $0x80, s13, s20, $0xb8;
	[tilespmem:$0x1DC00] =	vst v63  }
0x10a: {  	_ =	swait.ge [sflag:s16], $0x1900  }
0x10b: {  	s14 =	sld [smem:$0x7CF]  }
0x10c: {  	[sflag:s16] =	ssyncset.done $0x0  }
0x10d: {  	[sflag:s16] =	ssyncadd.s32 $0xFFFFE700  }
0x10e: {  	[tilespmem:s23], [sflag:$0x4] =	stream.indirect.gather [hbm4b:s4+s20], $0x80, s14, s20, $0xb8;
	[tilespmem:$0x1DC00] =	vst v63  }
0x10f: {  	_ =	swait.ge [sflag:s31], $0x1900  }
0x110: {  	s11 =	sld [smem:$0x7D0]  }
0x111: {  	[sflag:s31] =	ssyncset.done $0x0  }
0x112: {  	[sflag:s31] =	ssyncadd.s32 $0xFFFFE700  }
0x113: {  	[spmem:s2] =	stream.indirect.scatter.add.f32 [tilespmem:s25], [sflag:$0x7], $0x80, s11, s20, $0xb8;
	[tilespmem:$0x1DC00] =	vst v63  }
0x114: {  	_ =	swait.ge [sflag:s16], $0x1900  }
0x115: {  	s12 =	sld [smem:$0x7D1]  }
0x116: {  	[sflag:s16] =	ssyncset.done $0x0  }
0x117: {  	[sflag:s16] =	ssyncadd.s32 $0xFFFFE700  }
0x118: {  	[tilespmem:s25], [sflag:$0x5] =	stream.indirect.gather [hbm4b:s4+s20], $0x80, s12, s20, $0xb8;
	[tilespmem:$0x1DC00] =	vst v63  }
0x119: {  	_ =	swait.ge [sflag:s1], $0x1900  }
0x11a: {  	s13 =	sld [smem:$0x7D2]  }
0x11b: {  	[sflag:s1] =	ssyncset.done $0x0  }
0x11c: {  	p0 =	por $0x1, $0x1;
	s10 =	simm.s32 $0x0;
	[sflag:s1] =	ssyncadd.s32 $0xFFFFE700  }
0x11d: {  	[spmem:s2] =	stream.indirect.scatter.add.f32 [tilespmem:s28], [sflag:$0x7], $0x80, s13, s20, $0xb8;
	[tilespmem:$0x1DC00] =	vst v63  }
0x11e: {  	s10 =	simm.s32 @!p0 $0x7;
	_ =	swait.ge [sflag:s16], $0x1900  }
0x11f: {  	s10 =	smul.u32 $0xC00, s10;
	s11 =	rddreg [dreg:$0x3]  }
0x120: {  	s12 =	sld [smem:$0x7D3]  }
0x121: {  	[sflag:s16] =	ssyncset.done $0x0;
	s10 =	sadd.s32 s10, s11  }
0x122: {  	[sflag:s16] =	ssyncadd.s32 $0xFFFFE700;
	s10 =	sshrl.u32 s10, $0x3  }
0x123: {  	[tilespmem:s28], [sflag:$0x6] =	stream.indirect.gather [hbm4b:s4+s20], $0x80, s12, s20, $0xb8;
	[tilespmem:$0x1DC00] =	vst v63  }
0x124: {  	s14 =	sadd.s32 s5, s10  }
0x125: {  	[tilespmem:s3], [sflag:$0x1] =	stream.linear.gather [hbm4b:s14+s3], $0xA00, $0x38;
	[tilespmem:$0x1DC00] =	vst v63  }
0x126: {  	s10 =	sadd.s32 s6, s10  }
0x127: {  	[tilespmem:s17], [sflag:$0x1] =	stream.linear.gather [hbm4b:s10+s3], $0xA00, $0x38;
	[tilespmem:$0x1DC00] =	vst v63  }
0x128: {  	_ =	swait.ge [sflag:s29], $0x1900  }
0x129: {  	[sflag:s29] =	ssyncset.done $0x0  }
0x12a: {  	[sflag:s29] =	ssyncadd.s32 $0xFFFFE700  }
0x12b: {  	[spmem:s2] =	stream.indirect.scatter.add.f32 [tilespmem:s21], [sflag:$0x7], $0x80, s19, s20, $0xb8;
	[tilespmem:$0x1DC00] =	vst v63  }
0x12c: {  	_ =	swait.ge [sflag:s16], $0x1900  }
0x12d: {  	s11 =	sld [smem:$0x7D4]  }
0x12e: {  	[sflag:s16] =	ssyncset.done $0x0  }
0x12f: {  	[sflag:s16] =	ssyncadd.s32 $0xFFFFE700  }
0x130: {  	[tilespmem:s21], [sflag:$0x3] =	stream.indirect.gather [hbm4b:s4+s20], $0x80, s11, s20, $0xb8;
	[tilespmem:$0x1DC00] =	vst v63  }
0x131: {  	_ =	swait.ge [sflag:s30], $0x1900  }
0x132: {  	s12 =	sld [smem:$0x7D5]  }
0x133: {  	[sflag:s30] =	ssyncset.done $0x0  }
0x134: {  	[sflag:s30] =	ssyncadd.s32 $0xFFFFE700  }
0x135: {  	[spmem:s2] =	stream.indirect.scatter.add.f32 [tilespmem:s23], [sflag:$0x7], $0x80, s12, s20, $0xb8;
	[tilespmem:$0x1DC00] =	vst v63  }
0x136: {  	_ =	swait.ge [sflag:s16], $0x1900  }
0x137: {  	s13 =	sld [smem:$0x7D6]  }
0x138: {  	[sflag:s16] =	ssyncset.done $0x0  }
0x139: {  	[sflag:s16] =	ssyncadd.s32 $0xFFFFE700  }
0x13a: {  	[tilespmem:s23], [sflag:$0x4] =	stream.indirect.gather [hbm4b:s4+s20], $0x80, s13, s20, $0xb8;
	[tilespmem:$0x1DC00] =	vst v63  }
0x13b: {  	_ =	swait.ge [sflag:s31], $0x1900  }
0x13c: {  	s14 =	sld [smem:$0x7D7]  }
0x13d: {  	[sflag:s31] =	ssyncset.done $0x0  }
0x13e: {  	[sflag:s31] =	ssyncadd.s32 $0xFFFFE700  }
0x13f: {  	[spmem:s2] =	stream.indirect.scatter.add.f32 [tilespmem:s25], [sflag:$0x7], $0x80, s14, s20, $0xb8;
	[tilespmem:$0x1DC00] =	vst v63  }
0x140: {  	_ =	swait.ge [sflag:s16], $0x1900  }
0x141: {  	s11 =	sld [smem:$0x7D8]  }
0x142: {  	[sflag:s16] =	ssyncset.done $0x0  }
0x143: {  	[sflag:s16] =	ssyncadd.s32 $0xFFFFE700  }
0x144: {  	[tilespmem:s25], [sflag:$0x5] =	stream.indirect.gather [hbm4b:s4+s20], $0x80, s11, s20, $0xb8;
	[tilespmem:$0x1DC00] =	vst v63  }
0x145: {  	_ =	swait.ge [sflag:s1], $0x1900  }
0x146: {  	s12 =	sld [smem:$0x7DA]  }
0x147: {  	[sflag:s1] =	ssyncset.done $0x0  }
0x148: {  	[sflag:s1] =	ssyncadd.s32 $0xFFFFE700  }
0x149: {  	[spmem:s2] =	stream.indirect.scatter.add.f32 [tilespmem:s28], [sflag:$0x7], $0x80, s12, s20, $0xb8;
	[tilespmem:$0x1DC00] =	vst v63  }
0x14a: {  	_ =	swait.ge [sflag:s16], $0x1900  }
0x14b: {  	s13 =	sld [smem:$0x7DB]  }
0x14c: {  	[sflag:s16] =	ssyncset.done $0x0  }
0x14d: {  	[sflag:s16] =	ssyncadd.s32 $0xFFFFE700  }
0x14e: {  	[tilespmem:s28], [sflag:$0x6] =	stream.indirect.gather [hbm4b:s4+s20], $0x80, s13, s20, $0xb8;
	[tilespmem:$0x1DC00] =	vst v63  }
0x14f: {  	_ =	swait.ge [sflag:s29], $0x1900  }
0x150: {  	s14 =	sld [smem:$0x7DC]  }
0x151: {  	[sflag:s29] =	ssyncset.done $0x0  }
0x152: {  	[sflag:s29] =	ssyncadd.s32 $0xFFFFE700  }
0x153: {  	[spmem:s2] =	stream.indirect.scatter.add.f32 [tilespmem:s21], [sflag:$0x7], $0x80, s14, s20, $0xb8;
	[tilespmem:$0x1DC00] =	vst v63  }
0x154: {  	_ =	swait.ge [sflag:s16], $0x1900  }
0x155: {  	s11 =	sld [smem:$0x7DD]  }
0x156: {  	[sflag:s16] =	ssyncset.done $0x0  }
0x157: {  	[sflag:s16] =	ssyncadd.s32 $0xFFFFE700  }
0x158: {  	[tilespmem:s21], [sflag:$0x3] =	stream.indirect.gather [hbm4b:s4+s20], $0x80, s11, s20, $0xb8;
	[tilespmem:$0x1DC00] =	vst v63  }
0x159: {  	_ =	swait.ge [sflag:s30], $0x1900  }
0x15a: {  	s12 =	sld [smem:$0x7DE]  }
0x15b: {  	[sflag:s30] =	ssyncset.done $0x0  }
0x15c: {  	[sflag:s30] =	ssyncadd.s32 $0xFFFFE700  }
0x15d: {  	[spmem:s2] =	stream.indirect.scatter.add.f32 [tilespmem:s23], [sflag:$0x7], $0x80, s12, s20, $0xb8;
	[tilespmem:$0x1DC00] =	vst v63  }
0x15e: {  	_ =	swait.ge [sflag:s16], $0x1900  }
0x15f: {  	s13 =	sld [smem:$0x7DF]  }
0x160: {  	[sflag:s16] =	ssyncset.done $0x0  }
0x161: {  	[sflag:s16] =	ssyncadd.s32 $0xFFFFE700  }
0x162: {  	[tilespmem:s23], [sflag:$0x4] =	stream.indirect.gather [hbm4b:s4+s20], $0x80, s13, s20, $0xb8;
	[tilespmem:$0x1DC00] =	vst v63  }
0x163: {  	_ =	swait.ge [sflag:s31], $0x1900  }
0x164: {  	s14 =	sld [smem:$0x7E0]  }
0x165: {  	[sflag:s31] =	ssyncset.done $0x0  }
0x166: {  	[sflag:s31] =	ssyncadd.s32 $0xFFFFE700  }
0x167: {  	[spmem:s2] =	stream.indirect.scatter.add.f32 [tilespmem:s25], [sflag:$0x7], $0x80, s14, s20, $0xb8;
	[tilespmem:$0x1DC00] =	vst v63  }
0x168: {  	_ =	swait.ge [sflag:s16], $0x1900  }
0x169: {  	s11 =	sld [smem:$0x7E1]  }
0x16a: {  	[sflag:s16] =	ssyncset.done $0x0  }
0x16b: {  	[sflag:s16] =	ssyncadd.s32 $0xFFFFE700  }
0x16c: {  	[tilespmem:s25], [sflag:$0x5] =	stream.indirect.gather [hbm4b:s4+s20], $0x80, s11, s20, $0xb8;
	[tilespmem:$0x1DC00] =	vst v63  }
0x16d: {  	_ =	swait.ge [sflag:s1], $0x1900  }
0x16e: {  	s12 =	sld [smem:$0x7E2]  }
0x16f: {  	[sflag:s1] =	ssyncset.done $0x0  }
0x170: {  	[sflag:s1] =	ssyncadd.s32 $0xFFFFE700  }
0x171: {  	[spmem:s2] =	stream.indirect.scatter.add.f32 [tilespmem:s28], [sflag:$0x7], $0x80, s12, s20, $0xb8;
	[tilespmem:$0x1DC00] =	vst v63  }
0x172: {  	_ =	swait.ge [sflag:s16], $0x1900  }
0x173: {  	s13 =	sld [smem:$0x7E3]  }
0x174: {  	[sflag:s16] =	ssyncset.done $0x0  }
0x175: {  	[sflag:s16] =	ssyncadd.s32 $0xFFFFE700  }
0x176: {  	[tilespmem:s28], [sflag:$0x6] =	stream.indirect.gather [hbm4b:s4+s20], $0x80, s13, s20, $0xb8;
	[tilespmem:$0x1DC00] =	vst v63  }
0x177: {  	_ =	swait.ge [sflag:s29], $0x1900  }
0x178: {  	s14 =	sld [smem:$0x7E4]  }
0x179: {  	[sflag:s29] =	ssyncset.done $0x0  }
0x17a: {  	[sflag:s29] =	ssyncadd.s32 $0xFFFFE700  }
0x17b: {  	[spmem:s2] =	stream.indirect.scatter.add.f32 [tilespmem:s21], [sflag:$0x7], $0x80, s14, s20, $0xb8;
	[tilespmem:$0x1DC00] =	vst v63  }
0x17c: {  	_ =	swait.ge [sflag:s16], $0x1900  }
0x17d: {  	s11 =	sld [smem:$0x7E5]  }
0x17e: {  	[sflag:s16] =	ssyncset.done $0x0  }
0x17f: {  	[sflag:s16] =	ssyncadd.s32 $0xFFFFE700  }
0x180: {  	[tilespmem:s21], [sflag:$0x3] =	stream.indirect.gather [hbm4b:s4+s20], $0x80, s11, s20, $0xb8;
	[tilespmem:$0x1DC00] =	vst v63  }
0x181: {  	_ =	swait.ge [sflag:s30], $0x1900  }
0x182: {  	s12 =	sld [smem:$0x7E6]  }
0x183: {  	[sflag:s30] =	ssyncset.done $0x0  }
0x184: {  	[sflag:s30] =	ssyncadd.s32 $0xFFFFE700  }
0x185: {  	[spmem:s2] =	stream.indirect.scatter.add.f32 [tilespmem:s23], [sflag:$0x7], $0x80, s12, s20, $0xb8;
	[tilespmem:$0x1DC00] =	vst v63  }
0x186: {  	_ =	swait.ge [sflag:s16], $0x1900  }
0x187: {  	s13 =	sld [smem:$0x7E8]  }
0x188: {  	[sflag:s16] =	ssyncset.done $0x0  }
0x189: {  	[sflag:s16] =	ssyncadd.s32 $0xFFFFE700  }
0x18a: {  	[tilespmem:s23], [sflag:$0x4] =	stream.indirect.gather [hbm4b:s4+s20], $0x80, s13, s20, $0xb8;
	[tilespmem:$0x1DC00] =	vst v63  }
0x18b: {  	_ =	swait.ge [sflag:s31], $0x1900  }
0x18c: {  	s14 =	sld [smem:$0x7EA]  }
0x18d: {  	[sflag:s31] =	ssyncset.done $0x0  }
0x18e: {  	[sflag:s31] =	ssyncadd.s32 $0xFFFFE700  }
0x18f: {  	[spmem:s2] =	stream.indirect.scatter.add.f32 [tilespmem:s25], [sflag:$0x7], $0x80, s14, s20, $0xb8;
	[tilespmem:$0x1DC00] =	vst v63  }
0x190: {  	_ =	swait.ge [sflag:s16], $0x1900  }
0x191: {  	s11 =	sld [smem:$0x7EB]  }
0x192: {  	[sflag:s16] =	ssyncset.done $0x0  }
0x193: {  	[sflag:s16] =	ssyncadd.s32 $0xFFFFE700  }
0x194: {  	[tilespmem:s25], [sflag:$0x5] =	stream.indirect.gather [hbm4b:s4+s20], $0x80, s11, s20, $0xb8;
	[tilespmem:$0x1DC00] =	vst v63  }
0x195: {  	_ =	swait.ge [sflag:s1], $0x1900  }
0x196: {  	s12 =	sld [smem:$0x7ED]  }
0x197: {  	[sflag:s1] =	ssyncset.done $0x0  }
0x198: {  	[sflag:s1] =	ssyncadd.s32 $0xFFFFE700  }
0x199: {  	[spmem:s2] =	stream.indirect.scatter.add.f32 [tilespmem:s28], [sflag:$0x7], $0x80, s12, s20, $0xb8;
	[tilespmem:$0x1DC00] =	vst v63  }
0x19a: {  	_ =	swait.ge [sflag:s16], $0x1900  }
0x19b: {  	s13 =	sld [smem:$0x7EF]  }
0x19c: {  	[sflag:s16] =	ssyncset.done $0x0  }
0x19d: {  	[sflag:s16] =	ssyncadd.s32 $0xFFFFE700  }
0x19e: {  	[tilespmem:s28], [sflag:$0x6] =	stream.indirect.gather [hbm4b:s4+s20], $0x80, s13, s20, $0xb8;
	[tilespmem:$0x1DC00] =	vst v63  }
0x19f: {  	_ =	swait.ge [sflag:s29], $0x1900  }
0x1a0: {  	s14 =	sld [smem:$0x7F1]  }
0x1a1: {  	[sflag:s29] =	ssyncset.done $0x0  }
0x1a2: {  	[sflag:s29] =	ssyncadd.s32 $0xFFFFE700  }
0x1a3: {  	[spmem:s2] =	stream.indirect.scatter.add.f32 [tilespmem:s21], [sflag:$0x7], $0x80, s14, s20, $0xb8;
	[tilespmem:$0x1DC00] =	vst v63  }
0x1a4: {  	_ =	swait.ge [sflag:s16], $0x1900  }
0x1a5: {  	s11 =	sld [smem:$0x7F3]  }
0x1a6: {  	[sflag:s16] =	ssyncset.done $0x0  }
0x1a7: {  	[sflag:s16] =	ssyncadd.s32 $0xFFFFE700  }
0x1a8: {  	[tilespmem:s21], [sflag:$0x3] =	stream.indirect.gather [hbm4b:s4+s20], $0x80, s11, s20, $0xb8;
	[tilespmem:$0x1DC00] =	vst v63  }
0x1a9: {  	_ =	swait.ge [sflag:s30], $0x1900  }
0x1aa: {  	s12 =	sld [smem:$0x7F4]  }
0x1ab: {  	[sflag:s30] =	ssyncset.done $0x0  }
0x1ac: {  	[sflag:s30] =	ssyncadd.s32 $0xFFFFE700  }
0x1ad: {  	[spmem:s2] =	stream.indirect.scatter.add.f32 [tilespmem:s23], [sflag:$0x7], $0x80, s12, s20, $0xb8;
	[tilespmem:$0x1DC00] =	vst v63  }
0x1ae: {  	_ =	swait.ge [sflag:s16], $0x1900  }
0x1af: {  	s13 =	sld [smem:$0x7F5]  }
0x1b0: {  	[sflag:s16] =	ssyncset.done $0x0  }
0x1b1: {  	[sflag:s16] =	ssyncadd.s32 $0xFFFFE700  }
0x1b2: {  	[tilespmem:s23], [sflag:$0x4] =	stream.indirect.gather [hbm4b:s4+s20], $0x80, s13, s20, $0xb8;
	[tilespmem:$0x1DC00] =	vst v63  }
0x1b3: {  	_ =	swait.ge [sflag:s31], $0x1900  }
0x1b4: {  	s14 =	sld [smem:$0x7F6]  }
0x1b5: {  	[sflag:s31] =	ssyncset.done $0x0  }
0x1b6: {  	[sflag:s31] =	ssyncadd.s32 $0xFFFFE700  }
0x1b7: {  	[spmem:s2] =	stream.indirect.scatter.add.f32 [tilespmem:s25], [sflag:$0x7], $0x80, s14, s20, $0xb8;
	[tilespmem:$0x1DC00] =	vst v63  }
0x1b8: {  	_ =	swait.ge [sflag:s16], $0x1900  }
0x1b9: {  	s11 =	sld [smem:$0x7F7]  }
0x1ba: {  	[sflag:s16] =	ssyncset.done $0x0  }
0x1bb: {  	[sflag:s16] =	ssyncadd.s32 $0xFFFFE700  }
0x1bc: {  	[tilespmem:s25], [sflag:$0x5] =	stream.indirect.gather [hbm4b:s4+s20], $0x80, s11, s20, $0xb8;
	[tilespmem:$0x1DC00] =	vst v63  }
0x1bd: {  	_ =	swait.ge [sflag:s1], $0x1900  }
0x1be: {  	s12 =	sld [smem:$0x7F8]  }
0x1bf: {  	[sflag:s1] =	ssyncset.done $0x0  }
0x1c0: {  	[sflag:s1] =	ssyncadd.s32 $0xFFFFE700  }
0x1c1: {  	[spmem:s2] =	stream.indirect.scatter.add.f32 [tilespmem:s28], [sflag:$0x7], $0x80, s12, s20, $0xb8;
	[tilespmem:$0x1DC00] =	vst v63  }
0x1c2: {  	_ =	swait.ge [sflag:s16], $0x1900  }
0x1c3: {  	s13 =	sld [smem:$0x7F9]  }
0x1c4: {  	[sflag:s16] =	ssyncset.done $0x0  }
0x1c5: {  	[sflag:s16] =	ssyncadd.s32 $0xFFFFE700  }
0x1c6: {  	[tilespmem:s28], [sflag:$0x6] =	stream.indirect.gather [hbm4b:s4+s20], $0x80, s13, s20, $0xb8;
	[tilespmem:$0x1DC00] =	vst v63  }
0x1c7: {  	_ =	swait.ge [sflag:s7], $0xA00  }
0x1c8: {  	[sflag:s7] =	ssyncset.done $0x0  }
0x1c9: {  	[sflag:s7] =	ssyncadd.s32 $0xFFFFF600  }
0x1ca: {  	_ =	swait.ge [sflag:s7], $0xA00  }
0x1cb: {  	[sflag:s7] =	ssyncset.done $0x0  }
0x1cc: {  	[sflag:s7] =	ssyncadd.s32 $0xFFFFF600  }
0x1cd: {  	_ =	swait.ge [sflag:s29], $0x1900  }
0x1ce: {  	s14 =	sld [smem:$0x7FA]  }
0x1cf: {  	[sflag:s29] =	ssyncset.done $0x0  }
0x1d0: {  	[sflag:s29] =	ssyncadd.s32 $0xFFFFE700  }
0x1d1: {  	[spmem:s2] =	stream.indirect.scatter.add.f32 [tilespmem:s21], [sflag:$0x7], $0x80, s14, s20, $0xb8;
	[tilespmem:$0x1DC00] =	vst v63  }
0x1d2: {  	_ =	swait.ge [sflag:s16], $0x1900  }
0x1d3: {  	[sflag:s16] =	ssyncset.done $0x0  }
0x1d4: {  	[sflag:s16] =	ssyncadd.s32 $0xFFFFE700  }
0x1d5: {  	[tilespmem:s21], [sflag:$0x3] =	stream.indirect.gather [hbm4b:s4+s20], $0x80, s3, s20, $0xb8;
	[tilespmem:$0x1DC00] =	vst v63  }
0x1d6: {  	_ =	swait.ge [sflag:s30], $0x1900  }
0x1d7: {  	s11 =	sld [smem:$0x7FB]  }
0x1d8: {  	[sflag:s30] =	ssyncset.done $0x0  }
0x1d9: {  	[sflag:s30] =	ssyncadd.s32 $0xFFFFE700  }
0x1da: {  	[spmem:s2] =	stream.indirect.scatter.add.f32 [tilespmem:s23], [sflag:$0x7], $0x80, s11, s20, $0xb8;
	[tilespmem:$0x1DC00] =	vst v63  }
0x1db: {  	_ =	swait.ge [sflag:s16], $0x1900  }
0x1dc: {  	[sflag:s16] =	ssyncset.done $0x0  }
0x1dd: {  	[sflag:s16] =	ssyncadd.s32 $0xFFFFE700  }
0x1de: {  	[tilespmem:s23], [sflag:$0x4] =	stream.indirect.gather [hbm4b:s4+s20], $0x80, s22, s20, $0xb8;
	[tilespmem:$0x1DC00] =	vst v63  }
0x1df: {  	_ =	swait.ge [sflag:s31], $0x1900  }
0x1e0: {  	s12 =	sld [smem:$0x7FC]  }
0x1e1: {  	[sflag:s31] =	ssyncset.done $0x0  }
0x1e2: {  	[sflag:s31] =	ssyncadd.s32 $0xFFFFE700  }
0x1e3: {  	[spmem:s2] =	stream.indirect.scatter.add.f32 [tilespmem:s25], [sflag:$0x7], $0x80, s12, s20, $0xb8;
	[tilespmem:$0x1DC00] =	vst v63  }
0x1e4: {  	_ =	swait.ge [sflag:s16], $0x1900  }
0x1e5: {  	[sflag:s16] =	ssyncset.done $0x0  }
0x1e6: {  	[sflag:s16] =	ssyncadd.s32 $0xFFFFE700  }
0x1e7: {  	[tilespmem:s25], [sflag:$0x5] =	stream.indirect.gather [hbm4b:s4+s20], $0x80, s24, s20, $0xb8;
	[tilespmem:$0x1DC00] =	vst v63  }
0x1e8: {  	_ =	swait.ge [sflag:s1], $0x1900  }
0x1e9: {  	s13 =	sld [smem:$0x7FD]  }
0x1ea: {  	p0 =	por $0x1, $0x1;
	s10 =	simm.s32 $0x0;
	[sflag:s1] =	ssyncset.done $0x0  }
0x1eb: {  	s10 =	simm.s32 @!p0 $0x6;
	[sflag:s1] =	ssyncadd.s32 $0xFFFFE700  }
0x1ec: {  	[spmem:s2] =	stream.indirect.scatter.add.f32 [tilespmem:s28], [sflag:$0x7], $0x80, s13, s20, $0xb8;
	[tilespmem:$0x1DC00] =	vst v63  }
0x1ed: {  	s10 =	smul.u32 $0xC00, s10;
	_ =	swait.ge [sflag:s16], $0x1900  }
0x1ee: {  	[sflag:s16] =	ssyncset.done $0x0;
	s14 =	rddreg [dreg:$0x4]  }
0x1ef: {  	[sflag:s16] =	ssyncadd.s32 $0xFFFFE700;
	s10 =	sadd.s32 s10, s14  }
0x1f0: {  	[tilespmem:s28], [sflag:$0x6] =	stream.indirect.gather [hbm4b:s4+s20], $0x80, s26, s20, $0xb8;
	[tilespmem:$0x1DC00] =	vst v63  }
0x1f1: {  	s12 =	sshrl.u32 s10, $0x3  }
0x1f2: {  	s10 =	simm.s32 $0x2;
	s11 =	sadd.s32 s5, s12  }
.LBB2_2:
0x1f3: {  	[tilespmem:s18], [sflag:$0x2] =	stream.linear.gather [hbm4b:s11+s3], $0xA00, $0x38;
	[tilespmem:$0x1DC00] =	vst v63  }
0x1f4: {  	s12 =	sadd.s32 s6, s12  }
0x1f5: {  	[tilespmem:s19], [sflag:$0x2] =	stream.linear.gather [hbm4b:s12+s3], $0xA00, $0x38;
	[tilespmem:$0x1DC00] =	vst v63  }
0x1f6: {  	_ =	swait.ge [sflag:s29], $0x1900  }
0x1f7: {  	[sflag:s29] =	ssyncset.done $0x0  }
0x1f8: {  	[sflag:s29] =	ssyncadd.s32 $0xFFFFE700  }
0x1f9: {  	[spmem:s2] =	stream.indirect.scatter.add.f32 [tilespmem:s21], [sflag:$0x7], $0x80, s17, s20, $0xb8;
	[tilespmem:$0x1DC00] =	vst v63  }
0x1fa: {  	_ =	swait.ge [sflag:s16], $0x1900  }
0x1fb: {  	[sflag:s16] =	ssyncset.done $0x0  }
0x1fc: {  	s14 =	rddreg [dreg:$0x5];
	[sflag:s16] =	ssyncadd.s32 $0xFFFFE700  }
0x1fd: {  	[tilespmem:s21], [sflag:$0x3] =	stream.indirect.gather [hbm4b:s4+s20], $0x80, s14, s20, $0xb8;
	[tilespmem:$0x1DC00] =	vst v63  }
0x1fe: {  	_ =	swait.ge [sflag:s30], $0x1900  }
0x1ff: {  	[sflag:s30] =	ssyncset.done $0x0  }
0x200: {  	s13 =	rddreg [dreg:$0x6];
	[sflag:s30] =	ssyncadd.s32 $0xFFFFE700  }
0x201: {  	[spmem:s2] =	stream.indirect.scatter.add.f32 [tilespmem:s23], [sflag:$0x7], $0x80, s13, s20, $0xb8;
	[tilespmem:$0x1DC00] =	vst v63  }
0x202: {  	_ =	swait.ge [sflag:s16], $0x1900  }
0x203: {  	[sflag:s16] =	ssyncset.done $0x0  }
0x204: {  	s14 =	rddreg [dreg:$0x7];
	[sflag:s16] =	ssyncadd.s32 $0xFFFFE700  }
0x205: {  	[tilespmem:s23], [sflag:$0x4] =	stream.indirect.gather [hbm4b:s4+s20], $0x80, s14, s20, $0xb8;
	[tilespmem:$0x1DC00] =	vst v63  }
0x206: {  	_ =	swait.ge [sflag:s31], $0x1900  }
0x207: {  	[sflag:s31] =	ssyncset.done $0x0  }
0x208: {  	s13 =	rddreg [dreg:$0x8];
	[sflag:s31] =	ssyncadd.s32 $0xFFFFE700  }
0x209: {  	[spmem:s2] =	stream.indirect.scatter.add.f32 [tilespmem:s25], [sflag:$0x7], $0x80, s13, s20, $0xb8;
	[tilespmem:$0x1DC00] =	vst v63  }
0x20a: {  	_ =	swait.ge [sflag:s16], $0x1900  }
0x20b: {  	[sflag:s16] =	ssyncset.done $0x0  }
0x20c: {  	s14 =	rddreg [dreg:$0x9];
	[sflag:s16] =	ssyncadd.s32 $0xFFFFE700  }
0x20d: {  	[tilespmem:s25], [sflag:$0x5] =	stream.indirect.gather [hbm4b:s4+s20], $0x80, s14, s20, $0xb8;
	[tilespmem:$0x1DC00] =	vst v63  }
0x20e: {  	_ =	swait.ge [sflag:s1], $0x1900  }
0x20f: {  	[sflag:s1] =	ssyncset.done $0x0  }
0x210: {  	s13 =	rddreg [dreg:$0xa];
	[sflag:s1] =	ssyncadd.s32 $0xFFFFE700  }
0x211: {  	[spmem:s2] =	stream.indirect.scatter.add.f32 [tilespmem:s28], [sflag:$0x7], $0x80, s13, s20, $0xb8;
	[tilespmem:$0x1DC00] =	vst v63  }
0x212: {  	_ =	swait.ge [sflag:s16], $0x1900  }
0x213: {  	[sflag:s16] =	ssyncset.done $0x0  }
0x214: {  	s14 =	rddreg [dreg:$0xb];
	[sflag:s16] =	ssyncadd.s32 $0xFFFFE700  }
0x215: {  	[tilespmem:s28], [sflag:$0x6] =	stream.indirect.gather [hbm4b:s4+s20], $0x80, s14, s20, $0xb8;
	[tilespmem:$0x1DC00] =	vst v63  }
0x216: {  	_ =	swait.ge [sflag:s29], $0x1900  }
0x217: {  	[sflag:s29] =	ssyncset.done $0x0  }
0x218: {  	s13 =	rddreg [dreg:$0xc];
	[sflag:s29] =	ssyncadd.s32 $0xFFFFE700  }
0x219: {  	[spmem:s2] =	stream.indirect.scatter.add.f32 [tilespmem:s21], [sflag:$0x7], $0x80, s13, s20, $0xb8;
	[tilespmem:$0x1DC00] =	vst v63  }
0x21a: {  	_ =	swait.ge [sflag:s16], $0x1900  }
0x21b: {  	[sflag:s16] =	ssyncset.done $0x0  }
0x21c: {  	s14 =	rddreg [dreg:$0xd];
	[sflag:s16] =	ssyncadd.s32 $0xFFFFE700  }
0x21d: {  	[tilespmem:s21], [sflag:$0x3] =	stream.indirect.gather [hbm4b:s4+s20], $0x80, s14, s20, $0xb8;
	[tilespmem:$0x1DC00] =	vst v63  }
0x21e: {  	_ =	swait.ge [sflag:s30], $0x1900  }
0x21f: {  	[sflag:s30] =	ssyncset.done $0x0  }
0x220: {  	s13 =	rddreg [dreg:$0xe];
	[sflag:s30] =	ssyncadd.s32 $0xFFFFE700  }
0x221: {  	[spmem:s2] =	stream.indirect.scatter.add.f32 [tilespmem:s23], [sflag:$0x7], $0x80, s13, s20, $0xb8;
	[tilespmem:$0x1DC00] =	vst v63  }
0x222: {  	_ =	swait.ge [sflag:s16], $0x1900  }
0x223: {  	[sflag:s16] =	ssyncset.done $0x0  }
0x224: {  	s14 =	rddreg [dreg:$0xf];
	[sflag:s16] =	ssyncadd.s32 $0xFFFFE700  }
0x225: {  	[tilespmem:s23], [sflag:$0x4] =	stream.indirect.gather [hbm4b:s4+s20], $0x80, s14, s20, $0xb8;
	[tilespmem:$0x1DC00] =	vst v63  }
0x226: {  	_ =	swait.ge [sflag:s31], $0x1900  }
0x227: {  	[sflag:s31] =	ssyncset.done $0x0  }
0x228: {  	s13 =	rddreg [dreg:$0x10];
	[sflag:s31] =	ssyncadd.s32 $0xFFFFE700  }
0x229: {  	[spmem:s2] =	stream.indirect.scatter.add.f32 [tilespmem:s25], [sflag:$0x7], $0x80, s13, s20, $0xb8;
	[tilespmem:$0x1DC00] =	vst v63  }
0x22a: {  	_ =	swait.ge [sflag:s16], $0x1900  }
0x22b: {  	[sflag:s16] =	ssyncset.done $0x0  }
0x22c: {  	s14 =	rddreg [dreg:$0x11];
	[sflag:s16] =	ssyncadd.s32 $0xFFFFE700  }
0x22d: {  	[tilespmem:s25], [sflag:$0x5] =	stream.indirect.gather [hbm4b:s4+s20], $0x80, s14, s20, $0xb8;
	[tilespmem:$0x1DC00] =	vst v63  }
0x22e: {  	_ =	swait.ge [sflag:s1], $0x1900  }
0x22f: {  	[sflag:s1] =	ssyncset.done $0x0  }
0x230: {  	s13 =	rddreg [dreg:$0x12];
	[sflag:s1] =	ssyncadd.s32 $0xFFFFE700  }
0x231: {  	[spmem:s2] =	stream.indirect.scatter.add.f32 [tilespmem:s28], [sflag:$0x7], $0x80, s13, s20, $0xb8;
	[tilespmem:$0x1DC00] =	vst v63  }
0x232: {  	_ =	swait.ge [sflag:s16], $0x1900  }
0x233: {  	[sflag:s16] =	ssyncset.done $0x0  }
0x234: {  	s14 =	rddreg [dreg:$0x13];
	[sflag:s16] =	ssyncadd.s32 $0xFFFFE700  }
0x235: {  	[tilespmem:s28], [sflag:$0x6] =	stream.indirect.gather [hbm4b:s4+s20], $0x80, s14, s20, $0xb8;
	[tilespmem:$0x1DC00] =	vst v63  }
0x236: {  	_ =	swait.ge [sflag:s29], $0x1900  }
0x237: {  	[sflag:s29] =	ssyncset.done $0x0  }
0x238: {  	s13 =	rddreg [dreg:$0x14];
	[sflag:s29] =	ssyncadd.s32 $0xFFFFE700  }
0x239: {  	[spmem:s2] =	stream.indirect.scatter.add.f32 [tilespmem:s21], [sflag:$0x7], $0x80, s13, s20, $0xb8;
	[tilespmem:$0x1DC00] =	vst v63  }
0x23a: {  	_ =	swait.ge [sflag:s16], $0x1900  }
0x23b: {  	[sflag:s16] =	ssyncset.done $0x0  }
0x23c: {  	s14 =	rddreg [dreg:$0x15];
	[sflag:s16] =	ssyncadd.s32 $0xFFFFE700  }
0x23d: {  	[tilespmem:s21], [sflag:$0x3] =	stream.indirect.gather [hbm4b:s4+s20], $0x80, s14, s20, $0xb8;
	[tilespmem:$0x1DC00] =	vst v63  }
0x23e: {  	_ =	swait.ge [sflag:s30], $0x1900  }
0x23f: {  	[sflag:s30] =	ssyncset.done $0x0  }
0x240: {  	s13 =	rddreg [dreg:$0x16];
	[sflag:s30] =	ssyncadd.s32 $0xFFFFE700  }
0x241: {  	[spmem:s2] =	stream.indirect.scatter.add.f32 [tilespmem:s23], [sflag:$0x7], $0x80, s13, s20, $0xb8;
	[tilespmem:$0x1DC00] =	vst v63  }
0x242: {  	_ =	swait.ge [sflag:s16], $0x1900  }
0x243: {  	[sflag:s16] =	ssyncset.done $0x0  }
0x244: {  	s14 =	rddreg [dreg:$0x17];
	[sflag:s16] =	ssyncadd.s32 $0xFFFFE700  }
0x245: {  	[tilespmem:s23], [sflag:$0x4] =	stream.indirect.gather [hbm4b:s4+s20], $0x80, s14, s20, $0xb8;
	[tilespmem:$0x1DC00] =	vst v63  }
0x246: {  	_ =	swait.ge [sflag:s31], $0x1900  }
0x247: {  	[sflag:s31] =	ssyncset.done $0x0  }
0x248: {  	s13 =	rddreg [dreg:$0x18];
	[sflag:s31] =	ssyncadd.s32 $0xFFFFE700  }
0x249: {  	[spmem:s2] =	stream.indirect.scatter.add.f32 [tilespmem:s25], [sflag:$0x7], $0x80, s13, s20, $0xb8;
	[tilespmem:$0x1DC00] =	vst v63  }
0x24a: {  	_ =	swait.ge [sflag:s16], $0x1900  }
0x24b: {  	[sflag:s16] =	ssyncset.done $0x0  }
0x24c: {  	s14 =	rddreg [dreg:$0x19];
	[sflag:s16] =	ssyncadd.s32 $0xFFFFE700  }
0x24d: {  	[tilespmem:s25], [sflag:$0x5] =	stream.indirect.gather [hbm4b:s4+s20], $0x80, s14, s20, $0xb8;
	[tilespmem:$0x1DC00] =	vst v63  }
0x24e: {  	_ =	swait.ge [sflag:s1], $0x1900  }
0x24f: {  	[sflag:s1] =	ssyncset.done $0x0  }
0x250: {  	s13 =	rddreg [dreg:$0x1a];
	[sflag:s1] =	ssyncadd.s32 $0xFFFFE700  }
0x251: {  	[spmem:s2] =	stream.indirect.scatter.add.f32 [tilespmem:s28], [sflag:$0x7], $0x80, s13, s20, $0xb8;
	[tilespmem:$0x1DC00] =	vst v63  }
0x252: {  	_ =	swait.ge [sflag:s16], $0x1900  }
0x253: {  	[sflag:s16] =	ssyncset.done $0x0  }
0x254: {  	s14 =	rddreg [dreg:$0x1b];
	[sflag:s16] =	ssyncadd.s32 $0xFFFFE700  }
0x255: {  	[tilespmem:s28], [sflag:$0x6] =	stream.indirect.gather [hbm4b:s4+s20], $0x80, s14, s20, $0xb8;
	[tilespmem:$0x1DC00] =	vst v63  }
0x256: {  	_ =	swait.ge [sflag:s29], $0x1900  }
0x257: {  	[sflag:s29] =	ssyncset.done $0x0  }
0x258: {  	s13 =	rddreg [dreg:$0x1c];
	[sflag:s29] =	ssyncadd.s32 $0xFFFFE700  }
0x259: {  	[spmem:s2] =	stream.indirect.scatter.add.f32 [tilespmem:s21], [sflag:$0x7], $0x80, s13, s20, $0xb8;
	[tilespmem:$0x1DC00] =	vst v63  }
0x25a: {  	_ =	swait.ge [sflag:s16], $0x1900  }
0x25b: {  	[sflag:s16] =	ssyncset.done $0x0  }
0x25c: {  	s14 =	rddreg [dreg:$0x1d];
	[sflag:s16] =	ssyncadd.s32 $0xFFFFE700  }
0x25d: {  	[tilespmem:s21], [sflag:$0x3] =	stream.indirect.gather [hbm4b:s4+s20], $0x80, s14, s20, $0xb8;
	[tilespmem:$0x1DC00] =	vst v63  }
0x25e: {  	_ =	swait.ge [sflag:s30], $0x1900  }
0x25f: {  	[sflag:s30] =	ssyncset.done $0x0  }
0x260: {  	s13 =	rddreg [dreg:$0x1e];
	[sflag:s30] =	ssyncadd.s32 $0xFFFFE700  }
0x261: {  	[spmem:s2] =	stream.indirect.scatter.add.f32 [tilespmem:s23], [sflag:$0x7], $0x80, s13, s20, $0xb8;
	[tilespmem:$0x1DC00] =	vst v63  }
0x262: {  	_ =	swait.ge [sflag:s16], $0x1900  }
0x263: {  	[sflag:s16] =	ssyncset.done $0x0  }
0x264: {  	s14 =	rddreg [dreg:$0x1f];
	[sflag:s16] =	ssyncadd.s32 $0xFFFFE700  }
0x265: {  	[tilespmem:s23], [sflag:$0x4] =	stream.indirect.gather [hbm4b:s4+s20], $0x80, s14, s20, $0xb8;
	[tilespmem:$0x1DC00] =	vst v63  }
0x266: {  	_ =	swait.ge [sflag:s31], $0x1900  }
0x267: {  	s13 =	sld [smem:$0x7C9]  }
0x268: {  	[sflag:s31] =	ssyncset.done $0x0  }
0x269: {  	[sflag:s31] =	ssyncadd.s32 $0xFFFFE700  }
0x26a: {  	[spmem:s2] =	stream.indirect.scatter.add.f32 [tilespmem:s25], [sflag:$0x7], $0x80, s13, s20, $0xb8;
	[tilespmem:$0x1DC00] =	vst v63  }
0x26b: {  	_ =	swait.ge [sflag:s16], $0x1900  }
0x26c: {  	s14 =	sld [smem:$0x7CA]  }
0x26d: {  	[sflag:s16] =	ssyncset.done $0x0  }
0x26e: {  	[sflag:s16] =	ssyncadd.s32 $0xFFFFE700  }
0x26f: {  	[tilespmem:s25], [sflag:$0x5] =	stream.indirect.gather [hbm4b:s4+s20], $0x80, s14, s20, $0xb8;
	[tilespmem:$0x1DC00] =	vst v63  }
0x270: {  	_ =	swait.ge [sflag:s1], $0x1900  }
0x271: {  	s13 =	sld [smem:$0x7CB]  }
0x272: {  	[sflag:s1] =	ssyncset.done $0x0  }
0x273: {  	[sflag:s1] =	ssyncadd.s32 $0xFFFFE700  }
0x274: {  	[spmem:s2] =	stream.indirect.scatter.add.f32 [tilespmem:s28], [sflag:$0x7], $0x80, s13, s20, $0xb8;
	[tilespmem:$0x1DC00] =	vst v63  }
0x275: {  	_ =	swait.ge [sflag:s16], $0x1900  }
0x276: {  	s14 =	sld [smem:$0x7CC]  }
0x277: {  	[sflag:s16] =	ssyncset.done $0x0  }
0x278: {  	[sflag:s16] =	ssyncadd.s32 $0xFFFFE700  }
0x279: {  	[tilespmem:s28], [sflag:$0x6] =	stream.indirect.gather [hbm4b:s4+s20], $0x80, s14, s20, $0xb8;
	[tilespmem:$0x1DC00] =	vst v63  }
0x27a: {  	_ =	swait.ge [sflag:s0], $0xA00  }
0x27b: {  	[sflag:s0] =	ssyncset.done $0x0  }
0x27c: {  	[sflag:s0] =	ssyncadd.s32 $0xFFFFF600  }
0x27d: {  	_ =	swait.ge [sflag:s0], $0xA00  }
0x27e: {  	[sflag:s0] =	ssyncset.done $0x0  }
0x27f: {  	[sflag:s0] =	ssyncadd.s32 $0xFFFFF600  }
0x280: {  	_ =	swait.ge [sflag:s29], $0x1900  }
0x281: {  	s13 =	sld [smem:$0x7CD]  }
0x282: {  	[sflag:s29] =	ssyncset.done $0x0  }
0x283: {  	[sflag:s29] =	ssyncadd.s32 $0xFFFFE700  }
0x284: {  	[spmem:s2] =	stream.indirect.scatter.add.f32 [tilespmem:s21], [sflag:$0x7], $0x80, s13, s20, $0xb8;
	[tilespmem:$0x1DC00] =	vst v63  }
0x285: {  	_ =	swait.ge [sflag:s16], $0x1900  }
0x286: {  	[sflag:s16] =	ssyncset.done $0x0  }
0x287: {  	[sflag:s16] =	ssyncadd.s32 $0xFFFFE700  }
0x288: {  	[tilespmem:s21], [sflag:$0x3] =	stream.indirect.gather [hbm4b:s4+s20], $0x80, s18, s20, $0xb8;
	[tilespmem:$0x1DC00] =	vst v63  }
0x289: {  	_ =	swait.ge [sflag:s30], $0x1900  }
0x28a: {  	s14 =	sld [smem:$0x7CE]  }
0x28b: {  	[sflag:s30] =	ssyncset.done $0x0  }
0x28c: {  	[sflag:s30] =	ssyncadd.s32 $0xFFFFE700  }
0x28d: {  	[spmem:s2] =	stream.indirect.scatter.add.f32 [tilespmem:s23], [sflag:$0x7], $0x80, s14, s20, $0xb8;
	[tilespmem:$0x1DC00] =	vst v63  }
0x28e: {  	_ =	swait.ge [sflag:s16], $0x1900  }
0x28f: {  	s13 =	sld [smem:$0x7CF]  }
0x290: {  	[sflag:s16] =	ssyncset.done $0x0  }
0x291: {  	[sflag:s16] =	ssyncadd.s32 $0xFFFFE700  }
0x292: {  	[tilespmem:s23], [sflag:$0x4] =	stream.indirect.gather [hbm4b:s4+s20], $0x80, s13, s20, $0xb8;
	[tilespmem:$0x1DC00] =	vst v63  }
0x293: {  	_ =	swait.ge [sflag:s31], $0x1900  }
0x294: {  	s14 =	sld [smem:$0x7D0]  }
0x295: {  	[sflag:s31] =	ssyncset.done $0x0  }
0x296: {  	[sflag:s31] =	ssyncadd.s32 $0xFFFFE700  }
0x297: {  	[spmem:s2] =	stream.indirect.scatter.add.f32 [tilespmem:s25], [sflag:$0x7], $0x80, s14, s20, $0xb8;
	[tilespmem:$0x1DC00] =	vst v63  }
0x298: {  	_ =	swait.ge [sflag:s16], $0x1900  }
0x299: {  	s13 =	sld [smem:$0x7D1]  }
0x29a: {  	[sflag:s16] =	ssyncset.done $0x0  }
0x29b: {  	[sflag:s16] =	ssyncadd.s32 $0xFFFFE700  }
0x29c: {  	[tilespmem:s25], [sflag:$0x5] =	stream.indirect.gather [hbm4b:s4+s20], $0x80, s13, s20, $0xb8;
	[tilespmem:$0x1DC00] =	vst v63  }
0x29d: {  	_ =	swait.ge [sflag:s1], $0x1900  }
0x29e: {  	s14 =	sld [smem:$0x7D2]  }
0x29f: {  	s11 =	smov.u32 s10;
	[sflag:s1] =	ssyncset.done $0x0  }
0x2a0: {  	p1 =	slt.s32 s11, $0x7;
	s12 =	smov.u32 s11;
	[sflag:s1] =	ssyncadd.s32 $0xFFFFE700  }
0x2a1: {  	[spmem:s2] =	stream.indirect.scatter.add.f32 [tilespmem:s28], [sflag:$0x7], $0x80, s14, s20, $0xb8;
	[tilespmem:$0x1DC00] =	vst v63  }
0x2a2: {  	s12 =	simm.s32 @!p1 $0x7;
	_ =	swait.ge [sflag:s16], $0x1900  }
0x2a3: {  	s12 =	smul.u32 $0xC00, s12;
	s13 =	rddreg [dreg:$0x3]  }
0x2a4: {  	s14 =	sld [smem:$0x7D3]  }
0x2a5: {  	[sflag:s16] =	ssyncset.done $0x0;
	s12 =	sadd.s32 s12, s13  }
0x2a6: {  	[sflag:s16] =	ssyncadd.s32 $0xFFFFE700;
	s12 =	sshrl.u32 s12, $0x3  }
0x2a7: {  	[tilespmem:s28], [sflag:$0x6] =	stream.indirect.gather [hbm4b:s4+s20], $0x80, s14, s20, $0xb8;
	[tilespmem:$0x1DC00] =	vst v63  }
0x2a8: {  	s13 =	sadd.s32 s5, s12  }
0x2a9: {  	[tilespmem:s3], [sflag:$0x1] =	stream.linear.gather [hbm4b:s13+s3], $0xA00, $0x38;
	[tilespmem:$0x1DC00] =	vst v63  }
0x2aa: {  	s12 =	sadd.s32 s6, s12  }
0x2ab: {  	[tilespmem:s17], [sflag:$0x1] =	stream.linear.gather [hbm4b:s12+s3], $0xA00, $0x38;
	[tilespmem:$0x1DC00] =	vst v63  }
0x2ac: {  	_ =	swait.ge [sflag:s29], $0x1900  }
0x2ad: {  	[sflag:s29] =	ssyncset.done $0x0  }
0x2ae: {  	[sflag:s29] =	ssyncadd.s32 $0xFFFFE700  }
0x2af: {  	[spmem:s2] =	stream.indirect.scatter.add.f32 [tilespmem:s21], [sflag:$0x7], $0x80, s19, s20, $0xb8;
	[tilespmem:$0x1DC00] =	vst v63  }
0x2b0: {  	_ =	swait.ge [sflag:s16], $0x1900  }
0x2b1: {  	s13 =	sld [smem:$0x7D4]  }
0x2b2: {  	[sflag:s16] =	ssyncset.done $0x0  }
0x2b3: {  	[sflag:s16] =	ssyncadd.s32 $0xFFFFE700  }
0x2b4: {  	[tilespmem:s21], [sflag:$0x3] =	stream.indirect.gather [hbm4b:s4+s20], $0x80, s13, s20, $0xb8;
	[tilespmem:$0x1DC00] =	vst v63  }
0x2b5: {  	_ =	swait.ge [sflag:s30], $0x1900  }
0x2b6: {  	s14 =	sld [smem:$0x7D5]  }
0x2b7: {  	[sflag:s30] =	ssyncset.done $0x0  }
0x2b8: {  	[sflag:s30] =	ssyncadd.s32 $0xFFFFE700  }
0x2b9: {  	[spmem:s2] =	stream.indirect.scatter.add.f32 [tilespmem:s23], [sflag:$0x7], $0x80, s14, s20, $0xb8;
	[tilespmem:$0x1DC00] =	vst v63  }
0x2ba: {  	_ =	swait.ge [sflag:s16], $0x1900  }
0x2bb: {  	s13 =	sld [smem:$0x7D6]  }
0x2bc: {  	[sflag:s16] =	ssyncset.done $0x0  }
0x2bd: {  	[sflag:s16] =	ssyncadd.s32 $0xFFFFE700  }
0x2be: {  	[tilespmem:s23], [sflag:$0x4] =	stream.indirect.gather [hbm4b:s4+s20], $0x80, s13, s20, $0xb8;
	[tilespmem:$0x1DC00] =	vst v63  }
0x2bf: {  	_ =	swait.ge [sflag:s31], $0x1900  }
0x2c0: {  	s14 =	sld [smem:$0x7D7]  }
0x2c1: {  	[sflag:s31] =	ssyncset.done $0x0  }
0x2c2: {  	[sflag:s31] =	ssyncadd.s32 $0xFFFFE700  }
0x2c3: {  	[spmem:s2] =	stream.indirect.scatter.add.f32 [tilespmem:s25], [sflag:$0x7], $0x80, s14, s20, $0xb8;
	[tilespmem:$0x1DC00] =	vst v63  }
0x2c4: {  	_ =	swait.ge [sflag:s16], $0x1900  }
0x2c5: {  	s13 =	sld [smem:$0x7D8]  }
0x2c6: {  	[sflag:s16] =	ssyncset.done $0x0  }
0x2c7: {  	[sflag:s16] =	ssyncadd.s32 $0xFFFFE700  }
0x2c8: {  	[tilespmem:s25], [sflag:$0x5] =	stream.indirect.gather [hbm4b:s4+s20], $0x80, s13, s20, $0xb8;
	[tilespmem:$0x1DC00] =	vst v63  }
0x2c9: {  	_ =	swait.ge [sflag:s1], $0x1900  }
0x2ca: {  	s14 =	sld [smem:$0x7DA]  }
0x2cb: {  	[sflag:s1] =	ssyncset.done $0x0  }
0x2cc: {  	[sflag:s1] =	ssyncadd.s32 $0xFFFFE700  }
0x2cd: {  	[spmem:s2] =	stream.indirect.scatter.add.f32 [tilespmem:s28], [sflag:$0x7], $0x80, s14, s20, $0xb8;
	[tilespmem:$0x1DC00] =	vst v63  }
0x2ce: {  	_ =	swait.ge [sflag:s16], $0x1900  }
0x2cf: {  	s13 =	sld [smem:$0x7DB]  }
0x2d0: {  	[sflag:s16] =	ssyncset.done $0x0  }
0x2d1: {  	[sflag:s16] =	ssyncadd.s32 $0xFFFFE700  }
0x2d2: {  	[tilespmem:s28], [sflag:$0x6] =	stream.indirect.gather [hbm4b:s4+s20], $0x80, s13, s20, $0xb8;
	[tilespmem:$0x1DC00] =	vst v63  }
0x2d3: {  	_ =	swait.ge [sflag:s29], $0x1900  }
0x2d4: {  	s14 =	sld [smem:$0x7DC]  }
0x2d5: {  	[sflag:s29] =	ssyncset.done $0x0  }
0x2d6: {  	[sflag:s29] =	ssyncadd.s32 $0xFFFFE700  }
0x2d7: {  	[spmem:s2] =	stream.indirect.scatter.add.f32 [tilespmem:s21], [sflag:$0x7], $0x80, s14, s20, $0xb8;
	[tilespmem:$0x1DC00] =	vst v63  }
0x2d8: {  	_ =	swait.ge [sflag:s16], $0x1900  }
0x2d9: {  	s13 =	sld [smem:$0x7DD]  }
0x2da: {  	[sflag:s16] =	ssyncset.done $0x0  }
0x2db: {  	[sflag:s16] =	ssyncadd.s32 $0xFFFFE700  }
0x2dc: {  	[tilespmem:s21], [sflag:$0x3] =	stream.indirect.gather [hbm4b:s4+s20], $0x80, s13, s20, $0xb8;
	[tilespmem:$0x1DC00] =	vst v63  }
0x2dd: {  	_ =	swait.ge [sflag:s30], $0x1900  }
0x2de: {  	s14 =	sld [smem:$0x7DE]  }
0x2df: {  	[sflag:s30] =	ssyncset.done $0x0  }
0x2e0: {  	[sflag:s30] =	ssyncadd.s32 $0xFFFFE700  }
0x2e1: {  	[spmem:s2] =	stream.indirect.scatter.add.f32 [tilespmem:s23], [sflag:$0x7], $0x80, s14, s20, $0xb8;
	[tilespmem:$0x1DC00] =	vst v63  }
0x2e2: {  	_ =	swait.ge [sflag:s16], $0x1900  }
0x2e3: {  	s13 =	sld [smem:$0x7DF]  }
0x2e4: {  	[sflag:s16] =	ssyncset.done $0x0  }
0x2e5: {  	[sflag:s16] =	ssyncadd.s32 $0xFFFFE700  }
0x2e6: {  	[tilespmem:s23], [sflag:$0x4] =	stream.indirect.gather [hbm4b:s4+s20], $0x80, s13, s20, $0xb8;
	[tilespmem:$0x1DC00] =	vst v63  }
0x2e7: {  	_ =	swait.ge [sflag:s31], $0x1900  }
0x2e8: {  	s14 =	sld [smem:$0x7E0]  }
0x2e9: {  	[sflag:s31] =	ssyncset.done $0x0  }
0x2ea: {  	[sflag:s31] =	ssyncadd.s32 $0xFFFFE700  }
0x2eb: {  	[spmem:s2] =	stream.indirect.scatter.add.f32 [tilespmem:s25], [sflag:$0x7], $0x80, s14, s20, $0xb8;
	[tilespmem:$0x1DC00] =	vst v63  }
0x2ec: {  	_ =	swait.ge [sflag:s16], $0x1900  }
0x2ed: {  	s13 =	sld [smem:$0x7E1]  }
0x2ee: {  	[sflag:s16] =	ssyncset.done $0x0  }
0x2ef: {  	[sflag:s16] =	ssyncadd.s32 $0xFFFFE700  }
0x2f0: {  	[tilespmem:s25], [sflag:$0x5] =	stream.indirect.gather [hbm4b:s4+s20], $0x80, s13, s20, $0xb8;
	[tilespmem:$0x1DC00] =	vst v63  }
0x2f1: {  	_ =	swait.ge [sflag:s1], $0x1900  }
0x2f2: {  	s14 =	sld [smem:$0x7E2]  }
0x2f3: {  	[sflag:s1] =	ssyncset.done $0x0  }
0x2f4: {  	[sflag:s1] =	ssyncadd.s32 $0xFFFFE700  }
0x2f5: {  	[spmem:s2] =	stream.indirect.scatter.add.f32 [tilespmem:s28], [sflag:$0x7], $0x80, s14, s20, $0xb8;
	[tilespmem:$0x1DC00] =	vst v63  }
0x2f6: {  	_ =	swait.ge [sflag:s16], $0x1900  }
0x2f7: {  	s13 =	sld [smem:$0x7E3]  }
0x2f8: {  	[sflag:s16] =	ssyncset.done $0x0  }
0x2f9: {  	[sflag:s16] =	ssyncadd.s32 $0xFFFFE700  }
0x2fa: {  	[tilespmem:s28], [sflag:$0x6] =	stream.indirect.gather [hbm4b:s4+s20], $0x80, s13, s20, $0xb8;
	[tilespmem:$0x1DC00] =	vst v63  }
0x2fb: {  	_ =	swait.ge [sflag:s29], $0x1900  }
0x2fc: {  	s14 =	sld [smem:$0x7E4]  }
0x2fd: {  	[sflag:s29] =	ssyncset.done $0x0  }
0x2fe: {  	[sflag:s29] =	ssyncadd.s32 $0xFFFFE700  }
0x2ff: {  	[spmem:s2] =	stream.indirect.scatter.add.f32 [tilespmem:s21], [sflag:$0x7], $0x80, s14, s20, $0xb8;
	[tilespmem:$0x1DC00] =	vst v63  }
0x300: {  	_ =	swait.ge [sflag:s16], $0x1900  }
0x301: {  	s13 =	sld [smem:$0x7E5]  }
0x302: {  	[sflag:s16] =	ssyncset.done $0x0  }
0x303: {  	[sflag:s16] =	ssyncadd.s32 $0xFFFFE700  }
0x304: {  	[tilespmem:s21], [sflag:$0x3] =	stream.indirect.gather [hbm4b:s4+s20], $0x80, s13, s20, $0xb8;
	[tilespmem:$0x1DC00] =	vst v63  }
0x305: {  	_ =	swait.ge [sflag:s30], $0x1900  }
0x306: {  	s14 =	sld [smem:$0x7E6]  }
0x307: {  	[sflag:s30] =	ssyncset.done $0x0  }
0x308: {  	[sflag:s30] =	ssyncadd.s32 $0xFFFFE700  }
0x309: {  	[spmem:s2] =	stream.indirect.scatter.add.f32 [tilespmem:s23], [sflag:$0x7], $0x80, s14, s20, $0xb8;
	[tilespmem:$0x1DC00] =	vst v63  }
0x30a: {  	_ =	swait.ge [sflag:s16], $0x1900  }
0x30b: {  	s13 =	sld [smem:$0x7E8]  }
0x30c: {  	[sflag:s16] =	ssyncset.done $0x0  }
0x30d: {  	[sflag:s16] =	ssyncadd.s32 $0xFFFFE700  }
0x30e: {  	[tilespmem:s23], [sflag:$0x4] =	stream.indirect.gather [hbm4b:s4+s20], $0x80, s13, s20, $0xb8;
	[tilespmem:$0x1DC00] =	vst v63  }
0x30f: {  	_ =	swait.ge [sflag:s31], $0x1900  }
0x310: {  	s14 =	sld [smem:$0x7EA]  }
0x311: {  	[sflag:s31] =	ssyncset.done $0x0  }
0x312: {  	[sflag:s31] =	ssyncadd.s32 $0xFFFFE700  }
0x313: {  	[spmem:s2] =	stream.indirect.scatter.add.f32 [tilespmem:s25], [sflag:$0x7], $0x80, s14, s20, $0xb8;
	[tilespmem:$0x1DC00] =	vst v63  }
0x314: {  	_ =	swait.ge [sflag:s16], $0x1900  }
0x315: {  	s13 =	sld [smem:$0x7EB]  }
0x316: {  	[sflag:s16] =	ssyncset.done $0x0  }
0x317: {  	[sflag:s16] =	ssyncadd.s32 $0xFFFFE700  }
0x318: {  	[tilespmem:s25], [sflag:$0x5] =	stream.indirect.gather [hbm4b:s4+s20], $0x80, s13, s20, $0xb8;
	[tilespmem:$0x1DC00] =	vst v63  }
0x319: {  	_ =	swait.ge [sflag:s1], $0x1900  }
0x31a: {  	s14 =	sld [smem:$0x7ED]  }
0x31b: {  	[sflag:s1] =	ssyncset.done $0x0  }
0x31c: {  	[sflag:s1] =	ssyncadd.s32 $0xFFFFE700  }
0x31d: {  	[spmem:s2] =	stream.indirect.scatter.add.f32 [tilespmem:s28], [sflag:$0x7], $0x80, s14, s20, $0xb8;
	[tilespmem:$0x1DC00] =	vst v63  }
0x31e: {  	_ =	swait.ge [sflag:s16], $0x1900  }
0x31f: {  	s13 =	sld [smem:$0x7EF]  }
0x320: {  	[sflag:s16] =	ssyncset.done $0x0  }
0x321: {  	[sflag:s16] =	ssyncadd.s32 $0xFFFFE700  }
0x322: {  	[tilespmem:s28], [sflag:$0x6] =	stream.indirect.gather [hbm4b:s4+s20], $0x80, s13, s20, $0xb8;
	[tilespmem:$0x1DC00] =	vst v63  }
0x323: {  	_ =	swait.ge [sflag:s29], $0x1900  }
0x324: {  	s14 =	sld [smem:$0x7F1]  }
0x325: {  	[sflag:s29] =	ssyncset.done $0x0  }
0x326: {  	[sflag:s29] =	ssyncadd.s32 $0xFFFFE700  }
0x327: {  	[spmem:s2] =	stream.indirect.scatter.add.f32 [tilespmem:s21], [sflag:$0x7], $0x80, s14, s20, $0xb8;
	[tilespmem:$0x1DC00] =	vst v63  }
0x328: {  	_ =	swait.ge [sflag:s16], $0x1900  }
0x329: {  	s13 =	sld [smem:$0x7F3]  }
0x32a: {  	[sflag:s16] =	ssyncset.done $0x0  }
0x32b: {  	[sflag:s16] =	ssyncadd.s32 $0xFFFFE700  }
0x32c: {  	[tilespmem:s21], [sflag:$0x3] =	stream.indirect.gather [hbm4b:s4+s20], $0x80, s13, s20, $0xb8;
	[tilespmem:$0x1DC00] =	vst v63  }
0x32d: {  	_ =	swait.ge [sflag:s30], $0x1900  }
0x32e: {  	s14 =	sld [smem:$0x7F4]  }
0x32f: {  	[sflag:s30] =	ssyncset.done $0x0  }
0x330: {  	[sflag:s30] =	ssyncadd.s32 $0xFFFFE700  }
0x331: {  	[spmem:s2] =	stream.indirect.scatter.add.f32 [tilespmem:s23], [sflag:$0x7], $0x80, s14, s20, $0xb8;
	[tilespmem:$0x1DC00] =	vst v63  }
0x332: {  	_ =	swait.ge [sflag:s16], $0x1900  }
0x333: {  	s13 =	sld [smem:$0x7F5]  }
0x334: {  	[sflag:s16] =	ssyncset.done $0x0  }
0x335: {  	[sflag:s16] =	ssyncadd.s32 $0xFFFFE700  }
0x336: {  	[tilespmem:s23], [sflag:$0x4] =	stream.indirect.gather [hbm4b:s4+s20], $0x80, s13, s20, $0xb8;
	[tilespmem:$0x1DC00] =	vst v63  }
0x337: {  	_ =	swait.ge [sflag:s31], $0x1900  }
0x338: {  	s14 =	sld [smem:$0x7F6]  }
0x339: {  	[sflag:s31] =	ssyncset.done $0x0  }
0x33a: {  	[sflag:s31] =	ssyncadd.s32 $0xFFFFE700  }
0x33b: {  	[spmem:s2] =	stream.indirect.scatter.add.f32 [tilespmem:s25], [sflag:$0x7], $0x80, s14, s20, $0xb8;
	[tilespmem:$0x1DC00] =	vst v63  }
0x33c: {  	_ =	swait.ge [sflag:s16], $0x1900  }
0x33d: {  	s13 =	sld [smem:$0x7F7]  }
0x33e: {  	[sflag:s16] =	ssyncset.done $0x0  }
0x33f: {  	[sflag:s16] =	ssyncadd.s32 $0xFFFFE700  }
0x340: {  	[tilespmem:s25], [sflag:$0x5] =	stream.indirect.gather [hbm4b:s4+s20], $0x80, s13, s20, $0xb8;
	[tilespmem:$0x1DC00] =	vst v63  }
0x341: {  	_ =	swait.ge [sflag:s1], $0x1900  }
0x342: {  	s14 =	sld [smem:$0x7F8]  }
0x343: {  	[sflag:s1] =	ssyncset.done $0x0  }
0x344: {  	[sflag:s1] =	ssyncadd.s32 $0xFFFFE700  }
0x345: {  	[spmem:s2] =	stream.indirect.scatter.add.f32 [tilespmem:s28], [sflag:$0x7], $0x80, s14, s20, $0xb8;
	[tilespmem:$0x1DC00] =	vst v63  }
0x346: {  	_ =	swait.ge [sflag:s16], $0x1900  }
0x347: {  	s13 =	sld [smem:$0x7F9]  }
0x348: {  	[sflag:s16] =	ssyncset.done $0x0  }
0x349: {  	[sflag:s16] =	ssyncadd.s32 $0xFFFFE700  }
0x34a: {  	[tilespmem:s28], [sflag:$0x6] =	stream.indirect.gather [hbm4b:s4+s20], $0x80, s13, s20, $0xb8;
	[tilespmem:$0x1DC00] =	vst v63  }
0x34b: {  	_ =	swait.ge [sflag:s7], $0xA00  }
0x34c: {  	[sflag:s7] =	ssyncset.done $0x0  }
0x34d: {  	[sflag:s7] =	ssyncadd.s32 $0xFFFFF600  }
0x34e: {  	_ =	swait.ge [sflag:s7], $0xA00  }
0x34f: {  	[sflag:s7] =	ssyncset.done $0x0  }
0x350: {  	[sflag:s7] =	ssyncadd.s32 $0xFFFFF600  }
0x351: {  	_ =	swait.ge [sflag:s29], $0x1900  }
0x352: {  	s14 =	sld [smem:$0x7FA]  }
0x353: {  	[sflag:s29] =	ssyncset.done $0x0  }
0x354: {  	[sflag:s29] =	ssyncadd.s32 $0xFFFFE700  }
0x355: {  	[spmem:s2] =	stream.indirect.scatter.add.f32 [tilespmem:s21], [sflag:$0x7], $0x80, s14, s20, $0xb8;
	[tilespmem:$0x1DC00] =	vst v63  }
0x356: {  	_ =	swait.ge [sflag:s16], $0x1900  }
0x357: {  	[sflag:s16] =	ssyncset.done $0x0  }
0x358: {  	[sflag:s16] =	ssyncadd.s32 $0xFFFFE700  }
0x359: {  	[tilespmem:s21], [sflag:$0x3] =	stream.indirect.gather [hbm4b:s4+s20], $0x80, s3, s20, $0xb8;
	[tilespmem:$0x1DC00] =	vst v63  }
0x35a: {  	_ =	swait.ge [sflag:s30], $0x1900  }
0x35b: {  	s13 =	sld [smem:$0x7FB]  }
0x35c: {  	[sflag:s30] =	ssyncset.done $0x0  }
0x35d: {  	[sflag:s30] =	ssyncadd.s32 $0xFFFFE700  }
0x35e: {  	[spmem:s2] =	stream.indirect.scatter.add.f32 [tilespmem:s23], [sflag:$0x7], $0x80, s13, s20, $0xb8;
	[tilespmem:$0x1DC00] =	vst v63  }
0x35f: {  	_ =	swait.ge [sflag:s16], $0x1900  }
0x360: {  	[sflag:s16] =	ssyncset.done $0x0  }
0x361: {  	[sflag:s16] =	ssyncadd.s32 $0xFFFFE700  }
0x362: {  	[tilespmem:s23], [sflag:$0x4] =	stream.indirect.gather [hbm4b:s4+s20], $0x80, s22, s20, $0xb8;
	[tilespmem:$0x1DC00] =	vst v63  }
0x363: {  	_ =	swait.ge [sflag:s31], $0x1900  }
0x364: {  	s14 =	sld [smem:$0x7FC]  }
0x365: {  	[sflag:s31] =	ssyncset.done $0x0  }
0x366: {  	[sflag:s31] =	ssyncadd.s32 $0xFFFFE700  }
0x367: {  	[spmem:s2] =	stream.indirect.scatter.add.f32 [tilespmem:s25], [sflag:$0x7], $0x80, s14, s20, $0xb8;
	[tilespmem:$0x1DC00] =	vst v63  }
0x368: {  	_ =	swait.ge [sflag:s16], $0x1900  }
0x369: {  	[sflag:s16] =	ssyncset.done $0x0  }
0x36a: {  	[sflag:s16] =	ssyncadd.s32 $0xFFFFE700  }
0x36b: {  	[tilespmem:s25], [sflag:$0x5] =	stream.indirect.gather [hbm4b:s4+s20], $0x80, s24, s20, $0xb8;
	[tilespmem:$0x1DC00] =	vst v63  }
0x36c: {  	_ =	swait.ge [sflag:s1], $0x1900  }
0x36d: {  	s13 =	sld [smem:$0x7FD]  }
0x36e: {  	p1 =	slt.s32 s11, $0x6;
	[sflag:s1] =	ssyncset.done $0x0  }
0x36f: {  	s11 =	simm.s32 @!p1 $0x6;
	[sflag:s1] =	ssyncadd.s32 $0xFFFFE700  }
0x370: {  	[spmem:s2] =	stream.indirect.scatter.add.f32 [tilespmem:s28], [sflag:$0x7], $0x80, s13, s20, $0xb8;
	[tilespmem:$0x1DC00] =	vst v63  }
0x371: {  	p0 =	sne.s32 s10, $0x8;
	s11 =	smul.u32 $0xC00, s11;
	_ =	swait.ge [sflag:s16], $0x1900  }
.Ltmp0:
0x372: {  	[sflag:s16] =	ssyncset.done $0x0;
	s14 =	rddreg [dreg:$0x4];
	(pc) =	sbr.rel @p0 .LBB2_2-.Ltmp0, $4  }
0x373: {  	[sflag:s16] =	ssyncadd.s32 $0xFFFFE700;
	s11 =	sadd.s32 s11, s14  }
0x374: {  	[tilespmem:s28], [sflag:$0x6] =	stream.indirect.gather [hbm4b:s4+s20], $0x80, s26, s20, $0xb8;
	[tilespmem:$0x1DC00] =	vst v63  }
0x375: {  	s12 =	sshrl.u32 s11, $0x3  }
0x376: {  	s10 =	sadd.s32 $0x2, s10;
	s11 =	sadd.s32 s5, s12  }
0x377: {  	[tilespmem:s18], [sflag:$0x2] =	stream.linear.gather [hbm4b:s11+s3], $0xA00, $0x38;
	[tilespmem:$0x1DC00] =	vst v63  }
0x378: {  	s10 =	sadd.s32 s6, s12  }
0x379: {  	[tilespmem:s19], [sflag:$0x2] =	stream.linear.gather [hbm4b:s10+s3], $0xA00, $0x38;
	[tilespmem:$0x1DC00] =	vst v63  }
0x37a: {  	_ =	swait.ge [sflag:s29], $0x1900  }
0x37b: {  	[sflag:s29] =	ssyncset.done $0x0  }
0x37c: {  	[sflag:s29] =	ssyncadd.s32 $0xFFFFE700  }
0x37d: {  	_ =	swait.ge [sflag:s30], $0x1900  }
0x37e: {  	[sflag:s30] =	ssyncset.done $0x0  }
0x37f: {  	[sflag:s30] =	ssyncadd.s32 $0xFFFFE700  }
0x380: {  	_ =	swait.ge [sflag:s31], $0x1900  }
0x381: {  	[sflag:s31] =	ssyncset.done $0x0  }
0x382: {  	[sflag:s31] =	ssyncadd.s32 $0xFFFFE700  }
0x383: {  	_ =	swait.ge [sflag:s1], $0x1900  }
0x384: {  	[sflag:s1] =	ssyncset.done $0x0  }
0x385: {  	[sflag:s1] =	ssyncadd.s32 $0xFFFFE700  }
0x386: {  	_ =	swait.ge [sflag:s0], $0xA00  }
0x387: {  	[sflag:s0] =	ssyncset.done $0x0  }
0x388: {  	[sflag:s0] =	ssyncadd.s32 $0xFFFFF600  }
0x389: {  	_ =	swait.ge [sflag:s0], $0xA00  }
0x38a: {  	[sflag:s0] =	ssyncset.done $0x0  }
0x38b: {  	[sflag:s0] =	ssyncadd.s32 $0xFFFFF600  }
0x38c: {  	[bflag:$0x0] =	sbarrier.arrive $0xFFFF  }
0x38d: {  	s13 =	sld [smem:$0x7F0];
	_ =	sdelay $0x2  }
0x38e: {  	[hbm:s13], [sflag:s8] =	dma.local [spmem:s15], $0x2780  }
0x38f: {  	_ =	swait.ge [sflag:s16], $0x2780  }
0x390: {  	s14 =	sld [smem:$0x7F2];
	_ =	sdelay $0x1  }
0x391: {  	s9 =	sadd.s32 $0x1, s9  }
0x392: {  	p0 =	sne.s32 s9, s14  }
.Ltmp1:
0x393: {  	_ = 	snop;
	(pc) =	sbr.rel @p0 .LBB2_1-.Ltmp1, $3  }
0x394: {  	_ =	sdelay $0x1  }
0x395: {  	[sflag:s16] =	ssyncset.done $0x0  }
0x396: {  	[sflag:s16] =	ssyncadd.s32 $0xFFFFD880  }
0x397: {  	_ =	sfence.sel $0x180000  }
0x398: {  	[bflag:$0x0] =	sbarrier.arrive $0xFFFF  }
0x399: {  	_ =	strace $0x9000004D  }
0x39a: {  	s0 =	stileid.u32;
	[bflag:$0x2] =	sbarrier.arrive $0xFFFF  }
0x39b: {  	p0 =	sne.s32 s0, $0x0;
	s0 =	rddreg [dreg:$0x2]  }
0x39c: {  	s0 =	sadd.s32 @!p0 $0x100000, s0  }
0x39d: {  	[sflag:s0] =	ssyncadd.tile.s32 @!p0 $0x1;
	_ =	shalt  }
.Lfunc_end2:
_tile_overlayer_lowered:
.L_overlay_start_2:
0x39e: {  	(tag) =	ssettag $0x2  }
0x39f: {  	s0 =	rddreg [dreg:$0x0];
	s2 =	stileid.u32  }
0x3a0: {  	s1 =	rddreg [dreg:$0x1];
	p0 =	sne.s32 s2, $0x0  }
0x3a1: {  	s3 =	rddreg [dreg:$0x2];
	[bflag:$0x3] =	sbarrier.arrive $0xFFFF;
	s2 =	simm.s32 @!p0 $0x1C07  }
0x3a2: {  	[timem:s3], [sflag:s2] =	dma.local @!p0 [hbm:s0], s1  }
0x3a3: {  	s0 =	simm.s32 @!p0 $0x7  }
0x3a4: {  	_ =	swait.ge @!p0 [sflag:s0], s1  }
0x3a5: {  	s1 =	ssub.s32 @!p0 $0x0, s1;
	[sflag:s0] =	ssyncset.done @!p0 $0x0  }
0x3a6: {  	[sflag:s0] =	ssyncadd.s32 @!p0 s1  }
0x3a7: {  	[bflag:$0x3] =	sbarrier.arrive $0xFFFF  }
0x3a8: {  	_ =	shalt  }

// kernel: kernel.9.cloned.1.call-start
scs
__scs_entry_jumppad:
0x0: {  	(pc) =	sbr.rel $0x88, $3  }
0x1: {  	(tag) =	ssettag $0x0;
	lr =	simm.s32 $0x1  }
0x2: {  	[smem:$0x3F97] =	sst lr;
	_ =	strace $0xD0000000  }
0x3: {  	_ = 	snop  }
0x4: {  	_ = 	snop  }
0x5: {  	_ = 	snop  }
0x6: {  	_ = 	snop  }
0x7: {  	_ = 	snop  }
__scs_overlays_trampoline_lowered:
0x8: {  	[smem:$0x3FA6] =	sst s0  }
0x9: {  	[smem:$0x3FA7] =	sst s1  }
0xa: {  	[smem:$0x3FA8] =	sst s2  }
0xb: {  	[smem:$0x3FA9] =	sst s3  }
0xc: {  	[smem:$0x3FAA] =	sst s4  }
0xd: {  	[smem:$0x3FAB] =	sst s5  }
0xe: {  	[smem:$0x3FAC] =	sst s6  }
0xf: {  	[smem:$0x3FAD] =	sst s7  }
0x10: {  	[smem:$0x3FAE] =	sst s8  }
0x11: {  	[smem:$0x3FAF] =	sst s9;
	s0 =	simm.s32 @!p0 $0x0  }
0x12: {  	s1 =	sld [smem:$0x3F95];
	s0 =	simm.s32 @p0 $0x1  }
0x13: {  	[smem:$0x3FB0] =	sst s0;
	s0 =	simm.s32 @!p1 $0x0  }
0x14: {  	s2 =	sld [smem:$0x3F94];
	s0 =	simm.s32 @p1 $0x1  }
0x15: {  	[smem:$0x3FB1] =	sst s0;
	s0 =	simm.s32 @!p2 $0x0  }
0x16: {  	s3 =	sld [smem:$0x3FDB];
	s0 =	simm.s32 @p2 $0x1  }
0x17: {  	s4 =	simm.s32 $0x1BF5;
	[smem:$0x3FB3] =	sst s0  }
0x18: {  	s0 =	sld [smem:$0x3F96];
	_ =	swait.ge [sflag:s4], $0x0  }
0x19: {  	s7 =	sld [smem:$0x3F97]  }
0x1a: {  	s8 =	sadd.s32 $0xFFFFE003, lr  }
0x1b: {  	s9 =	sadd.s32 $0xFFFFFEF7, lr;
	s5 =	simm.s32 $0xFFFFFFFF;
	p2 =	slt.u32 s8, $0xFFFFF086  }
0x1c: {  	p1 =	slt.u32 s9, $0xF7A;
	s5 =	simm.s32 @!p2 $0x0  }
0x1d: {  	s5 =	simm.s32 @p1 $0x1;
	p0 =	seq.s32 s7, s2  }
0x1e: {  	s7 =	smul.u32 @!p0 $0xF7A, s2;
	p2 =	seq.s32 @!p0 s5, $0x0  }
0x1f: {  	s9 =	smul.u32 $0xF7A, s1;
	s8 =	simm.s32 @!p0 $0x1BF5;
	p2 =	por !p2, p0  }
0x20: {  	[sflag:s8] =	ssyncset.s32 @!p0 $0xFFFFF086;
	s6 =	sadd.s32 @!p0 s3, s7;
	s7 =	simm.s32 @!p0 $0x108  }
0x21: {  	s3 =	sadd.s32 s3, s9;
	s6 =	sadd.s32 @!p0 $0x88, s6;
	s7 =	simm.s32 @p2 $0x1082  }
0x22: {  	[simem:s7], [sflag:s8] =	dma.local @!p0 [hbm:s6], $0xF7A  }
0x23: {  	s9 =	sor.u32 $0xD0000000, s2;
	s6 =	simm.s32 $0x108;
	_ =	swait.ge @!p0 [sflag:s8], $0x0  }
0x24: {  	s3 =	sadd.s32 $0x88, s3;
	s6 =	simm.s32 @!p1 $0x1082;
	[sflag:s4] =	ssyncset.s32 $0xFFFFF086  }
0x25: {  	[simem:s6], [sflag:s4] =	dma.local [hbm:s3], $0xF7A  }
0x26: {  	[smem:$0x3F97] =	sst s1;
	(tag) =	ssettag s2;
	_ =	strace s9  }
0x27: {  	s1 =	sld [smem:$0x3FA7]  }
0x28: {  	s2 =	sld [smem:$0x3FA8]  }
0x29: {  	s4 =	sld [smem:$0x3FAA]  }
0x2a: {  	p0 =	seq.s32 s5, $0x0;
	s5 =	sld [smem:$0x3FAB]  }
0x2b: {  	s6 =	sld [smem:$0x3FAC]  }
0x2c: {  	s7 =	sld [smem:$0x3FAD]  }
0x2d: {  	s3 =	simm.s32 $0x108;
	s8 =	sld [smem:$0x3FAE]  }
0x2e: {  	s3 =	simm.s32 @!p0 $0x1082;
	s9 =	sld [smem:$0x3FAF]  }
0x2f: {  	lr =	sadd.s32 s0, s3;
	s0 =	sld [smem:$0x3FA6]  }
0x30: {  	s3 =	sld [smem:$0x3FA9]  }
0x31: {  	[smem:$0x3FB2] =	sst s10  }
0x32: {  	s10 =	sld [smem:$0x3FB0];
	_ =	sdelay $0x3  }
0x33: {  	p0 =	seq.s32 s10, $0x1;
	s10 =	sld [smem:$0x3FB2];
	_ =	sdelay $0x3  }
0x34: {  	[smem:$0x3FB2] =	sst s10  }
0x35: {  	s10 =	sld [smem:$0x3FB1];
	_ =	sdelay $0x3  }
0x36: {  	p1 =	seq.s32 s10, $0x1;
	s10 =	sld [smem:$0x3FB2];
	_ =	sdelay $0x3  }
0x37: {  	[smem:$0x3FB2] =	sst s10  }
0x38: {  	s10 =	sld [smem:$0x3FB3]  }
0x39: {  	_ = 	snop;
	(pc) =	sbr.ind lr, $3  }
0x3a: {  	_ = 	snop  }
0x3b: {  	_ = 	snop  }
0x3c: {  	p2 =	seq.s32 s10, $0x1;
	s10 =	sld [smem:$0x3FB2]  }
0x3d: {  	_ =	shalt  }
0x3e: {  	_ =	shalt  }
0x3f: {  	_ =	shalt  }
0x40: {  	_ =	shalt  }
0x41: {  	_ =	shalt  }
0x42: {  	_ =	shalt  }
0x43: {  	_ =	shalt  }
0x44: {  	_ =	shalt  }
0x45: {  	_ =	shalt  }
0x46: {  	_ =	shalt  }
0x47: {  	_ =	shalt  }
0x48: {  	_ =	shalt  }
0x49: {  	_ =	shalt  }
0x4a: {  	_ =	shalt  }
0x4b: {  	_ =	shalt  }
0x4c: {  	_ =	shalt  }
0x4d: {  	_ =	shalt  }
0x4e: {  	_ =	shalt  }
0x4f: {  	_ =	shalt  }
0x50: {  	_ =	shalt  }
0x51: {  	_ =	shalt  }
0x52: {  	_ =	shalt  }
0x53: {  	_ =	shalt  }
0x54: {  	_ =	shalt  }
0x55: {  	_ =	shalt  }
0x56: {  	_ =	shalt  }
0x57: {  	_ =	shalt  }
0x58: {  	_ =	shalt  }
0x59: {  	_ =	shalt  }
0x5a: {  	_ =	shalt  }
0x5b: {  	_ =	shalt  }
0x5c: {  	_ =	shalt  }
0x5d: {  	_ =	shalt  }
0x5e: {  	_ =	shalt  }
0x5f: {  	_ =	shalt  }
0x60: {  	_ =	shalt  }
0x61: {  	_ =	shalt  }
0x62: {  	_ =	shalt  }
0x63: {  	_ =	shalt  }
0x64: {  	_ =	shalt  }
0x65: {  	_ =	shalt  }
0x66: {  	_ =	shalt  }
0x67: {  	_ =	shalt  }
0x68: {  	_ =	shalt  }
0x69: {  	_ =	shalt  }
0x6a: {  	_ =	shalt  }
0x6b: {  	_ =	shalt  }
0x6c: {  	_ =	shalt  }
0x6d: {  	_ =	shalt  }
0x6e: {  	_ =	shalt  }
0x6f: {  	_ =	shalt  }
0x70: {  	_ =	shalt  }
0x71: {  	_ =	shalt  }
0x72: {  	_ =	shalt  }
0x73: {  	_ =	shalt  }
0x74: {  	_ =	shalt  }
0x75: {  	_ =	shalt  }
0x76: {  	_ =	shalt  }
0x77: {  	_ =	shalt  }
0x78: {  	_ =	shalt  }
0x79: {  	_ =	shalt  }
0x7a: {  	_ =	shalt  }
0x7b: {  	_ =	shalt  }
0x7c: {  	_ =	shalt  }
0x7d: {  	_ =	shalt  }
0x7e: {  	_ =	shalt  }
0x7f: {  	_ =	shalt  }
0x80: {  	_ =	shalt  }
0x81: {  	_ =	shalt  }
0x82: {  	_ =	shalt  }
0x83: {  	_ =	shalt  }
0x84: {  	_ =	shalt  }
0x85: {  	_ =	shalt  }
0x86: {  	_ =	shalt  }
0x87: {  	_ =	shalt  }
.Lfunc_end0:
.L_simem_size_0:
called_computation_lowered:
.L_overlay_start_0:
0x88: {  	s2 =	sld [smem:$0x3FD9]  }
0x89: {  	s3 =	sld [smem:$0x3FFE];
	_ =	sdelay $0x1  }
0x8a: {  	s1 =	srdreg.scid  }
0x8b: {  	s0 =	sand.u32 $0x1, s1  }
0x8c: {  	s17 =	sshll.u32 s0, $0xA;
	s2 =	sadd.s32 s3, s2  }
0x8d: {  	s2 =	sadd.s32 s2, s17  }
0x8e: {  	[smem:$0x3FBE] =	sst s2  }
0x8f: {  	_ = 	snop  }
0x90: {  	s2 =	sld [smem:$0x3FD0];
	(tm) =	ssettm $0x1  }
0x91: {  	s18 =	sld [smem:$0x3FFB];
	_ =	sdelay $0x3  }
0x92: {  	_ =	strace s18  }
0x93: {  	s3 =	sld [smem:$0x3FFC];
	_ =	sdelay $0x3  }
0x94: {  	_ =	strace s3  }
0x95: {  	s3 =	sld [smem:$0x3FFD];
	_ =	sdelay $0x3  }
0x96: {  	_ =	strace s3  }
0x97: {  	_ =	strace $0x8FFFFFFF  }
0x98: {  	s19 =	sld [smem:$0x3FDB];
	_ =	sdelay $0x1  }
0x99: {  	s4 =	simm.s32 $_scs_section_size  }
0x9a: {  	s5 =	simm.s32 $_size__tile_overlayer_lowered;
	s6 =	simm.s32 $_tile_overlayer_lowered  }
0x9b: {  	s22 =	simm.s32 $0x1BFF;
	s21 =	sshll.u32 s6, $0x1;
	s3 =	sadd.s32 s4, s19  }
0x9c: {  	s7 =	simm.s32 $0x0;
	s20 =	sshll.u32 s5, $0x1;
	s5 =	sadd.s32 s21, s3  }
0x9d: {  	[timem:s7], [sflag:s22] =	dma.local [hbm:s5], s20  }
0x9e: {  	_ =	swait.ge [sflag:s22], s20  }
0x9f: {  	s4 =	ssub.s32 $0x0, s20;
	[sflag:s22] =	ssyncset.done $0x0  }
0xa0: {  	[sflag:s22] =	ssyncadd.s32 s4;
	_ =	sdelay $0x1  }
0xa1: {  	s23 =	simm.s32 $0x1B8B  }
0xa2: {  	_ =	swait.ge [sflag:s23], $0x1  }
0xa3: {  	[sflag:s23] =	ssyncset.done $0x0  }
0xa4: {  	s25 =	simm.s32 $0x1B8E;
	s24 =	sld [smem:$0x3FFE];
	[sflag:s23] =	ssyncadd.s32 $0xFFFFFFFF  }
0xa5: {  	s26 =	simm.s32 $execute0_lowered;
	[smem:$0x3FD2] =	sst s25  }
0xa6: {  	s5 =	sshll.u32 s26, $0x1;
	_ =	strace $0x80000046;
	[dreg:$0x1] =	wrdreg $0xFFFFFFFF  }
0xa7: {  	s28 =	simm.s32 $_size_execute0_lowered;
	s3 =	sadd.s32 s3, s5;
	[dreg:$0x0] =	wrdreg $0x0  }
0xa8: {  	s5 =	sshll.u32 s28, $0x1;
	[dreg:$0x2] =	wrdreg s3  }
0xa9: {  	[dreg:$0x3] =	wrdreg s5  }
0xaa: {  	[dreg:$0x4] =	wrdreg $0xC0  }
0xab: {  	_ =	task [dreg:s7], $0x5FFFF  }
0xac: {  	[dreg:$0x1] =	wrdreg $0xFFFFFFFF  }
0xad: {  	[dreg:$0x0] =	wrdreg $0x60  }
0xae: {  	[dreg:$0x2] =	wrdreg s24  }
0xaf: {  	[dreg:$0x3] =	wrdreg s2  }
0xb0: {  	[dreg:$0x4] =	wrdreg $0x68000  }
0xb1: {  	[dreg:$0x5] =	wrdreg $0x9  }
0xb2: {  	_ =	task.clear_ibuf [dreg:s7], $0x6FFFF;
	_ =	strace $0x90000046  }
0xb3: {  	s29 =	simm.s32 $0x9;
	_ =	strace $0x80000048  }
0xb4: {  	_ =	swait.ge [sflag:s29], $0x1  }
0xb5: {  	[sflag:s29] =	ssyncadd.s32 $0xFFFFFFFF  }
0xb6: {  	_ =	strace $0x90000048  }
0xb7: {  	_ =	sfence  }
0xb8: {  	s30 =	sld [smem:$0x0];
	_ =	sdelay $0x2  }
0xb9: {  	s31 =	sshll.u32 s1, $0xD;
	s1 =	sshrl.u32 s1, $0x2  }
0xba: {  	s3 =	sand.u32 $0x4000, s31;
	s1 =	sadd.s32 s1, s30  }
0xbb: {  	s0 =	sor.u32 s3, s0;
	s1 =	sshll.u32 s1, $0x11  }
0xbc: {  	s0 =	sor.u32 s1, s0  }
0xbd: {  	s0 =	sadd.s32 $0x8F2B, s0  }
0xbe: {  	[sflag:s0] =	ssyncadd.remote.s32 $0x1  }
0xbf: {  	_ =	sfence.sel $0xFFFF  }
0xc0: {  	[dreg:$0x0] =	wrdreg $0xFFFFFFFF;
	(pc) =	sbr.abs _section_cstart, $3  }
0xc1: {  	[dreg:$0x1] =	wrdreg $0xFFFFFFFF  }
0xc2: {  	_ =	task.clear_ibuf [dreg:s7], $0x2FFFF;
	_ =	strace $0x9FFFFFFF  }
0xc3: {  	(tm) =	ssettm $0x7FFFFFFF  }
tec
execute0_lowered:
.L_overlay_start_1:
0x0: {  	(tag) =	ssettag $0x1  }
0x1: {  	s7 =	rddreg [dreg:$0x0]  }
0x2: {  	s0 =	srdreg.scid;
	s2 =	rddreg [dreg:$0x1]  }
0x3: {  	s3 =	rddreg [dreg:$0x2];
	s4 =	simm.s32 $0x0;
	s6 =	sand.u32 $0x1, s0  }
0x4: {  	s13 =	simm.s32 $0x64;
	s0 =	stileid.u32;
	s8 =	smul.u32 $0x13C000, s6  }
0x5: {  	s14 =	simm.s32 $0x0;
	[smem:$0x7FF] =	sst s4;
	s9 =	smul.u32 $0x13C00, s0  }
0x6: {  	s1 =	sshll.u32 s6, $0x4;
	s30 =	smul.u32 $0x4F000, s0;
	s6 =	ssub.s32 $0x2, s6  }
0x7: {  	s11 =	sshll.u32 s0, $0x6;
	s1 =	sor.u32 s0, s1;
	s31 =	sshrl.u32 s6, $0x1  }
0x8: {  	s11 =	sor.u32 $0x1C01, s11;
	s5 =	smul.u32 $0x680, s1;
	s1 =	rddreg [dreg:$0x3]  }
0x9: {  	_ =	strace $0x80000047;
	s8 =	sadd.s32 s9, s8;
	s9 =	sshrl.u32 s30, $0x2  }
0xa: {  	s8 =	sshrl.u32 s8, $0x3;
	s12 =	sadd.s32 s9, s3;
	s9 =	simm.s32 $0x3400  }
0xb: {  	s10 =	sadd.s32 s5, s7;
	s5 =	sadd.s32 $0xFA00, s7;
	s7 =	sadd.s32 s8, s7  }
0xc: {  	s8 =	ssub.s32 s6, s31;
	s12 =	sshrl.u32 s12, $0x3;
	s6 =	sadd.s32 $0x2A00, s10  }
0xd: {  	s7 =	sadd.s32 $0x12200, s7;
	s8 =	smax.u32 s8, $0x1;
	s10 =	simm.s32 $0x1  }
.LBB2_1:
0xe: {  	[tilespmem:s9], [sflag:$0x1] =	stream.linear.gather [hbm4b:s2+s4], $0x3200, $0x38;
	[tilespmem:$0x1A400] =	vst v63  }
0xf: {  	_ =	swait.ge [sflag:s10], $0x3200  }
0x10: {  	[sflag:s10] =	ssyncset.done $0x0  }
0x11: {  	[sflag:s10] =	ssyncadd.s32 $0xFFFFCE00  }
0x12: {  	[spmem:s12], [sflag:s11] =	dma.local [hbm:s5], $0x2780  }
0x13: {  	_ =	swait.ge [sflag:s10], $0x2780  }
0x14: {  	[sflag:s10] =	ssyncset.done $0x0  }
0x15: {  	[sflag:s10] =	ssyncadd.s32 $0xFFFFD880  }
0x16: {  	[tilespmem:s4], [sflag:$0x1] =	stream.linear.gather [hbm4b:s6+s4], $0x3200, $0x38;
	[tilespmem:$0x1A400] =	vst v63  }
0x17: {  	_ =	swait.ge [sflag:s10], $0x3200  }
0x18: {  	[sflag:s10] =	ssyncset.done $0x0  }
0x19: {  	[sflag:s10] =	ssyncadd.s32 $0xFFFFCE00  }
0x1a: {  	s15 =	simm.s32 $0x0;
	[bflag:$0x0] =	sbarrier.arrive $0xFFFF  }
0x1b: {  	[spmem:s3] =	stream.indirect.scatter.add.f32 [tilespmem:s9], [sflag:$0x1], $0x80, s15, s13, $0xb8;
	[tilespmem:$0x1A400] =	vst v63  }
0x1c: {  	_ =	swait.ge [sflag:s10], $0x3200  }
0x1d: {  	s15 =	simm.s32 $0x200;
	[sflag:s10] =	ssyncset.done $0x0  }
.LBB2_2:
0x1e: {  	s16 =	sshra.s32 s15, $0x2;
	[sflag:s10] =	ssyncadd.s32 $0xFFFFCE00;
	p0 =	sne.s32 s15, $0xC600  }
0x1f: {  	[spmem:s3] =	stream.indirect.scatter.add.f32 [tilespmem:s9], [sflag:$0x1], $0x80, s16, s13, $0xb8;
	[tilespmem:$0x1A400] =	vst v63  }
.Ltmp0:
0x20: {  	_ = 	snop;
	(pc) =	sbr.rel @p0 .LBB2_2-.Ltmp0, $4  }
0x21: {  	_ = 	snop  }
0x22: {  	s15 =	sadd.s32 $0x200, s15  }
0x23: {  	_ =	swait.ge [sflag:s10], $0x3200  }
0x24: {  	[sflag:s10] =	ssyncset.done $0x0  }
0x25: {  	s14 =	sadd.s32 $0x1, s14  }
0x26: {  	[sflag:s10] =	ssyncadd.s32 $0xFFFFCE00;
	p0 =	sne.s32 s14, s8  }
.Ltmp1:
0x27: {  	[bflag:$0x0] =	sbarrier.arrive $0xFFFF;
	(pc) =	sbr.rel @p0 .LBB2_1-.Ltmp1, $4  }
0x28: {  	[hbm:s7], [sflag:s11] =	dma.local [spmem:s12], $0x2780  }
0x29: {  	_ =	swait.ge [sflag:s10], $0x2780  }
0x2a: {  	[sflag:s10] =	ssyncset.done $0x0  }
0x2b: {  	[sflag:s10] =	ssyncadd.s32 $0xFFFFD880  }
0x2c: {  	_ =	sfence.sel $0x180000  }
0x2d: {  	[bflag:$0x0] =	sbarrier.arrive $0xFFFF  }
0x2e: {  	p0 =	sne.s32 s0, $0x0;
	_ =	strace $0x90000047  }
0x2f: {  	s0 =	sadd.s32 @!p0 $0x100000, s1;
	[bflag:$0x2] =	sbarrier.arrive $0xFFFF  }
0x30: {  	[sflag:s0] =	ssyncadd.tile.s32 @!p0 $0x1;
	_ =	shalt  }
.Lfunc_end2:
_tile_overlayer_lowered:
.L_overlay_start_2:
0x31: {  	(tag) =	ssettag $0x2  }
0x32: {  	s0 =	rddreg [dreg:$0x0];
	s2 =	stileid.u32  }
0x33: {  	s1 =	rddreg [dreg:$0x1];
	p0 =	sne.s32 s2, $0x0  }
0x34: {  	s3 =	rddreg [dreg:$0x2];
	[bflag:$0x3] =	sbarrier.arrive $0xFFFF;
	s2 =	simm.s32 @!p0 $0x1C01  }
0x35: {  	[timem:s3], [sflag:s2] =	dma.local @!p0 [hbm:s0], s1  }
0x36: {  	s0 =	simm.s32 @!p0 $0x1  }
0x37: {  	_ =	swait.ge @!p0 [sflag:s0], s1  }
0x38: {  	s1 =	ssub.s32 @!p0 $0x0, s1;
	[sflag:s0] =	ssyncset.done @!p0 $0x0  }
0x39: {  	[sflag:s0] =	ssyncadd.s32 @!p0 s1  }
0x3a: {  	[bflag:$0x3] =	sbarrier.arrive $0xFFFF  }
0x3b: {  	_ =	shalt  }

</sc_bundles>
